<compile_context>
chip_gen: v7x
topology: tpu7x:2x2x1
jax: 0.10.2.dev20260603
libtpu: 0.0.44.dev20260713+nightly
codegen_flags: <defaults>
</compile_context>

<pallas_src>
import jax
import jax.numpy as jnp
from jax import lax
from jax.experimental import pallas as pl
from jax.experimental.pallas import tpu as pltpu, tpu_sc as plsc

N = 10000
NP = 10240
E = 320000
EPAD = 327680
D = 128
OUT = 64

NC, NS = 2, 16
NW = NC * NS
ROWS_PER_TILE = NP // NS
CH = 128
G = 16
C_W = EPAD // (NW * CH)
NG = C_W // G

_mesh = plsc.VectorSubcoreMesh(
    core_axis_name="c", subcore_axis_name="s", num_cores=NC, num_subcores=NS)


def _degree_body(dst_hbm, degp_hbm, deg_sh, dst_v, ones_v, zero_v):
    c = lax.axis_index("c")
    s = lax.axis_index("s")
    w = c * NS + s
    r0 = s * ROWS_PER_TILE

    def _fill(i, carry):
        ones_v[pl.ds(i * 16, 16)] = jnp.ones((16,), jnp.float32)
        return carry

    lax.fori_loop(0, CH // 16, _fill, 0)

    def _zfill(i, carry):
        zero_v[pl.ds(i * 16, 16)] = jnp.zeros((16,), jnp.float32)
        return carry

    lax.fori_loop(0, ROWS_PER_TILE // 16, _zfill, 0)
    pltpu.sync_copy(zero_v, deg_sh.at[pl.ds(r0, ROWS_PER_TILE)])
    plsc.subcore_barrier()

    def _group(g, carry):
        pltpu.sync_copy(dst_hbm.at[w, pl.ds(g * G, G)], dst_v)

        def _scat(j, carry2):
            pltpu.sync_copy(ones_v, deg_sh.at[dst_v.at[j]], add=True)
            return carry2

        lax.fori_loop(0, G, _scat, 0)
        return carry

    lax.fori_loop(0, NG, _group, 0)
    plsc.subcore_barrier()
    pltpu.sync_copy(deg_sh.at[pl.ds(r0, ROWS_PER_TILE)],
                    degp_hbm.at[c, pl.ds(r0, ROWS_PER_TILE)])


_degree_call = pl.kernel(
    _degree_body,
    out_type=jax.ShapeDtypeStruct((NC, NP), jnp.float32),
    mesh=_mesh,
    scratch_types=[
        pltpu.VMEM_SHARED((NP,), jnp.float32),
        pltpu.VMEM((G, CH), jnp.int32),
        pltpu.VMEM((CH,), jnp.float32),
        pltpu.VMEM((ROWS_PER_TILE,), jnp.float32),
    ],
)


def _scatter_body(z_hbm, src_hbm, dst_hbm, out_hbm, acc_sh,
                  src_v, dst_v, rows_v, sem_g, sem_s):
    c = lax.axis_index("c")
    s = lax.axis_index("s")
    w = c * NS + s
    r0 = s * ROWS_PER_TILE

    def _zrow(r, carry):
        def _zcol(k, carry2):
            rows_v[0, r, pl.ds(k * 16, 16)] = jnp.zeros((16,), jnp.float32)
            return carry2

        return lax.fori_loop(0, D // 16, _zcol, carry)

    lax.fori_loop(0, CH, _zrow, 0)

    def _zcopy(t, carry):
        pltpu.sync_copy(rows_v.at[0], acc_sh.at[pl.ds(r0 + t * CH, CH)])
        return carry

    lax.fori_loop(0, ROWS_PER_TILE // CH, _zcopy, 0)
    plsc.subcore_barrier()

    def _group(g, carry):
        pltpu.sync_copy(src_hbm.at[w, pl.ds(g * G, G)], src_v)
        pltpu.sync_copy(dst_hbm.at[w, pl.ds(g * G, G)], dst_v)

        gath = [None, None]
        scat = [None, None]
        gath[0] = pltpu.async_copy(z_hbm.at[src_v.at[0]], rows_v.at[0], sem_g)
        for j in range(G):
            b = j % 2
            gath[b].wait()
            if j >= 1:
                scat[1 - b].wait()
            scat[b] = pltpu.async_copy(
                rows_v.at[b], acc_sh.at[dst_v.at[j]], sem_s, add=True)
            if j + 1 < G:
                gath[1 - b] = pltpu.async_copy(
                    z_hbm.at[src_v.at[j + 1]], rows_v.at[1 - b], sem_g)
        scat[(G - 1) % 2].wait()
        return carry

    lax.fori_loop(0, NG, _group, 0)
    plsc.subcore_barrier()
    pltpu.sync_copy(acc_sh.at[pl.ds(r0, ROWS_PER_TILE)],
                    out_hbm.at[c, pl.ds(r0, ROWS_PER_TILE)])


_scatter_call = pl.kernel(
    _scatter_body,
    out_type=jax.ShapeDtypeStruct((NC, NP, D), jnp.float32),
    mesh=_mesh,
    scratch_types=[
        pltpu.VMEM_SHARED((NP, D), jnp.float32),
        pltpu.VMEM((G, CH), jnp.int32),
        pltpu.VMEM((G, CH), jnp.int32),
        pltpu.VMEM((2, CH, D), jnp.float32),
        pltpu.SemaphoreType.DMA,
        pltpu.SemaphoreType.DMA,
    ],
)



R = 1280
GRID = NP // R


def _stage_a(x_ref, wf_ref, bf_ref, wg1_ref, degp_ref, z_ref, dinv_ref):
    deg = degp_ref[0, :] + degp_ref[1, :] + 1.0
    dinv = lax.rsqrt(deg).reshape(R, 1)
    h = jnp.maximum(
        jnp.dot(x_ref[...], wf_ref[...], preferred_element_type=jnp.float32)
        + bf_ref[...], 0.0)
    z_ref[...] = jnp.dot(h, wg1_ref[...],
                         preferred_element_type=jnp.float32) * dinv
    dinv_ref[...] = dinv


_stage_a_call = pl.pallas_call(
    _stage_a,
    grid=(GRID,),
    in_specs=[
        pl.BlockSpec((R, D), lambda i: (i, 0)),
        pl.BlockSpec((D, D), lambda i: (0, 0)),
        pl.BlockSpec((1, D), lambda i: (0, 0)),
        pl.BlockSpec((D, D), lambda i: (0, 0)),
        pl.BlockSpec((NC, R), lambda i: (0, i)),
    ],
    out_specs=[
        pl.BlockSpec((R, D), lambda i: (i, 0)),
        pl.BlockSpec((R, 1), lambda i: (i, 0)),
    ],
    out_shape=[
        jax.ShapeDtypeStruct((NP, D), jnp.float32),
        jax.ShapeDtypeStruct((NP, 1), jnp.float32),
    ],
)


def _stage_b(p_ref, z_ref, dinv_ref, bg1_ref, wg2_ref, z2_ref):
    dinv = dinv_ref[...]
    t = (p_ref[0] + p_ref[1] + z_ref[...]) * dinv + bg1_ref[...]
    h1 = jnp.maximum(t, 0.0)
    z2_ref[...] = jnp.dot(h1, wg2_ref[...],
                          preferred_element_type=jnp.float32) * dinv


_stage_b_call = pl.pallas_call(
    _stage_b,
    grid=(GRID,),
    in_specs=[
        pl.BlockSpec((NC, R, D), lambda i: (0, i, 0)),
        pl.BlockSpec((R, D), lambda i: (i, 0)),
        pl.BlockSpec((R, 1), lambda i: (i, 0)),
        pl.BlockSpec((1, D), lambda i: (0, 0)),
        pl.BlockSpec((D, D), lambda i: (0, 0)),
    ],
    out_specs=pl.BlockSpec((R, D), lambda i: (i, 0)),
    out_shape=jax.ShapeDtypeStruct((NP, D), jnp.float32),
)


def _stage_c(p_ref, z2_ref, dinv_ref, bg2_ref, wfin_ref, bfin_ref, out_ref):
    dinv = dinv_ref[...]
    t = (p_ref[0] + p_ref[1] + z2_ref[...]) * dinv + bg2_ref[...]
    h2 = jnp.maximum(t, 0.0)
    f = (jnp.dot(h2, wfin_ref[...], preferred_element_type=jnp.float32)
         + bfin_ref[...])
    m = jnp.max(f, axis=1, keepdims=True)
    lse = jnp.log(jnp.sum(jnp.exp(f - m), axis=1, keepdims=True))
    out_ref[...] = f - m - lse


_stage_c_call = pl.pallas_call(
    _stage_c,
    grid=(GRID,),
    in_specs=[
        pl.BlockSpec((NC, R, D), lambda i: (0, i, 0)),
        pl.BlockSpec((R, D), lambda i: (i, 0)),
        pl.BlockSpec((R, 1), lambda i: (i, 0)),
        pl.BlockSpec((1, D), lambda i: (0, 0)),
        pl.BlockSpec((D, OUT), lambda i: (0, 0)),
        pl.BlockSpec((1, OUT), lambda i: (0, 0)),
    ],
    out_specs=pl.BlockSpec((R, OUT), lambda i: (i, 0)),
    out_shape=jax.ShapeDtypeStruct((NP, OUT), jnp.float32),
)


@jax.jit
def kernel(x, edge_index, W_first, b_first, W_gc1, b_gc1, W_gc2, b_gc2,
           W_final, b_final):
    src = edge_index[0].astype(jnp.int32)
    dst = edge_index[1].astype(jnp.int32)
    npad = EPAD - E
    src_p = jnp.concatenate([src, jnp.zeros((npad,), jnp.int32)])
    dst_p = jnp.concatenate([dst, jnp.full((npad,), N, jnp.int32)])
    src_w = src_p.reshape(NW, C_W, CH)
    dst_w = dst_p.reshape(NW, C_W, CH)
    x_p = jnp.pad(x, ((0, NP - N), (0, 0)))

    degp = _degree_call(dst_w)
    z, dinv = _stage_a_call(x_p, W_first, b_first.reshape(1, D), W_gc1, degp)
    p1 = _scatter_call(z, src_w, dst_w)
    z2 = _stage_b_call(p1, z, dinv, b_gc1.reshape(1, D), W_gc2)
    p2 = _scatter_call(z2, src_w, dst_w)
    out = _stage_c_call(p2, z2, dinv, b_gc2.reshape(1, D), W_final,
                        b_final.reshape(1, OUT))
    return out[:N]

# --- scband reference (transcript-rebuilt; emitter-appended) ---
"""Pipeline reference for scband-mlp-gcn-12257836662894 (READ-ONLY COPY).

The authoritative reference and input builder live on the scoring server;
editing this copy changes nothing except your own understanding.
"""

import jax, jax.numpy as jnp
import numpy as np

N_NODES = 10000
N_EDGES = 320000
IN_DIM = 128
HID = 128
OUT_DIM = 64


def setup_inputs(seed: int = 0) -> dict:
    key = jax.random.key(seed)
    ks = jax.random.split(key, 12)
    x = jax.random.normal(ks[0], (N_NODES, IN_DIM), dtype=jnp.float32)
    edge_index = jax.random.randint(ks[1], (2, N_EDGES), 0, N_NODES, dtype=jnp.int64)
    s = 1.0 / np.sqrt(IN_DIM)
    W_first = jax.random.uniform(ks[2], (IN_DIM, HID), minval=-s, maxval=s, dtype=jnp.float32)
    b_first = jax.random.uniform(ks[3], (HID,), minval=-s, maxval=s, dtype=jnp.float32)
    sh = 1.0 / np.sqrt(HID)
    W_gc1 = jax.random.uniform(ks[4], (HID, HID), minval=-sh, maxval=sh, dtype=jnp.float32)
    b_gc1 = jax.random.uniform(ks[5], (HID,), minval=-sh, maxval=sh, dtype=jnp.float32)
    W_gc2 = jax.random.uniform(ks[6], (HID, HID), minval=-sh, maxval=sh, dtype=jnp.float32)
    b_gc2 = jax.random.uniform(ks[7], (HID,), minval=-sh, maxval=sh, dtype=jnp.float32)
    W_final = jax.random.uniform(ks[8], (HID, OUT_DIM), minval=-sh, maxval=sh, dtype=jnp.float32)
    b_final = jax.random.uniform(ks[9], (OUT_DIM,), minval=-sh, maxval=sh, dtype=jnp.float32)
    return {"x": x, "edge_index": edge_index,
            "W_first": W_first, "b_first": b_first,
            "W_gc1": W_gc1, "b_gc1": b_gc1,
            "W_gc2": W_gc2, "b_gc2": b_gc2,
            "W_final": W_final, "b_final": b_final}


def _gcn_conv(x, edge_index, W, b, num_nodes):
    # GCNConv: x' = D^{-1/2} (A + I) D^{-1/2} (X W) + b
    x = x @ W
    src = edge_index[0]
    dst = edge_index[1]
    loops = jnp.arange(num_nodes, dtype=edge_index.dtype)
    src = jnp.concatenate([src, loops])
    dst = jnp.concatenate([dst, loops])
    deg = jnp.zeros((num_nodes,), dtype=x.dtype).at[dst].add(1.0)
    dinv = jnp.where(deg > 0, deg ** -0.5, 0.0)
    norm = dinv[src] * dinv[dst]
    msg = x[src] * norm[:, None]
    out = jax.ops.segment_sum(msg, dst, num_segments=num_nodes)
    return out + b


def reference(x, edge_index, W_first, b_first, W_gc1, b_gc1, W_gc2, b_gc2, W_final, b_final):
    # dropout acts as identity in eval mode
    h = jax.nn.relu(x @ W_first + b_first)
    h = jax.nn.relu(_gcn_conv(h, edge_index, W_gc1, b_gc1, N_NODES))
    h = jax.nn.relu(_gcn_conv(h, edge_index, W_gc2, b_gc2, N_NODES))
    h = h @ W_final + b_final
    return jax.nn.log_softmax(h, axis=1)

if __name__ == "__main__":
    import jax
    _d = setup_inputs()
    print(jax.jit(kernel)(*tuple(_d.values())))

</pallas_src>

<mosaic_0001>
#map = affine_map<(d0, d1) -> (0, 0)>
#map1 = affine_map<(d0, d1) -> (0, 0, 0)>
module attributes {stable_mosaic.version = 14 : i64} {
  func.func @_scatter_body(%arg0: i32, %arg1: i32, %arg2: memref<10240x128xf32, #tpu.memory_space<hbm>>, %arg3: memref<32x80x128xi32, #tpu.memory_space<hbm>>, %arg4: memref<32x80x128xi32, #tpu.memory_space<hbm>>, %arg5: memref<2x10240x128xf32, #tpu.memory_space<hbm>>, %arg6: memref<10240x128xf32, #tpu.memory_space<vmem_shared>>, %arg7: memref<16x128xi32, #tpu.memory_space<vmem>>, %arg8: memref<16x128xi32, #tpu.memory_space<vmem>>, %arg9: memref<2x128x128xf32, #tpu.memory_space<vmem>>, %arg10: memref<!tpu.dma_semaphore, #tpu.memory_space<semaphore_mem>>, %arg11: memref<!tpu.dma_semaphore, #tpu.memory_space<semaphore_mem>>) attributes {dimension_semantics = [#tpu.dimension_semantics<core_parallel>, #tpu.dimension_semantics<subcore_parallel>], iteration_bounds = array<i64: 2, 16>, scalar_prefetch = 0 : i64, scratch_operands = 6 : i64, tpu.core_type = #tpu.core_type<sc_vector_subcore>, window_params = [{transform_indices = #map}, {transform_indices = #map1}, {transform_indices = #map1}, {transform_indices = #map1}]} {
    %mul3A = arith.constant 16 : i32
    %mul3A_0 = arith.muli %arg0, %mul3A : i32
    %add3A = arith.addi %mul3A_0, %arg1 : i32
    %mul3A_1 = arith.constant 640 : i32
    %mul3A_2 = arith.muli %arg1, %mul3A_1 : i32
    %scan3A = arith.constant 0 : i32
    %scan3A_3 = arith.constant 0 : i32
    %scan3A_4 = arith.constant 128 : i32
    %scan3A_5 = arith.addi %scan3A_3, %scan3A_4 : i32
    %scan3A_6 = arith.constant 1 : i32
    scf.for %scan3A_21 = %scan3A_3 to %scan3A_5 step %scan3A_6  : i32 {
      %scan3A_22 = arith.constant 0 : i32
      %scan3A_23 = arith.constant 8 : i32
      %scan3A_24 = arith.addi %scan3A_22, %scan3A_23 : i32
      %scan3A_25 = arith.constant 1 : i32
      scf.for %scan3A_27 = %scan3A_22 to %scan3A_24 step %scan3A_25  : i32 {
        %broadcast_in_dim3A = arith.constant 0.000000e+00 : f32
        %broadcast_in_dim3A_28 = vector.broadcast %broadcast_in_dim3A : f32 to vector<16xf32>
        %mul3A_29 = arith.constant 16 : i32
        %mul3A_30 = arith.muli %scan3A_27, %mul3A_29 : i32
        %swap3A = arith.constant 0 : i32
        %swap3A_31 = arith.index_cast %swap3A : i32 to index
        %swap3A_32 = arith.index_cast %scan3A_21 : i32 to index
        %swap3A_33 = arith.index_cast %mul3A_30 : i32 to index
        %swap3A_34 = tpu.vector_load %arg9[%swap3A_31, %swap3A_32, %swap3A_33] {strides = array<i32>} : memref<2x128x128xf32, #tpu.memory_space<vmem>>, vector<1x1x16xf32>,
        %swap3A_35 = vector.shape_cast %swap3A_34 : vector<1x1x16xf32> to vector<16xf32>
        %swap3A_36 = vector.shape_cast %broadcast_in_dim3A_28 : vector<16xf32> to vector<1x1x16xf32>
        tpu.vector_store %arg9[%swap3A_31, %swap3A_32, %swap3A_33], %swap3A_36 {strides = array<i32>} : memref<2x128x128xf32, #tpu.memory_space<vmem>>, vector<1x1x16xf32>,
      }
      %scan3A_26 = arith.constant 8 : i32
    }
    %scan3A_7 = arith.constant 128 : i32
    %scan3A_8 = arith.constant 0 : i32
    %scan3A_9 = arith.constant 0 : i32
    %scan3A_10 = arith.constant 5 : i32
    %scan3A_11 = arith.addi %scan3A_9, %scan3A_10 : i32
    %scan3A_12 = arith.constant 1 : i32
    scf.for %scan3A_21 = %scan3A_9 to %scan3A_11 step %scan3A_12  : i32 {
      %mul3A_22 = arith.constant 128 : i32
      %mul3A_23 = arith.muli %scan3A_21, %mul3A_22 : i32
      %add3A_24 = arith.addi %mul3A_2, %mul3A_23 : i32
      %run_scoped3A = arith.constant 0 : i32
      "tpu.region"() ({
        %run_scoped3A_25 = tpu.sem_alloc : memref<!tpu.dma_semaphore, #tpu.memory_space<semaphore_mem>>
        %dma_start3A = arith.constant 0 : i32
        %dma_start3A_26 = arith.constant 0 : i32
        %dma_start3A_27 = tpu.memref_slice %arg9[%run_scoped3A, %dma_start3A, %dma_start3A_26] : memref<2x128x128xf32, #tpu.memory_space<vmem>> -> memref<1x128x128xf32, #tpu.memory_space<vmem>>
        %dma_start3A_28 = tpu.memref_squeeze %dma_start3A_27 : memref<1x128x128xf32, #tpu.memory_space<vmem>> -> memref<128x128xf32, #tpu.memory_space<vmem>>
        %dma_start3A_29 = arith.constant 0 : i32
        %dma_start3A_30 = tpu.memref_slice %arg6[%add3A_24, %dma_start3A_29] : memref<10240x128xf32, #tpu.memory_space<vmem_shared>> -> memref<128x128xf32, #tpu.memory_space<vmem_shared>>
        %dma_start3A_31 = arith.constant 0 : i32
        %dma_start3A_32 = tpu.memref_slice %arg6[%add3A_24, %dma_start3A_31] : memref<10240x128xf32, #tpu.memory_space<vmem_shared>> -> memref<128x128xf32, #tpu.memory_space<vmem_shared>>
        %dma_start3A_33 = arith.constant 0 : i32
        %dma_start3A_34 = arith.constant 0 : i32
        %dma_start3A_35 = tpu.memref_slice %arg9[%run_scoped3A, %dma_start3A_33, %dma_start3A_34] : memref<2x128x128xf32, #tpu.memory_space<vmem>> -> memref<1x128x128xf32, #tpu.memory_space<vmem>>
        %dma_start3A_36 = tpu.memref_squeeze %dma_start3A_35 : memref<1x128x128xf32, #tpu.memory_space<vmem>> -> memref<128x128xf32, #tpu.memory_space<vmem>>
        tpu.enqueue_dma source(%dma_start3A_36 : memref<128x128xf32, #tpu.memory_space<vmem>>) target(%dma_start3A_32 : memref<128x128xf32, #tpu.memory_space<vmem_shared>>) target_semaphore(%run_scoped3A_25 : memref<!tpu.dma_semaphore, #tpu.memory_space<semaphore_mem>>)
        %dma_wait3A = arith.constant 0 : i32
        %dma_wait3A_37 = arith.constant 0 : i32
        %dma_wait3A_38 = tpu.memref_slice %arg9[%run_scoped3A, %dma_wait3A, %dma_wait3A_37] : memref<2x128x128xf32, #tpu.memory_space<vmem>> -> memref<1x128x128xf32, #tpu.memory_space<vmem>>
        %dma_wait3A_39 = tpu.memref_squeeze %dma_wait3A_38 : memref<1x128x128xf32, #tpu.memory_space<vmem>> -> memref<128x128xf32, #tpu.memory_space<vmem>>
        %dma_wait3A_40 = arith.constant 0 : i32
        %dma_wait3A_41 = tpu.memref_slice %arg6[%add3A_24, %dma_wait3A_40] : memref<10240x128xf32, #tpu.memory_space<vmem_shared>> -> memref<128x128xf32, #tpu.memory_space<vmem_shared>>
        %dma_wait3A_42 = arith.constant 0 : i32
        %dma_wait3A_43 = tpu.memref_slice %arg6[%add3A_24, %dma_wait3A_42] : memref<10240x128xf32, #tpu.memory_space<vmem_shared>> -> memref<128x128xf32, #tpu.memory_space<vmem_shared>>
        %dma_wait3A_44 = arith.constant 0 : i32
        %dma_wait3A_45 = arith.constant 0 : i32
        %dma_wait3A_46 = tpu.memref_slice %arg9[%run_scoped3A, %dma_wait3A_44, %dma_wait3A_45] : memref<2x128x128xf32, #tpu.memory_space<vmem>> -> memref<1x128x128xf32, #tpu.memory_space<vmem>>
        %dma_wait3A_47 = tpu.memref_squeeze %dma_wait3A_46 : memref<1x128x128xf32, #tpu.memory_space<vmem>> -> memref<128x128xf32, #tpu.memory_space<vmem>>
        tpu.wait_dma2 semaphore(%run_scoped3A_25 : memref<!tpu.dma_semaphore, #tpu.memory_space<semaphore_mem>>) src(%dma_wait3A_47 : memref<128x128xf32, #tpu.memory_space<vmem>>) dst(%dma_wait3A_43 : memref<128x128xf32, #tpu.memory_space<vmem_shared>>)
        tpu.yield
      }) : () -> ()
    }
    %scan3A_13 = arith.constant 5 : i32
    %barrier3A = arith.constant 0 : index
    tpu.barrier barrier_id(%barrier3A)
    %scan3A_14 = arith.constant 0 : i32
    %scan3A_15 = arith.constant 0 : i32
    %scan3A_16 = arith.constant 5 : i32
    %scan3A_17 = arith.addi %scan3A_15, %scan3A_16 : i32
    %scan3A_18 = arith.constant 1 : i32
    scf.for %scan3A_21 = %scan3A_15 to %scan3A_17 step %scan3A_18  : i32 {
      %mul3A_22 = arith.constant 16 : i32
      %mul3A_23 = arith.muli %scan3A_21, %mul3A_22 : i32
      "tpu.region"() ({
        %run_scoped3A = tpu.sem_alloc : memref<!tpu.dma_semaphore, #tpu.memory_space<semaphore_mem>>
        %dma_start3A_792 = arith.constant 0 : i32
        %dma_start3A_793 = tpu.memref_slice %arg3[%add3A, %mul3A_23, %dma_start3A_792] : memref<32x80x128xi32, #tpu.memory_space<hbm>> -> memref<1x16x128xi32, #tpu.memory_space<hbm>>
        %dma_start3A_794 = tpu.memref_squeeze %dma_start3A_793 : memref<1x16x128xi32, #tpu.memory_space<hbm>> -> memref<16x128xi32, #tpu.memory_space<hbm>>
        %dma_start3A_795 = arith.constant 0 : i32
        %dma_start3A_796 = tpu.memref_slice %arg3[%add3A, %mul3A_23, %dma_start3A_795] : memref<32x80x128xi32, #tpu.memory_space<hbm>> -> memref<1x16x128xi32, #tpu.memory_space<hbm>>
        %dma_start3A_797 = tpu.memref_squeeze %dma_start3A_796 : memref<1x16x128xi32, #tpu.memory_space<hbm>> -> memref<16x128xi32, #tpu.memory_space<hbm>>
        tpu.enqueue_dma source(%dma_start3A_797 : memref<16x128xi32, #tpu.memory_space<hbm>>) target(%arg7 : memref<16x128xi32, #tpu.memory_space<vmem>>) target_semaphore(%run_scoped3A : memref<!tpu.dma_semaphore, #tpu.memory_space<semaphore_mem>>)
        %dma_wait3A_798 = arith.constant 0 : i32
        %dma_wait3A_799 = tpu.memref_slice %arg3[%add3A, %mul3A_23, %dma_wait3A_798] : memref<32x80x128xi32, #tpu.memory_space<hbm>> -> memref<1x16x128xi32, #tpu.memory_space<hbm>>
        %dma_wait3A_800 = tpu.memref_squeeze %dma_wait3A_799 : memref<1x16x128xi32, #tpu.memory_space<hbm>> -> memref<16x128xi32, #tpu.memory_space<hbm>>
        %dma_wait3A_801 = arith.constant 0 : i32
        %dma_wait3A_802 = tpu.memref_slice %arg3[%add3A, %mul3A_23, %dma_wait3A_801] : memref<32x80x128xi32, #tpu.memory_space<hbm>> -> memref<1x16x128xi32, #tpu.memory_space<hbm>>
        %dma_wait3A_803 = tpu.memref_squeeze %dma_wait3A_802 : memref<1x16x128xi32, #tpu.memory_space<hbm>> -> memref<16x128xi32, #tpu.memory_space<hbm>>
        tpu.wait_dma2 semaphore(%run_scoped3A : memref<!tpu.dma_semaphore, #tpu.memory_space<semaphore_mem>>) src(%dma_wait3A_803 : memref<16x128xi32, #tpu.memory_space<hbm>>) dst(%arg7 : memref<16x128xi32, #tpu.memory_space<vmem>>)
        tpu.yield
      }) : () -> ()
      %mul3A_24 = arith.constant 16 : i32
      %mul3A_25 = arith.muli %scan3A_21, %mul3A_24 : i32
      "tpu.region"() ({
        %run_scoped3A = tpu.sem_alloc : memref<!tpu.dma_semaphore, #tpu.memory_space<semaphore_mem>>
        %dma_start3A_792 = arith.constant 0 : i32
        %dma_start3A_793 = tpu.memref_slice %arg4[%add3A, %mul3A_25, %dma_start3A_792] : memref<32x80x128xi32, #tpu.memory_space<hbm>> -> memref<1x16x128xi32, #tpu.memory_space<hbm>>
        %dma_start3A_794 = tpu.memref_squeeze %dma_start3A_793 : memref<1x16x128xi32, #tpu.memory_space<hbm>> -> memref<16x128xi32, #tpu.memory_space<hbm>>
        %dma_start3A_795 = arith.constant 0 : i32
        %dma_start3A_796 = tpu.memref_slice %arg4[%add3A, %mul3A_25, %dma_start3A_795] : memref<32x80x128xi32, #tpu.memory_space<hbm>> -> memref<1x16x128xi32, #tpu.memory_space<hbm>>
        %dma_start3A_797 = tpu.memref_squeeze %dma_start3A_796 : memref<1x16x128xi32, #tpu.memory_space<hbm>> -> memref<16x128xi32, #tpu.memory_space<hbm>>
        tpu.enqueue_dma source(%dma_start3A_797 : memref<16x128xi32, #tpu.memory_space<hbm>>) target(%arg8 : memref<16x128xi32, #tpu.memory_space<vmem>>) target_semaphore(%run_scoped3A : memref<!tpu.dma_semaphore, #tpu.memory_space<semaphore_mem>>)
        %dma_wait3A_798 = arith.constant 0 : i32
        %dma_wait3A_799 = tpu.memref_slice %arg4[%add3A, %mul3A_25, %dma_wait3A_798] : memref<32x80x128xi32, #tpu.memory_space<hbm>> -> memref<1x16x128xi32, #tpu.memory_space<hbm>>
        %dma_wait3A_800 = tpu.memref_squeeze %dma_wait3A_799 : memref<1x16x128xi32, #tpu.memory_space<hbm>> -> memref<16x128xi32, #tpu.memory_space<hbm>>
        %dma_wait3A_801 = arith.constant 0 : i32
        %dma_wait3A_802 = tpu.memref_slice %arg4[%add3A, %mul3A_25, %dma_wait3A_801] : memref<32x80x128xi32, #tpu.memory_space<hbm>> -> memref<1x16x128xi32, #tpu.memory_space<hbm>>
        %dma_wait3A_803 = tpu.memref_squeeze %dma_wait3A_802 : memref<1x16x128xi32, #tpu.memory_space<hbm>> -> memref<16x128xi32, #tpu.memory_space<hbm>>
        tpu.wait_dma2 semaphore(%run_scoped3A : memref<!tpu.dma_semaphore, #tpu.memory_space<semaphore_mem>>) src(%dma_wait3A_803 : memref<16x128xi32, #tpu.memory_space<hbm>>) dst(%arg8 : memref<16x128xi32, #tpu.memory_space<vmem>>)
        tpu.yield
      }) : () -> ()
      %dma_start3A = arith.constant 0 : i32
      %dma_start3A_26 = arith.constant 0 : i32
      %dma_start3A_27 = arith.constant 0 : i32
      %dma_start3A_28 = arith.constant 0 : i32
      %dma_start3A_29 = tpu.memref_slice %arg9[%dma_start3A_26, %dma_start3A_27, %dma_start3A_28] : memref<2x128x128xf32, #tpu.memory_space<vmem>> -> memref<1x128x128xf32, #tpu.memory_space<vmem>>
      %dma_start3A_30 = tpu.memref_squeeze %dma_start3A_29 : memref<1x128x128xf32, #tpu.memory_space<vmem>> -> memref<128x128xf32, #tpu.memory_space<vmem>>
      %dma_start3A_31 = arith.constant 0 : i32
      %dma_start3A_32 = tpu.memref_slice %arg7[%dma_start3A, %dma_start3A_31] : memref<16x128xi32, #tpu.memory_space<vmem>> -> memref<1x128xi32, #tpu.memory_space<vmem>>
      %dma_start3A_33 = tpu.memref_squeeze %dma_start3A_32 : memref<1x128xi32, #tpu.memory_space<vmem>> -> memref<128xi32, #tpu.memory_space<vmem>>
      %dma_start3A_34 = arith.constant 0 : i32
      %dma_start3A_35 = arith.constant 0 : i32
      %dma_start3A_36 = tpu.memref_slice %arg2[%dma_start3A_34, %dma_start3A_35] : memref<10240x128xf32, #tpu.memory_space<hbm>> -> memref<10240x128xf32, #tpu.memory_space<hbm>>
      tpu.enqueue_indirect_dma source(%dma_start3A_36 : memref<10240x128xf32, #tpu.memory_space<hbm>>) target(%dma_start3A_30 : memref<128x128xf32, #tpu.memory_space<vmem>>) offsets(%dma_start3A_33 : memref<128xi32, #tpu.memory_space<vmem>>) semaphore(%arg10 : memref<!tpu.dma_semaphore, #tpu.memory_space<semaphore_mem>>)
      %dma_wait3A = arith.constant 0 : i32
      %dma_wait3A_37 = arith.constant 0 : i32
      %dma_wait3A_38 = arith.constant 0 : i32
      %dma_wait3A_39 = arith.constant 0 : i32
      %dma_wait3A_40 = tpu.memref_slice %arg9[%dma_wait3A_37, %dma_wait3A_38, %dma_wait3A_39] : memref<2x128x128xf32, #tpu.memory_space<vmem>> -> memref<1x128x128xf32, #tpu.memory_space<vmem>>
      %dma_wait3A_41 = tpu.memref_squeeze %dma_wait3A_40 : memref<1x128x128xf32, #tpu.memory_space<vmem>> -> memref<128x128xf32, #tpu.memory_space<vmem>>
      %dma_wait3A_42 = arith.constant 0 : i32
      %dma_wait3A_43 = tpu.memref_slice %arg7[%dma_wait3A, %dma_wait3A_42] : memref<16x128xi32, #tpu.memory_space<vmem>> -> memref<1x128xi32, #tpu.memory_space<vmem>>
      %dma_wait3A_44 = tpu.memref_squeeze %dma_wait3A_43 : memref<1x128xi32, #tpu.memory_space<vmem>> -> memref<128xi32, #tpu.memory_space<vmem>>
      %dma_wait3A_45 = arith.constant 0 : i32
      %dma_wait3A_46 = arith.constant 0 : i32
      %dma_wait3A_47 = tpu.memref_slice %arg2[%dma_wait3A_45, %dma_wait3A_46] : memref<10240x128xf32, #tpu.memory_space<hbm>> -> memref<10240x128xf32, #tpu.memory_space<hbm>>
      tpu.wait_indirect_dma semaphore(%arg10 : memref<!tpu.dma_semaphore, #tpu.memory_space<semaphore_mem>>) src(%dma_wait3A_47 : memref<10240x128xf32, #tpu.memory_space<hbm>>) dst(%dma_wait3A_41 : memref<128x128xf32, #tpu.memory_space<vmem>>)
      %dma_start3A_48 = arith.constant 0 : i32
      %dma_start3A_49 = arith.constant 0 : i32
      %dma_start3A_50 = arith.constant 0 : i32
      %dma_start3A_51 = arith.constant 0 : i32
      %dma_start3A_52 = tpu.memref_slice %arg9[%dma_start3A_48, %dma_start3A_50, %dma_start3A_51] : memref<2x128x128xf32, #tpu.memory_space<vmem>> -> memref<1x128x128xf32, #tpu.memory_space<vmem>>
      %dma_start3A_53 = tpu.memref_squeeze %dma_start3A_52 : memref<1x128x128xf32, #tpu.memory_space<vmem>> -> memref<128x128xf32, #tpu.memory_space<vmem>>
      %dma_start3A_54 = arith.constant 0 : i32
      %dma_start3A_55 = tpu.memref_slice %arg8[%dma_start3A_49, %dma_start3A_54] : memref<16x128xi32, #tpu.memory_space<vmem>> -> memref<1x128xi32, #tpu.memory_space<vmem>>
      %dma_start3A_56 = tpu.memref_squeeze %dma_start3A_55 : memref<1x128xi32, #tpu.memory_space<vmem>> -> memref<128xi32, #tpu.memory_space<vmem>>
      %dma_start3A_57 = arith.constant 0 : i32
      %dma_start3A_58 = arith.constant 0 : i32
      %dma_start3A_59 = tpu.memref_slice %arg6[%dma_start3A_57, %dma_start3A_58] : memref<10240x128xf32, #tpu.memory_space<vmem_shared>> -> memref<10240x128xf32, #tpu.memory_space<vmem_shared>>
      tpu.enqueue_indirect_dma source(%dma_start3A_53 : memref<128x128xf32, #tpu.memory_space<vmem>>) target(%dma_start3A_59 : memref<10240x128xf32, #tpu.memory_space<vmem_shared>>) offsets(%dma_start3A_56 : memref<128xi32, #tpu.memory_space<vmem>>) semaphore(%arg11 : memref<!tpu.dma_semaphore, #tpu.memory_space<semaphore_mem>>) {add = true}
      %dma_start3A_60 = arith.constant 1 : i32
      %dma_start3A_61 = arith.constant 1 : i32
      %dma_start3A_62 = arith.constant 0 : i32
      %dma_start3A_63 = arith.constant 0 : i32
      %dma_start3A_64 = tpu.memref_slice %arg9[%dma_start3A_61, %dma_start3A_62, %dma_start3A_63] : memref<2x128x128xf32, #tpu.memory_space<vmem>> -> memref<1x128x128xf32, #tpu.memory_space<vmem>>
      %dma_start3A_65 = tpu.memref_squeeze %dma_start3A_64 : memref<1x128x128xf32, #tpu.memory_space<vmem>> -> memref<128x128xf32, #tpu.memory_space<vmem>>
      %dma_start3A_66 = arith.constant 0 : i32
      %dma_start3A_67 = tpu.memref_slice %arg7[%dma_start3A_60, %dma_start3A_66] : memref<16x128xi32, #tpu.memory_space<vmem>> -> memref<1x128xi32, #tpu.memory_space<vmem>>
      %dma_start3A_68 = tpu.memref_squeeze %dma_start3A_67 : memref<1x128xi32, #tpu.memory_space<vmem>> -> memref<128xi32, #tpu.memory_space<vmem>>
      %dma_start3A_69 = arith.constant 0 : i32
      %dma_start3A_70 = arith.constant 0 : i32
      %dma_start3A_71 = tpu.memref_slice %arg2[%dma_start3A_69, %dma_start3A_70] : memref<10240x128xf32, #tpu.memory_space<hbm>> -> memref<10240x128xf32, #tpu.memory_space<hbm>>
      tpu.enqueue_indirect_dma source(%dma_start3A_71 : memref<10240x128xf32, #tpu.memory_space<hbm>>) target(%dma_start3A_65 : memref<128x128xf32, #tpu.memory_space<vmem>>) offsets(%dma_start3A_68 : memref<128xi32, #tpu.memory_space<vmem>>) semaphore(%arg10 : memref<!tpu.dma_semaphore, #tpu.memory_space<semaphore_mem>>)
      %dma_wait3A_72 = arith.constant 1 : i32
      %dma_wait3A_73 = arith.constant 1 : i32
      %dma_wait3A_74 = arith.constant 0 : i32
      %dma_wait3A_75 = arith.constant 0 : i32
      %dma_wait3A_76 = tpu.memref_slice %arg9[%dma_wait3A_73, %dma_wait3A_74, %dma_wait3A_75] : memref<2x128x128xf32, #tpu.memory_space<vmem>> -> memref<1x128x128xf32, #tpu.memory_space<vmem>>
      %dma_wait3A_77 = tpu.memref_squeeze %dma_wait3A_76 : memref<1x128x128xf32, #tpu.memory_space<vmem>> -> memref<128x128xf32, #tpu.memory_space<vmem>>
      %dma_wait3A_78 = arith.constant 0 : i32
      %dma_wait3A_79 = tpu.memref_slice %arg7[%dma_wait3A_72, %dma_wait3A_78] : memref<16x128xi32, #tpu.memory_space<vmem>> -> memref<1x128xi32, #tpu.memory_space<vmem>>
      %dma_wait3A_80 = tpu.memref_squeeze %dma_wait3A_79 : memref<1x128xi32, #tpu.memory_space<vmem>> -> memref<128xi32, #tpu.memory_space<vmem>>
      %dma_wait3A_81 = arith.constant 0 : i32
      %dma_wait3A_82 = arith.constant 0 : i32
      %dma_wait3A_83 = tpu.memref_slice %arg2[%dma_wait3A_81, %dma_wait3A_82] : memref<10240x128xf32, #tpu.memory_space<hbm>> -> memref<10240x128xf32, #tpu.memory_space<hbm>>
      tpu.wait_indirect_dma semaphore(%arg10 : memref<!tpu.dma_semaphore, #tpu.memory_space<semaphore_mem>>) src(%dma_wait3A_83 : memref<10240x128xf32, #tpu.memory_space<hbm>>) dst(%dma_wait3A_77 : memref<128x128xf32, #tpu.memory_space<vmem>>)
      %dma_wait3A_84 = arith.constant 0 : i32
      %dma_wait3A_85 = arith.constant 0 : i32
      %dma_wait3A_86 = arith.constant 0 : i32
      %dma_wait3A_87 = arith.constant 0 : i32
      %dma_wait3A_88 = tpu.memref_slice %arg9[%dma_wait3A_84, %dma_wait3A_86, %dma_wait3A_87] : memref<2x128x128xf32, #tpu.memory_space<vmem>> -> memref<1x128x128xf32, #tpu.memory_space<vmem>>
      %dma_wait3A_89 = tpu.memref_squeeze %dma_wait3A_88 : memref<1x128x128xf32, #tpu.memory_space<vmem>> -> memref<128x128xf32, #tpu.memory_space<vmem>>
      %dma_wait3A_90 = arith.constant 0 : i32
      %dma_wait3A_91 = tpu.memref_slice %arg8[%dma_wait3A_85, %dma_wait3A_90] : memref<16x128xi32, #tpu.memory_space<vmem>> -> memref<1x128xi32, #tpu.memory_space<vmem>>
      %dma_wait3A_92 = tpu.memref_squeeze %dma_wait3A_91 : memref<1x128xi32, #tpu.memory_space<vmem>> -> memref<128xi32, #tpu.memory_space<vmem>>
      %dma_wait3A_93 = arith.constant 0 : i32
      %dma_wait3A_94 = arith.constant 0 : i32
      %dma_wait3A_95 = tpu.memref_slice %arg6[%dma_wait3A_93, %dma_wait3A_94] : memref<10240x128xf32, #tpu.memory_space<vmem_shared>> -> memref<10240x128xf32, #tpu.memory_space<vmem_shared>>
      tpu.wait_indirect_dma semaphore(%arg11 : memref<!tpu.dma_semaphore, #tpu.memory_space<semaphore_mem>>) src(%dma_wait3A_89 : memref<128x128xf32, #tpu.memory_space<vmem>>) dst(%dma_wait3A_95 : memref<10240x128xf32, #tpu.memory_space<vmem_shared>>)
      %dma_start3A_96 = arith.constant 1 : i32
      %dma_start3A_97 = arith.constant 1 : i32
      %dma_start3A_98 = arith.constant 0 : i32
      %dma_start3A_99 = arith.constant 0 : i32
      %dma_start3A_100 = tpu.memref_slice %arg9[%dma_start3A_96, %dma_start3A_98, %dma_start3A_99] : memref<2x128x128xf32, #tpu.memory_space<vmem>> -> memref<1x128x128xf32, #tpu.memory_space<vmem>>
      %dma_start3A_101 = tpu.memref_squeeze %dma_start3A_100 : memref<1x128x128xf32, #tpu.memory_space<vmem>> -> memref<128x128xf32, #tpu.memory_space<vmem>>
      %dma_start3A_102 = arith.constant 0 : i32
      %dma_start3A_103 = tpu.memref_slice %arg8[%dma_start3A_97, %dma_start3A_102] : memref<16x128xi32, #tpu.memory_space<vmem>> -> memref<1x128xi32, #tpu.memory_space<vmem>>
      %dma_start3A_104 = tpu.memref_squeeze %dma_start3A_103 : memref<1x128xi32, #tpu.memory_space<vmem>> -> memref<128xi32, #tpu.memory_space<vmem>>
      %dma_start3A_105 = arith.constant 0 : i32
      %dma_start3A_106 = arith.constant 0 : i32
      %dma_start3A_107 = tpu.memref_slice %arg6[%dma_start3A_105, %dma_start3A_106] : memref<10240x128xf32, #tpu.memory_space<vmem_shared>> -> memref<10240x128xf32, #tpu.memory_space<vmem_shared>>
      tpu.enqueue_indirect_dma source(%dma_start3A_101 : memref<128x128xf32, #tpu.memory_space<vmem>>) target(%dma_start3A_107 : memref<10240x128xf32, #tpu.memory_space<vmem_shared>>) offsets(%dma_start3A_104 : memref<128xi32, #tpu.memory_space<vmem>>) semaphore(%arg11 : memref<!tpu.dma_semaphore, #tpu.memory_space<semaphore_mem>>) {add = true}
      %dma_start3A_108 = arith.constant 2 : i32
      %dma_start3A_109 = arith.constant 0 : i32
      %dma_start3A_110 = arith.constant 0 : i32
      %dma_start3A_111 = arith.constant 0 : i32
      %dma_start3A_112 = tpu.memref_slice %arg9[%dma_start3A_109, %dma_start3A_110, %dma_start3A_111] : memref<2x128x128xf32, #tpu.memory_space<vmem>> -> memref<1x128x128xf32, #tpu.memory_space<vmem>>
      %dma_start3A_113 = tpu.memref_squeeze %dma_start3A_112 : memref<1x128x128xf32, #tpu.memory_space<vmem>> -> memref<128x128xf32, #tpu.memory_space<vmem>>
      %dma_start3A_114 = arith.constant 0 : i32
      %dma_start3A_115 = tpu.memref_slice %arg7[%dma_start3A_108, %dma_start3A_114] : memref<16x128xi32, #tpu.memory_space<vmem>> -> memref<1x128xi32, #tpu.memory_space<vmem>>
      %dma_start3A_116 = tpu.memref_squeeze %dma_start3A_115 : memref<1x128xi32, #tpu.memory_space<vmem>> -> memref<128xi32, #tpu.memory_space<vmem>>
      %dma_start3A_117 = arith.constant 0 : i32
      %dma_start3A_118 = arith.constant 0 : i32
      %dma_start3A_119 = tpu.memref_slice %arg2[%dma_start3A_117, %dma_start3A_118] : memref<10240x128xf32, #tpu.memory_space<hbm>> -> memref<10240x128xf32, #tpu.memory_space<hbm>>
      tpu.enqueue_indirect_dma source(%dma_start3A_119 : memref<10240x128xf32, #tpu.memory_space<hbm>>) target(%dma_start3A_113 : memref<128x128xf32, #tpu.memory_space<vmem>>) offsets(%dma_start3A_116 : memref<128xi32, #tpu.memory_space<vmem>>) semaphore(%arg10 : memref<!tpu.dma_semaphore, #tpu.memory_space<semaphore_mem>>)
      %dma_wait3A_120 = arith.constant 2 : i32
      %dma_wait3A_121 = arith.constant 0 : i32
      %dma_wait3A_122 = arith.constant 0 : i32
      %dma_wait3A_123 = arith.constant 0 : i32
      %dma_wait3A_124 = tpu.memref_slice %arg9[%dma_wait3A_121, %dma_wait3A_122, %dma_wait3A_123] : memref<2x128x128xf32, #tpu.memory_space<vmem>> -> memref<1x128x128xf32, #tpu.memory_space<vmem>>
      %dma_wait3A_125 = tpu.memref_squeeze %dma_wait3A_124 : memref<1x128x128xf32, #tpu.memory_space<vmem>> -> memref<128x128xf32, #tpu.memory_space<vmem>>
      %dma_wait3A_126 = arith.constant 0 : i32
      %dma_wait3A_127 = tpu.memref_slice %arg7[%dma_wait3A_120, %dma_wait3A_126] : memref<16x128xi32, #tpu.memory_space<vmem>> -> memref<1x128xi32, #tpu.memory_space<vmem>>
      %dma_wait3A_128 = tpu.memref_squeeze %dma_wait3A_127 : memref<1x128xi32, #tpu.memory_space<vmem>> -> memref<128xi32, #tpu.memory_space<vmem>>
      %dma_wait3A_129 = arith.constant 0 : i32
      %dma_wait3A_130 = arith.constant 0 : i32
      %dma_wait3A_131 = tpu.memref_slice %arg2[%dma_wait3A_129, %dma_wait3A_130] : memref<10240x128xf32, #tpu.memory_space<hbm>> -> memref<10240x128xf32, #tpu.memory_space<hbm>>
      tpu.wait_indirect_dma semaphore(%arg10 : memref<!tpu.dma_semaphore, #tpu.memory_space<semaphore_mem>>) src(%dma_wait3A_131 : memref<10240x128xf32, #tpu.memory_space<hbm>>) dst(%dma_wait3A_125 : memref<128x128xf32, #tpu.memory_space<vmem>>)
      %dma_wait3A_132 = arith.constant 1 : i32
      %dma_wait3A_133 = arith.constant 1 : i32
      %dma_wait3A_134 = arith.constant 0 : i32
      %dma_wait3A_135 = arith.constant 0 : i32
      %dma_wait3A_136 = tpu.memref_slice %arg9[%dma_wait3A_132, %dma_wait3A_134, %dma_wait3A_135] : memref<2x128x128xf32, #tpu.memory_space<vmem>> -> memref<1x128x128xf32, #tpu.memory_space<vmem>>
      %dma_wait3A_137 = tpu.memref_squeeze %dma_wait3A_136 : memref<1x128x128xf32, #tpu.memory_space<vmem>> -> memref<128x128xf32, #tpu.memory_space<vmem>>
      %dma_wait3A_138 = arith.constant 0 : i32
      %dma_wait3A_139 = tpu.memref_slice %arg8[%dma_wait3A_133, %dma_wait3A_138] : memref<16x128xi32, #tpu.memory_space<vmem>> -> memref<1x128xi32, #tpu.memory_space<vmem>>
      %dma_wait3A_140 = tpu.memref_squeeze %dma_wait3A_139 : memref<1x128xi32, #tpu.memory_space<vmem>> -> memref<128xi32, #tpu.memory_space<vmem>>
      %dma_wait3A_141 = arith.constant 0 : i32
      %dma_wait3A_142 = arith.constant 0 : i32
      %dma_wait3A_143 = tpu.memref_slice %arg6[%dma_wait3A_141, %dma_wait3A_142] : memref<10240x128xf32, #tpu.memory_space<vmem_shared>> -> memref<10240x128xf32, #tpu.memory_space<vmem_shared>>
      tpu.wait_indirect_dma semaphore(%arg11 : memref<!tpu.dma_semaphore, #tpu.memory_space<semaphore_mem>>) src(%dma_wait3A_137 : memref<128x128xf32, #tpu.memory_space<vmem>>) dst(%dma_wait3A_143 : memref<10240x128xf32, #tpu.memory_space<vmem_shared>>)
      %dma_start3A_144 = arith.constant 0 : i32
      %dma_start3A_145 = arith.constant 2 : i32
      %dma_start3A_146 = arith.constant 0 : i32
      %dma_start3A_147 = arith.constant 0 : i32
      %dma_start3A_148 = tpu.memref_slice %arg9[%dma_start3A_144, %dma_start3A_146, %dma_start3A_147] : memref<2x128x128xf32, #tpu.memory_space<vmem>> -> memref<1x128x128xf32, #tpu.memory_space<vmem>>
      %dma_start3A_149 = tpu.memref_squeeze %dma_start3A_148 : memref<1x128x128xf32, #tpu.memory_space<vmem>> -> memref<128x128xf32, #tpu.memory_space<vmem>>
      %dma_start3A_150 = arith.constant 0 : i32
      %dma_start3A_151 = tpu.memref_slice %arg8[%dma_start3A_145, %dma_start3A_150] : memref<16x128xi32, #tpu.memory_space<vmem>> -> memref<1x128xi32, #tpu.memory_space<vmem>>
      %dma_start3A_152 = tpu.memref_squeeze %dma_start3A_151 : memref<1x128xi32, #tpu.memory_space<vmem>> -> memref<128xi32, #tpu.memory_space<vmem>>
      %dma_start3A_153 = arith.constant 0 : i32
      %dma_start3A_154 = arith.constant 0 : i32
      %dma_start3A_155 = tpu.memref_slice %arg6[%dma_start3A_153, %dma_start3A_154] : memref<10240x128xf32, #tpu.memory_space<vmem_shared>> -> memref<10240x128xf32, #tpu.memory_space<vmem_shared>>
      tpu.enqueue_indirect_dma source(%dma_start3A_149 : memref<128x128xf32, #tpu.memory_space<vmem>>) target(%dma_start3A_155 : memref<10240x128xf32, #tpu.memory_space<vmem_shared>>) offsets(%dma_start3A_152 : memref<128xi32, #tpu.memory_space<vmem>>) semaphore(%arg11 : memref<!tpu.dma_semaphore, #tpu.memory_space<semaphore_mem>>) {add = true}
      %dma_start3A_156 = arith.constant 3 : i32
      %dma_start3A_157 = arith.constant 1 : i32
      %dma_start3A_158 = arith.constant 0 : i32
      %dma_start3A_159 = arith.constant 0 : i32
      %dma_start3A_160 = tpu.memref_slice %arg9[%dma_start3A_157, %dma_start3A_158, %dma_start3A_159] : memref<2x128x128xf32, #tpu.memory_space<vmem>> -> memref<1x128x128xf32, #tpu.memory_space<vmem>>
      %dma_start3A_161 = tpu.memref_squeeze %dma_start3A_160 : memref<1x128x128xf32, #tpu.memory_space<vmem>> -> memref<128x128xf32, #tpu.memory_space<vmem>>
      %dma_start3A_162 = arith.constant 0 : i32
      %dma_start3A_163 = tpu.memref_slice %arg7[%dma_start3A_156, %dma_start3A_162] : memref<16x128xi32, #tpu.memory_space<vmem>> -> memref<1x128xi32, #tpu.memory_space<vmem>>
      %dma_start3A_164 = tpu.memref_squeeze %dma_start3A_163 : memref<1x128xi32, #tpu.memory_space<vmem>> -> memref<128xi32, #tpu.memory_space<vmem>>
      %dma_start3A_165 = arith.constant 0 : i32
      %dma_start3A_166 = arith.constant 0 : i32
      %dma_start3A_167 = tpu.memref_slice %arg2[%dma_start3A_165, %dma_start3A_166] : memref<10240x128xf32, #tpu.memory_space<hbm>> -> memref<10240x128xf32, #tpu.memory_space<hbm>>
      tpu.enqueue_indirect_dma source(%dma_start3A_167 : memref<10240x128xf32, #tpu.memory_space<hbm>>) target(%dma_start3A_161 : memref<128x128xf32, #tpu.memory_space<vmem>>) offsets(%dma_start3A_164 : memref<128xi32, #tpu.memory_space<vmem>>) semaphore(%arg10 : memref<!tpu.dma_semaphore, #tpu.memory_space<semaphore_mem>>)
      %dma_wait3A_168 = arith.constant 3 : i32
      %dma_wait3A_169 = arith.constant 1 : i32
      %dma_wait3A_170 = arith.constant 0 : i32
      %dma_wait3A_171 = arith.constant 0 : i32
      %dma_wait3A_172 = tpu.memref_slice %arg9[%dma_wait3A_169, %dma_wait3A_170, %dma_wait3A_171] : memref<2x128x128xf32, #tpu.memory_space<vmem>> -> memref<1x128x128xf32, #tpu.memory_space<vmem>>
      %dma_wait3A_173 = tpu.memref_squeeze %dma_wait3A_172 : memref<1x128x128xf32, #tpu.memory_space<vmem>> -> memref<128x128xf32, #tpu.memory_space<vmem>>
      %dma_wait3A_174 = arith.constant 0 : i32
      %dma_wait3A_175 = tpu.memref_slice %arg7[%dma_wait3A_168, %dma_wait3A_174] : memref<16x128xi32, #tpu.memory_space<vmem>> -> memref<1x128xi32, #tpu.memory_space<vmem>>
      %dma_wait3A_176 = tpu.memref_squeeze %dma_wait3A_175 : memref<1x128xi32, #tpu.memory_space<vmem>> -> memref<128xi32, #tpu.memory_space<vmem>>
      %dma_wait3A_177 = arith.constant 0 : i32
      %dma_wait3A_178 = arith.constant 0 : i32
      %dma_wait3A_179 = tpu.memref_slice %arg2[%dma_wait3A_177, %dma_wait3A_178] : memref<10240x128xf32, #tpu.memory_space<hbm>> -> memref<10240x128xf32, #tpu.memory_space<hbm>>
      tpu.wait_indirect_dma semaphore(%arg10 : memref<!tpu.dma_semaphore, #tpu.memory_space<semaphore_mem>>) src(%dma_wait3A_179 : memref<10240x128xf32, #tpu.memory_space<hbm>>) dst(%dma_wait3A_173 : memref<128x128xf32, #tpu.memory_space<vmem>>)
      %dma_wait3A_180 = arith.constant 0 : i32
      %dma_wait3A_181 = arith.constant 2 : i32
      %dma_wait3A_182 = arith.constant 0 : i32
      %dma_wait3A_183 = arith.constant 0 : i32
      %dma_wait3A_184 = tpu.memref_slice %arg9[%dma_wait3A_180, %dma_wait3A_182, %dma_wait3A_183] : memref<2x128x128xf32, #tpu.memory_space<vmem>> -> memref<1x128x128xf32, #tpu.memory_space<vmem>>
      %dma_wait3A_185 = tpu.memref_squeeze %dma_wait3A_184 : memref<1x128x128xf32, #tpu.memory_space<vmem>> -> memref<128x128xf32, #tpu.memory_space<vmem>>
      %dma_wait3A_186 = arith.constant 0 : i32
      %dma_wait3A_187 = tpu.memref_slice %arg8[%dma_wait3A_181, %dma_wait3A_186] : memref<16x128xi32, #tpu.memory_space<vmem>> -> memref<1x128xi32, #tpu.memory_space<vmem>>
      %dma_wait3A_188 = tpu.memref_squeeze %dma_wait3A_187 : memref<1x128xi32, #tpu.memory_space<vmem>> -> memref<128xi32, #tpu.memory_space<vmem>>
      %dma_wait3A_189 = arith.constant 0 : i32
      %dma_wait3A_190 = arith.constant 0 : i32
      %dma_wait3A_191 = tpu.memref_slice %arg6[%dma_wait3A_189, %dma_wait3A_190] : memref<10240x128xf32, #tpu.memory_space<vmem_shared>> -> memref<10240x128xf32, #tpu.memory_space<vmem_shared>>
      tpu.wait_indirect_dma semaphore(%arg11 : memref<!tpu.dma_semaphore, #tpu.memory_space<semaphore_mem>>) src(%dma_wait3A_185 : memref<128x128xf32, #tpu.memory_space<vmem>>) dst(%dma_wait3A_191 : memref<10240x128xf32, #tpu.memory_space<vmem_shared>>)
      %dma_start3A_192 = arith.constant 1 : i32
      %dma_start3A_193 = arith.constant 3 : i32
      %dma_start3A_194 = arith.constant 0 : i32
      %dma_start3A_195 = arith.constant 0 : i32
      %dma_start3A_196 = tpu.memref_slice %arg9[%dma_start3A_192, %dma_start3A_194, %dma_start3A_195] : memref<2x128x128xf32, #tpu.memory_space<vmem>> -> memref<1x128x128xf32, #tpu.memory_space<vmem>>
      %dma_start3A_197 = tpu.memref_squeeze %dma_start3A_196 : memref<1x128x128xf32, #tpu.memory_space<vmem>> -> memref<128x128xf32, #tpu.memory_space<vmem>>
      %dma_start3A_198 = arith.constant 0 : i32
      %dma_start3A_199 = tpu.memref_slice %arg8[%dma_start3A_193, %dma_start3A_198] : memref<16x128xi32, #tpu.memory_space<vmem>> -> memref<1x128xi32, #tpu.memory_space<vmem>>
      %dma_start3A_200 = tpu.memref_squeeze %dma_start3A_199 : memref<1x128xi32, #tpu.memory_space<vmem>> -> memref<128xi32, #tpu.memory_space<vmem>>
      %dma_start3A_201 = arith.constant 0 : i32
      %dma_start3A_202 = arith.constant 0 : i32
      %dma_start3A_203 = tpu.memref_slice %arg6[%dma_start3A_201, %dma_start3A_202] : memref<10240x128xf32, #tpu.memory_space<vmem_shared>> -> memref<10240x128xf32, #tpu.memory_space<vmem_shared>>
      tpu.enqueue_indirect_dma source(%dma_start3A_197 : memref<128x128xf32, #tpu.memory_space<vmem>>) target(%dma_start3A_203 : memref<10240x128xf32, #tpu.memory_space<vmem_shared>>) offsets(%dma_start3A_200 : memref<128xi32, #tpu.memory_space<vmem>>) semaphore(%arg11 : memref<!tpu.dma_semaphore, #tpu.memory_space<semaphore_mem>>) {add = true}
      %dma_start3A_204 = arith.constant 4 : i32
      %dma_start3A_205 = arith.constant 0 : i32
      %dma_start3A_206 = arith.constant 0 : i32
      %dma_start3A_207 = arith.constant 0 : i32
      %dma_start3A_208 = tpu.memref_slice %arg9[%dma_start3A_205, %dma_start3A_206, %dma_start3A_207] : memref<2x128x128xf32, #tpu.memory_space<vmem>> -> memref<1x128x128xf32, #tpu.memory_space<vmem>>
      %dma_start3A_209 = tpu.memref_squeeze %dma_start3A_208 : memref<1x128x128xf32, #tpu.memory_space<vmem>> -> memref<128x128xf32, #tpu.memory_space<vmem>>
      %dma_start3A_210 = arith.constant 0 : i32
      %dma_start3A_211 = tpu.memref_slice %arg7[%dma_start3A_204, %dma_start3A_210] : memref<16x128xi32, #tpu.memory_space<vmem>> -> memref<1x128xi32, #tpu.memory_space<vmem>>
      %dma_start3A_212 = tpu.memref_squeeze %dma_start3A_211 : memref<1x128xi32, #tpu.memory_space<vmem>> -> memref<128xi32, #tpu.memory_space<vmem>>
      %dma_start3A_213 = arith.constant 0 : i32
      %dma_start3A_214 = arith.constant 0 : i32
      %dma_start3A_215 = tpu.memref_slice %arg2[%dma_start3A_213, %dma_start3A_214] : memref<10240x128xf32, #tpu.memory_space<hbm>> -> memref<10240x128xf32, #tpu.memory_space<hbm>>
      tpu.enqueue_indirect_dma source(%dma_start3A_215 : memref<10240x128xf32, #tpu.memory_space<hbm>>) target(%dma_start3A_209 : memref<128x128xf32, #tpu.memory_space<vmem>>) offsets(%dma_start3A_212 : memref<128xi32, #tpu.memory_space<vmem>>) semaphore(%arg10 : memref<!tpu.dma_semaphore, #tpu.memory_space<semaphore_mem>>)
      %dma_wait3A_216 = arith.constant 4 : i32
      %dma_wait3A_217 = arith.constant 0 : i32
      %dma_wait3A_218 = arith.constant 0 : i32
      %dma_wait3A_219 = arith.constant 0 : i32
      %dma_wait3A_220 = tpu.memref_slice %arg9[%dma_wait3A_217, %dma_wait3A_218, %dma_wait3A_219] : memref<2x128x128xf32, #tpu.memory_space<vmem>> -> memref<1x128x128xf32, #tpu.memory_space<vmem>>
      %dma_wait3A_221 = tpu.memref_squeeze %dma_wait3A_220 : memref<1x128x128xf32, #tpu.memory_space<vmem>> -> memref<128x128xf32, #tpu.memory_space<vmem>>
      %dma_wait3A_222 = arith.constant 0 : i32
      %dma_wait3A_223 = tpu.memref_slice %arg7[%dma_wait3A_216, %dma_wait3A_222] : memref<16x128xi32, #tpu.memory_space<vmem>> -> memref<1x128xi32, #tpu.memory_space<vmem>>
      %dma_wait3A_224 = tpu.memref_squeeze %dma_wait3A_223 : memref<1x128xi32, #tpu.memory_space<vmem>> -> memref<128xi32, #tpu.memory_space<vmem>>
      %dma_wait3A_225 = arith.constant 0 : i32
      %dma_wait3A_226 = arith.constant 0 : i32
      %dma_wait3A_227 = tpu.memref_slice %arg2[%dma_wait3A_225, %dma_wait3A_226] : memref<10240x128xf32, #tpu.memory_space<hbm>> -> memref<10240x128xf32, #tpu.memory_space<hbm>>
      tpu.wait_indirect_dma semaphore(%arg10 : memref<!tpu.dma_semaphore, #tpu.memory_space<semaphore_mem>>) src(%dma_wait3A_227 : memref<10240x128xf32, #tpu.memory_space<hbm>>) dst(%dma_wait3A_221 : memref<128x128xf32, #tpu.memory_space<vmem>>)
      %dma_wait3A_228 = arith.constant 1 : i32
      %dma_wait3A_229 = arith.constant 3 : i32
      %dma_wait3A_230 = arith.constant 0 : i32
      %dma_wait3A_231 = arith.constant 0 : i32
      %dma_wait3A_232 = tpu.memref_slice %arg9[%dma_wait3A_228, %dma_wait3A_230, %dma_wait3A_231] : memref<2x128x128xf32, #tpu.memory_space<vmem>> -> memref<1x128x128xf32, #tpu.memory_space<vmem>>
      %dma_wait3A_233 = tpu.memref_squeeze %dma_wait3A_232 : memref<1x128x128xf32, #tpu.memory_space<vmem>> -> memref<128x128xf32, #tpu.memory_space<vmem>>
      %dma_wait3A_234 = arith.constant 0 : i32
      %dma_wait3A_235 = tpu.memref_slice %arg8[%dma_wait3A_229, %dma_wait3A_234] : memref<16x128xi32, #tpu.memory_space<vmem>> -> memref<1x128xi32, #tpu.memory_space<vmem>>
      %dma_wait3A_236 = tpu.memref_squeeze %dma_wait3A_235 : memref<1x128xi32, #tpu.memory_space<vmem>> -> memref<128xi32, #tpu.memory_space<vmem>>
      %dma_wait3A_237 = arith.constant 0 : i32
      %dma_wait3A_238 = arith.constant 0 : i32
      %dma_wait3A_239 = tpu.memref_slice %arg6[%dma_wait3A_237, %dma_wait3A_238] : memref<10240x128xf32, #tpu.memory_space<vmem_shared>> -> memref<10240x128xf32, #tpu.memory_space<vmem_shared>>
      tpu.wait_indirect_dma semaphore(%arg11 : memref<!tpu.dma_semaphore, #tpu.memory_space<semaphore_mem>>) src(%dma_wait3A_233 : memref<128x128xf32, #tpu.memory_space<vmem>>) dst(%dma_wait3A_239 : memref<10240x128xf32, #tpu.memory_space<vmem_shared>>)
      %dma_start3A_240 = arith.constant 0 : i32
      %dma_start3A_241 = arith.constant 4 : i32
      %dma_start3A_242 = arith.constant 0 : i32
      %dma_start3A_243 = arith.constant 0 : i32
      %dma_start3A_244 = tpu.memref_slice %arg9[%dma_start3A_240, %dma_start3A_242, %dma_start3A_243] : memref<2x128x128xf32, #tpu.memory_space<vmem>> -> memref<1x128x128xf32, #tpu.memory_space<vmem>>
      %dma_start3A_245 = tpu.memref_squeeze %dma_start3A_244 : memref<1x128x128xf32, #tpu.memory_space<vmem>> -> memref<128x128xf32, #tpu.memory_space<vmem>>
      %dma_start3A_246 = arith.constant 0 : i32
      %dma_start3A_247 = tpu.memref_slice %arg8[%dma_start3A_241, %dma_start3A_246] : memref<16x128xi32, #tpu.memory_space<vmem>> -> memref<1x128xi32, #tpu.memory_space<vmem>>
      %dma_start3A_248 = tpu.memref_squeeze %dma_start3A_247 : memref<1x128xi32, #tpu.memory_space<vmem>> -> memref<128xi32, #tpu.memory_space<vmem>>
      %dma_start3A_249 = arith.constant 0 : i32
      %dma_start3A_250 = arith.constant 0 : i32
      %dma_start3A_251 = tpu.memref_slice %arg6[%dma_start3A_249, %dma_start3A_250] : memref<10240x128xf32, #tpu.memory_space<vmem_shared>> -> memref<10240x128xf32, #tpu.memory_space<vmem_shared>>
      tpu.enqueue_indirect_dma source(%dma_start3A_245 : memref<128x128xf32, #tpu.memory_space<vmem>>) target(%dma_start3A_251 : memref<10240x128xf32, #tpu.memory_space<vmem_shared>>) offsets(%dma_start3A_248 : memref<128xi32, #tpu.memory_space<vmem>>) semaphore(%arg11 : memref<!tpu.dma_semaphore, #tpu.memory_space<semaphore_mem>>) {add = true}
      %dma_start3A_252 = arith.constant 5 : i32
      %dma_start3A_253 = arith.constant 1 : i32
      %dma_start3A_254 = arith.constant 0 : i32
      %dma_start3A_255 = arith.constant 0 : i32
      %dma_start3A_256 = tpu.memref_slice %arg9[%dma_start3A_253, %dma_start3A_254, %dma_start3A_255] : memref<2x128x128xf32, #tpu.memory_space<vmem>> -> memref<1x128x128xf32, #tpu.memory_space<vmem>>
      %dma_start3A_257 = tpu.memref_squeeze %dma_start3A_256 : memref<1x128x128xf32, #tpu.memory_space<vmem>> -> memref<128x128xf32, #tpu.memory_space<vmem>>
      %dma_start3A_258 = arith.constant 0 : i32
      %dma_start3A_259 = tpu.memref_slice %arg7[%dma_start3A_252, %dma_start3A_258] : memref<16x128xi32, #tpu.memory_space<vmem>> -> memref<1x128xi32, #tpu.memory_space<vmem>>
      %dma_start3A_260 = tpu.memref_squeeze %dma_start3A_259 : memref<1x128xi32, #tpu.memory_space<vmem>> -> memref<128xi32, #tpu.memory_space<vmem>>
      %dma_start3A_261 = arith.constant 0 : i32
      %dma_start3A_262 = arith.constant 0 : i32
      %dma_start3A_263 = tpu.memref_slice %arg2[%dma_start3A_261, %dma_start3A_262] : memref<10240x128xf32, #tpu.memory_space<hbm>> -> memref<10240x128xf32, #tpu.memory_space<hbm>>
      tpu.enqueue_indirect_dma source(%dma_start3A_263 : memref<10240x128xf32, #tpu.memory_space<hbm>>) target(%dma_start3A_257 : memref<128x128xf32, #tpu.memory_space<vmem>>) offsets(%dma_start3A_260 : memref<128xi32, #tpu.memory_space<vmem>>) semaphore(%arg10 : memref<!tpu.dma_semaphore, #tpu.memory_space<semaphore_mem>>)
      %dma_wait3A_264 = arith.constant 5 : i32
      %dma_wait3A_265 = arith.constant 1 : i32
      %dma_wait3A_266 = arith.constant 0 : i32
      %dma_wait3A_267 = arith.constant 0 : i32
      %dma_wait3A_268 = tpu.memref_slice %arg9[%dma_wait3A_265, %dma_wait3A_266, %dma_wait3A_267] : memref<2x128x128xf32, #tpu.memory_space<vmem>> -> memref<1x128x128xf32, #tpu.memory_space<vmem>>
      %dma_wait3A_269 = tpu.memref_squeeze %dma_wait3A_268 : memref<1x128x128xf32, #tpu.memory_space<vmem>> -> memref<128x128xf32, #tpu.memory_space<vmem>>
      %dma_wait3A_270 = arith.constant 0 : i32
      %dma_wait3A_271 = tpu.memref_slice %arg7[%dma_wait3A_264, %dma_wait3A_270] : memref<16x128xi32, #tpu.memory_space<vmem>> -> memref<1x128xi32, #tpu.memory_space<vmem>>
      %dma_wait3A_272 = tpu.memref_squeeze %dma_wait3A_271 : memref<1x128xi32, #tpu.memory_space<vmem>> -> memref<128xi32, #tpu.memory_space<vmem>>
      %dma_wait3A_273 = arith.constant 0 : i32
      %dma_wait3A_274 = arith.constant 0 : i32
      %dma_wait3A_275 = tpu.memref_slice %arg2[%dma_wait3A_273, %dma_wait3A_274] : memref<10240x128xf32, #tpu.memory_space<hbm>> -> memref<10240x128xf32, #tpu.memory_space<hbm>>
      tpu.wait_indirect_dma semaphore(%arg10 : memref<!tpu.dma_semaphore, #tpu.memory_space<semaphore_mem>>) src(%dma_wait3A_275 : memref<10240x128xf32, #tpu.memory_space<hbm>>) dst(%dma_wait3A_269 : memref<128x128xf32, #tpu.memory_space<vmem>>)
      %dma_wait3A_276 = arith.constant 0 : i32
      %dma_wait3A_277 = arith.constant 4 : i32
      %dma_wait3A_278 = arith.constant 0 : i32
      %dma_wait3A_279 = arith.constant 0 : i32
      %dma_wait3A_280 = tpu.memref_slice %arg9[%dma_wait3A_276, %dma_wait3A_278, %dma_wait3A_279] : memref<2x128x128xf32, #tpu.memory_space<vmem>> -> memref<1x128x128xf32, #tpu.memory_space<vmem>>
      %dma_wait3A_281 = tpu.memref_squeeze %dma_wait3A_280 : memref<1x128x128xf32, #tpu.memory_space<vmem>> -> memref<128x128xf32, #tpu.memory_space<vmem>>
      %dma_wait3A_282 = arith.constant 0 : i32
      %dma_wait3A_283 = tpu.memref_slice %arg8[%dma_wait3A_277, %dma_wait3A_282] : memref<16x128xi32, #tpu.memory_space<vmem>> -> memref<1x128xi32, #tpu.memory_space<vmem>>
      %dma_wait3A_284 = tpu.memref_squeeze %dma_wait3A_283 : memref<1x128xi32, #tpu.memory_space<vmem>> -> memref<128xi32, #tpu.memory_space<vmem>>
      %dma_wait3A_285 = arith.constant 0 : i32
      %dma_wait3A_286 = arith.constant 0 : i32
      %dma_wait3A_287 = tpu.memref_slice %arg6[%dma_wait3A_285, %dma_wait3A_286] : memref<10240x128xf32, #tpu.memory_space<vmem_shared>> -> memref<10240x128xf32, #tpu.memory_space<vmem_shared>>
      tpu.wait_indirect_dma semaphore(%arg11 : memref<!tpu.dma_semaphore, #tpu.memory_space<semaphore_mem>>) src(%dma_wait3A_281 : memref<128x128xf32, #tpu.memory_space<vmem>>) dst(%dma_wait3A_287 : memref<10240x128xf32, #tpu.memory_space<vmem_shared>>)
      %dma_start3A_288 = arith.constant 1 : i32
      %dma_start3A_289 = arith.constant 5 : i32
      %dma_start3A_290 = arith.constant 0 : i32
      %dma_start3A_291 = arith.constant 0 : i32
      %dma_start3A_292 = tpu.memref_slice %arg9[%dma_start3A_288, %dma_start3A_290, %dma_start3A_291] : memref<2x128x128xf32, #tpu.memory_space<vmem>> -> memref<1x128x128xf32, #tpu.memory_space<vmem>>
      %dma_start3A_293 = tpu.memref_squeeze %dma_start3A_292 : memref<1x128x128xf32, #tpu.memory_space<vmem>> -> memref<128x128xf32, #tpu.memory_space<vmem>>
      %dma_start3A_294 = arith.constant 0 : i32
      %dma_start3A_295 = tpu.memref_slice %arg8[%dma_start3A_289, %dma_start3A_294] : memref<16x128xi32, #tpu.memory_space<vmem>> -> memref<1x128xi32, #tpu.memory_space<vmem>>
      %dma_start3A_296 = tpu.memref_squeeze %dma_start3A_295 : memref<1x128xi32, #tpu.memory_space<vmem>> -> memref<128xi32, #tpu.memory_space<vmem>>
      %dma_start3A_297 = arith.constant 0 : i32
      %dma_start3A_298 = arith.constant 0 : i32
      %dma_start3A_299 = tpu.memref_slice %arg6[%dma_start3A_297, %dma_start3A_298] : memref<10240x128xf32, #tpu.memory_space<vmem_shared>> -> memref<10240x128xf32, #tpu.memory_space<vmem_shared>>
      tpu.enqueue_indirect_dma source(%dma_start3A_293 : memref<128x128xf32, #tpu.memory_space<vmem>>) target(%dma_start3A_299 : memref<10240x128xf32, #tpu.memory_space<vmem_shared>>) offsets(%dma_start3A_296 : memref<128xi32, #tpu.memory_space<vmem>>) semaphore(%arg11 : memref<!tpu.dma_semaphore, #tpu.memory_space<semaphore_mem>>) {add = true}
      %dma_start3A_300 = arith.constant 6 : i32
      %dma_start3A_301 = arith.constant 0 : i32
      %dma_start3A_302 = arith.constant 0 : i32
      %dma_start3A_303 = arith.constant 0 : i32
      %dma_start3A_304 = tpu.memref_slice %arg9[%dma_start3A_301, %dma_start3A_302, %dma_start3A_303] : memref<2x128x128xf32, #tpu.memory_space<vmem>> -> memref<1x128x128xf32, #tpu.memory_space<vmem>>
      %dma_start3A_305 = tpu.memref_squeeze %dma_start3A_304 : memref<1x128x128xf32, #tpu.memory_space<vmem>> -> memref<128x128xf32, #tpu.memory_space<vmem>>
      %dma_start3A_306 = arith.constant 0 : i32
      %dma_start3A_307 = tpu.memref_slice %arg7[%dma_start3A_300, %dma_start3A_306] : memref<16x128xi32, #tpu.memory_space<vmem>> -> memref<1x128xi32, #tpu.memory_space<vmem>>
      %dma_start3A_308 = tpu.memref_squeeze %dma_start3A_307 : memref<1x128xi32, #tpu.memory_space<vmem>> -> memref<128xi32, #tpu.memory_space<vmem>>
      %dma_start3A_309 = arith.constant 0 : i32
      %dma_start3A_310 = arith.constant 0 : i32
      %dma_start3A_311 = tpu.memref_slice %arg2[%dma_start3A_309, %dma_start3A_310] : memref<10240x128xf32, #tpu.memory_space<hbm>> -> memref<10240x128xf32, #tpu.memory_space<hbm>>
      tpu.enqueue_indirect_dma source(%dma_start3A_311 : memref<10240x128xf32, #tpu.memory_space<hbm>>) target(%dma_start3A_305 : memref<128x128xf32, #tpu.memory_space<vmem>>) offsets(%dma_start3A_308 : memref<128xi32, #tpu.memory_space<vmem>>) semaphore(%arg10 : memref<!tpu.dma_semaphore, #tpu.memory_space<semaphore_mem>>)
      %dma_wait3A_312 = arith.constant 6 : i32
      %dma_wait3A_313 = arith.constant 0 : i32
      %dma_wait3A_314 = arith.constant 0 : i32
      %dma_wait3A_315 = arith.constant 0 : i32
      %dma_wait3A_316 = tpu.memref_slice %arg9[%dma_wait3A_313, %dma_wait3A_314, %dma_wait3A_315] : memref<2x128x128xf32, #tpu.memory_space<vmem>> -> memref<1x128x128xf32, #tpu.memory_space<vmem>>
      %dma_wait3A_317 = tpu.memref_squeeze %dma_wait3A_316 : memref<1x128x128xf32, #tpu.memory_space<vmem>> -> memref<128x128xf32, #tpu.memory_space<vmem>>
      %dma_wait3A_318 = arith.constant 0 : i32
      %dma_wait3A_319 = tpu.memref_slice %arg7[%dma_wait3A_312, %dma_wait3A_318] : memref<16x128xi32, #tpu.memory_space<vmem>> -> memref<1x128xi32, #tpu.memory_space<vmem>>
      %dma_wait3A_320 = tpu.memref_squeeze %dma_wait3A_319 : memref<1x128xi32, #tpu.memory_space<vmem>> -> memref<128xi32, #tpu.memory_space<vmem>>
      %dma_wait3A_321 = arith.constant 0 : i32
      %dma_wait3A_322 = arith.constant 0 : i32
      %dma_wait3A_323 = tpu.memref_slice %arg2[%dma_wait3A_321, %dma_wait3A_322] : memref<10240x128xf32, #tpu.memory_space<hbm>> -> memref<10240x128xf32, #tpu.memory_space<hbm>>
      tpu.wait_indirect_dma semaphore(%arg10 : memref<!tpu.dma_semaphore, #tpu.memory_space<semaphore_mem>>) src(%dma_wait3A_323 : memref<10240x128xf32, #tpu.memory_space<hbm>>) dst(%dma_wait3A_317 : memref<128x128xf32, #tpu.memory_space<vmem>>)
      %dma_wait3A_324 = arith.constant 1 : i32
      %dma_wait3A_325 = arith.constant 5 : i32
      %dma_wait3A_326 = arith.constant 0 : i32
      %dma_wait3A_327 = arith.constant 0 : i32
      %dma_wait3A_328 = tpu.memref_slice %arg9[%dma_wait3A_324, %dma_wait3A_326, %dma_wait3A_327] : memref<2x128x128xf32, #tpu.memory_space<vmem>> -> memref<1x128x128xf32, #tpu.memory_space<vmem>>
      %dma_wait3A_329 = tpu.memref_squeeze %dma_wait3A_328 : memref<1x128x128xf32, #tpu.memory_space<vmem>> -> memref<128x128xf32, #tpu.memory_space<vmem>>
      %dma_wait3A_330 = arith.constant 0 : i32
      %dma_wait3A_331 = tpu.memref_slice %arg8[%dma_wait3A_325, %dma_wait3A_330] : memref<16x128xi32, #tpu.memory_space<vmem>> -> memref<1x128xi32, #tpu.memory_space<vmem>>
      %dma_wait3A_332 = tpu.memref_squeeze %dma_wait3A_331 : memref<1x128xi32, #tpu.memory_space<vmem>> -> memref<128xi32, #tpu.memory_space<vmem>>
      %dma_wait3A_333 = arith.constant 0 : i32
      %dma_wait3A_334 = arith.constant 0 : i32
      %dma_wait3A_335 = tpu.memref_slice %arg6[%dma_wait3A_333, %dma_wait3A_334] : memref<10240x128xf32, #tpu.memory_space<vmem_shared>> -> memref<10240x128xf32, #tpu.memory_space<vmem_shared>>
      tpu.wait_indirect_dma semaphore(%arg11 : memref<!tpu.dma_semaphore, #tpu.memory_space<semaphore_mem>>) src(%dma_wait3A_329 : memref<128x128xf32, #tpu.memory_space<vmem>>) dst(%dma_wait3A_335 : memref<10240x128xf32, #tpu.memory_space<vmem_shared>>)
      %dma_start3A_336 = arith.constant 0 : i32
      %dma_start3A_337 = arith.constant 6 : i32
      %dma_start3A_338 = arith.constant 0 : i32
      %dma_start3A_339 = arith.constant 0 : i32
      %dma_start3A_340 = tpu.memref_slice %arg9[%dma_start3A_336, %dma_start3A_338, %dma_start3A_339] : memref<2x128x128xf32, #tpu.memory_space<vmem>> -> memref<1x128x128xf32, #tpu.memory_space<vmem>>
      %dma_start3A_341 = tpu.memref_squeeze %dma_start3A_340 : memref<1x128x128xf32, #tpu.memory_space<vmem>> -> memref<128x128xf32, #tpu.memory_space<vmem>>
      %dma_start3A_342 = arith.constant 0 : i32
      %dma_start3A_343 = tpu.memref_slice %arg8[%dma_start3A_337, %dma_start3A_342] : memref<16x128xi32, #tpu.memory_space<vmem>> -> memref<1x128xi32, #tpu.memory_space<vmem>>
      %dma_start3A_344 = tpu.memref_squeeze %dma_start3A_343 : memref<1x128xi32, #tpu.memory_space<vmem>> -> memref<128xi32, #tpu.memory_space<vmem>>
      %dma_start3A_345 = arith.constant 0 : i32
      %dma_start3A_346 = arith.constant 0 : i32
      %dma_start3A_347 = tpu.memref_slice %arg6[%dma_start3A_345, %dma_start3A_346] : memref<10240x128xf32, #tpu.memory_space<vmem_shared>> -> memref<10240x128xf32, #tpu.memory_space<vmem_shared>>
      tpu.enqueue_indirect_dma source(%dma_start3A_341 : memref<128x128xf32, #tpu.memory_space<vmem>>) target(%dma_start3A_347 : memref<10240x128xf32, #tpu.memory_space<vmem_shared>>) offsets(%dma_start3A_344 : memref<128xi32, #tpu.memory_space<vmem>>) semaphore(%arg11 : memref<!tpu.dma_semaphore, #tpu.memory_space<semaphore_mem>>) {add = true}
      %dma_start3A_348 = arith.constant 7 : i32
      %dma_start3A_349 = arith.constant 1 : i32
      %dma_start3A_350 = arith.constant 0 : i32
      %dma_start3A_351 = arith.constant 0 : i32
      %dma_start3A_352 = tpu.memref_slice %arg9[%dma_start3A_349, %dma_start3A_350, %dma_start3A_351] : memref<2x128x128xf32, #tpu.memory_space<vmem>> -> memref<1x128x128xf32, #tpu.memory_space<vmem>>
      %dma_start3A_353 = tpu.memref_squeeze %dma_start3A_352 : memref<1x128x128xf32, #tpu.memory_space<vmem>> -> memref<128x128xf32, #tpu.memory_space<vmem>>
      %dma_start3A_354 = arith.constant 0 : i32
      %dma_start3A_355 = tpu.memref_slice %arg7[%dma_start3A_348, %dma_start3A_354] : memref<16x128xi32, #tpu.memory_space<vmem>> -> memref<1x128xi32, #tpu.memory_space<vmem>>
      %dma_start3A_356 = tpu.memref_squeeze %dma_start3A_355 : memref<1x128xi32, #tpu.memory_space<vmem>> -> memref<128xi32, #tpu.memory_space<vmem>>
      %dma_start3A_357 = arith.constant 0 : i32
      %dma_start3A_358 = arith.constant 0 : i32
      %dma_start3A_359 = tpu.memref_slice %arg2[%dma_start3A_357, %dma_start3A_358] : memref<10240x128xf32, #tpu.memory_space<hbm>> -> memref<10240x128xf32, #tpu.memory_space<hbm>>
      tpu.enqueue_indirect_dma source(%dma_start3A_359 : memref<10240x128xf32, #tpu.memory_space<hbm>>) target(%dma_start3A_353 : memref<128x128xf32, #tpu.memory_space<vmem>>) offsets(%dma_start3A_356 : memref<128xi32, #tpu.memory_space<vmem>>) semaphore(%arg10 : memref<!tpu.dma_semaphore, #tpu.memory_space<semaphore_mem>>)
      %dma_wait3A_360 = arith.constant 7 : i32
      %dma_wait3A_361 = arith.constant 1 : i32
      %dma_wait3A_362 = arith.constant 0 : i32
      %dma_wait3A_363 = arith.constant 0 : i32
      %dma_wait3A_364 = tpu.memref_slice %arg9[%dma_wait3A_361, %dma_wait3A_362, %dma_wait3A_363] : memref<2x128x128xf32, #tpu.memory_space<vmem>> -> memref<1x128x128xf32, #tpu.memory_space<vmem>>
      %dma_wait3A_365 = tpu.memref_squeeze %dma_wait3A_364 : memref<1x128x128xf32, #tpu.memory_space<vmem>> -> memref<128x128xf32, #tpu.memory_space<vmem>>
      %dma_wait3A_366 = arith.constant 0 : i32
      %dma_wait3A_367 = tpu.memref_slice %arg7[%dma_wait3A_360, %dma_wait3A_366] : memref<16x128xi32, #tpu.memory_space<vmem>> -> memref<1x128xi32, #tpu.memory_space<vmem>>
      %dma_wait3A_368 = tpu.memref_squeeze %dma_wait3A_367 : memref<1x128xi32, #tpu.memory_space<vmem>> -> memref<128xi32, #tpu.memory_space<vmem>>
      %dma_wait3A_369 = arith.constant 0 : i32
      %dma_wait3A_370 = arith.constant 0 : i32
      %dma_wait3A_371 = tpu.memref_slice %arg2[%dma_wait3A_369, %dma_wait3A_370] : memref<10240x128xf32, #tpu.memory_space<hbm>> -> memref<10240x128xf32, #tpu.memory_space<hbm>>
      tpu.wait_indirect_dma semaphore(%arg10 : memref<!tpu.dma_semaphore, #tpu.memory_space<semaphore_mem>>) src(%dma_wait3A_371 : memref<10240x128xf32, #tpu.memory_space<hbm>>) dst(%dma_wait3A_365 : memref<128x128xf32, #tpu.memory_space<vmem>>)
      %dma_wait3A_372 = arith.constant 0 : i32
      %dma_wait3A_373 = arith.constant 6 : i32
      %dma_wait3A_374 = arith.constant 0 : i32
      %dma_wait3A_375 = arith.constant 0 : i32
      %dma_wait3A_376 = tpu.memref_slice %arg9[%dma_wait3A_372, %dma_wait3A_374, %dma_wait3A_375] : memref<2x128x128xf32, #tpu.memory_space<vmem>> -> memref<1x128x128xf32, #tpu.memory_space<vmem>>
      %dma_wait3A_377 = tpu.memref_squeeze %dma_wait3A_376 : memref<1x128x128xf32, #tpu.memory_space<vmem>> -> memref<128x128xf32, #tpu.memory_space<vmem>>
      %dma_wait3A_378 = arith.constant 0 : i32
      %dma_wait3A_379 = tpu.memref_slice %arg8[%dma_wait3A_373, %dma_wait3A_378] : memref<16x128xi32, #tpu.memory_space<vmem>> -> memref<1x128xi32, #tpu.memory_space<vmem>>
      %dma_wait3A_380 = tpu.memref_squeeze %dma_wait3A_379 : memref<1x128xi32, #tpu.memory_space<vmem>> -> memref<128xi32, #tpu.memory_space<vmem>>
      %dma_wait3A_381 = arith.constant 0 : i32
      %dma_wait3A_382 = arith.constant 0 : i32
      %dma_wait3A_383 = tpu.memref_slice %arg6[%dma_wait3A_381, %dma_wait3A_382] : memref<10240x128xf32, #tpu.memory_space<vmem_shared>> -> memref<10240x128xf32, #tpu.memory_space<vmem_shared>>
      tpu.wait_indirect_dma semaphore(%arg11 : memref<!tpu.dma_semaphore, #tpu.memory_space<semaphore_mem>>) src(%dma_wait3A_377 : memref<128x128xf32, #tpu.memory_space<vmem>>) dst(%dma_wait3A_383 : memref<10240x128xf32, #tpu.memory_space<vmem_shared>>)
      %dma_start3A_384 = arith.constant 1 : i32
      %dma_start3A_385 = arith.constant 7 : i32
      %dma_start3A_386 = arith.constant 0 : i32
      %dma_start3A_387 = arith.constant 0 : i32
      %dma_start3A_388 = tpu.memref_slice %arg9[%dma_start3A_384, %dma_start3A_386, %dma_start3A_387] : memref<2x128x128xf32, #tpu.memory_space<vmem>> -> memref<1x128x128xf32, #tpu.memory_space<vmem>>
      %dma_start3A_389 = tpu.memref_squeeze %dma_start3A_388 : memref<1x128x128xf32, #tpu.memory_space<vmem>> -> memref<128x128xf32, #tpu.memory_space<vmem>>
      %dma_start3A_390 = arith.constant 0 : i32
      %dma_start3A_391 = tpu.memref_slice %arg8[%dma_start3A_385, %dma_start3A_390] : memref<16x128xi32, #tpu.memory_space<vmem>> -> memref<1x128xi32, #tpu.memory_space<vmem>>
      %dma_start3A_392 = tpu.memref_squeeze %dma_start3A_391 : memref<1x128xi32, #tpu.memory_space<vmem>> -> memref<128xi32, #tpu.memory_space<vmem>>
      %dma_start3A_393 = arith.constant 0 : i32
      %dma_start3A_394 = arith.constant 0 : i32
      %dma_start3A_395 = tpu.memref_slice %arg6[%dma_start3A_393, %dma_start3A_394] : memref<10240x128xf32, #tpu.memory_space<vmem_shared>> -> memref<10240x128xf32, #tpu.memory_space<vmem_shared>>
      tpu.enqueue_indirect_dma source(%dma_start3A_389 : memref<128x128xf32, #tpu.memory_space<vmem>>) target(%dma_start3A_395 : memref<10240x128xf32, #tpu.memory_space<vmem_shared>>) offsets(%dma_start3A_392 : memref<128xi32, #tpu.memory_space<vmem>>) semaphore(%arg11 : memref<!tpu.dma_semaphore, #tpu.memory_space<semaphore_mem>>) {add = true}
      %dma_start3A_396 = arith.constant 8 : i32
      %dma_start3A_397 = arith.constant 0 : i32
      %dma_start3A_398 = arith.constant 0 : i32
      %dma_start3A_399 = arith.constant 0 : i32
      %dma_start3A_400 = tpu.memref_slice %arg9[%dma_start3A_397, %dma_start3A_398, %dma_start3A_399] : memref<2x128x128xf32, #tpu.memory_space<vmem>> -> memref<1x128x128xf32, #tpu.memory_space<vmem>>
      %dma_start3A_401 = tpu.memref_squeeze %dma_start3A_400 : memref<1x128x128xf32, #tpu.memory_space<vmem>> -> memref<128x128xf32, #tpu.memory_space<vmem>>
      %dma_start3A_402 = arith.constant 0 : i32
      %dma_start3A_403 = tpu.memref_slice %arg7[%dma_start3A_396, %dma_start3A_402] : memref<16x128xi32, #tpu.memory_space<vmem>> -> memref<1x128xi32, #tpu.memory_space<vmem>>
      %dma_start3A_404 = tpu.memref_squeeze %dma_start3A_403 : memref<1x128xi32, #tpu.memory_space<vmem>> -> memref<128xi32, #tpu.memory_space<vmem>>
      %dma_start3A_405 = arith.constant 0 : i32
      %dma_start3A_406 = arith.constant 0 : i32
      %dma_start3A_407 = tpu.memref_slice %arg2[%dma_start3A_405, %dma_start3A_406] : memref<10240x128xf32, #tpu.memory_space<hbm>> -> memref<10240x128xf32, #tpu.memory_space<hbm>>
      tpu.enqueue_indirect_dma source(%dma_start3A_407 : memref<10240x128xf32, #tpu.memory_space<hbm>>) target(%dma_start3A_401 : memref<128x128xf32, #tpu.memory_space<vmem>>) offsets(%dma_start3A_404 : memref<128xi32, #tpu.memory_space<vmem>>) semaphore(%arg10 : memref<!tpu.dma_semaphore, #tpu.memory_space<semaphore_mem>>)
      %dma_wait3A_408 = arith.constant 8 : i32
      %dma_wait3A_409 = arith.constant 0 : i32
      %dma_wait3A_410 = arith.constant 0 : i32
      %dma_wait3A_411 = arith.constant 0 : i32
      %dma_wait3A_412 = tpu.memref_slice %arg9[%dma_wait3A_409, %dma_wait3A_410, %dma_wait3A_411] : memref<2x128x128xf32, #tpu.memory_space<vmem>> -> memref<1x128x128xf32, #tpu.memory_space<vmem>>
      %dma_wait3A_413 = tpu.memref_squeeze %dma_wait3A_412 : memref<1x128x128xf32, #tpu.memory_space<vmem>> -> memref<128x128xf32, #tpu.memory_space<vmem>>
      %dma_wait3A_414 = arith.constant 0 : i32
      %dma_wait3A_415 = tpu.memref_slice %arg7[%dma_wait3A_408, %dma_wait3A_414] : memref<16x128xi32, #tpu.memory_space<vmem>> -> memref<1x128xi32, #tpu.memory_space<vmem>>
      %dma_wait3A_416 = tpu.memref_squeeze %dma_wait3A_415 : memref<1x128xi32, #tpu.memory_space<vmem>> -> memref<128xi32, #tpu.memory_space<vmem>>
      %dma_wait3A_417 = arith.constant 0 : i32
      %dma_wait3A_418 = arith.constant 0 : i32
      %dma_wait3A_419 = tpu.memref_slice %arg2[%dma_wait3A_417, %dma_wait3A_418] : memref<10240x128xf32, #tpu.memory_space<hbm>> -> memref<10240x128xf32, #tpu.memory_space<hbm>>
      tpu.wait_indirect_dma semaphore(%arg10 : memref<!tpu.dma_semaphore, #tpu.memory_space<semaphore_mem>>) src(%dma_wait3A_419 : memref<10240x128xf32, #tpu.memory_space<hbm>>) dst(%dma_wait3A_413 : memref<128x128xf32, #tpu.memory_space<vmem>>)
      %dma_wait3A_420 = arith.constant 1 : i32
      %dma_wait3A_421 = arith.constant 7 : i32
      %dma_wait3A_422 = arith.constant 0 : i32
      %dma_wait3A_423 = arith.constant 0 : i32
      %dma_wait3A_424 = tpu.memref_slice %arg9[%dma_wait3A_420, %dma_wait3A_422, %dma_wait3A_423] : memref<2x128x128xf32, #tpu.memory_space<vmem>> -> memref<1x128x128xf32, #tpu.memory_space<vmem>>
      %dma_wait3A_425 = tpu.memref_squeeze %dma_wait3A_424 : memref<1x128x128xf32, #tpu.memory_space<vmem>> -> memref<128x128xf32, #tpu.memory_space<vmem>>
      %dma_wait3A_426 = arith.constant 0 : i32
      %dma_wait3A_427 = tpu.memref_slice %arg8[%dma_wait3A_421, %dma_wait3A_426] : memref<16x128xi32, #tpu.memory_space<vmem>> -> memref<1x128xi32, #tpu.memory_space<vmem>>
      %dma_wait3A_428 = tpu.memref_squeeze %dma_wait3A_427 : memref<1x128xi32, #tpu.memory_space<vmem>> -> memref<128xi32, #tpu.memory_space<vmem>>
      %dma_wait3A_429 = arith.constant 0 : i32
      %dma_wait3A_430 = arith.constant 0 : i32
      %dma_wait3A_431 = tpu.memref_slice %arg6[%dma_wait3A_429, %dma_wait3A_430] : memref<10240x128xf32, #tpu.memory_space<vmem_shared>> -> memref<10240x128xf32, #tpu.memory_space<vmem_shared>>
      tpu.wait_indirect_dma semaphore(%arg11 : memref<!tpu.dma_semaphore, #tpu.memory_space<semaphore_mem>>) src(%dma_wait3A_425 : memref<128x128xf32, #tpu.memory_space<vmem>>) dst(%dma_wait3A_431 : memref<10240x128xf32, #tpu.memory_space<vmem_shared>>)
      %dma_start3A_432 = arith.constant 0 : i32
      %dma_start3A_433 = arith.constant 8 : i32
      %dma_start3A_434 = arith.constant 0 : i32
      %dma_start3A_435 = arith.constant 0 : i32
      %dma_start3A_436 = tpu.memref_slice %arg9[%dma_start3A_432, %dma_start3A_434, %dma_start3A_435] : memref<2x128x128xf32, #tpu.memory_space<vmem>> -> memref<1x128x128xf32, #tpu.memory_space<vmem>>
      %dma_start3A_437 = tpu.memref_squeeze %dma_start3A_436 : memref<1x128x128xf32, #tpu.memory_space<vmem>> -> memref<128x128xf32, #tpu.memory_space<vmem>>
      %dma_start3A_438 = arith.constant 0 : i32
      %dma_start3A_439 = tpu.memref_slice %arg8[%dma_start3A_433, %dma_start3A_438] : memref<16x128xi32, #tpu.memory_space<vmem>> -> memref<1x128xi32, #tpu.memory_space<vmem>>
      %dma_start3A_440 = tpu.memref_squeeze %dma_start3A_439 : memref<1x128xi32, #tpu.memory_space<vmem>> -> memref<128xi32, #tpu.memory_space<vmem>>
      %dma_start3A_441 = arith.constant 0 : i32
      %dma_start3A_442 = arith.constant 0 : i32
      %dma_start3A_443 = tpu.memref_slice %arg6[%dma_start3A_441, %dma_start3A_442] : memref<10240x128xf32, #tpu.memory_space<vmem_shared>> -> memref<10240x128xf32, #tpu.memory_space<vmem_shared>>
      tpu.enqueue_indirect_dma source(%dma_start3A_437 : memref<128x128xf32, #tpu.memory_space<vmem>>) target(%dma_start3A_443 : memref<10240x128xf32, #tpu.memory_space<vmem_shared>>) offsets(%dma_start3A_440 : memref<128xi32, #tpu.memory_space<vmem>>) semaphore(%arg11 : memref<!tpu.dma_semaphore, #tpu.memory_space<semaphore_mem>>) {add = true}
      %dma_start3A_444 = arith.constant 9 : i32
      %dma_start3A_445 = arith.constant 1 : i32
      %dma_start3A_446 = arith.constant 0 : i32
      %dma_start3A_447 = arith.constant 0 : i32
      %dma_start3A_448 = tpu.memref_slice %arg9[%dma_start3A_445, %dma_start3A_446, %dma_start3A_447] : memref<2x128x128xf32, #tpu.memory_space<vmem>> -> memref<1x128x128xf32, #tpu.memory_space<vmem>>
      %dma_start3A_449 = tpu.memref_squeeze %dma_start3A_448 : memref<1x128x128xf32, #tpu.memory_space<vmem>> -> memref<128x128xf32, #tpu.memory_space<vmem>>
      %dma_start3A_450 = arith.constant 0 : i32
      %dma_start3A_451 = tpu.memref_slice %arg7[%dma_start3A_444, %dma_start3A_450] : memref<16x128xi32, #tpu.memory_space<vmem>> -> memref<1x128xi32, #tpu.memory_space<vmem>>
      %dma_start3A_452 = tpu.memref_squeeze %dma_start3A_451 : memref<1x128xi32, #tpu.memory_space<vmem>> -> memref<128xi32, #tpu.memory_space<vmem>>
      %dma_start3A_453 = arith.constant 0 : i32
      %dma_start3A_454 = arith.constant 0 : i32
      %dma_start3A_455 = tpu.memref_slice %arg2[%dma_start3A_453, %dma_start3A_454] : memref<10240x128xf32, #tpu.memory_space<hbm>> -> memref<10240x128xf32, #tpu.memory_space<hbm>>
      tpu.enqueue_indirect_dma source(%dma_start3A_455 : memref<10240x128xf32, #tpu.memory_space<hbm>>) target(%dma_start3A_449 : memref<128x128xf32, #tpu.memory_space<vmem>>) offsets(%dma_start3A_452 : memref<128xi32, #tpu.memory_space<vmem>>) semaphore(%arg10 : memref<!tpu.dma_semaphore, #tpu.memory_space<semaphore_mem>>)
      %dma_wait3A_456 = arith.constant 9 : i32
      %dma_wait3A_457 = arith.constant 1 : i32
      %dma_wait3A_458 = arith.constant 0 : i32
      %dma_wait3A_459 = arith.constant 0 : i32
      %dma_wait3A_460 = tpu.memref_slice %arg9[%dma_wait3A_457, %dma_wait3A_458, %dma_wait3A_459] : memref<2x128x128xf32, #tpu.memory_space<vmem>> -> memref<1x128x128xf32, #tpu.memory_space<vmem>>
      %dma_wait3A_461 = tpu.memref_squeeze %dma_wait3A_460 : memref<1x128x128xf32, #tpu.memory_space<vmem>> -> memref<128x128xf32, #tpu.memory_space<vmem>>
      %dma_wait3A_462 = arith.constant 0 : i32
      %dma_wait3A_463 = tpu.memref_slice %arg7[%dma_wait3A_456, %dma_wait3A_462] : memref<16x128xi32, #tpu.memory_space<vmem>> -> memref<1x128xi32, #tpu.memory_space<vmem>>
      %dma_wait3A_464 = tpu.memref_squeeze %dma_wait3A_463 : memref<1x128xi32, #tpu.memory_space<vmem>> -> memref<128xi32, #tpu.memory_space<vmem>>
      %dma_wait3A_465 = arith.constant 0 : i32
      %dma_wait3A_466 = arith.constant 0 : i32
      %dma_wait3A_467 = tpu.memref_slice %arg2[%dma_wait3A_465, %dma_wait3A_466] : memref<10240x128xf32, #tpu.memory_space<hbm>> -> memref<10240x128xf32, #tpu.memory_space<hbm>>
      tpu.wait_indirect_dma semaphore(%arg10 : memref<!tpu.dma_semaphore, #tpu.memory_space<semaphore_mem>>) src(%dma_wait3A_467 : memref<10240x128xf32, #tpu.memory_space<hbm>>) dst(%dma_wait3A_461 : memref<128x128xf32, #tpu.memory_space<vmem>>)
      %dma_wait3A_468 = arith.constant 0 : i32
      %dma_wait3A_469 = arith.constant 8 : i32
      %dma_wait3A_470 = arith.constant 0 : i32
      %dma_wait3A_471 = arith.constant 0 : i32
      %dma_wait3A_472 = tpu.memref_slice %arg9[%dma_wait3A_468, %dma_wait3A_470, %dma_wait3A_471] : memref<2x128x128xf32, #tpu.memory_space<vmem>> -> memref<1x128x128xf32, #tpu.memory_space<vmem>>
      %dma_wait3A_473 = tpu.memref_squeeze %dma_wait3A_472 : memref<1x128x128xf32, #tpu.memory_space<vmem>> -> memref<128x128xf32, #tpu.memory_space<vmem>>
      %dma_wait3A_474 = arith.constant 0 : i32
      %dma_wait3A_475 = tpu.memref_slice %arg8[%dma_wait3A_469, %dma_wait3A_474] : memref<16x128xi32, #tpu.memory_space<vmem>> -> memref<1x128xi32, #tpu.memory_space<vmem>>
      %dma_wait3A_476 = tpu.memref_squeeze %dma_wait3A_475 : memref<1x128xi32, #tpu.memory_space<vmem>> -> memref<128xi32, #tpu.memory_space<vmem>>
      %dma_wait3A_477 = arith.constant 0 : i32
      %dma_wait3A_478 = arith.constant 0 : i32
      %dma_wait3A_479 = tpu.memref_slice %arg6[%dma_wait3A_477, %dma_wait3A_478] : memref<10240x128xf32, #tpu.memory_space<vmem_shared>> -> memref<10240x128xf32, #tpu.memory_space<vmem_shared>>
      tpu.wait_indirect_dma semaphore(%arg11 : memref<!tpu.dma_semaphore, #tpu.memory_space<semaphore_mem>>) src(%dma_wait3A_473 : memref<128x128xf32, #tpu.memory_space<vmem>>) dst(%dma_wait3A_479 : memref<10240x128xf32, #tpu.memory_space<vmem_shared>>)
      %dma_start3A_480 = arith.constant 1 : i32
      %dma_start3A_481 = arith.constant 9 : i32
      %dma_start3A_482 = arith.constant 0 : i32
      %dma_start3A_483 = arith.constant 0 : i32
      %dma_start3A_484 = tpu.memref_slice %arg9[%dma_start3A_480, %dma_start3A_482, %dma_start3A_483] : memref<2x128x128xf32, #tpu.memory_space<vmem>> -> memref<1x128x128xf32, #tpu.memory_space<vmem>>
      %dma_start3A_485 = tpu.memref_squeeze %dma_start3A_484 : memref<1x128x128xf32, #tpu.memory_space<vmem>> -> memref<128x128xf32, #tpu.memory_space<vmem>>
      %dma_start3A_486 = arith.constant 0 : i32
      %dma_start3A_487 = tpu.memref_slice %arg8[%dma_start3A_481, %dma_start3A_486] : memref<16x128xi32, #tpu.memory_space<vmem>> -> memref<1x128xi32, #tpu.memory_space<vmem>>
      %dma_start3A_488 = tpu.memref_squeeze %dma_start3A_487 : memref<1x128xi32, #tpu.memory_space<vmem>> -> memref<128xi32, #tpu.memory_space<vmem>>
      %dma_start3A_489 = arith.constant 0 : i32
      %dma_start3A_490 = arith.constant 0 : i32
      %dma_start3A_491 = tpu.memref_slice %arg6[%dma_start3A_489, %dma_start3A_490] : memref<10240x128xf32, #tpu.memory_space<vmem_shared>> -> memref<10240x128xf32, #tpu.memory_space<vmem_shared>>
      tpu.enqueue_indirect_dma source(%dma_start3A_485 : memref<128x128xf32, #tpu.memory_space<vmem>>) target(%dma_start3A_491 : memref<10240x128xf32, #tpu.memory_space<vmem_shared>>) offsets(%dma_start3A_488 : memref<128xi32, #tpu.memory_space<vmem>>) semaphore(%arg11 : memref<!tpu.dma_semaphore, #tpu.memory_space<semaphore_mem>>) {add = true}
      %dma_start3A_492 = arith.constant 10 : i32
      %dma_start3A_493 = arith.constant 0 : i32
      %dma_start3A_494 = arith.constant 0 : i32
      %dma_start3A_495 = arith.constant 0 : i32
      %dma_start3A_496 = tpu.memref_slice %arg9[%dma_start3A_493, %dma_start3A_494, %dma_start3A_495] : memref<2x128x128xf32, #tpu.memory_space<vmem>> -> memref<1x128x128xf32, #tpu.memory_space<vmem>>
      %dma_start3A_497 = tpu.memref_squeeze %dma_start3A_496 : memref<1x128x128xf32, #tpu.memory_space<vmem>> -> memref<128x128xf32, #tpu.memory_space<vmem>>
      %dma_start3A_498 = arith.constant 0 : i32
      %dma_start3A_499 = tpu.memref_slice %arg7[%dma_start3A_492, %dma_start3A_498] : memref<16x128xi32, #tpu.memory_space<vmem>> -> memref<1x128xi32, #tpu.memory_space<vmem>>
      %dma_start3A_500 = tpu.memref_squeeze %dma_start3A_499 : memref<1x128xi32, #tpu.memory_space<vmem>> -> memref<128xi32, #tpu.memory_space<vmem>>
      %dma_start3A_501 = arith.constant 0 : i32
      %dma_start3A_502 = arith.constant 0 : i32
      %dma_start3A_503 = tpu.memref_slice %arg2[%dma_start3A_501, %dma_start3A_502] : memref<10240x128xf32, #tpu.memory_space<hbm>> -> memref<10240x128xf32, #tpu.memory_space<hbm>>
      tpu.enqueue_indirect_dma source(%dma_start3A_503 : memref<10240x128xf32, #tpu.memory_space<hbm>>) target(%dma_start3A_497 : memref<128x128xf32, #tpu.memory_space<vmem>>) offsets(%dma_start3A_500 : memref<128xi32, #tpu.memory_space<vmem>>) semaphore(%arg10 : memref<!tpu.dma_semaphore, #tpu.memory_space<semaphore_mem>>)
      %dma_wait3A_504 = arith.constant 10 : i32
      %dma_wait3A_505 = arith.constant 0 : i32
      %dma_wait3A_506 = arith.constant 0 : i32
      %dma_wait3A_507 = arith.constant 0 : i32
      %dma_wait3A_508 = tpu.memref_slice %arg9[%dma_wait3A_505, %dma_wait3A_506, %dma_wait3A_507] : memref<2x128x128xf32, #tpu.memory_space<vmem>> -> memref<1x128x128xf32, #tpu.memory_space<vmem>>
      %dma_wait3A_509 = tpu.memref_squeeze %dma_wait3A_508 : memref<1x128x128xf32, #tpu.memory_space<vmem>> -> memref<128x128xf32, #tpu.memory_space<vmem>>
      %dma_wait3A_510 = arith.constant 0 : i32
      %dma_wait3A_511 = tpu.memref_slice %arg7[%dma_wait3A_504, %dma_wait3A_510] : memref<16x128xi32, #tpu.memory_space<vmem>> -> memref<1x128xi32, #tpu.memory_space<vmem>>
      %dma_wait3A_512 = tpu.memref_squeeze %dma_wait3A_511 : memref<1x128xi32, #tpu.memory_space<vmem>> -> memref<128xi32, #tpu.memory_space<vmem>>
      %dma_wait3A_513 = arith.constant 0 : i32
      %dma_wait3A_514 = arith.constant 0 : i32
      %dma_wait3A_515 = tpu.memref_slice %arg2[%dma_wait3A_513, %dma_wait3A_514] : memref<10240x128xf32, #tpu.memory_space<hbm>> -> memref<10240x128xf32, #tpu.memory_space<hbm>>
      tpu.wait_indirect_dma semaphore(%arg10 : memref<!tpu.dma_semaphore, #tpu.memory_space<semaphore_mem>>) src(%dma_wait3A_515 : memref<10240x128xf32, #tpu.memory_space<hbm>>) dst(%dma_wait3A_509 : memref<128x128xf32, #tpu.memory_space<vmem>>)
      %dma_wait3A_516 = arith.constant 1 : i32
      %dma_wait3A_517 = arith.constant 9 : i32
      %dma_wait3A_518 = arith.constant 0 : i32
      %dma_wait3A_519 = arith.constant 0 : i32
      %dma_wait3A_520 = tpu.memref_slice %arg9[%dma_wait3A_516, %dma_wait3A_518, %dma_wait3A_519] : memref<2x128x128xf32, #tpu.memory_space<vmem>> -> memref<1x128x128xf32, #tpu.memory_space<vmem>>
      %dma_wait3A_521 = tpu.memref_squeeze %dma_wait3A_520 : memref<1x128x128xf32, #tpu.memory_space<vmem>> -> memref<128x128xf32, #tpu.memory_space<vmem>>
      %dma_wait3A_522 = arith.constant 0 : i32
      %dma_wait3A_523 = tpu.memref_slice %arg8[%dma_wait3A_517, %dma_wait3A_522] : memref<16x128xi32, #tpu.memory_space<vmem>> -> memref<1x128xi32, #tpu.memory_space<vmem>>
      %dma_wait3A_524 = tpu.memref_squeeze %dma_wait3A_523 : memref<1x128xi32, #tpu.memory_space<vmem>> -> memref<128xi32, #tpu.memory_space<vmem>>
      %dma_wait3A_525 = arith.constant 0 : i32
      %dma_wait3A_526 = arith.constant 0 : i32
      %dma_wait3A_527 = tpu.memref_slice %arg6[%dma_wait3A_525, %dma_wait3A_526] : memref<10240x128xf32, #tpu.memory_space<vmem_shared>> -> memref<10240x128xf32, #tpu.memory_space<vmem_shared>>
      tpu.wait_indirect_dma semaphore(%arg11 : memref<!tpu.dma_semaphore, #tpu.memory_space<semaphore_mem>>) src(%dma_wait3A_521 : memref<128x128xf32, #tpu.memory_space<vmem>>) dst(%dma_wait3A_527 : memref<10240x128xf32, #tpu.memory_space<vmem_shared>>)
      %dma_start3A_528 = arith.constant 0 : i32
      %dma_start3A_529 = arith.constant 10 : i32
      %dma_start3A_530 = arith.constant 0 : i32
      %dma_start3A_531 = arith.constant 0 : i32
      %dma_start3A_532 = tpu.memref_slice %arg9[%dma_start3A_528, %dma_start3A_530, %dma_start3A_531] : memref<2x128x128xf32, #tpu.memory_space<vmem>> -> memref<1x128x128xf32, #tpu.memory_space<vmem>>
      %dma_start3A_533 = tpu.memref_squeeze %dma_start3A_532 : memref<1x128x128xf32, #tpu.memory_space<vmem>> -> memref<128x128xf32, #tpu.memory_space<vmem>>
      %dma_start3A_534 = arith.constant 0 : i32
      %dma_start3A_535 = tpu.memref_slice %arg8[%dma_start3A_529, %dma_start3A_534] : memref<16x128xi32, #tpu.memory_space<vmem>> -> memref<1x128xi32, #tpu.memory_space<vmem>>
      %dma_start3A_536 = tpu.memref_squeeze %dma_start3A_535 : memref<1x128xi32, #tpu.memory_space<vmem>> -> memref<128xi32, #tpu.memory_space<vmem>>
      %dma_start3A_537 = arith.constant 0 : i32
      %dma_start3A_538 = arith.constant 0 : i32
      %dma_start3A_539 = tpu.memref_slice %arg6[%dma_start3A_537, %dma_start3A_538] : memref<10240x128xf32, #tpu.memory_space<vmem_shared>> -> memref<10240x128xf32, #tpu.memory_space<vmem_shared>>
      tpu.enqueue_indirect_dma source(%dma_start3A_533 : memref<128x128xf32, #tpu.memory_space<vmem>>) target(%dma_start3A_539 : memref<10240x128xf32, #tpu.memory_space<vmem_shared>>) offsets(%dma_start3A_536 : memref<128xi32, #tpu.memory_space<vmem>>) semaphore(%arg11 : memref<!tpu.dma_semaphore, #tpu.memory_space<semaphore_mem>>) {add = true}
      %dma_start3A_540 = arith.constant 11 : i32
      %dma_start3A_541 = arith.constant 1 : i32
      %dma_start3A_542 = arith.constant 0 : i32
      %dma_start3A_543 = arith.constant 0 : i32
      %dma_start3A_544 = tpu.memref_slice %arg9[%dma_start3A_541, %dma_start3A_542, %dma_start3A_543] : memref<2x128x128xf32, #tpu.memory_space<vmem>> -> memref<1x128x128xf32, #tpu.memory_space<vmem>>
      %dma_start3A_545 = tpu.memref_squeeze %dma_start3A_544 : memref<1x128x128xf32, #tpu.memory_space<vmem>> -> memref<128x128xf32, #tpu.memory_space<vmem>>
      %dma_start3A_546 = arith.constant 0 : i32
      %dma_start3A_547 = tpu.memref_slice %arg7[%dma_start3A_540, %dma_start3A_546] : memref<16x128xi32, #tpu.memory_space<vmem>> -> memref<1x128xi32, #tpu.memory_space<vmem>>
      %dma_start3A_548 = tpu.memref_squeeze %dma_start3A_547 : memref<1x128xi32, #tpu.memory_space<vmem>> -> memref<128xi32, #tpu.memory_space<vmem>>
      %dma_start3A_549 = arith.constant 0 : i32
      %dma_start3A_550 = arith.constant 0 : i32
      %dma_start3A_551 = tpu.memref_slice %arg2[%dma_start3A_549, %dma_start3A_550] : memref<10240x128xf32, #tpu.memory_space<hbm>> -> memref<10240x128xf32, #tpu.memory_space<hbm>>
      tpu.enqueue_indirect_dma source(%dma_start3A_551 : memref<10240x128xf32, #tpu.memory_space<hbm>>) target(%dma_start3A_545 : memref<128x128xf32, #tpu.memory_space<vmem>>) offsets(%dma_start3A_548 : memref<128xi32, #tpu.memory_space<vmem>>) semaphore(%arg10 : memref<!tpu.dma_semaphore, #tpu.memory_space<semaphore_mem>>)
      %dma_wait3A_552 = arith.constant 11 : i32
      %dma_wait3A_553 = arith.constant 1 : i32
      %dma_wait3A_554 = arith.constant 0 : i32
      %dma_wait3A_555 = arith.constant 0 : i32
      %dma_wait3A_556 = tpu.memref_slice %arg9[%dma_wait3A_553, %dma_wait3A_554, %dma_wait3A_555] : memref<2x128x128xf32, #tpu.memory_space<vmem>> -> memref<1x128x128xf32, #tpu.memory_space<vmem>>
      %dma_wait3A_557 = tpu.memref_squeeze %dma_wait3A_556 : memref<1x128x128xf32, #tpu.memory_space<vmem>> -> memref<128x128xf32, #tpu.memory_space<vmem>>
      %dma_wait3A_558 = arith.constant 0 : i32
      %dma_wait3A_559 = tpu.memref_slice %arg7[%dma_wait3A_552, %dma_wait3A_558] : memref<16x128xi32, #tpu.memory_space<vmem>> -> memref<1x128xi32, #tpu.memory_space<vmem>>
      %dma_wait3A_560 = tpu.memref_squeeze %dma_wait3A_559 : memref<1x128xi32, #tpu.memory_space<vmem>> -> memref<128xi32, #tpu.memory_space<vmem>>
      %dma_wait3A_561 = arith.constant 0 : i32
      %dma_wait3A_562 = arith.constant 0 : i32
      %dma_wait3A_563 = tpu.memref_slice %arg2[%dma_wait3A_561, %dma_wait3A_562] : memref<10240x128xf32, #tpu.memory_space<hbm>> -> memref<10240x128xf32, #tpu.memory_space<hbm>>
      tpu.wait_indirect_dma semaphore(%arg10 : memref<!tpu.dma_semaphore, #tpu.memory_space<semaphore_mem>>) src(%dma_wait3A_563 : memref<10240x128xf32, #tpu.memory_space<hbm>>) dst(%dma_wait3A_557 : memref<128x128xf32, #tpu.memory_space<vmem>>)
      %dma_wait3A_564 = arith.constant 0 : i32
      %dma_wait3A_565 = arith.constant 10 : i32
      %dma_wait3A_566 = arith.constant 0 : i32
      %dma_wait3A_567 = arith.constant 0 : i32
      %dma_wait3A_568 = tpu.memref_slice %arg9[%dma_wait3A_564, %dma_wait3A_566, %dma_wait3A_567] : memref<2x128x128xf32, #tpu.memory_space<vmem>> -> memref<1x128x128xf32, #tpu.memory_space<vmem>>
      %dma_wait3A_569 = tpu.memref_squeeze %dma_wait3A_568 : memref<1x128x128xf32, #tpu.memory_space<vmem>> -> memref<128x128xf32, #tpu.memory_space<vmem>>
      %dma_wait3A_570 = arith.constant 0 : i32
      %dma_wait3A_571 = tpu.memref_slice %arg8[%dma_wait3A_565, %dma_wait3A_570] : memref<16x128xi32, #tpu.memory_space<vmem>> -> memref<1x128xi32, #tpu.memory_space<vmem>>
      %dma_wait3A_572 = tpu.memref_squeeze %dma_wait3A_571 : memref<1x128xi32, #tpu.memory_space<vmem>> -> memref<128xi32, #tpu.memory_space<vmem>>
      %dma_wait3A_573 = arith.constant 0 : i32
      %dma_wait3A_574 = arith.constant 0 : i32
      %dma_wait3A_575 = tpu.memref_slice %arg6[%dma_wait3A_573, %dma_wait3A_574] : memref<10240x128xf32, #tpu.memory_space<vmem_shared>> -> memref<10240x128xf32, #tpu.memory_space<vmem_shared>>
      tpu.wait_indirect_dma semaphore(%arg11 : memref<!tpu.dma_semaphore, #tpu.memory_space<semaphore_mem>>) src(%dma_wait3A_569 : memref<128x128xf32, #tpu.memory_space<vmem>>) dst(%dma_wait3A_575 : memref<10240x128xf32, #tpu.memory_space<vmem_shared>>)
      %dma_start3A_576 = arith.constant 1 : i32
      %dma_start3A_577 = arith.constant 11 : i32
      %dma_start3A_578 = arith.constant 0 : i32
      %dma_start3A_579 = arith.constant 0 : i32
      %dma_start3A_580 = tpu.memref_slice %arg9[%dma_start3A_576, %dma_start3A_578, %dma_start3A_579] : memref<2x128x128xf32, #tpu.memory_space<vmem>> -> memref<1x128x128xf32, #tpu.memory_space<vmem>>
      %dma_start3A_581 = tpu.memref_squeeze %dma_start3A_580 : memref<1x128x128xf32, #tpu.memory_space<vmem>> -> memref<128x128xf32, #tpu.memory_space<vmem>>
      %dma_start3A_582 = arith.constant 0 : i32
      %dma_start3A_583 = tpu.memref_slice %arg8[%dma_start3A_577, %dma_start3A_582] : memref<16x128xi32, #tpu.memory_space<vmem>> -> memref<1x128xi32, #tpu.memory_space<vmem>>
      %dma_start3A_584 = tpu.memref_squeeze %dma_start3A_583 : memref<1x128xi32, #tpu.memory_space<vmem>> -> memref<128xi32, #tpu.memory_space<vmem>>
      %dma_start3A_585 = arith.constant 0 : i32
      %dma_start3A_586 = arith.constant 0 : i32
      %dma_start3A_587 = tpu.memref_slice %arg6[%dma_start3A_585, %dma_start3A_586] : memref<10240x128xf32, #tpu.memory_space<vmem_shared>> -> memref<10240x128xf32, #tpu.memory_space<vmem_shared>>
      tpu.enqueue_indirect_dma source(%dma_start3A_581 : memref<128x128xf32, #tpu.memory_space<vmem>>) target(%dma_start3A_587 : memref<10240x128xf32, #tpu.memory_space<vmem_shared>>) offsets(%dma_start3A_584 : memref<128xi32, #tpu.memory_space<vmem>>) semaphore(%arg11 : memref<!tpu.dma_semaphore, #tpu.memory_space<semaphore_mem>>) {add = true}
      %dma_start3A_588 = arith.constant 12 : i32
      %dma_start3A_589 = arith.constant 0 : i32
      %dma_start3A_590 = arith.constant 0 : i32
      %dma_start3A_591 = arith.constant 0 : i32
      %dma_start3A_592 = tpu.memref_slice %arg9[%dma_start3A_589, %dma_start3A_590, %dma_start3A_591] : memref<2x128x128xf32, #tpu.memory_space<vmem>> -> memref<1x128x128xf32, #tpu.memory_space<vmem>>
      %dma_start3A_593 = tpu.memref_squeeze %dma_start3A_592 : memref<1x128x128xf32, #tpu.memory_space<vmem>> -> memref<128x128xf32, #tpu.memory_space<vmem>>
      %dma_start3A_594 = arith.constant 0 : i32
      %dma_start3A_595 = tpu.memref_slice %arg7[%dma_start3A_588, %dma_start3A_594] : memref<16x128xi32, #tpu.memory_space<vmem>> -> memref<1x128xi32, #tpu.memory_space<vmem>>
      %dma_start3A_596 = tpu.memref_squeeze %dma_start3A_595 : memref<1x128xi32, #tpu.memory_space<vmem>> -> memref<128xi32, #tpu.memory_space<vmem>>
      %dma_start3A_597 = arith.constant 0 : i32
      %dma_start3A_598 = arith.constant 0 : i32
      %dma_start3A_599 = tpu.memref_slice %arg2[%dma_start3A_597, %dma_start3A_598] : memref<10240x128xf32, #tpu.memory_space<hbm>> -> memref<10240x128xf32, #tpu.memory_space<hbm>>
      tpu.enqueue_indirect_dma source(%dma_start3A_599 : memref<10240x128xf32, #tpu.memory_space<hbm>>) target(%dma_start3A_593 : memref<128x128xf32, #tpu.memory_space<vmem>>) offsets(%dma_start3A_596 : memref<128xi32, #tpu.memory_space<vmem>>) semaphore(%arg10 : memref<!tpu.dma_semaphore, #tpu.memory_space<semaphore_mem>>)
      %dma_wait3A_600 = arith.constant 12 : i32
      %dma_wait3A_601 = arith.constant 0 : i32
      %dma_wait3A_602 = arith.constant 0 : i32
      %dma_wait3A_603 = arith.constant 0 : i32
      %dma_wait3A_604 = tpu.memref_slice %arg9[%dma_wait3A_601, %dma_wait3A_602, %dma_wait3A_603] : memref<2x128x128xf32, #tpu.memory_space<vmem>> -> memref<1x128x128xf32, #tpu.memory_space<vmem>>
      %dma_wait3A_605 = tpu.memref_squeeze %dma_wait3A_604 : memref<1x128x128xf32, #tpu.memory_space<vmem>> -> memref<128x128xf32, #tpu.memory_space<vmem>>
      %dma_wait3A_606 = arith.constant 0 : i32
      %dma_wait3A_607 = tpu.memref_slice %arg7[%dma_wait3A_600, %dma_wait3A_606] : memref<16x128xi32, #tpu.memory_space<vmem>> -> memref<1x128xi32, #tpu.memory_space<vmem>>
      %dma_wait3A_608 = tpu.memref_squeeze %dma_wait3A_607 : memref<1x128xi32, #tpu.memory_space<vmem>> -> memref<128xi32, #tpu.memory_space<vmem>>
      %dma_wait3A_609 = arith.constant 0 : i32
      %dma_wait3A_610 = arith.constant 0 : i32
      %dma_wait3A_611 = tpu.memref_slice %arg2[%dma_wait3A_609, %dma_wait3A_610] : memref<10240x128xf32, #tpu.memory_space<hbm>> -> memref<10240x128xf32, #tpu.memory_space<hbm>>
      tpu.wait_indirect_dma semaphore(%arg10 : memref<!tpu.dma_semaphore, #tpu.memory_space<semaphore_mem>>) src(%dma_wait3A_611 : memref<10240x128xf32, #tpu.memory_space<hbm>>) dst(%dma_wait3A_605 : memref<128x128xf32, #tpu.memory_space<vmem>>)
      %dma_wait3A_612 = arith.constant 1 : i32
      %dma_wait3A_613 = arith.constant 11 : i32
      %dma_wait3A_614 = arith.constant 0 : i32
      %dma_wait3A_615 = arith.constant 0 : i32
      %dma_wait3A_616 = tpu.memref_slice %arg9[%dma_wait3A_612, %dma_wait3A_614, %dma_wait3A_615] : memref<2x128x128xf32, #tpu.memory_space<vmem>> -> memref<1x128x128xf32, #tpu.memory_space<vmem>>
      %dma_wait3A_617 = tpu.memref_squeeze %dma_wait3A_616 : memref<1x128x128xf32, #tpu.memory_space<vmem>> -> memref<128x128xf32, #tpu.memory_space<vmem>>
      %dma_wait3A_618 = arith.constant 0 : i32
      %dma_wait3A_619 = tpu.memref_slice %arg8[%dma_wait3A_613, %dma_wait3A_618] : memref<16x128xi32, #tpu.memory_space<vmem>> -> memref<1x128xi32, #tpu.memory_space<vmem>>
      %dma_wait3A_620 = tpu.memref_squeeze %dma_wait3A_619 : memref<1x128xi32, #tpu.memory_space<vmem>> -> memref<128xi32, #tpu.memory_space<vmem>>
      %dma_wait3A_621 = arith.constant 0 : i32
      %dma_wait3A_622 = arith.constant 0 : i32
      %dma_wait3A_623 = tpu.memref_slice %arg6[%dma_wait3A_621, %dma_wait3A_622] : memref<10240x128xf32, #tpu.memory_space<vmem_shared>> -> memref<10240x128xf32, #tpu.memory_space<vmem_shared>>
      tpu.wait_indirect_dma semaphore(%arg11 : memref<!tpu.dma_semaphore, #tpu.memory_space<semaphore_mem>>) src(%dma_wait3A_617 : memref<128x128xf32, #tpu.memory_space<vmem>>) dst(%dma_wait3A_623 : memref<10240x128xf32, #tpu.memory_space<vmem_shared>>)
      %dma_start3A_624 = arith.constant 0 : i32
      %dma_start3A_625 = arith.constant 12 : i32
      %dma_start3A_626 = arith.constant 0 : i32
      %dma_start3A_627 = arith.constant 0 : i32
      %dma_start3A_628 = tpu.memref_slice %arg9[%dma_start3A_624, %dma_start3A_626, %dma_start3A_627] : memref<2x128x128xf32, #tpu.memory_space<vmem>> -> memref<1x128x128xf32, #tpu.memory_space<vmem>>
      %dma_start3A_629 = tpu.memref_squeeze %dma_start3A_628 : memref<1x128x128xf32, #tpu.memory_space<vmem>> -> memref<128x128xf32, #tpu.memory_space<vmem>>
      %dma_start3A_630 = arith.constant 0 : i32
      %dma_start3A_631 = tpu.memref_slice %arg8[%dma_start3A_625, %dma_start3A_630] : memref<16x128xi32, #tpu.memory_space<vmem>> -> memref<1x128xi32, #tpu.memory_space<vmem>>
      %dma_start3A_632 = tpu.memref_squeeze %dma_start3A_631 : memref<1x128xi32, #tpu.memory_space<vmem>> -> memref<128xi32, #tpu.memory_space<vmem>>
      %dma_start3A_633 = arith.constant 0 : i32
      %dma_start3A_634 = arith.constant 0 : i32
      %dma_start3A_635 = tpu.memref_slice %arg6[%dma_start3A_633, %dma_start3A_634] : memref<10240x128xf32, #tpu.memory_space<vmem_shared>> -> memref<10240x128xf32, #tpu.memory_space<vmem_shared>>
      tpu.enqueue_indirect_dma source(%dma_start3A_629 : memref<128x128xf32, #tpu.memory_space<vmem>>) target(%dma_start3A_635 : memref<10240x128xf32, #tpu.memory_space<vmem_shared>>) offsets(%dma_start3A_632 : memref<128xi32, #tpu.memory_space<vmem>>) semaphore(%arg11 : memref<!tpu.dma_semaphore, #tpu.memory_space<semaphore_mem>>) {add = true}
      %dma_start3A_636 = arith.constant 13 : i32
      %dma_start3A_637 = arith.constant 1 : i32
      %dma_start3A_638 = arith.constant 0 : i32
      %dma_start3A_639 = arith.constant 0 : i32
      %dma_start3A_640 = tpu.memref_slice %arg9[%dma_start3A_637, %dma_start3A_638, %dma_start3A_639] : memref<2x128x128xf32, #tpu.memory_space<vmem>> -> memref<1x128x128xf32, #tpu.memory_space<vmem>>
      %dma_start3A_641 = tpu.memref_squeeze %dma_start3A_640 : memref<1x128x128xf32, #tpu.memory_space<vmem>> -> memref<128x128xf32, #tpu.memory_space<vmem>>
      %dma_start3A_642 = arith.constant 0 : i32
      %dma_start3A_643 = tpu.memref_slice %arg7[%dma_start3A_636, %dma_start3A_642] : memref<16x128xi32, #tpu.memory_space<vmem>> -> memref<1x128xi32, #tpu.memory_space<vmem>>
      %dma_start3A_644 = tpu.memref_squeeze %dma_start3A_643 : memref<1x128xi32, #tpu.memory_space<vmem>> -> memref<128xi32, #tpu.memory_space<vmem>>
      %dma_start3A_645 = arith.constant 0 : i32
      %dma_start3A_646 = arith.constant 0 : i32
      %dma_start3A_647 = tpu.memref_slice %arg2[%dma_start3A_645, %dma_start3A_646] : memref<10240x128xf32, #tpu.memory_space<hbm>> -> memref<10240x128xf32, #tpu.memory_space<hbm>>
      tpu.enqueue_indirect_dma source(%dma_start3A_647 : memref<10240x128xf32, #tpu.memory_space<hbm>>) target(%dma_start3A_641 : memref<128x128xf32, #tpu.memory_space<vmem>>) offsets(%dma_start3A_644 : memref<128xi32, #tpu.memory_space<vmem>>) semaphore(%arg10 : memref<!tpu.dma_semaphore, #tpu.memory_space<semaphore_mem>>)
      %dma_wait3A_648 = arith.constant 13 : i32
      %dma_wait3A_649 = arith.constant 1 : i32
      %dma_wait3A_650 = arith.constant 0 : i32
      %dma_wait3A_651 = arith.constant 0 : i32
      %dma_wait3A_652 = tpu.memref_slice %arg9[%dma_wait3A_649, %dma_wait3A_650, %dma_wait3A_651] : memref<2x128x128xf32, #tpu.memory_space<vmem>> -> memref<1x128x128xf32, #tpu.memory_space<vmem>>
      %dma_wait3A_653 = tpu.memref_squeeze %dma_wait3A_652 : memref<1x128x128xf32, #tpu.memory_space<vmem>> -> memref<128x128xf32, #tpu.memory_space<vmem>>
      %dma_wait3A_654 = arith.constant 0 : i32
      %dma_wait3A_655 = tpu.memref_slice %arg7[%dma_wait3A_648, %dma_wait3A_654] : memref<16x128xi32, #tpu.memory_space<vmem>> -> memref<1x128xi32, #tpu.memory_space<vmem>>
      %dma_wait3A_656 = tpu.memref_squeeze %dma_wait3A_655 : memref<1x128xi32, #tpu.memory_space<vmem>> -> memref<128xi32, #tpu.memory_space<vmem>>
      %dma_wait3A_657 = arith.constant 0 : i32
      %dma_wait3A_658 = arith.constant 0 : i32
      %dma_wait3A_659 = tpu.memref_slice %arg2[%dma_wait3A_657, %dma_wait3A_658] : memref<10240x128xf32, #tpu.memory_space<hbm>> -> memref<10240x128xf32, #tpu.memory_space<hbm>>
      tpu.wait_indirect_dma semaphore(%arg10 : memref<!tpu.dma_semaphore, #tpu.memory_space<semaphore_mem>>) src(%dma_wait3A_659 : memref<10240x128xf32, #tpu.memory_space<hbm>>) dst(%dma_wait3A_653 : memref<128x128xf32, #tpu.memory_space<vmem>>)
      %dma_wait3A_660 = arith.constant 0 : i32
      %dma_wait3A_661 = arith.constant 12 : i32
      %dma_wait3A_662 = arith.constant 0 : i32
      %dma_wait3A_663 = arith.constant 0 : i32
      %dma_wait3A_664 = tpu.memref_slice %arg9[%dma_wait3A_660, %dma_wait3A_662, %dma_wait3A_663] : memref<2x128x128xf32, #tpu.memory_space<vmem>> -> memref<1x128x128xf32, #tpu.memory_space<vmem>>
      %dma_wait3A_665 = tpu.memref_squeeze %dma_wait3A_664 : memref<1x128x128xf32, #tpu.memory_space<vmem>> -> memref<128x128xf32, #tpu.memory_space<vmem>>
      %dma_wait3A_666 = arith.constant 0 : i32
      %dma_wait3A_667 = tpu.memref_slice %arg8[%dma_wait3A_661, %dma_wait3A_666] : memref<16x128xi32, #tpu.memory_space<vmem>> -> memref<1x128xi32, #tpu.memory_space<vmem>>
      %dma_wait3A_668 = tpu.memref_squeeze %dma_wait3A_667 : memref<1x128xi32, #tpu.memory_space<vmem>> -> memref<128xi32, #tpu.memory_space<vmem>>
      %dma_wait3A_669 = arith.constant 0 : i32
      %dma_wait3A_670 = arith.constant 0 : i32
      %dma_wait3A_671 = tpu.memref_slice %arg6[%dma_wait3A_669, %dma_wait3A_670] : memref<10240x128xf32, #tpu.memory_space<vmem_shared>> -> memref<10240x128xf32, #tpu.memory_space<vmem_shared>>
      tpu.wait_indirect_dma semaphore(%arg11 : memref<!tpu.dma_semaphore, #tpu.memory_space<semaphore_mem>>) src(%dma_wait3A_665 : memref<128x128xf32, #tpu.memory_space<vmem>>) dst(%dma_wait3A_671 : memref<10240x128xf32, #tpu.memory_space<vmem_shared>>)
      %dma_start3A_672 = arith.constant 1 : i32
      %dma_start3A_673 = arith.constant 13 : i32
      %dma_start3A_674 = arith.constant 0 : i32
      %dma_start3A_675 = arith.constant 0 : i32
      %dma_start3A_676 = tpu.memref_slice %arg9[%dma_start3A_672, %dma_start3A_674, %dma_start3A_675] : memref<2x128x128xf32, #tpu.memory_space<vmem>> -> memref<1x128x128xf32, #tpu.memory_space<vmem>>
      %dma_start3A_677 = tpu.memref_squeeze %dma_start3A_676 : memref<1x128x128xf32, #tpu.memory_space<vmem>> -> memref<128x128xf32, #tpu.memory_space<vmem>>
      %dma_start3A_678 = arith.constant 0 : i32
      %dma_start3A_679 = tpu.memref_slice %arg8[%dma_start3A_673, %dma_start3A_678] : memref<16x128xi32, #tpu.memory_space<vmem>> -> memref<1x128xi32, #tpu.memory_space<vmem>>
      %dma_start3A_680 = tpu.memref_squeeze %dma_start3A_679 : memref<1x128xi32, #tpu.memory_space<vmem>> -> memref<128xi32, #tpu.memory_space<vmem>>
      %dma_start3A_681 = arith.constant 0 : i32
      %dma_start3A_682 = arith.constant 0 : i32
      %dma_start3A_683 = tpu.memref_slice %arg6[%dma_start3A_681, %dma_start3A_682] : memref<10240x128xf32, #tpu.memory_space<vmem_shared>> -> memref<10240x128xf32, #tpu.memory_space<vmem_shared>>
      tpu.enqueue_indirect_dma source(%dma_start3A_677 : memref<128x128xf32, #tpu.memory_space<vmem>>) target(%dma_start3A_683 : memref<10240x128xf32, #tpu.memory_space<vmem_shared>>) offsets(%dma_start3A_680 : memref<128xi32, #tpu.memory_space<vmem>>) semaphore(%arg11 : memref<!tpu.dma_semaphore, #tpu.memory_space<semaphore_mem>>) {add = true}
      %dma_start3A_684 = arith.constant 14 : i32
      %dma_start3A_685 = arith.constant 0 : i32
      %dma_start3A_686 = arith.constant 0 : i32
      %dma_start3A_687 = arith.constant 0 : i32
      %dma_start3A_688 = tpu.memref_slice %arg9[%dma_start3A_685, %dma_start3A_686, %dma_start3A_687] : memref<2x128x128xf32, #tpu.memory_space<vmem>> -> memref<1x128x128xf32, #tpu.memory_space<vmem>>
      %dma_start3A_689 = tpu.memref_squeeze %dma_start3A_688 : memref<1x128x128xf32, #tpu.memory_space<vmem>> -> memref<128x128xf32, #tpu.memory_space<vmem>>
      %dma_start3A_690 = arith.constant 0 : i32
      %dma_start3A_691 = tpu.memref_slice %arg7[%dma_start3A_684, %dma_start3A_690] : memref<16x128xi32, #tpu.memory_space<vmem>> -> memref<1x128xi32, #tpu.memory_space<vmem>>
      %dma_start3A_692 = tpu.memref_squeeze %dma_start3A_691 : memref<1x128xi32, #tpu.memory_space<vmem>> -> memref<128xi32, #tpu.memory_space<vmem>>
      %dma_start3A_693 = arith.constant 0 : i32
      %dma_start3A_694 = arith.constant 0 : i32
      %dma_start3A_695 = tpu.memref_slice %arg2[%dma_start3A_693, %dma_start3A_694] : memref<10240x128xf32, #tpu.memory_space<hbm>> -> memref<10240x128xf32, #tpu.memory_space<hbm>>
      tpu.enqueue_indirect_dma source(%dma_start3A_695 : memref<10240x128xf32, #tpu.memory_space<hbm>>) target(%dma_start3A_689 : memref<128x128xf32, #tpu.memory_space<vmem>>) offsets(%dma_start3A_692 : memref<128xi32, #tpu.memory_space<vmem>>) semaphore(%arg10 : memref<!tpu.dma_semaphore, #tpu.memory_space<semaphore_mem>>)
      %dma_wait3A_696 = arith.constant 14 : i32
      %dma_wait3A_697 = arith.constant 0 : i32
      %dma_wait3A_698 = arith.constant 0 : i32
      %dma_wait3A_699 = arith.constant 0 : i32
      %dma_wait3A_700 = tpu.memref_slice %arg9[%dma_wait3A_697, %dma_wait3A_698, %dma_wait3A_699] : memref<2x128x128xf32, #tpu.memory_space<vmem>> -> memref<1x128x128xf32, #tpu.memory_space<vmem>>
      %dma_wait3A_701 = tpu.memref_squeeze %dma_wait3A_700 : memref<1x128x128xf32, #tpu.memory_space<vmem>> -> memref<128x128xf32, #tpu.memory_space<vmem>>
      %dma_wait3A_702 = arith.constant 0 : i32
      %dma_wait3A_703 = tpu.memref_slice %arg7[%dma_wait3A_696, %dma_wait3A_702] : memref<16x128xi32, #tpu.memory_space<vmem>> -> memref<1x128xi32, #tpu.memory_space<vmem>>
      %dma_wait3A_704 = tpu.memref_squeeze %dma_wait3A_703 : memref<1x128xi32, #tpu.memory_space<vmem>> -> memref<128xi32, #tpu.memory_space<vmem>>
      %dma_wait3A_705 = arith.constant 0 : i32
      %dma_wait3A_706 = arith.constant 0 : i32
      %dma_wait3A_707 = tpu.memref_slice %arg2[%dma_wait3A_705, %dma_wait3A_706] : memref<10240x128xf32, #tpu.memory_space<hbm>> -> memref<10240x128xf32, #tpu.memory_space<hbm>>
      tpu.wait_indirect_dma semaphore(%arg10 : memref<!tpu.dma_semaphore, #tpu.memory_space<semaphore_mem>>) src(%dma_wait3A_707 : memref<10240x128xf32, #tpu.memory_space<hbm>>) dst(%dma_wait3A_701 : memref<128x128xf32, #tpu.memory_space<vmem>>)
      %dma_wait3A_708 = arith.constant 1 : i32
      %dma_wait3A_709 = arith.constant 13 : i32
      %dma_wait3A_710 = arith.constant 0 : i32
      %dma_wait3A_711 = arith.constant 0 : i32
      %dma_wait3A_712 = tpu.memref_slice %arg9[%dma_wait3A_708, %dma_wait3A_710, %dma_wait3A_711] : memref<2x128x128xf32, #tpu.memory_space<vmem>> -> memref<1x128x128xf32, #tpu.memory_space<vmem>>
      %dma_wait3A_713 = tpu.memref_squeeze %dma_wait3A_712 : memref<1x128x128xf32, #tpu.memory_space<vmem>> -> memref<128x128xf32, #tpu.memory_space<vmem>>
      %dma_wait3A_714 = arith.constant 0 : i32
      %dma_wait3A_715 = tpu.memref_slice %arg8[%dma_wait3A_709, %dma_wait3A_714] : memref<16x128xi32, #tpu.memory_space<vmem>> -> memref<1x128xi32, #tpu.memory_space<vmem>>
      %dma_wait3A_716 = tpu.memref_squeeze %dma_wait3A_715 : memref<1x128xi32, #tpu.memory_space<vmem>> -> memref<128xi32, #tpu.memory_space<vmem>>
      %dma_wait3A_717 = arith.constant 0 : i32
      %dma_wait3A_718 = arith.constant 0 : i32
      %dma_wait3A_719 = tpu.memref_slice %arg6[%dma_wait3A_717, %dma_wait3A_718] : memref<10240x128xf32, #tpu.memory_space<vmem_shared>> -> memref<10240x128xf32, #tpu.memory_space<vmem_shared>>
      tpu.wait_indirect_dma semaphore(%arg11 : memref<!tpu.dma_semaphore, #tpu.memory_space<semaphore_mem>>) src(%dma_wait3A_713 : memref<128x128xf32, #tpu.memory_space<vmem>>) dst(%dma_wait3A_719 : memref<10240x128xf32, #tpu.memory_space<vmem_shared>>)
      %dma_start3A_720 = arith.constant 0 : i32
      %dma_start3A_721 = arith.constant 14 : i32
      %dma_start3A_722 = arith.constant 0 : i32
      %dma_start3A_723 = arith.constant 0 : i32
      %dma_start3A_724 = tpu.memref_slice %arg9[%dma_start3A_720, %dma_start3A_722, %dma_start3A_723] : memref<2x128x128xf32, #tpu.memory_space<vmem>> -> memref<1x128x128xf32, #tpu.memory_space<vmem>>
      %dma_start3A_725 = tpu.memref_squeeze %dma_start3A_724 : memref<1x128x128xf32, #tpu.memory_space<vmem>> -> memref<128x128xf32, #tpu.memory_space<vmem>>
      %dma_start3A_726 = arith.constant 0 : i32
      %dma_start3A_727 = tpu.memref_slice %arg8[%dma_start3A_721, %dma_start3A_726] : memref<16x128xi32, #tpu.memory_space<vmem>> -> memref<1x128xi32, #tpu.memory_space<vmem>>
      %dma_start3A_728 = tpu.memref_squeeze %dma_start3A_727 : memref<1x128xi32, #tpu.memory_space<vmem>> -> memref<128xi32, #tpu.memory_space<vmem>>
      %dma_start3A_729 = arith.constant 0 : i32
      %dma_start3A_730 = arith.constant 0 : i32
      %dma_start3A_731 = tpu.memref_slice %arg6[%dma_start3A_729, %dma_start3A_730] : memref<10240x128xf32, #tpu.memory_space<vmem_shared>> -> memref<10240x128xf32, #tpu.memory_space<vmem_shared>>
      tpu.enqueue_indirect_dma source(%dma_start3A_725 : memref<128x128xf32, #tpu.memory_space<vmem>>) target(%dma_start3A_731 : memref<10240x128xf32, #tpu.memory_space<vmem_shared>>) offsets(%dma_start3A_728 : memref<128xi32, #tpu.memory_space<vmem>>) semaphore(%arg11 : memref<!tpu.dma_semaphore, #tpu.memory_space<semaphore_mem>>) {add = true}
      %dma_start3A_732 = arith.constant 15 : i32
      %dma_start3A_733 = arith.constant 1 : i32
      %dma_start3A_734 = arith.constant 0 : i32
      %dma_start3A_735 = arith.constant 0 : i32
      %dma_start3A_736 = tpu.memref_slice %arg9[%dma_start3A_733, %dma_start3A_734, %dma_start3A_735] : memref<2x128x128xf32, #tpu.memory_space<vmem>> -> memref<1x128x128xf32, #tpu.memory_space<vmem>>
      %dma_start3A_737 = tpu.memref_squeeze %dma_start3A_736 : memref<1x128x128xf32, #tpu.memory_space<vmem>> -> memref<128x128xf32, #tpu.memory_space<vmem>>
      %dma_start3A_738 = arith.constant 0 : i32
      %dma_start3A_739 = tpu.memref_slice %arg7[%dma_start3A_732, %dma_start3A_738] : memref<16x128xi32, #tpu.memory_space<vmem>> -> memref<1x128xi32, #tpu.memory_space<vmem>>
      %dma_start3A_740 = tpu.memref_squeeze %dma_start3A_739 : memref<1x128xi32, #tpu.memory_space<vmem>> -> memref<128xi32, #tpu.memory_space<vmem>>
      %dma_start3A_741 = arith.constant 0 : i32
      %dma_start3A_742 = arith.constant 0 : i32
      %dma_start3A_743 = tpu.memref_slice %arg2[%dma_start3A_741, %dma_start3A_742] : memref<10240x128xf32, #tpu.memory_space<hbm>> -> memref<10240x128xf32, #tpu.memory_space<hbm>>
      tpu.enqueue_indirect_dma source(%dma_start3A_743 : memref<10240x128xf32, #tpu.memory_space<hbm>>) target(%dma_start3A_737 : memref<128x128xf32, #tpu.memory_space<vmem>>) offsets(%dma_start3A_740 : memref<128xi32, #tpu.memory_space<vmem>>) semaphore(%arg10 : memref<!tpu.dma_semaphore, #tpu.memory_space<semaphore_mem>>)
      %dma_wait3A_744 = arith.constant 15 : i32
      %dma_wait3A_745 = arith.constant 1 : i32
      %dma_wait3A_746 = arith.constant 0 : i32
      %dma_wait3A_747 = arith.constant 0 : i32
      %dma_wait3A_748 = tpu.memref_slice %arg9[%dma_wait3A_745, %dma_wait3A_746, %dma_wait3A_747] : memref<2x128x128xf32, #tpu.memory_space<vmem>> -> memref<1x128x128xf32, #tpu.memory_space<vmem>>
      %dma_wait3A_749 = tpu.memref_squeeze %dma_wait3A_748 : memref<1x128x128xf32, #tpu.memory_space<vmem>> -> memref<128x128xf32, #tpu.memory_space<vmem>>
      %dma_wait3A_750 = arith.constant 0 : i32
      %dma_wait3A_751 = tpu.memref_slice %arg7[%dma_wait3A_744, %dma_wait3A_750] : memref<16x128xi32, #tpu.memory_space<vmem>> -> memref<1x128xi32, #tpu.memory_space<vmem>>
      %dma_wait3A_752 = tpu.memref_squeeze %dma_wait3A_751 : memref<1x128xi32, #tpu.memory_space<vmem>> -> memref<128xi32, #tpu.memory_space<vmem>>
      %dma_wait3A_753 = arith.constant 0 : i32
      %dma_wait3A_754 = arith.constant 0 : i32
      %dma_wait3A_755 = tpu.memref_slice %arg2[%dma_wait3A_753, %dma_wait3A_754] : memref<10240x128xf32, #tpu.memory_space<hbm>> -> memref<10240x128xf32, #tpu.memory_space<hbm>>
      tpu.wait_indirect_dma semaphore(%arg10 : memref<!tpu.dma_semaphore, #tpu.memory_space<semaphore_mem>>) src(%dma_wait3A_755 : memref<10240x128xf32, #tpu.memory_space<hbm>>) dst(%dma_wait3A_749 : memref<128x128xf32, #tpu.memory_space<vmem>>)
      %dma_wait3A_756 = arith.constant 0 : i32
      %dma_wait3A_757 = arith.constant 14 : i32
      %dma_wait3A_758 = arith.constant 0 : i32
      %dma_wait3A_759 = arith.constant 0 : i32
      %dma_wait3A_760 = tpu.memref_slice %arg9[%dma_wait3A_756, %dma_wait3A_758, %dma_wait3A_759] : memref<2x128x128xf32, #tpu.memory_space<vmem>> -> memref<1x128x128xf32, #tpu.memory_space<vmem>>
      %dma_wait3A_761 = tpu.memref_squeeze %dma_wait3A_760 : memref<1x128x128xf32, #tpu.memory_space<vmem>> -> memref<128x128xf32, #tpu.memory_space<vmem>>
      %dma_wait3A_762 = arith.constant 0 : i32
      %dma_wait3A_763 = tpu.memref_slice %arg8[%dma_wait3A_757, %dma_wait3A_762] : memref<16x128xi32, #tpu.memory_space<vmem>> -> memref<1x128xi32, #tpu.memory_space<vmem>>
      %dma_wait3A_764 = tpu.memref_squeeze %dma_wait3A_763 : memref<1x128xi32, #tpu.memory_space<vmem>> -> memref<128xi32, #tpu.memory_space<vmem>>
      %dma_wait3A_765 = arith.constant 0 : i32
      %dma_wait3A_766 = arith.constant 0 : i32
      %dma_wait3A_767 = tpu.memref_slice %arg6[%dma_wait3A_765, %dma_wait3A_766] : memref<10240x128xf32, #tpu.memory_space<vmem_shared>> -> memref<10240x128xf32, #tpu.memory_space<vmem_shared>>
      tpu.wait_indirect_dma semaphore(%arg11 : memref<!tpu.dma_semaphore, #tpu.memory_space<semaphore_mem>>) src(%dma_wait3A_761 : memref<128x128xf32, #tpu.memory_space<vmem>>) dst(%dma_wait3A_767 : memref<10240x128xf32, #tpu.memory_space<vmem_shared>>)
      %dma_start3A_768 = arith.constant 1 : i32
      %dma_start3A_769 = arith.constant 15 : i32
      %dma_start3A_770 = arith.constant 0 : i32
      %dma_start3A_771 = arith.constant 0 : i32
      %dma_start3A_772 = tpu.memref_slice %arg9[%dma_start3A_768, %dma_start3A_770, %dma_start3A_771] : memref<2x128x128xf32, #tpu.memory_space<vmem>> -> memref<1x128x128xf32, #tpu.memory_space<vmem>>
      %dma_start3A_773 = tpu.memref_squeeze %dma_start3A_772 : memref<1x128x128xf32, #tpu.memory_space<vmem>> -> memref<128x128xf32, #tpu.memory_space<vmem>>
      %dma_start3A_774 = arith.constant 0 : i32
      %dma_start3A_775 = tpu.memref_slice %arg8[%dma_start3A_769, %dma_start3A_774] : memref<16x128xi32, #tpu.memory_space<vmem>> -> memref<1x128xi32, #tpu.memory_space<vmem>>
      %dma_start3A_776 = tpu.memref_squeeze %dma_start3A_775 : memref<1x128xi32, #tpu.memory_space<vmem>> -> memref<128xi32, #tpu.memory_space<vmem>>
      %dma_start3A_777 = arith.constant 0 : i32
      %dma_start3A_778 = arith.constant 0 : i32
      %dma_start3A_779 = tpu.memref_slice %arg6[%dma_start3A_777, %dma_start3A_778] : memref<10240x128xf32, #tpu.memory_space<vmem_shared>> -> memref<10240x128xf32, #tpu.memory_space<vmem_shared>>
      tpu.enqueue_indirect_dma source(%dma_start3A_773 : memref<128x128xf32, #tpu.memory_space<vmem>>) target(%dma_start3A_779 : memref<10240x128xf32, #tpu.memory_space<vmem_shared>>) offsets(%dma_start3A_776 : memref<128xi32, #tpu.memory_space<vmem>>) semaphore(%arg11 : memref<!tpu.dma_semaphore, #tpu.memory_space<semaphore_mem>>) {add = true}
      %dma_wait3A_780 = arith.constant 1 : i32
      %dma_wait3A_781 = arith.constant 15 : i32
      %dma_wait3A_782 = arith.constant 0 : i32
      %dma_wait3A_783 = arith.constant 0 : i32
      %dma_wait3A_784 = tpu.memref_slice %arg9[%dma_wait3A_780, %dma_wait3A_782, %dma_wait3A_783] : memref<2x128x128xf32, #tpu.memory_space<vmem>> -> memref<1x128x128xf32, #tpu.memory_space<vmem>>
      %dma_wait3A_785 = tpu.memref_squeeze %dma_wait3A_784 : memref<1x128x128xf32, #tpu.memory_space<vmem>> -> memref<128x128xf32, #tpu.memory_space<vmem>>
      %dma_wait3A_786 = arith.constant 0 : i32
      %dma_wait3A_787 = tpu.memref_slice %arg8[%dma_wait3A_781, %dma_wait3A_786] : memref<16x128xi32, #tpu.memory_space<vmem>> -> memref<1x128xi32, #tpu.memory_space<vmem>>
      %dma_wait3A_788 = tpu.memref_squeeze %dma_wait3A_787 : memref<1x128xi32, #tpu.memory_space<vmem>> -> memref<128xi32, #tpu.memory_space<vmem>>
      %dma_wait3A_789 = arith.constant 0 : i32
      %dma_wait3A_790 = arith.constant 0 : i32
      %dma_wait3A_791 = tpu.memref_slice %arg6[%dma_wait3A_789, %dma_wait3A_790] : memref<10240x128xf32, #tpu.memory_space<vmem_shared>> -> memref<10240x128xf32, #tpu.memory_space<vmem_shared>>
      tpu.wait_indirect_dma semaphore(%arg11 : memref<!tpu.dma_semaphore, #tpu.memory_space<semaphore_mem>>) src(%dma_wait3A_785 : memref<128x128xf32, #tpu.memory_space<vmem>>) dst(%dma_wait3A_791 : memref<10240x128xf32, #tpu.memory_space<vmem_shared>>)
    }
    %scan3A_19 = arith.constant 5 : i32
    %barrier3A_20 = arith.constant 0 : index
    tpu.barrier barrier_id(%barrier3A_20)
    "tpu.region"() ({
      %run_scoped3A = tpu.sem_alloc : memref<!tpu.dma_semaphore, #tpu.memory_space<semaphore_mem>>
      %dma_start3A = arith.constant 0 : i32
      %dma_start3A_21 = tpu.memref_slice %arg5[%arg0, %mul3A_2, %dma_start3A] : memref<2x10240x128xf32, #tpu.memory_space<hbm>> -> memref<1x640x128xf32, #tpu.memory_space<hbm>>
      %dma_start3A_22 = tpu.memref_squeeze %dma_start3A_21 : memref<1x640x128xf32, #tpu.memory_space<hbm>> -> memref<640x128xf32, #tpu.memory_space<hbm>>
      %dma_start3A_23 = arith.constant 0 : i32
      %dma_start3A_24 = tpu.memref_slice %arg6[%mul3A_2, %dma_start3A_23] : memref<10240x128xf32, #tpu.memory_space<vmem_shared>> -> memref<640x128xf32, #tpu.memory_space<vmem_shared>>
      tpu.enqueue_dma source(%dma_start3A_24 : memref<640x128xf32, #tpu.memory_space<vmem_shared>>) target(%dma_start3A_22 : memref<640x128xf32, #tpu.memory_space<hbm>>) target_semaphore(%run_scoped3A : memref<!tpu.dma_semaphore, #tpu.memory_space<semaphore_mem>>)
      %dma_wait3A = arith.constant 0 : i32
      %dma_wait3A_25 = tpu.memref_slice %arg5[%arg0, %mul3A_2, %dma_wait3A] : memref<2x10240x128xf32, #tpu.memory_space<hbm>> -> memref<1x640x128xf32, #tpu.memory_space<hbm>>
      %dma_wait3A_26 = tpu.memref_squeeze %dma_wait3A_25 : memref<1x640x128xf32, #tpu.memory_space<hbm>> -> memref<640x128xf32, #tpu.memory_space<hbm>>
      %dma_wait3A_27 = arith.constant 0 : i32
      %dma_wait3A_28 = tpu.memref_slice %arg6[%mul3A_2, %dma_wait3A_27] : memref<10240x128xf32, #tpu.memory_space<vmem_shared>> -> memref<640x128xf32, #tpu.memory_space<vmem_shared>>
      tpu.wait_dma2 semaphore(%run_scoped3A : memref<!tpu.dma_semaphore, #tpu.memory_space<semaphore_mem>>) src(%dma_wait3A_28 : memref<640x128xf32, #tpu.memory_space<vmem_shared>>) dst(%dma_wait3A_26 : memref<640x128xf32, #tpu.memory_space<hbm>>)
      tpu.yield
    }) : () -> ()
    return
  }
}

#map = affine_map<(d0, d1) -> (0, 0, 0)>
#map1 = affine_map<(d0, d1) -> (0, 0)>
module attributes {stable_mosaic.version = 14 : i64} {
  func.func @_degree_body(%arg0: i32, %arg1: i32, %arg2: memref<32x80x128xi32, #tpu.memory_space<hbm>>, %arg3: memref<2x10240xf32, #tpu.memory_space<hbm>>, %arg4: memref<10240xf32, #tpu.memory_space<vmem_shared>>, %arg5: memref<16x128xi32, #tpu.memory_space<vmem>>, %arg6: memref<128xf32, #tpu.memory_space<vmem>>, %arg7: memref<640xf32, #tpu.memory_space<vmem>>) attributes {dimension_semantics = [#tpu.dimension_semantics<core_parallel>, #tpu.dimension_semantics<subcore_parallel>], iteration_bounds = array<i64: 2, 16>, scalar_prefetch = 0 : i64, scratch_operands = 4 : i64, tpu.core_type = #tpu.core_type<sc_vector_subcore>, window_params = [{transform_indices = #map}, {transform_indices = #map1}]} {
    %mul3A = arith.constant 16 : i32
    %mul3A_0 = arith.muli %arg0, %mul3A : i32
    %add3A = arith.addi %mul3A_0, %arg1 : i32
    %mul3A_1 = arith.constant 640 : i32
    %mul3A_2 = arith.muli %arg1, %mul3A_1 : i32
    %scan3A = arith.constant 0 : i32
    %scan3A_3 = arith.constant 0 : i32
    %scan3A_4 = arith.constant 8 : i32
    %scan3A_5 = arith.addi %scan3A_3, %scan3A_4 : i32
    %scan3A_6 = arith.constant 1 : i32
    scf.for %scan3A_21 = %scan3A_3 to %scan3A_5 step %scan3A_6  : i32 {
      %broadcast_in_dim3A = arith.constant 1.000000e+00 : f32
      %broadcast_in_dim3A_22 = vector.broadcast %broadcast_in_dim3A : f32 to vector<16xf32>
      %mul3A_23 = arith.constant 16 : i32
      %mul3A_24 = arith.muli %scan3A_21, %mul3A_23 : i32
      %swap3A = arith.index_cast %mul3A_24 : i32 to index
      %swap3A_25 = tpu.vector_load %arg6[%swap3A] {strides = array<i32>} : memref<128xf32, #tpu.memory_space<vmem>>, vector<16xf32>,
      %swap3A_26 = vector.shape_cast %swap3A_25 : vector<16xf32> to vector<16xf32>
      %swap3A_27 = vector.shape_cast %broadcast_in_dim3A_22 : vector<16xf32> to vector<16xf32>
      tpu.vector_store %arg6[%swap3A], %swap3A_27 {strides = array<i32>} : memref<128xf32, #tpu.memory_space<vmem>>, vector<16xf32>,
    }
    %scan3A_7 = arith.constant 8 : i32
    %scan3A_8 = arith.constant 0 : i32
    %scan3A_9 = arith.constant 0 : i32
    %scan3A_10 = arith.constant 40 : i32
    %scan3A_11 = arith.addi %scan3A_9, %scan3A_10 : i32
    %scan3A_12 = arith.constant 1 : i32
    scf.for %scan3A_21 = %scan3A_9 to %scan3A_11 step %scan3A_12  : i32 {
      %broadcast_in_dim3A = arith.constant 0.000000e+00 : f32
      %broadcast_in_dim3A_22 = vector.broadcast %broadcast_in_dim3A : f32 to vector<16xf32>
      %mul3A_23 = arith.constant 16 : i32
      %mul3A_24 = arith.muli %scan3A_21, %mul3A_23 : i32
      %swap3A = arith.index_cast %mul3A_24 : i32 to index
      %swap3A_25 = tpu.vector_load %arg7[%swap3A] {strides = array<i32>} : memref<640xf32, #tpu.memory_space<vmem>>, vector<16xf32>,
      %swap3A_26 = vector.shape_cast %swap3A_25 : vector<16xf32> to vector<16xf32>
      %swap3A_27 = vector.shape_cast %broadcast_in_dim3A_22 : vector<16xf32> to vector<16xf32>
      tpu.vector_store %arg7[%swap3A], %swap3A_27 {strides = array<i32>} : memref<640xf32, #tpu.memory_space<vmem>>, vector<16xf32>,
    }
    %scan3A_13 = arith.constant 40 : i32
    "tpu.region"() ({
      %run_scoped3A = tpu.sem_alloc : memref<!tpu.dma_semaphore, #tpu.memory_space<semaphore_mem>>
      %dma_start3A = tpu.memref_slice %arg4[%mul3A_2] : memref<10240xf32, #tpu.memory_space<vmem_shared>> -> memref<640xf32, #tpu.memory_space<vmem_shared>>
      %dma_start3A_21 = tpu.memref_slice %arg4[%mul3A_2] : memref<10240xf32, #tpu.memory_space<vmem_shared>> -> memref<640xf32, #tpu.memory_space<vmem_shared>>
      tpu.enqueue_dma source(%arg7 : memref<640xf32, #tpu.memory_space<vmem>>) target(%dma_start3A_21 : memref<640xf32, #tpu.memory_space<vmem_shared>>) target_semaphore(%run_scoped3A : memref<!tpu.dma_semaphore, #tpu.memory_space<semaphore_mem>>)
      %dma_wait3A = tpu.memref_slice %arg4[%mul3A_2] : memref<10240xf32, #tpu.memory_space<vmem_shared>> -> memref<640xf32, #tpu.memory_space<vmem_shared>>
      %dma_wait3A_22 = tpu.memref_slice %arg4[%mul3A_2] : memref<10240xf32, #tpu.memory_space<vmem_shared>> -> memref<640xf32, #tpu.memory_space<vmem_shared>>
      tpu.wait_dma2 semaphore(%run_scoped3A : memref<!tpu.dma_semaphore, #tpu.memory_space<semaphore_mem>>) src(%arg7 : memref<640xf32, #tpu.memory_space<vmem>>) dst(%dma_wait3A_22 : memref<640xf32, #tpu.memory_space<vmem_shared>>)
      tpu.yield
    }) : () -> ()
    %barrier3A = arith.constant 0 : index
    tpu.barrier barrier_id(%barrier3A)
    %scan3A_14 = arith.constant 0 : i32
    %scan3A_15 = arith.constant 0 : i32
    %scan3A_16 = arith.constant 5 : i32
    %scan3A_17 = arith.addi %scan3A_15, %scan3A_16 : i32
    %scan3A_18 = arith.constant 1 : i32
    scf.for %scan3A_21 = %scan3A_15 to %scan3A_17 step %scan3A_18  : i32 {
      %mul3A_22 = arith.constant 16 : i32
      %mul3A_23 = arith.muli %scan3A_21, %mul3A_22 : i32
      "tpu.region"() ({
        %run_scoped3A = tpu.sem_alloc : memref<!tpu.dma_semaphore, #tpu.memory_space<semaphore_mem>>
        %dma_start3A = arith.constant 0 : i32
        %dma_start3A_30 = tpu.memref_slice %arg2[%add3A, %mul3A_23, %dma_start3A] : memref<32x80x128xi32, #tpu.memory_space<hbm>> -> memref<1x16x128xi32, #tpu.memory_space<hbm>>
        %dma_start3A_31 = tpu.memref_squeeze %dma_start3A_30 : memref<1x16x128xi32, #tpu.memory_space<hbm>> -> memref<16x128xi32, #tpu.memory_space<hbm>>
        %dma_start3A_32 = arith.constant 0 : i32
        %dma_start3A_33 = tpu.memref_slice %arg2[%add3A, %mul3A_23, %dma_start3A_32] : memref<32x80x128xi32, #tpu.memory_space<hbm>> -> memref<1x16x128xi32, #tpu.memory_space<hbm>>
        %dma_start3A_34 = tpu.memref_squeeze %dma_start3A_33 : memref<1x16x128xi32, #tpu.memory_space<hbm>> -> memref<16x128xi32, #tpu.memory_space<hbm>>
        tpu.enqueue_dma source(%dma_start3A_34 : memref<16x128xi32, #tpu.memory_space<hbm>>) target(%arg5 : memref<16x128xi32, #tpu.memory_space<vmem>>) target_semaphore(%run_scoped3A : memref<!tpu.dma_semaphore, #tpu.memory_space<semaphore_mem>>)
        %dma_wait3A = arith.constant 0 : i32
        %dma_wait3A_35 = tpu.memref_slice %arg2[%add3A, %mul3A_23, %dma_wait3A] : memref<32x80x128xi32, #tpu.memory_space<hbm>> -> memref<1x16x128xi32, #tpu.memory_space<hbm>>
        %dma_wait3A_36 = tpu.memref_squeeze %dma_wait3A_35 : memref<1x16x128xi32, #tpu.memory_space<hbm>> -> memref<16x128xi32, #tpu.memory_space<hbm>>
        %dma_wait3A_37 = arith.constant 0 : i32
        %dma_wait3A_38 = tpu.memref_slice %arg2[%add3A, %mul3A_23, %dma_wait3A_37] : memref<32x80x128xi32, #tpu.memory_space<hbm>> -> memref<1x16x128xi32, #tpu.memory_space<hbm>>
        %dma_wait3A_39 = tpu.memref_squeeze %dma_wait3A_38 : memref<1x16x128xi32, #tpu.memory_space<hbm>> -> memref<16x128xi32, #tpu.memory_space<hbm>>
        tpu.wait_dma2 semaphore(%run_scoped3A : memref<!tpu.dma_semaphore, #tpu.memory_space<semaphore_mem>>) src(%dma_wait3A_39 : memref<16x128xi32, #tpu.memory_space<hbm>>) dst(%arg5 : memref<16x128xi32, #tpu.memory_space<vmem>>)
        tpu.yield
      }) : () -> ()
      %scan3A_24 = arith.constant 0 : i32
      %scan3A_25 = arith.constant 0 : i32
      %scan3A_26 = arith.constant 16 : i32
      %scan3A_27 = arith.addi %scan3A_25, %scan3A_26 : i32
      %scan3A_28 = arith.constant 1 : i32
      scf.for %scan3A_30 = %scan3A_25 to %scan3A_27 step %scan3A_28  : i32 {
        "tpu.region"() ({
          %run_scoped3A = tpu.sem_alloc : memref<!tpu.dma_semaphore, #tpu.memory_space<semaphore_mem>>
          %dma_start3A = arith.constant 0 : i32
          %dma_start3A_31 = tpu.memref_slice %arg5[%scan3A_30, %dma_start3A] : memref<16x128xi32, #tpu.memory_space<vmem>> -> memref<1x128xi32, #tpu.memory_space<vmem>>
          %dma_start3A_32 = tpu.memref_squeeze %dma_start3A_31 : memref<1x128xi32, #tpu.memory_space<vmem>> -> memref<128xi32, #tpu.memory_space<vmem>>
          %dma_start3A_33 = arith.constant 0 : i32
          %dma_start3A_34 = tpu.memref_slice %arg4[%dma_start3A_33] : memref<10240xf32, #tpu.memory_space<vmem_shared>> -> memref<10240xf32, #tpu.memory_space<vmem_shared>>
          tpu.enqueue_indirect_dma source(%arg6 : memref<128xf32, #tpu.memory_space<vmem>>) target(%dma_start3A_34 : memref<10240xf32, #tpu.memory_space<vmem_shared>>) offsets(%dma_start3A_32 : memref<128xi32, #tpu.memory_space<vmem>>) semaphore(%run_scoped3A : memref<!tpu.dma_semaphore, #tpu.memory_space<semaphore_mem>>) {add = true}
          %dma_wait3A = arith.constant 0 : i32
          %dma_wait3A_35 = tpu.memref_slice %arg5[%scan3A_30, %dma_wait3A] : memref<16x128xi32, #tpu.memory_space<vmem>> -> memref<1x128xi32, #tpu.memory_space<vmem>>
          %dma_wait3A_36 = tpu.memref_squeeze %dma_wait3A_35 : memref<1x128xi32, #tpu.memory_space<vmem>> -> memref<128xi32, #tpu.memory_space<vmem>>
          %dma_wait3A_37 = arith.constant 0 : i32
          %dma_wait3A_38 = tpu.memref_slice %arg4[%dma_wait3A_37] : memref<10240xf32, #tpu.memory_space<vmem_shared>> -> memref<10240xf32, #tpu.memory_space<vmem_shared>>
          tpu.wait_indirect_dma semaphore(%run_scoped3A : memref<!tpu.dma_semaphore, #tpu.memory_space<semaphore_mem>>) src(%arg6 : memref<128xf32, #tpu.memory_space<vmem>>) dst(%dma_wait3A_38 : memref<10240xf32, #tpu.memory_space<vmem_shared>>)
          tpu.yield
        }) : () -> ()
      }
      %scan3A_29 = arith.constant 16 : i32
    }
    %scan3A_19 = arith.constant 5 : i32
    %barrier3A_20 = arith.constant 0 : index
    tpu.barrier barrier_id(%barrier3A_20)
    "tpu.region"() ({
      %run_scoped3A = tpu.sem_alloc : memref<!tpu.dma_semaphore, #tpu.memory_space<semaphore_mem>>
      %dma_start3A = tpu.memref_slice %arg3[%arg0, %mul3A_2] : memref<2x10240xf32, #tpu.memory_space<hbm>> -> memref<1x640xf32, #tpu.memory_space<hbm>>
      %dma_start3A_21 = tpu.memref_squeeze %dma_start3A : memref<1x640xf32, #tpu.memory_space<hbm>> -> memref<640xf32, #tpu.memory_space<hbm>>
      %dma_start3A_22 = tpu.memref_slice %arg4[%mul3A_2] : memref<10240xf32, #tpu.memory_space<vmem_shared>> -> memref<640xf32, #tpu.memory_space<vmem_shared>>
      tpu.enqueue_dma source(%dma_start3A_22 : memref<640xf32, #tpu.memory_space<vmem_shared>>) target(%dma_start3A_21 : memref<640xf32, #tpu.memory_space<hbm>>) target_semaphore(%run_scoped3A : memref<!tpu.dma_semaphore, #tpu.memory_space<semaphore_mem>>)
      %dma_wait3A = tpu.memref_slice %arg3[%arg0, %mul3A_2] : memref<2x10240xf32, #tpu.memory_space<hbm>> -> memref<1x640xf32, #tpu.memory_space<hbm>>
      %dma_wait3A_23 = tpu.memref_squeeze %dma_wait3A : memref<1x640xf32, #tpu.memory_space<hbm>> -> memref<640xf32, #tpu.memory_space<hbm>>
      %dma_wait3A_24 = tpu.memref_slice %arg4[%mul3A_2] : memref<10240xf32, #tpu.memory_space<vmem_shared>> -> memref<640xf32, #tpu.memory_space<vmem_shared>>
      tpu.wait_dma2 semaphore(%run_scoped3A : memref<!tpu.dma_semaphore, #tpu.memory_space<semaphore_mem>>) src(%dma_wait3A_24 : memref<640xf32, #tpu.memory_space<vmem_shared>>) dst(%dma_wait3A_23 : memref<640xf32, #tpu.memory_space<hbm>>)
      tpu.yield
    }) : () -> ()
    return
  }
}

#map = affine_map<(d0, d1) -> (0, 0)>
#map1 = affine_map<(d0, d1) -> (0, 0, 0)>
module attributes {stable_mosaic.version = 14 : i64} {
  func.func @_scatter_body(%arg0: i32, %arg1: i32, %arg2: memref<10240x128xf32, #tpu.memory_space<hbm>>, %arg3: memref<32x80x128xi32, #tpu.memory_space<hbm>>, %arg4: memref<32x80x128xi32, #tpu.memory_space<hbm>>, %arg5: memref<2x10240x128xf32, #tpu.memory_space<hbm>>, %arg6: memref<10240x128xf32, #tpu.memory_space<vmem_shared>>, %arg7: memref<16x128xi32, #tpu.memory_space<vmem>>, %arg8: memref<16x128xi32, #tpu.memory_space<vmem>>, %arg9: memref<2x128x128xf32, #tpu.memory_space<vmem>>, %arg10: memref<!tpu.dma_semaphore, #tpu.memory_space<semaphore_mem>>, %arg11: memref<!tpu.dma_semaphore, #tpu.memory_space<semaphore_mem>>) attributes {dimension_semantics = [#tpu.dimension_semantics<core_parallel>, #tpu.dimension_semantics<subcore_parallel>], iteration_bounds = array<i64: 2, 16>, scalar_prefetch = 0 : i64, scratch_operands = 6 : i64, tpu.core_type = #tpu.core_type<sc_vector_subcore>, window_params = [{transform_indices = #map}, {transform_indices = #map1}, {transform_indices = #map1}, {transform_indices = #map1}]} {
    %mul3A = arith.constant 16 : i32
    %mul3A_0 = arith.muli %arg0, %mul3A : i32
    %add3A = arith.addi %mul3A_0, %arg1 : i32
    %mul3A_1 = arith.constant 640 : i32
    %mul3A_2 = arith.muli %arg1, %mul3A_1 : i32
    %scan3A = arith.constant 0 : i32
    %scan3A_3 = arith.constant 0 : i32
    %scan3A_4 = arith.constant 128 : i32
    %scan3A_5 = arith.addi %scan3A_3, %scan3A_4 : i32
    %scan3A_6 = arith.constant 1 : i32
    scf.for %scan3A_21 = %scan3A_3 to %scan3A_5 step %scan3A_6  : i32 {
      %scan3A_22 = arith.constant 0 : i32
      %scan3A_23 = arith.constant 8 : i32
      %scan3A_24 = arith.addi %scan3A_22, %scan3A_23 : i32
      %scan3A_25 = arith.constant 1 : i32
      scf.for %scan3A_27 = %scan3A_22 to %scan3A_24 step %scan3A_25  : i32 {
        %broadcast_in_dim3A = arith.constant 0.000000e+00 : f32
        %broadcast_in_dim3A_28 = vector.broadcast %broadcast_in_dim3A : f32 to vector<16xf32>
        %mul3A_29 = arith.constant 16 : i32
        %mul3A_30 = arith.muli %scan3A_27, %mul3A_29 : i32
        %swap3A = arith.constant 0 : i32
        %swap3A_31 = arith.index_cast %swap3A : i32 to index
        %swap3A_32 = arith.index_cast %scan3A_21 : i32 to index
        %swap3A_33 = arith.index_cast %mul3A_30 : i32 to index
        %swap3A_34 = tpu.vector_load %arg9[%swap3A_31, %swap3A_32, %swap3A_33] {strides = array<i32>} : memref<2x128x128xf32, #tpu.memory_space<vmem>>, vector<1x1x16xf32>,
        %swap3A_35 = vector.shape_cast %swap3A_34 : vector<1x1x16xf32> to vector<16xf32>
        %swap3A_36 = vector.shape_cast %broadcast_in_dim3A_28 : vector<16xf32> to vector<1x1x16xf32>
        tpu.vector_store %arg9[%swap3A_31, %swap3A_32, %swap3A_33], %swap3A_36 {strides = array<i32>} : memref<2x128x128xf32, #tpu.memory_space<vmem>>, vector<1x1x16xf32>,
      }
      %scan3A_26 = arith.constant 8 : i32
    }
    %scan3A_7 = arith.constant 128 : i32
    %scan3A_8 = arith.constant 0 : i32
    %scan3A_9 = arith.constant 0 : i32
    %scan3A_10 = arith.constant 5 : i32
    %scan3A_11 = arith.addi %scan3A_9, %scan3A_10 : i32
    %scan3A_12 = arith.constant 1 : i32
    scf.for %scan3A_21 = %scan3A_9 to %scan3A_11 step %scan3A_12  : i32 {
      %mul3A_22 = arith.constant 128 : i32
      %mul3A_23 = arith.muli %scan3A_21, %mul3A_22 : i32
      %add3A_24 = arith.addi %mul3A_2, %mul3A_23 : i32
      %run_scoped3A = arith.constant 0 : i32
      "tpu.region"() ({
        %run_scoped3A_25 = tpu.sem_alloc : memref<!tpu.dma_semaphore, #tpu.memory_space<semaphore_mem>>
        %dma_start3A = arith.constant 0 : i32
        %dma_start3A_26 = arith.constant 0 : i32
        %dma_start3A_27 = tpu.memref_slice %arg9[%run_scoped3A, %dma_start3A, %dma_start3A_26] : memref<2x128x128xf32, #tpu.memory_space<vmem>> -> memref<1x128x128xf32, #tpu.memory_space<vmem>>
        %dma_start3A_28 = tpu.memref_squeeze %dma_start3A_27 : memref<1x128x128xf32, #tpu.memory_space<vmem>> -> memref<128x128xf32, #tpu.memory_space<vmem>>
        %dma_start3A_29 = arith.constant 0 : i32
        %dma_start3A_30 = tpu.memref_slice %arg6[%add3A_24, %dma_start3A_29] : memref<10240x128xf32, #tpu.memory_space<vmem_shared>> -> memref<128x128xf32, #tpu.memory_space<vmem_shared>>
        %dma_start3A_31 = arith.constant 0 : i32
        %dma_start3A_32 = tpu.memref_slice %arg6[%add3A_24, %dma_start3A_31] : memref<10240x128xf32, #tpu.memory_space<vmem_shared>> -> memref<128x128xf32, #tpu.memory_space<vmem_shared>>
        %dma_start3A_33 = arith.constant 0 : i32
        %dma_start3A_34 = arith.constant 0 : i32
        %dma_start3A_35 = tpu.memref_slice %arg9[%run_scoped3A, %dma_start3A_33, %dma_start3A_34] : memref<2x128x128xf32, #tpu.memory_space<vmem>> -> memref<1x128x128xf32, #tpu.memory_space<vmem>>
        %dma_start3A_36 = tpu.memref_squeeze %dma_start3A_35 : memref<1x128x128xf32, #tpu.memory_space<vmem>> -> memref<128x128xf32, #tpu.memory_space<vmem>>
        tpu.enqueue_dma source(%dma_start3A_36 : memref<128x128xf32, #tpu.memory_space<vmem>>) target(%dma_start3A_32 : memref<128x128xf32, #tpu.memory_space<vmem_shared>>) target_semaphore(%run_scoped3A_25 : memref<!tpu.dma_semaphore, #tpu.memory_space<semaphore_mem>>)
        %dma_wait3A = arith.constant 0 : i32
        %dma_wait3A_37 = arith.constant 0 : i32
        %dma_wait3A_38 = tpu.memref_slice %arg9[%run_scoped3A, %dma_wait3A, %dma_wait3A_37] : memref<2x128x128xf32, #tpu.memory_space<vmem>> -> memref<1x128x128xf32, #tpu.memory_space<vmem>>
        %dma_wait3A_39 = tpu.memref_squeeze %dma_wait3A_38 : memref<1x128x128xf32, #tpu.memory_space<vmem>> -> memref<128x128xf32, #tpu.memory_space<vmem>>
        %dma_wait3A_40 = arith.constant 0 : i32
        %dma_wait3A_41 = tpu.memref_slice %arg6[%add3A_24, %dma_wait3A_40] : memref<10240x128xf32, #tpu.memory_space<vmem_shared>> -> memref<128x128xf32, #tpu.memory_space<vmem_shared>>
        %dma_wait3A_42 = arith.constant 0 : i32
        %dma_wait3A_43 = tpu.memref_slice %arg6[%add3A_24, %dma_wait3A_42] : memref<10240x128xf32, #tpu.memory_space<vmem_shared>> -> memref<128x128xf32, #tpu.memory_space<vmem_shared>>
        %dma_wait3A_44 = arith.constant 0 : i32
        %dma_wait3A_45 = arith.constant 0 : i32
        %dma_wait3A_46 = tpu.memref_slice %arg9[%run_scoped3A, %dma_wait3A_44, %dma_wait3A_45] : memref<2x128x128xf32, #tpu.memory_space<vmem>> -> memref<1x128x128xf32, #tpu.memory_space<vmem>>
        %dma_wait3A_47 = tpu.memref_squeeze %dma_wait3A_46 : memref<1x128x128xf32, #tpu.memory_space<vmem>> -> memref<128x128xf32, #tpu.memory_space<vmem>>
        tpu.wait_dma2 semaphore(%run_scoped3A_25 : memref<!tpu.dma_semaphore, #tpu.memory_space<semaphore_mem>>) src(%dma_wait3A_47 : memref<128x128xf32, #tpu.memory_space<vmem>>) dst(%dma_wait3A_43 : memref<128x128xf32, #tpu.memory_space<vmem_shared>>)
        tpu.yield
      }) : () -> ()
    }
    %scan3A_13 = arith.constant 5 : i32
    %barrier3A = arith.constant 0 : index
    tpu.barrier barrier_id(%barrier3A)
    %scan3A_14 = arith.constant 0 : i32
    %scan3A_15 = arith.constant 0 : i32
    %scan3A_16 = arith.constant 5 : i32
    %scan3A_17 = arith.addi %scan3A_15, %scan3A_16 : i32
    %scan3A_18 = arith.constant 1 : i32
    scf.for %scan3A_21 = %scan3A_15 to %scan3A_17 step %scan3A_18  : i32 {
      %mul3A_22 = arith.constant 16 : i32
      %mul3A_23 = arith.muli %scan3A_21, %mul3A_22 : i32
      "tpu.region"() ({
        %run_scoped3A = tpu.sem_alloc : memref<!tpu.dma_semaphore, #tpu.memory_space<semaphore_mem>>
        %dma_start3A_792 = arith.constant 0 : i32
        %dma_start3A_793 = tpu.memref_slice %arg3[%add3A, %mul3A_23, %dma_start3A_792] : memref<32x80x128xi32, #tpu.memory_space<hbm>> -> memref<1x16x128xi32, #tpu.memory_space<hbm>>
        %dma_start3A_794 = tpu.memref_squeeze %dma_start3A_793 : memref<1x16x128xi32, #tpu.memory_space<hbm>> -> memref<16x128xi32, #tpu.memory_space<hbm>>
        %dma_start3A_795 = arith.constant 0 : i32
        %dma_start3A_796 = tpu.memref_slice %arg3[%add3A, %mul3A_23, %dma_start3A_795] : memref<32x80x128xi32, #tpu.memory_space<hbm>> -> memref<1x16x128xi32, #tpu.memory_space<hbm>>
        %dma_start3A_797 = tpu.memref_squeeze %dma_start3A_796 : memref<1x16x128xi32, #tpu.memory_space<hbm>> -> memref<16x128xi32, #tpu.memory_space<hbm>>
        tpu.enqueue_dma source(%dma_start3A_797 : memref<16x128xi32, #tpu.memory_space<hbm>>) target(%arg7 : memref<16x128xi32, #tpu.memory_space<vmem>>) target_semaphore(%run_scoped3A : memref<!tpu.dma_semaphore, #tpu.memory_space<semaphore_mem>>)
        %dma_wait3A_798 = arith.constant 0 : i32
        %dma_wait3A_799 = tpu.memref_slice %arg3[%add3A, %mul3A_23, %dma_wait3A_798] : memref<32x80x128xi32, #tpu.memory_space<hbm>> -> memref<1x16x128xi32, #tpu.memory_space<hbm>>
        %dma_wait3A_800 = tpu.memref_squeeze %dma_wait3A_799 : memref<1x16x128xi32, #tpu.memory_space<hbm>> -> memref<16x128xi32, #tpu.memory_space<hbm>>
        %dma_wait3A_801 = arith.constant 0 : i32
        %dma_wait3A_802 = tpu.memref_slice %arg3[%add3A, %mul3A_23, %dma_wait3A_801] : memref<32x80x128xi32, #tpu.memory_space<hbm>> -> memref<1x16x128xi32, #tpu.memory_space<hbm>>
        %dma_wait3A_803 = tpu.memref_squeeze %dma_wait3A_802 : memref<1x16x128xi32, #tpu.memory_space<hbm>> -> memref<16x128xi32, #tpu.memory_space<hbm>>
        tpu.wait_dma2 semaphore(%run_scoped3A : memref<!tpu.dma_semaphore, #tpu.memory_space<semaphore_mem>>) src(%dma_wait3A_803 : memref<16x128xi32, #tpu.memory_space<hbm>>) dst(%arg7 : memref<16x128xi32, #tpu.memory_space<vmem>>)
        tpu.yield
      }) : () -> ()
      %mul3A_24 = arith.constant 16 : i32
      %mul3A_25 = arith.muli %scan3A_21, %mul3A_24 : i32
      "tpu.region"() ({
        %run_scoped3A = tpu.sem_alloc : memref<!tpu.dma_semaphore, #tpu.memory_space<semaphore_mem>>
        %dma_start3A_792 = arith.constant 0 : i32
        %dma_start3A_793 = tpu.memref_slice %arg4[%add3A, %mul3A_25, %dma_start3A_792] : memref<32x80x128xi32, #tpu.memory_space<hbm>> -> memref<1x16x128xi32, #tpu.memory_space<hbm>>
        %dma_start3A_794 = tpu.memref_squeeze %dma_start3A_793 : memref<1x16x128xi32, #tpu.memory_space<hbm>> -> memref<16x128xi32, #tpu.memory_space<hbm>>
        %dma_start3A_795 = arith.constant 0 : i32
        %dma_start3A_796 = tpu.memref_slice %arg4[%add3A, %mul3A_25, %dma_start3A_795] : memref<32x80x128xi32, #tpu.memory_space<hbm>> -> memref<1x16x128xi32, #tpu.memory_space<hbm>>
        %dma_start3A_797 = tpu.memref_squeeze %dma_start3A_796 : memref<1x16x128xi32, #tpu.memory_space<hbm>> -> memref<16x128xi32, #tpu.memory_space<hbm>>
        tpu.enqueue_dma source(%dma_start3A_797 : memref<16x128xi32, #tpu.memory_space<hbm>>) target(%arg8 : memref<16x128xi32, #tpu.memory_space<vmem>>) target_semaphore(%run_scoped3A : memref<!tpu.dma_semaphore, #tpu.memory_space<semaphore_mem>>)
        %dma_wait3A_798 = arith.constant 0 : i32
        %dma_wait3A_799 = tpu.memref_slice %arg4[%add3A, %mul3A_25, %dma_wait3A_798] : memref<32x80x128xi32, #tpu.memory_space<hbm>> -> memref<1x16x128xi32, #tpu.memory_space<hbm>>
        %dma_wait3A_800 = tpu.memref_squeeze %dma_wait3A_799 : memref<1x16x128xi32, #tpu.memory_space<hbm>> -> memref<16x128xi32, #tpu.memory_space<hbm>>
        %dma_wait3A_801 = arith.constant 0 : i32
        %dma_wait3A_802 = tpu.memref_slice %arg4[%add3A, %mul3A_25, %dma_wait3A_801] : memref<32x80x128xi32, #tpu.memory_space<hbm>> -> memref<1x16x128xi32, #tpu.memory_space<hbm>>
        %dma_wait3A_803 = tpu.memref_squeeze %dma_wait3A_802 : memref<1x16x128xi32, #tpu.memory_space<hbm>> -> memref<16x128xi32, #tpu.memory_space<hbm>>
        tpu.wait_dma2 semaphore(%run_scoped3A : memref<!tpu.dma_semaphore, #tpu.memory_space<semaphore_mem>>) src(%dma_wait3A_803 : memref<16x128xi32, #tpu.memory_space<hbm>>) dst(%arg8 : memref<16x128xi32, #tpu.memory_space<vmem>>)
        tpu.yield
      }) : () -> ()
      %dma_start3A = arith.constant 0 : i32
      %dma_start3A_26 = arith.constant 0 : i32
      %dma_start3A_27 = arith.constant 0 : i32
      %dma_start3A_28 = arith.constant 0 : i32
      %dma_start3A_29 = tpu.memref_slice %arg9[%dma_start3A_26, %dma_start3A_27, %dma_start3A_28] : memref<2x128x128xf32, #tpu.memory_space<vmem>> -> memref<1x128x128xf32, #tpu.memory_space<vmem>>
      %dma_start3A_30 = tpu.memref_squeeze %dma_start3A_29 : memref<1x128x128xf32, #tpu.memory_space<vmem>> -> memref<128x128xf32, #tpu.memory_space<vmem>>
      %dma_start3A_31 = arith.constant 0 : i32
      %dma_start3A_32 = tpu.memref_slice %arg7[%dma_start3A, %dma_start3A_31] : memref<16x128xi32, #tpu.memory_space<vmem>> -> memref<1x128xi32, #tpu.memory_space<vmem>>
      %dma_start3A_33 = tpu.memref_squeeze %dma_start3A_32 : memref<1x128xi32, #tpu.memory_space<vmem>> -> memref<128xi32, #tpu.memory_space<vmem>>
      %dma_start3A_34 = arith.constant 0 : i32
      %dma_start3A_35 = arith.constant 0 : i32
      %dma_start3A_36 = tpu.memref_slice %arg2[%dma_start3A_34, %dma_start3A_35] : memref<10240x128xf32, #tpu.memory_space<hbm>> -> memref<10240x128xf32, #tpu.memory_space<hbm>>
      tpu.enqueue_indirect_dma source(%dma_start3A_36 : memref<10240x128xf32, #tpu.memory_space<hbm>>) target(%dma_start3A_30 : memref<128x128xf32, #tpu.memory_space<vmem>>) offsets(%dma_start3A_33 : memref<128xi32, #tpu.memory_space<vmem>>) semaphore(%arg10 : memref<!tpu.dma_semaphore, #tpu.memory_space<semaphore_mem>>)
      %dma_wait3A = arith.constant 0 : i32
      %dma_wait3A_37 = arith.constant 0 : i32
      %dma_wait3A_38 = arith.constant 0 : i32
      %dma_wait3A_39 = arith.constant 0 : i32
      %dma_wait3A_40 = tpu.memref_slice %arg9[%dma_wait3A_37, %dma_wait3A_38, %dma_wait3A_39] : memref<2x128x128xf32, #tpu.memory_space<vmem>> -> memref<1x128x128xf32, #tpu.memory_space<vmem>>
      %dma_wait3A_41 = tpu.memref_squeeze %dma_wait3A_40 : memref<1x128x128xf32, #tpu.memory_space<vmem>> -> memref<128x128xf32, #tpu.memory_space<vmem>>
      %dma_wait3A_42 = arith.constant 0 : i32
      %dma_wait3A_43 = tpu.memref_slice %arg7[%dma_wait3A, %dma_wait3A_42] : memref<16x128xi32, #tpu.memory_space<vmem>> -> memref<1x128xi32, #tpu.memory_space<vmem>>
      %dma_wait3A_44 = tpu.memref_squeeze %dma_wait3A_43 : memref<1x128xi32, #tpu.memory_space<vmem>> -> memref<128xi32, #tpu.memory_space<vmem>>
      %dma_wait3A_45 = arith.constant 0 : i32
      %dma_wait3A_46 = arith.constant 0 : i32
      %dma_wait3A_47 = tpu.memref_slice %arg2[%dma_wait3A_45, %dma_wait3A_46] : memref<10240x128xf32, #tpu.memory_space<hbm>> -> memref<10240x128xf32, #tpu.memory_space<hbm>>
      tpu.wait_indirect_dma semaphore(%arg10 : memref<!tpu.dma_semaphore, #tpu.memory_space<semaphore_mem>>) src(%dma_wait3A_47 : memref<10240x128xf32, #tpu.memory_space<hbm>>) dst(%dma_wait3A_41 : memref<128x128xf32, #tpu.memory_space<vmem>>)
      %dma_start3A_48 = arith.constant 0 : i32
      %dma_start3A_49 = arith.constant 0 : i32
      %dma_start3A_50 = arith.constant 0 : i32
      %dma_start3A_51 = arith.constant 0 : i32
      %dma_start3A_52 = tpu.memref_slice %arg9[%dma_start3A_48, %dma_start3A_50, %dma_start3A_51] : memref<2x128x128xf32, #tpu.memory_space<vmem>> -> memref<1x128x128xf32, #tpu.memory_space<vmem>>
      %dma_start3A_53 = tpu.memref_squeeze %dma_start3A_52 : memref<1x128x128xf32, #tpu.memory_space<vmem>> -> memref<128x128xf32, #tpu.memory_space<vmem>>
      %dma_start3A_54 = arith.constant 0 : i32
      %dma_start3A_55 = tpu.memref_slice %arg8[%dma_start3A_49, %dma_start3A_54] : memref<16x128xi32, #tpu.memory_space<vmem>> -> memref<1x128xi32, #tpu.memory_space<vmem>>
      %dma_start3A_56 = tpu.memref_squeeze %dma_start3A_55 : memref<1x128xi32, #tpu.memory_space<vmem>> -> memref<128xi32, #tpu.memory_space<vmem>>
      %dma_start3A_57 = arith.constant 0 : i32
      %dma_start3A_58 = arith.constant 0 : i32
      %dma_start3A_59 = tpu.memref_slice %arg6[%dma_start3A_57, %dma_start3A_58] : memref<10240x128xf32, #tpu.memory_space<vmem_shared>> -> memref<10240x128xf32, #tpu.memory_space<vmem_shared>>
      tpu.enqueue_indirect_dma source(%dma_start3A_53 : memref<128x128xf32, #tpu.memory_space<vmem>>) target(%dma_start3A_59 : memref<10240x128xf32, #tpu.memory_space<vmem_shared>>) offsets(%dma_start3A_56 : memref<128xi32, #tpu.memory_space<vmem>>) semaphore(%arg11 : memref<!tpu.dma_semaphore, #tpu.memory_space<semaphore_mem>>) {add = true}
      %dma_start3A_60 = arith.constant 1 : i32
      %dma_start3A_61 = arith.constant 1 : i32
      %dma_start3A_62 = arith.constant 0 : i32
      %dma_start3A_63 = arith.constant 0 : i32
      %dma_start3A_64 = tpu.memref_slice %arg9[%dma_start3A_61, %dma_start3A_62, %dma_start3A_63] : memref<2x128x128xf32, #tpu.memory_space<vmem>> -> memref<1x128x128xf32, #tpu.memory_space<vmem>>
      %dma_start3A_65 = tpu.memref_squeeze %dma_start3A_64 : memref<1x128x128xf32, #tpu.memory_space<vmem>> -> memref<128x128xf32, #tpu.memory_space<vmem>>
      %dma_start3A_66 = arith.constant 0 : i32
      %dma_start3A_67 = tpu.memref_slice %arg7[%dma_start3A_60, %dma_start3A_66] : memref<16x128xi32, #tpu.memory_space<vmem>> -> memref<1x128xi32, #tpu.memory_space<vmem>>
      %dma_start3A_68 = tpu.memref_squeeze %dma_start3A_67 : memref<1x128xi32, #tpu.memory_space<vmem>> -> memref<128xi32, #tpu.memory_space<vmem>>
      %dma_start3A_69 = arith.constant 0 : i32
      %dma_start3A_70 = arith.constant 0 : i32
      %dma_start3A_71 = tpu.memref_slice %arg2[%dma_start3A_69, %dma_start3A_70] : memref<10240x128xf32, #tpu.memory_space<hbm>> -> memref<10240x128xf32, #tpu.memory_space<hbm>>
      tpu.enqueue_indirect_dma source(%dma_start3A_71 : memref<10240x128xf32, #tpu.memory_space<hbm>>) target(%dma_start3A_65 : memref<128x128xf32, #tpu.memory_space<vmem>>) offsets(%dma_start3A_68 : memref<128xi32, #tpu.memory_space<vmem>>) semaphore(%arg10 : memref<!tpu.dma_semaphore, #tpu.memory_space<semaphore_mem>>)
      %dma_wait3A_72 = arith.constant 1 : i32
      %dma_wait3A_73 = arith.constant 1 : i32
      %dma_wait3A_74 = arith.constant 0 : i32
      %dma_wait3A_75 = arith.constant 0 : i32
      %dma_wait3A_76 = tpu.memref_slice %arg9[%dma_wait3A_73, %dma_wait3A_74, %dma_wait3A_75] : memref<2x128x128xf32, #tpu.memory_space<vmem>> -> memref<1x128x128xf32, #tpu.memory_space<vmem>>
      %dma_wait3A_77 = tpu.memref_squeeze %dma_wait3A_76 : memref<1x128x128xf32, #tpu.memory_space<vmem>> -> memref<128x128xf32, #tpu.memory_space<vmem>>
      %dma_wait3A_78 = arith.constant 0 : i32
      %dma_wait3A_79 = tpu.memref_slice %arg7[%dma_wait3A_72, %dma_wait3A_78] : memref<16x128xi32, #tpu.memory_space<vmem>> -> memref<1x128xi32, #tpu.memory_space<vmem>>
      %dma_wait3A_80 = tpu.memref_squeeze %dma_wait3A_79 : memref<1x128xi32, #tpu.memory_space<vmem>> -> memref<128xi32, #tpu.memory_space<vmem>>
      %dma_wait3A_81 = arith.constant 0 : i32
      %dma_wait3A_82 = arith.constant 0 : i32
      %dma_wait3A_83 = tpu.memref_slice %arg2[%dma_wait3A_81, %dma_wait3A_82] : memref<10240x128xf32, #tpu.memory_space<hbm>> -> memref<10240x128xf32, #tpu.memory_space<hbm>>
      tpu.wait_indirect_dma semaphore(%arg10 : memref<!tpu.dma_semaphore, #tpu.memory_space<semaphore_mem>>) src(%dma_wait3A_83 : memref<10240x128xf32, #tpu.memory_space<hbm>>) dst(%dma_wait3A_77 : memref<128x128xf32, #tpu.memory_space<vmem>>)
      %dma_wait3A_84 = arith.constant 0 : i32
      %dma_wait3A_85 = arith.constant 0 : i32
      %dma_wait3A_86 = arith.constant 0 : i32
      %dma_wait3A_87 = arith.constant 0 : i32
      %dma_wait3A_88 = tpu.memref_slice %arg9[%dma_wait3A_84, %dma_wait3A_86, %dma_wait3A_87] : memref<2x128x128xf32, #tpu.memory_space<vmem>> -> memref<1x128x128xf32, #tpu.memory_space<vmem>>
      %dma_wait3A_89 = tpu.memref_squeeze %dma_wait3A_88 : memref<1x128x128xf32, #tpu.memory_space<vmem>> -> memref<128x128xf32, #tpu.memory_space<vmem>>
      %dma_wait3A_90 = arith.constant 0 : i32
      %dma_wait3A_91 = tpu.memref_slice %arg8[%dma_wait3A_85, %dma_wait3A_90] : memref<16x128xi32, #tpu.memory_space<vmem>> -> memref<1x128xi32, #tpu.memory_space<vmem>>
      %dma_wait3A_92 = tpu.memref_squeeze %dma_wait3A_91 : memref<1x128xi32, #tpu.memory_space<vmem>> -> memref<128xi32, #tpu.memory_space<vmem>>
      %dma_wait3A_93 = arith.constant 0 : i32
      %dma_wait3A_94 = arith.constant 0 : i32
      %dma_wait3A_95 = tpu.memref_slice %arg6[%dma_wait3A_93, %dma_wait3A_94] : memref<10240x128xf32, #tpu.memory_space<vmem_shared>> -> memref<10240x128xf32, #tpu.memory_space<vmem_shared>>
      tpu.wait_indirect_dma semaphore(%arg11 : memref<!tpu.dma_semaphore, #tpu.memory_space<semaphore_mem>>) src(%dma_wait3A_89 : memref<128x128xf32, #tpu.memory_space<vmem>>) dst(%dma_wait3A_95 : memref<10240x128xf32, #tpu.memory_space<vmem_shared>>)
      %dma_start3A_96 = arith.constant 1 : i32
      %dma_start3A_97 = arith.constant 1 : i32
      %dma_start3A_98 = arith.constant 0 : i32
      %dma_start3A_99 = arith.constant 0 : i32
      %dma_start3A_100 = tpu.memref_slice %arg9[%dma_start3A_96, %dma_start3A_98, %dma_start3A_99] : memref<2x128x128xf32, #tpu.memory_space<vmem>> -> memref<1x128x128xf32, #tpu.memory_space<vmem>>
      %dma_start3A_101 = tpu.memref_squeeze %dma_start3A_100 : memref<1x128x128xf32, #tpu.memory_space<vmem>> -> memref<128x128xf32, #tpu.memory_space<vmem>>
      %dma_start3A_102 = arith.constant 0 : i32
      %dma_start3A_103 = tpu.memref_slice %arg8[%dma_start3A_97, %dma_start3A_102] : memref<16x128xi32, #tpu.memory_space<vmem>> -> memref<1x128xi32, #tpu.memory_space<vmem>>
      %dma_start3A_104 = tpu.memref_squeeze %dma_start3A_103 : memref<1x128xi32, #tpu.memory_space<vmem>> -> memref<128xi32, #tpu.memory_space<vmem>>
      %dma_start3A_105 = arith.constant 0 : i32
      %dma_start3A_106 = arith.constant 0 : i32
      %dma_start3A_107 = tpu.memref_slice %arg6[%dma_start3A_105, %dma_start3A_106] : memref<10240x128xf32, #tpu.memory_space<vmem_shared>> -> memref<10240x128xf32, #tpu.memory_space<vmem_shared>>
      tpu.enqueue_indirect_dma source(%dma_start3A_101 : memref<128x128xf32, #tpu.memory_space<vmem>>) target(%dma_start3A_107 : memref<10240x128xf32, #tpu.memory_space<vmem_shared>>) offsets(%dma_start3A_104 : memref<128xi32, #tpu.memory_space<vmem>>) semaphore(%arg11 : memref<!tpu.dma_semaphore, #tpu.memory_space<semaphore_mem>>) {add = true}
      %dma_start3A_108 = arith.constant 2 : i32
      %dma_start3A_109 = arith.constant 0 : i32
      %dma_start3A_110 = arith.constant 0 : i32
      %dma_start3A_111 = arith.constant 0 : i32
      %dma_start3A_112 = tpu.memref_slice %arg9[%dma_start3A_109, %dma_start3A_110, %dma_start3A_111] : memref<2x128x128xf32, #tpu.memory_space<vmem>> -> memref<1x128x128xf32, #tpu.memory_space<vmem>>
      %dma_start3A_113 = tpu.memref_squeeze %dma_start3A_112 : memref<1x128x128xf32, #tpu.memory_space<vmem>> -> memref<128x128xf32, #tpu.memory_space<vmem>>
      %dma_start3A_114 = arith.constant 0 : i32
      %dma_start3A_115 = tpu.memref_slice %arg7[%dma_start3A_108, %dma_start3A_114] : memref<16x128xi32, #tpu.memory_space<vmem>> -> memref<1x128xi32, #tpu.memory_space<vmem>>
      %dma_start3A_116 = tpu.memref_squeeze %dma_start3A_115 : memref<1x128xi32, #tpu.memory_space<vmem>> -> memref<128xi32, #tpu.memory_space<vmem>>
      %dma_start3A_117 = arith.constant 0 : i32
      %dma_start3A_118 = arith.constant 0 : i32
      %dma_start3A_119 = tpu.memref_slice %arg2[%dma_start3A_117, %dma_start3A_118] : memref<10240x128xf32, #tpu.memory_space<hbm>> -> memref<10240x128xf32, #tpu.memory_space<hbm>>
      tpu.enqueue_indirect_dma source(%dma_start3A_119 : memref<10240x128xf32, #tpu.memory_space<hbm>>) target(%dma_start3A_113 : memref<128x128xf32, #tpu.memory_space<vmem>>) offsets(%dma_start3A_116 : memref<128xi32, #tpu.memory_space<vmem>>) semaphore(%arg10 : memref<!tpu.dma_semaphore, #tpu.memory_space<semaphore_mem>>)
      %dma_wait3A_120 = arith.constant 2 : i32
      %dma_wait3A_121 = arith.constant 0 : i32
      %dma_wait3A_122 = arith.constant 0 : i32
      %dma_wait3A_123 = arith.constant 0 : i32
      %dma_wait3A_124 = tpu.memref_slice %arg9[%dma_wait3A_121, %dma_wait3A_122, %dma_wait3A_123] : memref<2x128x128xf32, #tpu.memory_space<vmem>> -> memref<1x128x128xf32, #tpu.memory_space<vmem>>
      %dma_wait3A_125 = tpu.memref_squeeze %dma_wait3A_124 : memref<1x128x128xf32, #tpu.memory_space<vmem>> -> memref<128x128xf32, #tpu.memory_space<vmem>>
      %dma_wait3A_126 = arith.constant 0 : i32
      %dma_wait3A_127 = tpu.memref_slice %arg7[%dma_wait3A_120, %dma_wait3A_126] : memref<16x128xi32, #tpu.memory_space<vmem>> -> memref<1x128xi32, #tpu.memory_space<vmem>>
      %dma_wait3A_128 = tpu.memref_squeeze %dma_wait3A_127 : memref<1x128xi32, #tpu.memory_space<vmem>> -> memref<128xi32, #tpu.memory_space<vmem>>
      %dma_wait3A_129 = arith.constant 0 : i32
      %dma_wait3A_130 = arith.constant 0 : i32
      %dma_wait3A_131 = tpu.memref_slice %arg2[%dma_wait3A_129, %dma_wait3A_130] : memref<10240x128xf32, #tpu.memory_space<hbm>> -> memref<10240x128xf32, #tpu.memory_space<hbm>>
      tpu.wait_indirect_dma semaphore(%arg10 : memref<!tpu.dma_semaphore, #tpu.memory_space<semaphore_mem>>) src(%dma_wait3A_131 : memref<10240x128xf32, #tpu.memory_space<hbm>>) dst(%dma_wait3A_125 : memref<128x128xf32, #tpu.memory_space<vmem>>)
      %dma_wait3A_132 = arith.constant 1 : i32
      %dma_wait3A_133 = arith.constant 1 : i32
      %dma_wait3A_134 = arith.constant 0 : i32
      %dma_wait3A_135 = arith.constant 0 : i32
      %dma_wait3A_136 = tpu.memref_slice %arg9[%dma_wait3A_132, %dma_wait3A_134, %dma_wait3A_135] : memref<2x128x128xf32, #tpu.memory_space<vmem>> -> memref<1x128x128xf32, #tpu.memory_space<vmem>>
      %dma_wait3A_137 = tpu.memref_squeeze %dma_wait3A_136 : memref<1x128x128xf32, #tpu.memory_space<vmem>> -> memref<128x128xf32, #tpu.memory_space<vmem>>
      %dma_wait3A_138 = arith.constant 0 : i32
      %dma_wait3A_139 = tpu.memref_slice %arg8[%dma_wait3A_133, %dma_wait3A_138] : memref<16x128xi32, #tpu.memory_space<vmem>> -> memref<1x128xi32, #tpu.memory_space<vmem>>
      %dma_wait3A_140 = tpu.memref_squeeze %dma_wait3A_139 : memref<1x128xi32, #tpu.memory_space<vmem>> -> memref<128xi32, #tpu.memory_space<vmem>>
      %dma_wait3A_141 = arith.constant 0 : i32
      %dma_wait3A_142 = arith.constant 0 : i32
      %dma_wait3A_143 = tpu.memref_slice %arg6[%dma_wait3A_141, %dma_wait3A_142] : memref<10240x128xf32, #tpu.memory_space<vmem_shared>> -> memref<10240x128xf32, #tpu.memory_space<vmem_shared>>
      tpu.wait_indirect_dma semaphore(%arg11 : memref<!tpu.dma_semaphore, #tpu.memory_space<semaphore_mem>>) src(%dma_wait3A_137 : memref<128x128xf32, #tpu.memory_space<vmem>>) dst(%dma_wait3A_143 : memref<10240x128xf32, #tpu.memory_space<vmem_shared>>)
      %dma_start3A_144 = arith.constant 0 : i32
      %dma_start3A_145 = arith.constant 2 : i32
      %dma_start3A_146 = arith.constant 0 : i32
      %dma_start3A_147 = arith.constant 0 : i32
      %dma_start3A_148 = tpu.memref_slice %arg9[%dma_start3A_144, %dma_start3A_146, %dma_start3A_147] : memref<2x128x128xf32, #tpu.memory_space<vmem>> -> memref<1x128x128xf32, #tpu.memory_space<vmem>>
      %dma_start3A_149 = tpu.memref_squeeze %dma_start3A_148 : memref<1x128x128xf32, #tpu.memory_space<vmem>> -> memref<128x128xf32, #tpu.memory_space<vmem>>
      %dma_start3A_150 = arith.constant 0 : i32
      %dma_start3A_151 = tpu.memref_slice %arg8[%dma_start3A_145, %dma_start3A_150] : memref<16x128xi32, #tpu.memory_space<vmem>> -> memref<1x128xi32, #tpu.memory_space<vmem>>
      %dma_start3A_152 = tpu.memref_squeeze %dma_start3A_151 : memref<1x128xi32, #tpu.memory_space<vmem>> -> memref<128xi32, #tpu.memory_space<vmem>>
      %dma_start3A_153 = arith.constant 0 : i32
      %dma_start3A_154 = arith.constant 0 : i32
      %dma_start3A_155 = tpu.memref_slice %arg6[%dma_start3A_153, %dma_start3A_154] : memref<10240x128xf32, #tpu.memory_space<vmem_shared>> -> memref<10240x128xf32, #tpu.memory_space<vmem_shared>>
      tpu.enqueue_indirect_dma source(%dma_start3A_149 : memref<128x128xf32, #tpu.memory_space<vmem>>) target(%dma_start3A_155 : memref<10240x128xf32, #tpu.memory_space<vmem_shared>>) offsets(%dma_start3A_152 : memref<128xi32, #tpu.memory_space<vmem>>) semaphore(%arg11 : memref<!tpu.dma_semaphore, #tpu.memory_space<semaphore_mem>>) {add = true}
      %dma_start3A_156 = arith.constant 3 : i32
      %dma_start3A_157 = arith.constant 1 : i32
      %dma_start3A_158 = arith.constant 0 : i32
      %dma_start3A_159 = arith.constant 0 : i32
      %dma_start3A_160 = tpu.memref_slice %arg9[%dma_start3A_157, %dma_start3A_158, %dma_start3A_159] : memref<2x128x128xf32, #tpu.memory_space<vmem>> -> memref<1x128x128xf32, #tpu.memory_space<vmem>>
      %dma_start3A_161 = tpu.memref_squeeze %dma_start3A_160 : memref<1x128x128xf32, #tpu.memory_space<vmem>> -> memref<128x128xf32, #tpu.memory_space<vmem>>
      %dma_start3A_162 = arith.constant 0 : i32
      %dma_start3A_163 = tpu.memref_slice %arg7[%dma_start3A_156, %dma_start3A_162] : memref<16x128xi32, #tpu.memory_space<vmem>> -> memref<1x128xi32, #tpu.memory_space<vmem>>
      %dma_start3A_164 = tpu.memref_squeeze %dma_start3A_163 : memref<1x128xi32, #tpu.memory_space<vmem>> -> memref<128xi32, #tpu.memory_space<vmem>>
      %dma_start3A_165 = arith.constant 0 : i32
      %dma_start3A_166 = arith.constant 0 : i32
      %dma_start3A_167 = tpu.memref_slice %arg2[%dma_start3A_165, %dma_start3A_166] : memref<10240x128xf32, #tpu.memory_space<hbm>> -> memref<10240x128xf32, #tpu.memory_space<hbm>>
      tpu.enqueue_indirect_dma source(%dma_start3A_167 : memref<10240x128xf32, #tpu.memory_space<hbm>>) target(%dma_start3A_161 : memref<128x128xf32, #tpu.memory_space<vmem>>) offsets(%dma_start3A_164 : memref<128xi32, #tpu.memory_space<vmem>>) semaphore(%arg10 : memref<!tpu.dma_semaphore, #tpu.memory_space<semaphore_mem>>)
      %dma_wait3A_168 = arith.constant 3 : i32
      %dma_wait3A_169 = arith.constant 1 : i32
      %dma_wait3A_170 = arith.constant 0 : i32
      %dma_wait3A_171 = arith.constant 0 : i32
      %dma_wait3A_172 = tpu.memref_slice %arg9[%dma_wait3A_169, %dma_wait3A_170, %dma_wait3A_171] : memref<2x128x128xf32, #tpu.memory_space<vmem>> -> memref<1x128x128xf32, #tpu.memory_space<vmem>>
      %dma_wait3A_173 = tpu.memref_squeeze %dma_wait3A_172 : memref<1x128x128xf32, #tpu.memory_space<vmem>> -> memref<128x128xf32, #tpu.memory_space<vmem>>
      %dma_wait3A_174 = arith.constant 0 : i32
      %dma_wait3A_175 = tpu.memref_slice %arg7[%dma_wait3A_168, %dma_wait3A_174] : memref<16x128xi32, #tpu.memory_space<vmem>> -> memref<1x128xi32, #tpu.memory_space<vmem>>
      %dma_wait3A_176 = tpu.memref_squeeze %dma_wait3A_175 : memref<1x128xi32, #tpu.memory_space<vmem>> -> memref<128xi32, #tpu.memory_space<vmem>>
      %dma_wait3A_177 = arith.constant 0 : i32
      %dma_wait3A_178 = arith.constant 0 : i32
      %dma_wait3A_179 = tpu.memref_slice %arg2[%dma_wait3A_177, %dma_wait3A_178] : memref<10240x128xf32, #tpu.memory_space<hbm>> -> memref<10240x128xf32, #tpu.memory_space<hbm>>
      tpu.wait_indirect_dma semaphore(%arg10 : memref<!tpu.dma_semaphore, #tpu.memory_space<semaphore_mem>>) src(%dma_wait3A_179 : memref<10240x128xf32, #tpu.memory_space<hbm>>) dst(%dma_wait3A_173 : memref<128x128xf32, #tpu.memory_space<vmem>>)
      %dma_wait3A_180 = arith.constant 0 : i32
      %dma_wait3A_181 = arith.constant 2 : i32
      %dma_wait3A_182 = arith.constant 0 : i32
      %dma_wait3A_183 = arith.constant 0 : i32
      %dma_wait3A_184 = tpu.memref_slice %arg9[%dma_wait3A_180, %dma_wait3A_182, %dma_wait3A_183] : memref<2x128x128xf32, #tpu.memory_space<vmem>> -> memref<1x128x128xf32, #tpu.memory_space<vmem>>
      %dma_wait3A_185 = tpu.memref_squeeze %dma_wait3A_184 : memref<1x128x128xf32, #tpu.memory_space<vmem>> -> memref<128x128xf32, #tpu.memory_space<vmem>>
      %dma_wait3A_186 = arith.constant 0 : i32
      %dma_wait3A_187 = tpu.memref_slice %arg8[%dma_wait3A_181, %dma_wait3A_186] : memref<16x128xi32, #tpu.memory_space<vmem>> -> memref<1x128xi32, #tpu.memory_space<vmem>>
      %dma_wait3A_188 = tpu.memref_squeeze %dma_wait3A_187 : memref<1x128xi32, #tpu.memory_space<vmem>> -> memref<128xi32, #tpu.memory_space<vmem>>
      %dma_wait3A_189 = arith.constant 0 : i32
      %dma_wait3A_190 = arith.constant 0 : i32
      %dma_wait3A_191 = tpu.memref_slice %arg6[%dma_wait3A_189, %dma_wait3A_190] : memref<10240x128xf32, #tpu.memory_space<vmem_shared>> -> memref<10240x128xf32, #tpu.memory_space<vmem_shared>>
      tpu.wait_indirect_dma semaphore(%arg11 : memref<!tpu.dma_semaphore, #tpu.memory_space<semaphore_mem>>) src(%dma_wait3A_185 : memref<128x128xf32, #tpu.memory_space<vmem>>) dst(%dma_wait3A_191 : memref<10240x128xf32, #tpu.memory_space<vmem_shared>>)
      %dma_start3A_192 = arith.constant 1 : i32
      %dma_start3A_193 = arith.constant 3 : i32
      %dma_start3A_194 = arith.constant 0 : i32
      %dma_start3A_195 = arith.constant 0 : i32
      %dma_start3A_196 = tpu.memref_slice %arg9[%dma_start3A_192, %dma_start3A_194, %dma_start3A_195] : memref<2x128x128xf32, #tpu.memory_space<vmem>> -> memref<1x128x128xf32, #tpu.memory_space<vmem>>
      %dma_start3A_197 = tpu.memref_squeeze %dma_start3A_196 : memref<1x128x128xf32, #tpu.memory_space<vmem>> -> memref<128x128xf32, #tpu.memory_space<vmem>>
      %dma_start3A_198 = arith.constant 0 : i32
      %dma_start3A_199 = tpu.memref_slice %arg8[%dma_start3A_193, %dma_start3A_198] : memref<16x128xi32, #tpu.memory_space<vmem>> -> memref<1x128xi32, #tpu.memory_space<vmem>>
      %dma_start3A_200 = tpu.memref_squeeze %dma_start3A_199 : memref<1x128xi32, #tpu.memory_space<vmem>> -> memref<128xi32, #tpu.memory_space<vmem>>
      %dma_start3A_201 = arith.constant 0 : i32
      %dma_start3A_202 = arith.constant 0 : i32
      %dma_start3A_203 = tpu.memref_slice %arg6[%dma_start3A_201, %dma_start3A_202] : memref<10240x128xf32, #tpu.memory_space<vmem_shared>> -> memref<10240x128xf32, #tpu.memory_space<vmem_shared>>
      tpu.enqueue_indirect_dma source(%dma_start3A_197 : memref<128x128xf32, #tpu.memory_space<vmem>>) target(%dma_start3A_203 : memref<10240x128xf32, #tpu.memory_space<vmem_shared>>) offsets(%dma_start3A_200 : memref<128xi32, #tpu.memory_space<vmem>>) semaphore(%arg11 : memref<!tpu.dma_semaphore, #tpu.memory_space<semaphore_mem>>) {add = true}
      %dma_start3A_204 = arith.constant 4 : i32
      %dma_start3A_205 = arith.constant 0 : i32
      %dma_start3A_206 = arith.constant 0 : i32
      %dma_start3A_207 = arith.constant 0 : i32
      %dma_start3A_208 = tpu.memref_slice %arg9[%dma_start3A_205, %dma_start3A_206, %dma_start3A_207] : memref<2x128x128xf32, #tpu.memory_space<vmem>> -> memref<1x128x128xf32, #tpu.memory_space<vmem>>
      %dma_start3A_209 = tpu.memref_squeeze %dma_start3A_208 : memref<1x128x128xf32, #tpu.memory_space<vmem>> -> memref<128x128xf32, #tpu.memory_space<vmem>>
      %dma_start3A_210 = arith.constant 0 : i32
      %dma_start3A_211 = tpu.memref_slice %arg7[%dma_start3A_204, %dma_start3A_210] : memref<16x128xi32, #tpu.memory_space<vmem>> -> memref<1x128xi32, #tpu.memory_space<vmem>>
      %dma_start3A_212 = tpu.memref_squeeze %dma_start3A_211 : memref<1x128xi32, #tpu.memory_space<vmem>> -> memref<128xi32, #tpu.memory_space<vmem>>
      %dma_start3A_213 = arith.constant 0 : i32
      %dma_start3A_214 = arith.constant 0 : i32
      %dma_start3A_215 = tpu.memref_slice %arg2[%dma_start3A_213, %dma_start3A_214] : memref<10240x128xf32, #tpu.memory_space<hbm>> -> memref<10240x128xf32, #tpu.memory_space<hbm>>
      tpu.enqueue_indirect_dma source(%dma_start3A_215 : memref<10240x128xf32, #tpu.memory_space<hbm>>) target(%dma_start3A_209 : memref<128x128xf32, #tpu.memory_space<vmem>>) offsets(%dma_start3A_212 : memref<128xi32, #tpu.memory_space<vmem>>) semaphore(%arg10 : memref<!tpu.dma_semaphore, #tpu.memory_space<semaphore_mem>>)
      %dma_wait3A_216 = arith.constant 4 : i32
      %dma_wait3A_217 = arith.constant 0 : i32
      %dma_wait3A_218 = arith.constant 0 : i32
      %dma_wait3A_219 = arith.constant 0 : i32
      %dma_wait3A_220 = tpu.memref_slice %arg9[%dma_wait3A_217, %dma_wait3A_218, %dma_wait3A_219] : memref<2x128x128xf32, #tpu.memory_space<vmem>> -> memref<1x128x128xf32, #tpu.memory_space<vmem>>
      %dma_wait3A_221 = tpu.memref_squeeze %dma_wait3A_220 : memref<1x128x128xf32, #tpu.memory_space<vmem>> -> memref<128x128xf32, #tpu.memory_space<vmem>>
      %dma_wait3A_222 = arith.constant 0 : i32
      %dma_wait3A_223 = tpu.memref_slice %arg7[%dma_wait3A_216, %dma_wait3A_222] : memref<16x128xi32, #tpu.memory_space<vmem>> -> memref<1x128xi32, #tpu.memory_space<vmem>>
      %dma_wait3A_224 = tpu.memref_squeeze %dma_wait3A_223 : memref<1x128xi32, #tpu.memory_space<vmem>> -> memref<128xi32, #tpu.memory_space<vmem>>
      %dma_wait3A_225 = arith.constant 0 : i32
      %dma_wait3A_226 = arith.constant 0 : i32
      %dma_wait3A_227 = tpu.memref_slice %arg2[%dma_wait3A_225, %dma_wait3A_226] : memref<10240x128xf32, #tpu.memory_space<hbm>> -> memref<10240x128xf32, #tpu.memory_space<hbm>>
      tpu.wait_indirect_dma semaphore(%arg10 : memref<!tpu.dma_semaphore, #tpu.memory_space<semaphore_mem>>) src(%dma_wait3A_227 : memref<10240x128xf32, #tpu.memory_space<hbm>>) dst(%dma_wait3A_221 : memref<128x128xf32, #tpu.memory_space<vmem>>)
      %dma_wait3A_228 = arith.constant 1 : i32
      %dma_wait3A_229 = arith.constant 3 : i32
      %dma_wait3A_230 = arith.constant 0 : i32
      %dma_wait3A_231 = arith.constant 0 : i32
      %dma_wait3A_232 = tpu.memref_slice %arg9[%dma_wait3A_228, %dma_wait3A_230, %dma_wait3A_231] : memref<2x128x128xf32, #tpu.memory_space<vmem>> -> memref<1x128x128xf32, #tpu.memory_space<vmem>>
      %dma_wait3A_233 = tpu.memref_squeeze %dma_wait3A_232 : memref<1x128x128xf32, #tpu.memory_space<vmem>> -> memref<128x128xf32, #tpu.memory_space<vmem>>
      %dma_wait3A_234 = arith.constant 0 : i32
      %dma_wait3A_235 = tpu.memref_slice %arg8[%dma_wait3A_229, %dma_wait3A_234] : memref<16x128xi32, #tpu.memory_space<vmem>> -> memref<1x128xi32, #tpu.memory_space<vmem>>
      %dma_wait3A_236 = tpu.memref_squeeze %dma_wait3A_235 : memref<1x128xi32, #tpu.memory_space<vmem>> -> memref<128xi32, #tpu.memory_space<vmem>>
      %dma_wait3A_237 = arith.constant 0 : i32
      %dma_wait3A_238 = arith.constant 0 : i32
      %dma_wait3A_239 = tpu.memref_slice %arg6[%dma_wait3A_237, %dma_wait3A_238] : memref<10240x128xf32, #tpu.memory_space<vmem_shared>> -> memref<10240x128xf32, #tpu.memory_space<vmem_shared>>
      tpu.wait_indirect_dma semaphore(%arg11 : memref<!tpu.dma_semaphore, #tpu.memory_space<semaphore_mem>>) src(%dma_wait3A_233 : memref<128x128xf32, #tpu.memory_space<vmem>>) dst(%dma_wait3A_239 : memref<10240x128xf32, #tpu.memory_space<vmem_shared>>)
      %dma_start3A_240 = arith.constant 0 : i32
      %dma_start3A_241 = arith.constant 4 : i32
      %dma_start3A_242 = arith.constant 0 : i32
      %dma_start3A_243 = arith.constant 0 : i32
      %dma_start3A_244 = tpu.memref_slice %arg9[%dma_start3A_240, %dma_start3A_242, %dma_start3A_243] : memref<2x128x128xf32, #tpu.memory_space<vmem>> -> memref<1x128x128xf32, #tpu.memory_space<vmem>>
      %dma_start3A_245 = tpu.memref_squeeze %dma_start3A_244 : memref<1x128x128xf32, #tpu.memory_space<vmem>> -> memref<128x128xf32, #tpu.memory_space<vmem>>
      %dma_start3A_246 = arith.constant 0 : i32
      %dma_start3A_247 = tpu.memref_slice %arg8[%dma_start3A_241, %dma_start3A_246] : memref<16x128xi32, #tpu.memory_space<vmem>> -> memref<1x128xi32, #tpu.memory_space<vmem>>
      %dma_start3A_248 = tpu.memref_squeeze %dma_start3A_247 : memref<1x128xi32, #tpu.memory_space<vmem>> -> memref<128xi32, #tpu.memory_space<vmem>>
      %dma_start3A_249 = arith.constant 0 : i32
      %dma_start3A_250 = arith.constant 0 : i32
      %dma_start3A_251 = tpu.memref_slice %arg6[%dma_start3A_249, %dma_start3A_250] : memref<10240x128xf32, #tpu.memory_space<vmem_shared>> -> memref<10240x128xf32, #tpu.memory_space<vmem_shared>>
      tpu.enqueue_indirect_dma source(%dma_start3A_245 : memref<128x128xf32, #tpu.memory_space<vmem>>) target(%dma_start3A_251 : memref<10240x128xf32, #tpu.memory_space<vmem_shared>>) offsets(%dma_start3A_248 : memref<128xi32, #tpu.memory_space<vmem>>) semaphore(%arg11 : memref<!tpu.dma_semaphore, #tpu.memory_space<semaphore_mem>>) {add = true}
      %dma_start3A_252 = arith.constant 5 : i32
      %dma_start3A_253 = arith.constant 1 : i32
      %dma_start3A_254 = arith.constant 0 : i32
      %dma_start3A_255 = arith.constant 0 : i32
      %dma_start3A_256 = tpu.memref_slice %arg9[%dma_start3A_253, %dma_start3A_254, %dma_start3A_255] : memref<2x128x128xf32, #tpu.memory_space<vmem>> -> memref<1x128x128xf32, #tpu.memory_space<vmem>>
      %dma_start3A_257 = tpu.memref_squeeze %dma_start3A_256 : memref<1x128x128xf32, #tpu.memory_space<vmem>> -> memref<128x128xf32, #tpu.memory_space<vmem>>
      %dma_start3A_258 = arith.constant 0 : i32
      %dma_start3A_259 = tpu.memref_slice %arg7[%dma_start3A_252, %dma_start3A_258] : memref<16x128xi32, #tpu.memory_space<vmem>> -> memref<1x128xi32, #tpu.memory_space<vmem>>
      %dma_start3A_260 = tpu.memref_squeeze %dma_start3A_259 : memref<1x128xi32, #tpu.memory_space<vmem>> -> memref<128xi32, #tpu.memory_space<vmem>>
      %dma_start3A_261 = arith.constant 0 : i32
      %dma_start3A_262 = arith.constant 0 : i32
      %dma_start3A_263 = tpu.memref_slice %arg2[%dma_start3A_261, %dma_start3A_262] : memref<10240x128xf32, #tpu.memory_space<hbm>> -> memref<10240x128xf32, #tpu.memory_space<hbm>>
      tpu.enqueue_indirect_dma source(%dma_start3A_263 : memref<10240x128xf32, #tpu.memory_space<hbm>>) target(%dma_start3A_257 : memref<128x128xf32, #tpu.memory_space<vmem>>) offsets(%dma_start3A_260 : memref<128xi32, #tpu.memory_space<vmem>>) semaphore(%arg10 : memref<!tpu.dma_semaphore, #tpu.memory_space<semaphore_mem>>)
      %dma_wait3A_264 = arith.constant 5 : i32
      %dma_wait3A_265 = arith.constant 1 : i32
      %dma_wait3A_266 = arith.constant 0 : i32
      %dma_wait3A_267 = arith.constant 0 : i32
      %dma_wait3A_268 = tpu.memref_slice %arg9[%dma_wait3A_265, %dma_wait3A_266, %dma_wait3A_267] : memref<2x128x128xf32, #tpu.memory_space<vmem>> -> memref<1x128x128xf32, #tpu.memory_space<vmem>>
      %dma_wait3A_269 = tpu.memref_squeeze %dma_wait3A_268 : memref<1x128x128xf32, #tpu.memory_space<vmem>> -> memref<128x128xf32, #tpu.memory_space<vmem>>
      %dma_wait3A_270 = arith.constant 0 : i32
      %dma_wait3A_271 = tpu.memref_slice %arg7[%dma_wait3A_264, %dma_wait3A_270] : memref<16x128xi32, #tpu.memory_space<vmem>> -> memref<1x128xi32, #tpu.memory_space<vmem>>
      %dma_wait3A_272 = tpu.memref_squeeze %dma_wait3A_271 : memref<1x128xi32, #tpu.memory_space<vmem>> -> memref<128xi32, #tpu.memory_space<vmem>>
      %dma_wait3A_273 = arith.constant 0 : i32
      %dma_wait3A_274 = arith.constant 0 : i32
      %dma_wait3A_275 = tpu.memref_slice %arg2[%dma_wait3A_273, %dma_wait3A_274] : memref<10240x128xf32, #tpu.memory_space<hbm>> -> memref<10240x128xf32, #tpu.memory_space<hbm>>
      tpu.wait_indirect_dma semaphore(%arg10 : memref<!tpu.dma_semaphore, #tpu.memory_space<semaphore_mem>>) src(%dma_wait3A_275 : memref<10240x128xf32, #tpu.memory_space<hbm>>) dst(%dma_wait3A_269 : memref<128x128xf32, #tpu.memory_space<vmem>>)
      %dma_wait3A_276 = arith.constant 0 : i32
      %dma_wait3A_277 = arith.constant 4 : i32
      %dma_wait3A_278 = arith.constant 0 : i32
      %dma_wait3A_279 = arith.constant 0 : i32
      %dma_wait3A_280 = tpu.memref_slice %arg9[%dma_wait3A_276, %dma_wait3A_278, %dma_wait3A_279] : memref<2x128x128xf32, #tpu.memory_space<vmem>> -> memref<1x128x128xf32, #tpu.memory_space<vmem>>
      %dma_wait3A_281 = tpu.memref_squeeze %dma_wait3A_280 : memref<1x128x128xf32, #tpu.memory_space<vmem>> -> memref<128x128xf32, #tpu.memory_space<vmem>>
      %dma_wait3A_282 = arith.constant 0 : i32
      %dma_wait3A_283 = tpu.memref_slice %arg8[%dma_wait3A_277, %dma_wait3A_282] : memref<16x128xi32, #tpu.memory_space<vmem>> -> memref<1x128xi32, #tpu.memory_space<vmem>>
      %dma_wait3A_284 = tpu.memref_squeeze %dma_wait3A_283 : memref<1x128xi32, #tpu.memory_space<vmem>> -> memref<128xi32, #tpu.memory_space<vmem>>
      %dma_wait3A_285 = arith.constant 0 : i32
      %dma_wait3A_286 = arith.constant 0 : i32
      %dma_wait3A_287 = tpu.memref_slice %arg6[%dma_wait3A_285, %dma_wait3A_286] : memref<10240x128xf32, #tpu.memory_space<vmem_shared>> -> memref<10240x128xf32, #tpu.memory_space<vmem_shared>>
      tpu.wait_indirect_dma semaphore(%arg11 : memref<!tpu.dma_semaphore, #tpu.memory_space<semaphore_mem>>) src(%dma_wait3A_281 : memref<128x128xf32, #tpu.memory_space<vmem>>) dst(%dma_wait3A_287 : memref<10240x128xf32, #tpu.memory_space<vmem_shared>>)
      %dma_start3A_288 = arith.constant 1 : i32
      %dma_start3A_289 = arith.constant 5 : i32
      %dma_start3A_290 = arith.constant 0 : i32
      %dma_start3A_291 = arith.constant 0 : i32
      %dma_start3A_292 = tpu.memref_slice %arg9[%dma_start3A_288, %dma_start3A_290, %dma_start3A_291] : memref<2x128x128xf32, #tpu.memory_space<vmem>> -> memref<1x128x128xf32, #tpu.memory_space<vmem>>
      %dma_start3A_293 = tpu.memref_squeeze %dma_start3A_292 : memref<1x128x128xf32, #tpu.memory_space<vmem>> -> memref<128x128xf32, #tpu.memory_space<vmem>>
      %dma_start3A_294 = arith.constant 0 : i32
      %dma_start3A_295 = tpu.memref_slice %arg8[%dma_start3A_289, %dma_start3A_294] : memref<16x128xi32, #tpu.memory_space<vmem>> -> memref<1x128xi32, #tpu.memory_space<vmem>>
      %dma_start3A_296 = tpu.memref_squeeze %dma_start3A_295 : memref<1x128xi32, #tpu.memory_space<vmem>> -> memref<128xi32, #tpu.memory_space<vmem>>
      %dma_start3A_297 = arith.constant 0 : i32
      %dma_start3A_298 = arith.constant 0 : i32
      %dma_start3A_299 = tpu.memref_slice %arg6[%dma_start3A_297, %dma_start3A_298] : memref<10240x128xf32, #tpu.memory_space<vmem_shared>> -> memref<10240x128xf32, #tpu.memory_space<vmem_shared>>
      tpu.enqueue_indirect_dma source(%dma_start3A_293 : memref<128x128xf32, #tpu.memory_space<vmem>>) target(%dma_start3A_299 : memref<10240x128xf32, #tpu.memory_space<vmem_shared>>) offsets(%dma_start3A_296 : memref<128xi32, #tpu.memory_space<vmem>>) semaphore(%arg11 : memref<!tpu.dma_semaphore, #tpu.memory_space<semaphore_mem>>) {add = true}
      %dma_start3A_300 = arith.constant 6 : i32
      %dma_start3A_301 = arith.constant 0 : i32
      %dma_start3A_302 = arith.constant 0 : i32
      %dma_start3A_303 = arith.constant 0 : i32
      %dma_start3A_304 = tpu.memref_slice %arg9[%dma_start3A_301, %dma_start3A_302, %dma_start3A_303] : memref<2x128x128xf32, #tpu.memory_space<vmem>> -> memref<1x128x128xf32, #tpu.memory_space<vmem>>
      %dma_start3A_305 = tpu.memref_squeeze %dma_start3A_304 : memref<1x128x128xf32, #tpu.memory_space<vmem>> -> memref<128x128xf32, #tpu.memory_space<vmem>>
      %dma_start3A_306 = arith.constant 0 : i32
      %dma_start3A_307 = tpu.memref_slice %arg7[%dma_start3A_300, %dma_start3A_306] : memref<16x128xi32, #tpu.memory_space<vmem>> -> memref<1x128xi32, #tpu.memory_space<vmem>>
      %dma_start3A_308 = tpu.memref_squeeze %dma_start3A_307 : memref<1x128xi32, #tpu.memory_space<vmem>> -> memref<128xi32, #tpu.memory_space<vmem>>
      %dma_start3A_309 = arith.constant 0 : i32
      %dma_start3A_310 = arith.constant 0 : i32
      %dma_start3A_311 = tpu.memref_slice %arg2[%dma_start3A_309, %dma_start3A_310] : memref<10240x128xf32, #tpu.memory_space<hbm>> -> memref<10240x128xf32, #tpu.memory_space<hbm>>
      tpu.enqueue_indirect_dma source(%dma_start3A_311 : memref<10240x128xf32, #tpu.memory_space<hbm>>) target(%dma_start3A_305 : memref<128x128xf32, #tpu.memory_space<vmem>>) offsets(%dma_start3A_308 : memref<128xi32, #tpu.memory_space<vmem>>) semaphore(%arg10 : memref<!tpu.dma_semaphore, #tpu.memory_space<semaphore_mem>>)
      %dma_wait3A_312 = arith.constant 6 : i32
      %dma_wait3A_313 = arith.constant 0 : i32
      %dma_wait3A_314 = arith.constant 0 : i32
      %dma_wait3A_315 = arith.constant 0 : i32
      %dma_wait3A_316 = tpu.memref_slice %arg9[%dma_wait3A_313, %dma_wait3A_314, %dma_wait3A_315] : memref<2x128x128xf32, #tpu.memory_space<vmem>> -> memref<1x128x128xf32, #tpu.memory_space<vmem>>
      %dma_wait3A_317 = tpu.memref_squeeze %dma_wait3A_316 : memref<1x128x128xf32, #tpu.memory_space<vmem>> -> memref<128x128xf32, #tpu.memory_space<vmem>>
      %dma_wait3A_318 = arith.constant 0 : i32
      %dma_wait3A_319 = tpu.memref_slice %arg7[%dma_wait3A_312, %dma_wait3A_318] : memref<16x128xi32, #tpu.memory_space<vmem>> -> memref<1x128xi32, #tpu.memory_space<vmem>>
      %dma_wait3A_320 = tpu.memref_squeeze %dma_wait3A_319 : memref<1x128xi32, #tpu.memory_space<vmem>> -> memref<128xi32, #tpu.memory_space<vmem>>
      %dma_wait3A_321 = arith.constant 0 : i32
      %dma_wait3A_322 = arith.constant 0 : i32
      %dma_wait3A_323 = tpu.memref_slice %arg2[%dma_wait3A_321, %dma_wait3A_322] : memref<10240x128xf32, #tpu.memory_space<hbm>> -> memref<10240x128xf32, #tpu.memory_space<hbm>>
      tpu.wait_indirect_dma semaphore(%arg10 : memref<!tpu.dma_semaphore, #tpu.memory_space<semaphore_mem>>) src(%dma_wait3A_323 : memref<10240x128xf32, #tpu.memory_space<hbm>>) dst(%dma_wait3A_317 : memref<128x128xf32, #tpu.memory_space<vmem>>)
      %dma_wait3A_324 = arith.constant 1 : i32
      %dma_wait3A_325 = arith.constant 5 : i32
      %dma_wait3A_326 = arith.constant 0 : i32
      %dma_wait3A_327 = arith.constant 0 : i32
      %dma_wait3A_328 = tpu.memref_slice %arg9[%dma_wait3A_324, %dma_wait3A_326, %dma_wait3A_327] : memref<2x128x128xf32, #tpu.memory_space<vmem>> -> memref<1x128x128xf32, #tpu.memory_space<vmem>>
      %dma_wait3A_329 = tpu.memref_squeeze %dma_wait3A_328 : memref<1x128x128xf32, #tpu.memory_space<vmem>> -> memref<128x128xf32, #tpu.memory_space<vmem>>
      %dma_wait3A_330 = arith.constant 0 : i32
      %dma_wait3A_331 = tpu.memref_slice %arg8[%dma_wait3A_325, %dma_wait3A_330] : memref<16x128xi32, #tpu.memory_space<vmem>> -> memref<1x128xi32, #tpu.memory_space<vmem>>
      %dma_wait3A_332 = tpu.memref_squeeze %dma_wait3A_331 : memref<1x128xi32, #tpu.memory_space<vmem>> -> memref<128xi32, #tpu.memory_space<vmem>>
      %dma_wait3A_333 = arith.constant 0 : i32
      %dma_wait3A_334 = arith.constant 0 : i32
      %dma_wait3A_335 = tpu.memref_slice %arg6[%dma_wait3A_333, %dma_wait3A_334] : memref<10240x128xf32, #tpu.memory_space<vmem_shared>> -> memref<10240x128xf32, #tpu.memory_space<vmem_shared>>
      tpu.wait_indirect_dma semaphore(%arg11 : memref<!tpu.dma_semaphore, #tpu.memory_space<semaphore_mem>>) src(%dma_wait3A_329 : memref<128x128xf32, #tpu.memory_space<vmem>>) dst(%dma_wait3A_335 : memref<10240x128xf32, #tpu.memory_space<vmem_shared>>)
      %dma_start3A_336 = arith.constant 0 : i32
      %dma_start3A_337 = arith.constant 6 : i32
      %dma_start3A_338 = arith.constant 0 : i32
      %dma_start3A_339 = arith.constant 0 : i32
      %dma_start3A_340 = tpu.memref_slice %arg9[%dma_start3A_336, %dma_start3A_338, %dma_start3A_339] : memref<2x128x128xf32, #tpu.memory_space<vmem>> -> memref<1x128x128xf32, #tpu.memory_space<vmem>>
      %dma_start3A_341 = tpu.memref_squeeze %dma_start3A_340 : memref<1x128x128xf32, #tpu.memory_space<vmem>> -> memref<128x128xf32, #tpu.memory_space<vmem>>
      %dma_start3A_342 = arith.constant 0 : i32
      %dma_start3A_343 = tpu.memref_slice %arg8[%dma_start3A_337, %dma_start3A_342] : memref<16x128xi32, #tpu.memory_space<vmem>> -> memref<1x128xi32, #tpu.memory_space<vmem>>
      %dma_start3A_344 = tpu.memref_squeeze %dma_start3A_343 : memref<1x128xi32, #tpu.memory_space<vmem>> -> memref<128xi32, #tpu.memory_space<vmem>>
      %dma_start3A_345 = arith.constant 0 : i32
      %dma_start3A_346 = arith.constant 0 : i32
      %dma_start3A_347 = tpu.memref_slice %arg6[%dma_start3A_345, %dma_start3A_346] : memref<10240x128xf32, #tpu.memory_space<vmem_shared>> -> memref<10240x128xf32, #tpu.memory_space<vmem_shared>>
      tpu.enqueue_indirect_dma source(%dma_start3A_341 : memref<128x128xf32, #tpu.memory_space<vmem>>) target(%dma_start3A_347 : memref<10240x128xf32, #tpu.memory_space<vmem_shared>>) offsets(%dma_start3A_344 : memref<128xi32, #tpu.memory_space<vmem>>) semaphore(%arg11 : memref<!tpu.dma_semaphore, #tpu.memory_space<semaphore_mem>>) {add = true}
      %dma_start3A_348 = arith.constant 7 : i32
      %dma_start3A_349 = arith.constant 1 : i32
      %dma_start3A_350 = arith.constant 0 : i32
      %dma_start3A_351 = arith.constant 0 : i32
      %dma_start3A_352 = tpu.memref_slice %arg9[%dma_start3A_349, %dma_start3A_350, %dma_start3A_351] : memref<2x128x128xf32, #tpu.memory_space<vmem>> -> memref<1x128x128xf32, #tpu.memory_space<vmem>>
      %dma_start3A_353 = tpu.memref_squeeze %dma_start3A_352 : memref<1x128x128xf32, #tpu.memory_space<vmem>> -> memref<128x128xf32, #tpu.memory_space<vmem>>
      %dma_start3A_354 = arith.constant 0 : i32
      %dma_start3A_355 = tpu.memref_slice %arg7[%dma_start3A_348, %dma_start3A_354] : memref<16x128xi32, #tpu.memory_space<vmem>> -> memref<1x128xi32, #tpu.memory_space<vmem>>
      %dma_start3A_356 = tpu.memref_squeeze %dma_start3A_355 : memref<1x128xi32, #tpu.memory_space<vmem>> -> memref<128xi32, #tpu.memory_space<vmem>>
      %dma_start3A_357 = arith.constant 0 : i32
      %dma_start3A_358 = arith.constant 0 : i32
      %dma_start3A_359 = tpu.memref_slice %arg2[%dma_start3A_357, %dma_start3A_358] : memref<10240x128xf32, #tpu.memory_space<hbm>> -> memref<10240x128xf32, #tpu.memory_space<hbm>>
      tpu.enqueue_indirect_dma source(%dma_start3A_359 : memref<10240x128xf32, #tpu.memory_space<hbm>>) target(%dma_start3A_353 : memref<128x128xf32, #tpu.memory_space<vmem>>) offsets(%dma_start3A_356 : memref<128xi32, #tpu.memory_space<vmem>>) semaphore(%arg10 : memref<!tpu.dma_semaphore, #tpu.memory_space<semaphore_mem>>)
      %dma_wait3A_360 = arith.constant 7 : i32
      %dma_wait3A_361 = arith.constant 1 : i32
      %dma_wait3A_362 = arith.constant 0 : i32
      %dma_wait3A_363 = arith.constant 0 : i32
      %dma_wait3A_364 = tpu.memref_slice %arg9[%dma_wait3A_361, %dma_wait3A_362, %dma_wait3A_363] : memref<2x128x128xf32, #tpu.memory_space<vmem>> -> memref<1x128x128xf32, #tpu.memory_space<vmem>>
      %dma_wait3A_365 = tpu.memref_squeeze %dma_wait3A_364 : memref<1x128x128xf32, #tpu.memory_space<vmem>> -> memref<128x128xf32, #tpu.memory_space<vmem>>
      %dma_wait3A_366 = arith.constant 0 : i32
      %dma_wait3A_367 = tpu.memref_slice %arg7[%dma_wait3A_360, %dma_wait3A_366] : memref<16x128xi32, #tpu.memory_space<vmem>> -> memref<1x128xi32, #tpu.memory_space<vmem>>
      %dma_wait3A_368 = tpu.memref_squeeze %dma_wait3A_367 : memref<1x128xi32, #tpu.memory_space<vmem>> -> memref<128xi32, #tpu.memory_space<vmem>>
      %dma_wait3A_369 = arith.constant 0 : i32
      %dma_wait3A_370 = arith.constant 0 : i32
      %dma_wait3A_371 = tpu.memref_slice %arg2[%dma_wait3A_369, %dma_wait3A_370] : memref<10240x128xf32, #tpu.memory_space<hbm>> -> memref<10240x128xf32, #tpu.memory_space<hbm>>
      tpu.wait_indirect_dma semaphore(%arg10 : memref<!tpu.dma_semaphore, #tpu.memory_space<semaphore_mem>>) src(%dma_wait3A_371 : memref<10240x128xf32, #tpu.memory_space<hbm>>) dst(%dma_wait3A_365 : memref<128x128xf32, #tpu.memory_space<vmem>>)
      %dma_wait3A_372 = arith.constant 0 : i32
      %dma_wait3A_373 = arith.constant 6 : i32
      %dma_wait3A_374 = arith.constant 0 : i32
      %dma_wait3A_375 = arith.constant 0 : i32
      %dma_wait3A_376 = tpu.memref_slice %arg9[%dma_wait3A_372, %dma_wait3A_374, %dma_wait3A_375] : memref<2x128x128xf32, #tpu.memory_space<vmem>> -> memref<1x128x128xf32, #tpu.memory_space<vmem>>
      %dma_wait3A_377 = tpu.memref_squeeze %dma_wait3A_376 : memref<1x128x128xf32, #tpu.memory_space<vmem>> -> memref<128x128xf32, #tpu.memory_space<vmem>>
      %dma_wait3A_378 = arith.constant 0 : i32
      %dma_wait3A_379 = tpu.memref_slice %arg8[%dma_wait3A_373, %dma_wait3A_378] : memref<16x128xi32, #tpu.memory_space<vmem>> -> memref<1x128xi32, #tpu.memory_space<vmem>>
      %dma_wait3A_380 = tpu.memref_squeeze %dma_wait3A_379 : memref<1x128xi32, #tpu.memory_space<vmem>> -> memref<128xi32, #tpu.memory_space<vmem>>
      %dma_wait3A_381 = arith.constant 0 : i32
      %dma_wait3A_382 = arith.constant 0 : i32
      %dma_wait3A_383 = tpu.memref_slice %arg6[%dma_wait3A_381, %dma_wait3A_382] : memref<10240x128xf32, #tpu.memory_space<vmem_shared>> -> memref<10240x128xf32, #tpu.memory_space<vmem_shared>>
      tpu.wait_indirect_dma semaphore(%arg11 : memref<!tpu.dma_semaphore, #tpu.memory_space<semaphore_mem>>) src(%dma_wait3A_377 : memref<128x128xf32, #tpu.memory_space<vmem>>) dst(%dma_wait3A_383 : memref<10240x128xf32, #tpu.memory_space<vmem_shared>>)
      %dma_start3A_384 = arith.constant 1 : i32
      %dma_start3A_385 = arith.constant 7 : i32
      %dma_start3A_386 = arith.constant 0 : i32
      %dma_start3A_387 = arith.constant 0 : i32
      %dma_start3A_388 = tpu.memref_slice %arg9[%dma_start3A_384, %dma_start3A_386, %dma_start3A_387] : memref<2x128x128xf32, #tpu.memory_space<vmem>> -> memref<1x128x128xf32, #tpu.memory_space<vmem>>
      %dma_start3A_389 = tpu.memref_squeeze %dma_start3A_388 : memref<1x128x128xf32, #tpu.memory_space<vmem>> -> memref<128x128xf32, #tpu.memory_space<vmem>>
      %dma_start3A_390 = arith.constant 0 : i32
      %dma_start3A_391 = tpu.memref_slice %arg8[%dma_start3A_385, %dma_start3A_390] : memref<16x128xi32, #tpu.memory_space<vmem>> -> memref<1x128xi32, #tpu.memory_space<vmem>>
      %dma_start3A_392 = tpu.memref_squeeze %dma_start3A_391 : memref<1x128xi32, #tpu.memory_space<vmem>> -> memref<128xi32, #tpu.memory_space<vmem>>
      %dma_start3A_393 = arith.constant 0 : i32
      %dma_start3A_394 = arith.constant 0 : i32
      %dma_start3A_395 = tpu.memref_slice %arg6[%dma_start3A_393, %dma_start3A_394] : memref<10240x128xf32, #tpu.memory_space<vmem_shared>> -> memref<10240x128xf32, #tpu.memory_space<vmem_shared>>
      tpu.enqueue_indirect_dma source(%dma_start3A_389 : memref<128x128xf32, #tpu.memory_space<vmem>>) target(%dma_start3A_395 : memref<10240x128xf32, #tpu.memory_space<vmem_shared>>) offsets(%dma_start3A_392 : memref<128xi32, #tpu.memory_space<vmem>>) semaphore(%arg11 : memref<!tpu.dma_semaphore, #tpu.memory_space<semaphore_mem>>) {add = true}
      %dma_start3A_396 = arith.constant 8 : i32
      %dma_start3A_397 = arith.constant 0 : i32
      %dma_start3A_398 = arith.constant 0 : i32
      %dma_start3A_399 = arith.constant 0 : i32
      %dma_start3A_400 = tpu.memref_slice %arg9[%dma_start3A_397, %dma_start3A_398, %dma_start3A_399] : memref<2x128x128xf32, #tpu.memory_space<vmem>> -> memref<1x128x128xf32, #tpu.memory_space<vmem>>
      %dma_start3A_401 = tpu.memref_squeeze %dma_start3A_400 : memref<1x128x128xf32, #tpu.memory_space<vmem>> -> memref<128x128xf32, #tpu.memory_space<vmem>>
      %dma_start3A_402 = arith.constant 0 : i32
      %dma_start3A_403 = tpu.memref_slice %arg7[%dma_start3A_396, %dma_start3A_402] : memref<16x128xi32, #tpu.memory_space<vmem>> -> memref<1x128xi32, #tpu.memory_space<vmem>>
      %dma_start3A_404 = tpu.memref_squeeze %dma_start3A_403 : memref<1x128xi32, #tpu.memory_space<vmem>> -> memref<128xi32, #tpu.memory_space<vmem>>
      %dma_start3A_405 = arith.constant 0 : i32
      %dma_start3A_406 = arith.constant 0 : i32
      %dma_start3A_407 = tpu.memref_slice %arg2[%dma_start3A_405, %dma_start3A_406] : memref<10240x128xf32, #tpu.memory_space<hbm>> -> memref<10240x128xf32, #tpu.memory_space<hbm>>
      tpu.enqueue_indirect_dma source(%dma_start3A_407 : memref<10240x128xf32, #tpu.memory_space<hbm>>) target(%dma_start3A_401 : memref<128x128xf32, #tpu.memory_space<vmem>>) offsets(%dma_start3A_404 : memref<128xi32, #tpu.memory_space<vmem>>) semaphore(%arg10 : memref<!tpu.dma_semaphore, #tpu.memory_space<semaphore_mem>>)
      %dma_wait3A_408 = arith.constant 8 : i32
      %dma_wait3A_409 = arith.constant 0 : i32
      %dma_wait3A_410 = arith.constant 0 : i32
      %dma_wait3A_411 = arith.constant 0 : i32
      %dma_wait3A_412 = tpu.memref_slice %arg9[%dma_wait3A_409, %dma_wait3A_410, %dma_wait3A_411] : memref<2x128x128xf32, #tpu.memory_space<vmem>> -> memref<1x128x128xf32, #tpu.memory_space<vmem>>
      %dma_wait3A_413 = tpu.memref_squeeze %dma_wait3A_412 : memref<1x128x128xf32, #tpu.memory_space<vmem>> -> memref<128x128xf32, #tpu.memory_space<vmem>>
      %dma_wait3A_414 = arith.constant 0 : i32
      %dma_wait3A_415 = tpu.memref_slice %arg7[%dma_wait3A_408, %dma_wait3A_414] : memref<16x128xi32, #tpu.memory_space<vmem>> -> memref<1x128xi32, #tpu.memory_space<vmem>>
      %dma_wait3A_416 = tpu.memref_squeeze %dma_wait3A_415 : memref<1x128xi32, #tpu.memory_space<vmem>> -> memref<128xi32, #tpu.memory_space<vmem>>
      %dma_wait3A_417 = arith.constant 0 : i32
      %dma_wait3A_418 = arith.constant 0 : i32
      %dma_wait3A_419 = tpu.memref_slice %arg2[%dma_wait3A_417, %dma_wait3A_418] : memref<10240x128xf32, #tpu.memory_space<hbm>> -> memref<10240x128xf32, #tpu.memory_space<hbm>>
      tpu.wait_indirect_dma semaphore(%arg10 : memref<!tpu.dma_semaphore, #tpu.memory_space<semaphore_mem>>) src(%dma_wait3A_419 : memref<10240x128xf32, #tpu.memory_space<hbm>>) dst(%dma_wait3A_413 : memref<128x128xf32, #tpu.memory_space<vmem>>)
      %dma_wait3A_420 = arith.constant 1 : i32
      %dma_wait3A_421 = arith.constant 7 : i32
      %dma_wait3A_422 = arith.constant 0 : i32
      %dma_wait3A_423 = arith.constant 0 : i32
      %dma_wait3A_424 = tpu.memref_slice %arg9[%dma_wait3A_420, %dma_wait3A_422, %dma_wait3A_423] : memref<2x128x128xf32, #tpu.memory_space<vmem>> -> memref<1x128x128xf32, #tpu.memory_space<vmem>>
      %dma_wait3A_425 = tpu.memref_squeeze %dma_wait3A_424 : memref<1x128x128xf32, #tpu.memory_space<vmem>> -> memref<128x128xf32, #tpu.memory_space<vmem>>
      %dma_wait3A_426 = arith.constant 0 : i32
      %dma_wait3A_427 = tpu.memref_slice %arg8[%dma_wait3A_421, %dma_wait3A_426] : memref<16x128xi32, #tpu.memory_space<vmem>> -> memref<1x128xi32, #tpu.memory_space<vmem>>
      %dma_wait3A_428 = tpu.memref_squeeze %dma_wait3A_427 : memref<1x128xi32, #tpu.memory_space<vmem>> -> memref<128xi32, #tpu.memory_space<vmem>>
      %dma_wait3A_429 = arith.constant 0 : i32
      %dma_wait3A_430 = arith.constant 0 : i32
      %dma_wait3A_431 = tpu.memref_slice %arg6[%dma_wait3A_429, %dma_wait3A_430] : memref<10240x128xf32, #tpu.memory_space<vmem_shared>> -> memref<10240x128xf32, #tpu.memory_space<vmem_shared>>
      tpu.wait_indirect_dma semaphore(%arg11 : memref<!tpu.dma_semaphore, #tpu.memory_space<semaphore_mem>>) src(%dma_wait3A_425 : memref<128x128xf32, #tpu.memory_space<vmem>>) dst(%dma_wait3A_431 : memref<10240x128xf32, #tpu.memory_space<vmem_shared>>)
      %dma_start3A_432 = arith.constant 0 : i32
      %dma_start3A_433 = arith.constant 8 : i32
      %dma_start3A_434 = arith.constant 0 : i32
      %dma_start3A_435 = arith.constant 0 : i32
      %dma_start3A_436 = tpu.memref_slice %arg9[%dma_start3A_432, %dma_start3A_434, %dma_start3A_435] : memref<2x128x128xf32, #tpu.memory_space<vmem>> -> memref<1x128x128xf32, #tpu.memory_space<vmem>>
      %dma_start3A_437 = tpu.memref_squeeze %dma_start3A_436 : memref<1x128x128xf32, #tpu.memory_space<vmem>> -> memref<128x128xf32, #tpu.memory_space<vmem>>
      %dma_start3A_438 = arith.constant 0 : i32
      %dma_start3A_439 = tpu.memref_slice %arg8[%dma_start3A_433, %dma_start3A_438] : memref<16x128xi32, #tpu.memory_space<vmem>> -> memref<1x128xi32, #tpu.memory_space<vmem>>
      %dma_start3A_440 = tpu.memref_squeeze %dma_start3A_439 : memref<1x128xi32, #tpu.memory_space<vmem>> -> memref<128xi32, #tpu.memory_space<vmem>>
      %dma_start3A_441 = arith.constant 0 : i32
      %dma_start3A_442 = arith.constant 0 : i32
      %dma_start3A_443 = tpu.memref_slice %arg6[%dma_start3A_441, %dma_start3A_442] : memref<10240x128xf32, #tpu.memory_space<vmem_shared>> -> memref<10240x128xf32, #tpu.memory_space<vmem_shared>>
      tpu.enqueue_indirect_dma source(%dma_start3A_437 : memref<128x128xf32, #tpu.memory_space<vmem>>) target(%dma_start3A_443 : memref<10240x128xf32, #tpu.memory_space<vmem_shared>>) offsets(%dma_start3A_440 : memref<128xi32, #tpu.memory_space<vmem>>) semaphore(%arg11 : memref<!tpu.dma_semaphore, #tpu.memory_space<semaphore_mem>>) {add = true}
      %dma_start3A_444 = arith.constant 9 : i32
      %dma_start3A_445 = arith.constant 1 : i32
      %dma_start3A_446 = arith.constant 0 : i32
      %dma_start3A_447 = arith.constant 0 : i32
      %dma_start3A_448 = tpu.memref_slice %arg9[%dma_start3A_445, %dma_start3A_446, %dma_start3A_447] : memref<2x128x128xf32, #tpu.memory_space<vmem>> -> memref<1x128x128xf32, #tpu.memory_space<vmem>>
      %dma_start3A_449 = tpu.memref_squeeze %dma_start3A_448 : memref<1x128x128xf32, #tpu.memory_space<vmem>> -> memref<128x128xf32, #tpu.memory_space<vmem>>
      %dma_start3A_450 = arith.constant 0 : i32
      %dma_start3A_451 = tpu.memref_slice %arg7[%dma_start3A_444, %dma_start3A_450] : memref<16x128xi32, #tpu.memory_space<vmem>> -> memref<1x128xi32, #tpu.memory_space<vmem>>
      %dma_start3A_452 = tpu.memref_squeeze %dma_start3A_451 : memref<1x128xi32, #tpu.memory_space<vmem>> -> memref<128xi32, #tpu.memory_space<vmem>>
      %dma_start3A_453 = arith.constant 0 : i32
      %dma_start3A_454 = arith.constant 0 : i32
      %dma_start3A_455 = tpu.memref_slice %arg2[%dma_start3A_453, %dma_start3A_454] : memref<10240x128xf32, #tpu.memory_space<hbm>> -> memref<10240x128xf32, #tpu.memory_space<hbm>>
      tpu.enqueue_indirect_dma source(%dma_start3A_455 : memref<10240x128xf32, #tpu.memory_space<hbm>>) target(%dma_start3A_449 : memref<128x128xf32, #tpu.memory_space<vmem>>) offsets(%dma_start3A_452 : memref<128xi32, #tpu.memory_space<vmem>>) semaphore(%arg10 : memref<!tpu.dma_semaphore, #tpu.memory_space<semaphore_mem>>)
      %dma_wait3A_456 = arith.constant 9 : i32
      %dma_wait3A_457 = arith.constant 1 : i32
      %dma_wait3A_458 = arith.constant 0 : i32
      %dma_wait3A_459 = arith.constant 0 : i32
      %dma_wait3A_460 = tpu.memref_slice %arg9[%dma_wait3A_457, %dma_wait3A_458, %dma_wait3A_459] : memref<2x128x128xf32, #tpu.memory_space<vmem>> -> memref<1x128x128xf32, #tpu.memory_space<vmem>>
      %dma_wait3A_461 = tpu.memref_squeeze %dma_wait3A_460 : memref<1x128x128xf32, #tpu.memory_space<vmem>> -> memref<128x128xf32, #tpu.memory_space<vmem>>
      %dma_wait3A_462 = arith.constant 0 : i32
      %dma_wait3A_463 = tpu.memref_slice %arg7[%dma_wait3A_456, %dma_wait3A_462] : memref<16x128xi32, #tpu.memory_space<vmem>> -> memref<1x128xi32, #tpu.memory_space<vmem>>
      %dma_wait3A_464 = tpu.memref_squeeze %dma_wait3A_463 : memref<1x128xi32, #tpu.memory_space<vmem>> -> memref<128xi32, #tpu.memory_space<vmem>>
      %dma_wait3A_465 = arith.constant 0 : i32
      %dma_wait3A_466 = arith.constant 0 : i32
      %dma_wait3A_467 = tpu.memref_slice %arg2[%dma_wait3A_465, %dma_wait3A_466] : memref<10240x128xf32, #tpu.memory_space<hbm>> -> memref<10240x128xf32, #tpu.memory_space<hbm>>
      tpu.wait_indirect_dma semaphore(%arg10 : memref<!tpu.dma_semaphore, #tpu.memory_space<semaphore_mem>>) src(%dma_wait3A_467 : memref<10240x128xf32, #tpu.memory_space<hbm>>) dst(%dma_wait3A_461 : memref<128x128xf32, #tpu.memory_space<vmem>>)
      %dma_wait3A_468 = arith.constant 0 : i32
      %dma_wait3A_469 = arith.constant 8 : i32
      %dma_wait3A_470 = arith.constant 0 : i32
      %dma_wait3A_471 = arith.constant 0 : i32
      %dma_wait3A_472 = tpu.memref_slice %arg9[%dma_wait3A_468, %dma_wait3A_470, %dma_wait3A_471] : memref<2x128x128xf32, #tpu.memory_space<vmem>> -> memref<1x128x128xf32, #tpu.memory_space<vmem>>
      %dma_wait3A_473 = tpu.memref_squeeze %dma_wait3A_472 : memref<1x128x128xf32, #tpu.memory_space<vmem>> -> memref<128x128xf32, #tpu.memory_space<vmem>>
      %dma_wait3A_474 = arith.constant 0 : i32
      %dma_wait3A_475 = tpu.memref_slice %arg8[%dma_wait3A_469, %dma_wait3A_474] : memref<16x128xi32, #tpu.memory_space<vmem>> -> memref<1x128xi32, #tpu.memory_space<vmem>>
      %dma_wait3A_476 = tpu.memref_squeeze %dma_wait3A_475 : memref<1x128xi32, #tpu.memory_space<vmem>> -> memref<128xi32, #tpu.memory_space<vmem>>
      %dma_wait3A_477 = arith.constant 0 : i32
      %dma_wait3A_478 = arith.constant 0 : i32
      %dma_wait3A_479 = tpu.memref_slice %arg6[%dma_wait3A_477, %dma_wait3A_478] : memref<10240x128xf32, #tpu.memory_space<vmem_shared>> -> memref<10240x128xf32, #tpu.memory_space<vmem_shared>>
      tpu.wait_indirect_dma semaphore(%arg11 : memref<!tpu.dma_semaphore, #tpu.memory_space<semaphore_mem>>) src(%dma_wait3A_473 : memref<128x128xf32, #tpu.memory_space<vmem>>) dst(%dma_wait3A_479 : memref<10240x128xf32, #tpu.memory_space<vmem_shared>>)
      %dma_start3A_480 = arith.constant 1 : i32
      %dma_start3A_481 = arith.constant 9 : i32
      %dma_start3A_482 = arith.constant 0 : i32
      %dma_start3A_483 = arith.constant 0 : i32
      %dma_start3A_484 = tpu.memref_slice %arg9[%dma_start3A_480, %dma_start3A_482, %dma_start3A_483] : memref<2x128x128xf32, #tpu.memory_space<vmem>> -> memref<1x128x128xf32, #tpu.memory_space<vmem>>
      %dma_start3A_485 = tpu.memref_squeeze %dma_start3A_484 : memref<1x128x128xf32, #tpu.memory_space<vmem>> -> memref<128x128xf32, #tpu.memory_space<vmem>>
      %dma_start3A_486 = arith.constant 0 : i32
      %dma_start3A_487 = tpu.memref_slice %arg8[%dma_start3A_481, %dma_start3A_486] : memref<16x128xi32, #tpu.memory_space<vmem>> -> memref<1x128xi32, #tpu.memory_space<vmem>>
      %dma_start3A_488 = tpu.memref_squeeze %dma_start3A_487 : memref<1x128xi32, #tpu.memory_space<vmem>> -> memref<128xi32, #tpu.memory_space<vmem>>
      %dma_start3A_489 = arith.constant 0 : i32
      %dma_start3A_490 = arith.constant 0 : i32
      %dma_start3A_491 = tpu.memref_slice %arg6[%dma_start3A_489, %dma_start3A_490] : memref<10240x128xf32, #tpu.memory_space<vmem_shared>> -> memref<10240x128xf32, #tpu.memory_space<vmem_shared>>
      tpu.enqueue_indirect_dma source(%dma_start3A_485 : memref<128x128xf32, #tpu.memory_space<vmem>>) target(%dma_start3A_491 : memref<10240x128xf32, #tpu.memory_space<vmem_shared>>) offsets(%dma_start3A_488 : memref<128xi32, #tpu.memory_space<vmem>>) semaphore(%arg11 : memref<!tpu.dma_semaphore, #tpu.memory_space<semaphore_mem>>) {add = true}
      %dma_start3A_492 = arith.constant 10 : i32
      %dma_start3A_493 = arith.constant 0 : i32
      %dma_start3A_494 = arith.constant 0 : i32
      %dma_start3A_495 = arith.constant 0 : i32
      %dma_start3A_496 = tpu.memref_slice %arg9[%dma_start3A_493, %dma_start3A_494, %dma_start3A_495] : memref<2x128x128xf32, #tpu.memory_space<vmem>> -> memref<1x128x128xf32, #tpu.memory_space<vmem>>
      %dma_start3A_497 = tpu.memref_squeeze %dma_start3A_496 : memref<1x128x128xf32, #tpu.memory_space<vmem>> -> memref<128x128xf32, #tpu.memory_space<vmem>>
      %dma_start3A_498 = arith.constant 0 : i32
      %dma_start3A_499 = tpu.memref_slice %arg7[%dma_start3A_492, %dma_start3A_498] : memref<16x128xi32, #tpu.memory_space<vmem>> -> memref<1x128xi32, #tpu.memory_space<vmem>>
      %dma_start3A_500 = tpu.memref_squeeze %dma_start3A_499 : memref<1x128xi32, #tpu.memory_space<vmem>> -> memref<128xi32, #tpu.memory_space<vmem>>
      %dma_start3A_501 = arith.constant 0 : i32
      %dma_start3A_502 = arith.constant 0 : i32
      %dma_start3A_503 = tpu.memref_slice %arg2[%dma_start3A_501, %dma_start3A_502] : memref<10240x128xf32, #tpu.memory_space<hbm>> -> memref<10240x128xf32, #tpu.memory_space<hbm>>
      tpu.enqueue_indirect_dma source(%dma_start3A_503 : memref<10240x128xf32, #tpu.memory_space<hbm>>) target(%dma_start3A_497 : memref<128x128xf32, #tpu.memory_space<vmem>>) offsets(%dma_start3A_500 : memref<128xi32, #tpu.memory_space<vmem>>) semaphore(%arg10 : memref<!tpu.dma_semaphore, #tpu.memory_space<semaphore_mem>>)
      %dma_wait3A_504 = arith.constant 10 : i32
      %dma_wait3A_505 = arith.constant 0 : i32
      %dma_wait3A_506 = arith.constant 0 : i32
      %dma_wait3A_507 = arith.constant 0 : i32
      %dma_wait3A_508 = tpu.memref_slice %arg9[%dma_wait3A_505, %dma_wait3A_506, %dma_wait3A_507] : memref<2x128x128xf32, #tpu.memory_space<vmem>> -> memref<1x128x128xf32, #tpu.memory_space<vmem>>
      %dma_wait3A_509 = tpu.memref_squeeze %dma_wait3A_508 : memref<1x128x128xf32, #tpu.memory_space<vmem>> -> memref<128x128xf32, #tpu.memory_space<vmem>>
      %dma_wait3A_510 = arith.constant 0 : i32
      %dma_wait3A_511 = tpu.memref_slice %arg7[%dma_wait3A_504, %dma_wait3A_510] : memref<16x128xi32, #tpu.memory_space<vmem>> -> memref<1x128xi32, #tpu.memory_space<vmem>>
      %dma_wait3A_512 = tpu.memref_squeeze %dma_wait3A_511 : memref<1x128xi32, #tpu.memory_space<vmem>> -> memref<128xi32, #tpu.memory_space<vmem>>
      %dma_wait3A_513 = arith.constant 0 : i32
      %dma_wait3A_514 = arith.constant 0 : i32
      %dma_wait3A_515 = tpu.memref_slice %arg2[%dma_wait3A_513, %dma_wait3A_514] : memref<10240x128xf32, #tpu.memory_space<hbm>> -> memref<10240x128xf32, #tpu.memory_space<hbm>>
      tpu.wait_indirect_dma semaphore(%arg10 : memref<!tpu.dma_semaphore, #tpu.memory_space<semaphore_mem>>) src(%dma_wait3A_515 : memref<10240x128xf32, #tpu.memory_space<hbm>>) dst(%dma_wait3A_509 : memref<128x128xf32, #tpu.memory_space<vmem>>)
      %dma_wait3A_516 = arith.constant 1 : i32
      %dma_wait3A_517 = arith.constant 9 : i32
      %dma_wait3A_518 = arith.constant 0 : i32
      %dma_wait3A_519 = arith.constant 0 : i32
      %dma_wait3A_520 = tpu.memref_slice %arg9[%dma_wait3A_516, %dma_wait3A_518, %dma_wait3A_519] : memref<2x128x128xf32, #tpu.memory_space<vmem>> -> memref<1x128x128xf32, #tpu.memory_space<vmem>>
      %dma_wait3A_521 = tpu.memref_squeeze %dma_wait3A_520 : memref<1x128x128xf32, #tpu.memory_space<vmem>> -> memref<128x128xf32, #tpu.memory_space<vmem>>
      %dma_wait3A_522 = arith.constant 0 : i32
      %dma_wait3A_523 = tpu.memref_slice %arg8[%dma_wait3A_517, %dma_wait3A_522] : memref<16x128xi32, #tpu.memory_space<vmem>> -> memref<1x128xi32, #tpu.memory_space<vmem>>
      %dma_wait3A_524 = tpu.memref_squeeze %dma_wait3A_523 : memref<1x128xi32, #tpu.memory_space<vmem>> -> memref<128xi32, #tpu.memory_space<vmem>>
      %dma_wait3A_525 = arith.constant 0 : i32
      %dma_wait3A_526 = arith.constant 0 : i32
      %dma_wait3A_527 = tpu.memref_slice %arg6[%dma_wait3A_525, %dma_wait3A_526] : memref<10240x128xf32, #tpu.memory_space<vmem_shared>> -> memref<10240x128xf32, #tpu.memory_space<vmem_shared>>
      tpu.wait_indirect_dma semaphore(%arg11 : memref<!tpu.dma_semaphore, #tpu.memory_space<semaphore_mem>>) src(%dma_wait3A_521 : memref<128x128xf32, #tpu.memory_space<vmem>>) dst(%dma_wait3A_527 : memref<10240x128xf32, #tpu.memory_space<vmem_shared>>)
      %dma_start3A_528 = arith.constant 0 : i32
      %dma_start3A_529 = arith.constant 10 : i32
      %dma_start3A_530 = arith.constant 0 : i32
      %dma_start3A_531 = arith.constant 0 : i32
      %dma_start3A_532 = tpu.memref_slice %arg9[%dma_start3A_528, %dma_start3A_530, %dma_start3A_531] : memref<2x128x128xf32, #tpu.memory_space<vmem>> -> memref<1x128x128xf32, #tpu.memory_space<vmem>>
      %dma_start3A_533 = tpu.memref_squeeze %dma_start3A_532 : memref<1x128x128xf32, #tpu.memory_space<vmem>> -> memref<128x128xf32, #tpu.memory_space<vmem>>
      %dma_start3A_534 = arith.constant 0 : i32
      %dma_start3A_535 = tpu.memref_slice %arg8[%dma_start3A_529, %dma_start3A_534] : memref<16x128xi32, #tpu.memory_space<vmem>> -> memref<1x128xi32, #tpu.memory_space<vmem>>
      %dma_start3A_536 = tpu.memref_squeeze %dma_start3A_535 : memref<1x128xi32, #tpu.memory_space<vmem>> -> memref<128xi32, #tpu.memory_space<vmem>>
      %dma_start3A_537 = arith.constant 0 : i32
      %dma_start3A_538 = arith.constant 0 : i32
      %dma_start3A_539 = tpu.memref_slice %arg6[%dma_start3A_537, %dma_start3A_538] : memref<10240x128xf32, #tpu.memory_space<vmem_shared>> -> memref<10240x128xf32, #tpu.memory_space<vmem_shared>>
      tpu.enqueue_indirect_dma source(%dma_start3A_533 : memref<128x128xf32, #tpu.memory_space<vmem>>) target(%dma_start3A_539 : memref<10240x128xf32, #tpu.memory_space<vmem_shared>>) offsets(%dma_start3A_536 : memref<128xi32, #tpu.memory_space<vmem>>) semaphore(%arg11 : memref<!tpu.dma_semaphore, #tpu.memory_space<semaphore_mem>>) {add = true}
      %dma_start3A_540 = arith.constant 11 : i32
      %dma_start3A_541 = arith.constant 1 : i32
      %dma_start3A_542 = arith.constant 0 : i32
      %dma_start3A_543 = arith.constant 0 : i32
      %dma_start3A_544 = tpu.memref_slice %arg9[%dma_start3A_541, %dma_start3A_542, %dma_start3A_543] : memref<2x128x128xf32, #tpu.memory_space<vmem>> -> memref<1x128x128xf32, #tpu.memory_space<vmem>>
      %dma_start3A_545 = tpu.memref_squeeze %dma_start3A_544 : memref<1x128x128xf32, #tpu.memory_space<vmem>> -> memref<128x128xf32, #tpu.memory_space<vmem>>
      %dma_start3A_546 = arith.constant 0 : i32
      %dma_start3A_547 = tpu.memref_slice %arg7[%dma_start3A_540, %dma_start3A_546] : memref<16x128xi32, #tpu.memory_space<vmem>> -> memref<1x128xi32, #tpu.memory_space<vmem>>
      %dma_start3A_548 = tpu.memref_squeeze %dma_start3A_547 : memref<1x128xi32, #tpu.memory_space<vmem>> -> memref<128xi32, #tpu.memory_space<vmem>>
      %dma_start3A_549 = arith.constant 0 : i32
      %dma_start3A_550 = arith.constant 0 : i32
      %dma_start3A_551 = tpu.memref_slice %arg2[%dma_start3A_549, %dma_start3A_550] : memref<10240x128xf32, #tpu.memory_space<hbm>> -> memref<10240x128xf32, #tpu.memory_space<hbm>>
      tpu.enqueue_indirect_dma source(%dma_start3A_551 : memref<10240x128xf32, #tpu.memory_space<hbm>>) target(%dma_start3A_545 : memref<128x128xf32, #tpu.memory_space<vmem>>) offsets(%dma_start3A_548 : memref<128xi32, #tpu.memory_space<vmem>>) semaphore(%arg10 : memref<!tpu.dma_semaphore, #tpu.memory_space<semaphore_mem>>)
      %dma_wait3A_552 = arith.constant 11 : i32
      %dma_wait3A_553 = arith.constant 1 : i32
      %dma_wait3A_554 = arith.constant 0 : i32
      %dma_wait3A_555 = arith.constant 0 : i32
      %dma_wait3A_556 = tpu.memref_slice %arg9[%dma_wait3A_553, %dma_wait3A_554, %dma_wait3A_555] : memref<2x128x128xf32, #tpu.memory_space<vmem>> -> memref<1x128x128xf32, #tpu.memory_space<vmem>>
      %dma_wait3A_557 = tpu.memref_squeeze %dma_wait3A_556 : memref<1x128x128xf32, #tpu.memory_space<vmem>> -> memref<128x128xf32, #tpu.memory_space<vmem>>
      %dma_wait3A_558 = arith.constant 0 : i32
      %dma_wait3A_559 = tpu.memref_slice %arg7[%dma_wait3A_552, %dma_wait3A_558] : memref<16x128xi32, #tpu.memory_space<vmem>> -> memref<1x128xi32, #tpu.memory_space<vmem>>
      %dma_wait3A_560 = tpu.memref_squeeze %dma_wait3A_559 : memref<1x128xi32, #tpu.memory_space<vmem>> -> memref<128xi32, #tpu.memory_space<vmem>>
      %dma_wait3A_561 = arith.constant 0 : i32
      %dma_wait3A_562 = arith.constant 0 : i32
      %dma_wait3A_563 = tpu.memref_slice %arg2[%dma_wait3A_561, %dma_wait3A_562] : memref<10240x128xf32, #tpu.memory_space<hbm>> -> memref<10240x128xf32, #tpu.memory_space<hbm>>
      tpu.wait_indirect_dma semaphore(%arg10 : memref<!tpu.dma_semaphore, #tpu.memory_space<semaphore_mem>>) src(%dma_wait3A_563 : memref<10240x128xf32, #tpu.memory_space<hbm>>) dst(%dma_wait3A_557 : memref<128x128xf32, #tpu.memory_space<vmem>>)
      %dma_wait3A_564 = arith.constant 0 : i32
      %dma_wait3A_565 = arith.constant 10 : i32
      %dma_wait3A_566 = arith.constant 0 : i32
      %dma_wait3A_567 = arith.constant 0 : i32
      %dma_wait3A_568 = tpu.memref_slice %arg9[%dma_wait3A_564, %dma_wait3A_566, %dma_wait3A_567] : memref<2x128x128xf32, #tpu.memory_space<vmem>> -> memref<1x128x128xf32, #tpu.memory_space<vmem>>
      %dma_wait3A_569 = tpu.memref_squeeze %dma_wait3A_568 : memref<1x128x128xf32, #tpu.memory_space<vmem>> -> memref<128x128xf32, #tpu.memory_space<vmem>>
      %dma_wait3A_570 = arith.constant 0 : i32
      %dma_wait3A_571 = tpu.memref_slice %arg8[%dma_wait3A_565, %dma_wait3A_570] : memref<16x128xi32, #tpu.memory_space<vmem>> -> memref<1x128xi32, #tpu.memory_space<vmem>>
      %dma_wait3A_572 = tpu.memref_squeeze %dma_wait3A_571 : memref<1x128xi32, #tpu.memory_space<vmem>> -> memref<128xi32, #tpu.memory_space<vmem>>
      %dma_wait3A_573 = arith.constant 0 : i32
      %dma_wait3A_574 = arith.constant 0 : i32
      %dma_wait3A_575 = tpu.memref_slice %arg6[%dma_wait3A_573, %dma_wait3A_574] : memref<10240x128xf32, #tpu.memory_space<vmem_shared>> -> memref<10240x128xf32, #tpu.memory_space<vmem_shared>>
      tpu.wait_indirect_dma semaphore(%arg11 : memref<!tpu.dma_semaphore, #tpu.memory_space<semaphore_mem>>) src(%dma_wait3A_569 : memref<128x128xf32, #tpu.memory_space<vmem>>) dst(%dma_wait3A_575 : memref<10240x128xf32, #tpu.memory_space<vmem_shared>>)
      %dma_start3A_576 = arith.constant 1 : i32
      %dma_start3A_577 = arith.constant 11 : i32
      %dma_start3A_578 = arith.constant 0 : i32
      %dma_start3A_579 = arith.constant 0 : i32
      %dma_start3A_580 = tpu.memref_slice %arg9[%dma_start3A_576, %dma_start3A_578, %dma_start3A_579] : memref<2x128x128xf32, #tpu.memory_space<vmem>> -> memref<1x128x128xf32, #tpu.memory_space<vmem>>
      %dma_start3A_581 = tpu.memref_squeeze %dma_start3A_580 : memref<1x128x128xf32, #tpu.memory_space<vmem>> -> memref<128x128xf32, #tpu.memory_space<vmem>>
      %dma_start3A_582 = arith.constant 0 : i32
      %dma_start3A_583 = tpu.memref_slice %arg8[%dma_start3A_577, %dma_start3A_582] : memref<16x128xi32, #tpu.memory_space<vmem>> -> memref<1x128xi32, #tpu.memory_space<vmem>>
      %dma_start3A_584 = tpu.memref_squeeze %dma_start3A_583 : memref<1x128xi32, #tpu.memory_space<vmem>> -> memref<128xi32, #tpu.memory_space<vmem>>
      %dma_start3A_585 = arith.constant 0 : i32
      %dma_start3A_586 = arith.constant 0 : i32
      %dma_start3A_587 = tpu.memref_slice %arg6[%dma_start3A_585, %dma_start3A_586] : memref<10240x128xf32, #tpu.memory_space<vmem_shared>> -> memref<10240x128xf32, #tpu.memory_space<vmem_shared>>
      tpu.enqueue_indirect_dma source(%dma_start3A_581 : memref<128x128xf32, #tpu.memory_space<vmem>>) target(%dma_start3A_587 : memref<10240x128xf32, #tpu.memory_space<vmem_shared>>) offsets(%dma_start3A_584 : memref<128xi32, #tpu.memory_space<vmem>>) semaphore(%arg11 : memref<!tpu.dma_semaphore, #tpu.memory_space<semaphore_mem>>) {add = true}
      %dma_start3A_588 = arith.constant 12 : i32
      %dma_start3A_589 = arith.constant 0 : i32
      %dma_start3A_590 = arith.constant 0 : i32
      %dma_start3A_591 = arith.constant 0 : i32
      %dma_start3A_592 = tpu.memref_slice %arg9[%dma_start3A_589, %dma_start3A_590, %dma_start3A_591] : memref<2x128x128xf32, #tpu.memory_space<vmem>> -> memref<1x128x128xf32, #tpu.memory_space<vmem>>
      %dma_start3A_593 = tpu.memref_squeeze %dma_start3A_592 : memref<1x128x128xf32, #tpu.memory_space<vmem>> -> memref<128x128xf32, #tpu.memory_space<vmem>>
      %dma_start3A_594 = arith.constant 0 : i32
      %dma_start3A_595 = tpu.memref_slice %arg7[%dma_start3A_588, %dma_start3A_594] : memref<16x128xi32, #tpu.memory_space<vmem>> -> memref<1x128xi32, #tpu.memory_space<vmem>>
      %dma_start3A_596 = tpu.memref_squeeze %dma_start3A_595 : memref<1x128xi32, #tpu.memory_space<vmem>> -> memref<128xi32, #tpu.memory_space<vmem>>
      %dma_start3A_597 = arith.constant 0 : i32
      %dma_start3A_598 = arith.constant 0 : i32
      %dma_start3A_599 = tpu.memref_slice %arg2[%dma_start3A_597, %dma_start3A_598] : memref<10240x128xf32, #tpu.memory_space<hbm>> -> memref<10240x128xf32, #tpu.memory_space<hbm>>
      tpu.enqueue_indirect_dma source(%dma_start3A_599 : memref<10240x128xf32, #tpu.memory_space<hbm>>) target(%dma_start3A_593 : memref<128x128xf32, #tpu.memory_space<vmem>>) offsets(%dma_start3A_596 : memref<128xi32, #tpu.memory_space<vmem>>) semaphore(%arg10 : memref<!tpu.dma_semaphore, #tpu.memory_space<semaphore_mem>>)
      %dma_wait3A_600 = arith.constant 12 : i32
      %dma_wait3A_601 = arith.constant 0 : i32
      %dma_wait3A_602 = arith.constant 0 : i32
      %dma_wait3A_603 = arith.constant 0 : i32
      %dma_wait3A_604 = tpu.memref_slice %arg9[%dma_wait3A_601, %dma_wait3A_602, %dma_wait3A_603] : memref<2x128x128xf32, #tpu.memory_space<vmem>> -> memref<1x128x128xf32, #tpu.memory_space<vmem>>
      %dma_wait3A_605 = tpu.memref_squeeze %dma_wait3A_604 : memref<1x128x128xf32, #tpu.memory_space<vmem>> -> memref<128x128xf32, #tpu.memory_space<vmem>>
      %dma_wait3A_606 = arith.constant 0 : i32
      %dma_wait3A_607 = tpu.memref_slice %arg7[%dma_wait3A_600, %dma_wait3A_606] : memref<16x128xi32, #tpu.memory_space<vmem>> -> memref<1x128xi32, #tpu.memory_space<vmem>>
      %dma_wait3A_608 = tpu.memref_squeeze %dma_wait3A_607 : memref<1x128xi32, #tpu.memory_space<vmem>> -> memref<128xi32, #tpu.memory_space<vmem>>
      %dma_wait3A_609 = arith.constant 0 : i32
      %dma_wait3A_610 = arith.constant 0 : i32
      %dma_wait3A_611 = tpu.memref_slice %arg2[%dma_wait3A_609, %dma_wait3A_610] : memref<10240x128xf32, #tpu.memory_space<hbm>> -> memref<10240x128xf32, #tpu.memory_space<hbm>>
      tpu.wait_indirect_dma semaphore(%arg10 : memref<!tpu.dma_semaphore, #tpu.memory_space<semaphore_mem>>) src(%dma_wait3A_611 : memref<10240x128xf32, #tpu.memory_space<hbm>>) dst(%dma_wait3A_605 : memref<128x128xf32, #tpu.memory_space<vmem>>)
      %dma_wait3A_612 = arith.constant 1 : i32
      %dma_wait3A_613 = arith.constant 11 : i32
      %dma_wait3A_614 = arith.constant 0 : i32
      %dma_wait3A_615 = arith.constant 0 : i32
      %dma_wait3A_616 = tpu.memref_slice %arg9[%dma_wait3A_612, %dma_wait3A_614, %dma_wait3A_615] : memref<2x128x128xf32, #tpu.memory_space<vmem>> -> memref<1x128x128xf32, #tpu.memory_space<vmem>>
      %dma_wait3A_617 = tpu.memref_squeeze %dma_wait3A_616 : memref<1x128x128xf32, #tpu.memory_space<vmem>> -> memref<128x128xf32, #tpu.memory_space<vmem>>
      %dma_wait3A_618 = arith.constant 0 : i32
      %dma_wait3A_619 = tpu.memref_slice %arg8[%dma_wait3A_613, %dma_wait3A_618] : memref<16x128xi32, #tpu.memory_space<vmem>> -> memref<1x128xi32, #tpu.memory_space<vmem>>
      %dma_wait3A_620 = tpu.memref_squeeze %dma_wait3A_619 : memref<1x128xi32, #tpu.memory_space<vmem>> -> memref<128xi32, #tpu.memory_space<vmem>>
      %dma_wait3A_621 = arith.constant 0 : i32
      %dma_wait3A_622 = arith.constant 0 : i32
      %dma_wait3A_623 = tpu.memref_slice %arg6[%dma_wait3A_621, %dma_wait3A_622] : memref<10240x128xf32, #tpu.memory_space<vmem_shared>> -> memref<10240x128xf32, #tpu.memory_space<vmem_shared>>
      tpu.wait_indirect_dma semaphore(%arg11 : memref<!tpu.dma_semaphore, #tpu.memory_space<semaphore_mem>>) src(%dma_wait3A_617 : memref<128x128xf32, #tpu.memory_space<vmem>>) dst(%dma_wait3A_623 : memref<10240x128xf32, #tpu.memory_space<vmem_shared>>)
      %dma_start3A_624 = arith.constant 0 : i32
      %dma_start3A_625 = arith.constant 12 : i32
      %dma_start3A_626 = arith.constant 0 : i32
      %dma_start3A_627 = arith.constant 0 : i32
      %dma_start3A_628 = tpu.memref_slice %arg9[%dma_start3A_624, %dma_start3A_626, %dma_start3A_627] : memref<2x128x128xf32, #tpu.memory_space<vmem>> -> memref<1x128x128xf32, #tpu.memory_space<vmem>>
      %dma_start3A_629 = tpu.memref_squeeze %dma_start3A_628 : memref<1x128x128xf32, #tpu.memory_space<vmem>> -> memref<128x128xf32, #tpu.memory_space<vmem>>
      %dma_start3A_630 = arith.constant 0 : i32
      %dma_start3A_631 = tpu.memref_slice %arg8[%dma_start3A_625, %dma_start3A_630] : memref<16x128xi32, #tpu.memory_space<vmem>> -> memref<1x128xi32, #tpu.memory_space<vmem>>
      %dma_start3A_632 = tpu.memref_squeeze %dma_start3A_631 : memref<1x128xi32, #tpu.memory_space<vmem>> -> memref<128xi32, #tpu.memory_space<vmem>>
      %dma_start3A_633 = arith.constant 0 : i32
      %dma_start3A_634 = arith.constant 0 : i32
      %dma_start3A_635 = tpu.memref_slice %arg6[%dma_start3A_633, %dma_start3A_634] : memref<10240x128xf32, #tpu.memory_space<vmem_shared>> -> memref<10240x128xf32, #tpu.memory_space<vmem_shared>>
      tpu.enqueue_indirect_dma source(%dma_start3A_629 : memref<128x128xf32, #tpu.memory_space<vmem>>) target(%dma_start3A_635 : memref<10240x128xf32, #tpu.memory_space<vmem_shared>>) offsets(%dma_start3A_632 : memref<128xi32, #tpu.memory_space<vmem>>) semaphore(%arg11 : memref<!tpu.dma_semaphore, #tpu.memory_space<semaphore_mem>>) {add = true}
      %dma_start3A_636 = arith.constant 13 : i32
      %dma_start3A_637 = arith.constant 1 : i32
      %dma_start3A_638 = arith.constant 0 : i32
      %dma_start3A_639 = arith.constant 0 : i32
      %dma_start3A_640 = tpu.memref_slice %arg9[%dma_start3A_637, %dma_start3A_638, %dma_start3A_639] : memref<2x128x128xf32, #tpu.memory_space<vmem>> -> memref<1x128x128xf32, #tpu.memory_space<vmem>>
      %dma_start3A_641 = tpu.memref_squeeze %dma_start3A_640 : memref<1x128x128xf32, #tpu.memory_space<vmem>> -> memref<128x128xf32, #tpu.memory_space<vmem>>
      %dma_start3A_642 = arith.constant 0 : i32
      %dma_start3A_643 = tpu.memref_slice %arg7[%dma_start3A_636, %dma_start3A_642] : memref<16x128xi32, #tpu.memory_space<vmem>> -> memref<1x128xi32, #tpu.memory_space<vmem>>
      %dma_start3A_644 = tpu.memref_squeeze %dma_start3A_643 : memref<1x128xi32, #tpu.memory_space<vmem>> -> memref<128xi32, #tpu.memory_space<vmem>>
      %dma_start3A_645 = arith.constant 0 : i32
      %dma_start3A_646 = arith.constant 0 : i32
      %dma_start3A_647 = tpu.memref_slice %arg2[%dma_start3A_645, %dma_start3A_646] : memref<10240x128xf32, #tpu.memory_space<hbm>> -> memref<10240x128xf32, #tpu.memory_space<hbm>>
      tpu.enqueue_indirect_dma source(%dma_start3A_647 : memref<10240x128xf32, #tpu.memory_space<hbm>>) target(%dma_start3A_641 : memref<128x128xf32, #tpu.memory_space<vmem>>) offsets(%dma_start3A_644 : memref<128xi32, #tpu.memory_space<vmem>>) semaphore(%arg10 : memref<!tpu.dma_semaphore, #tpu.memory_space<semaphore_mem>>)
      %dma_wait3A_648 = arith.constant 13 : i32
      %dma_wait3A_649 = arith.constant 1 : i32
      %dma_wait3A_650 = arith.constant 0 : i32
      %dma_wait3A_651 = arith.constant 0 : i32
      %dma_wait3A_652 = tpu.memref_slice %arg9[%dma_wait3A_649, %dma_wait3A_650, %dma_wait3A_651] : memref<2x128x128xf32, #tpu.memory_space<vmem>> -> memref<1x128x128xf32, #tpu.memory_space<vmem>>
      %dma_wait3A_653 = tpu.memref_squeeze %dma_wait3A_652 : memref<1x128x128xf32, #tpu.memory_space<vmem>> -> memref<128x128xf32, #tpu.memory_space<vmem>>
      %dma_wait3A_654 = arith.constant 0 : i32
      %dma_wait3A_655 = tpu.memref_slice %arg7[%dma_wait3A_648, %dma_wait3A_654] : memref<16x128xi32, #tpu.memory_space<vmem>> -> memref<1x128xi32, #tpu.memory_space<vmem>>
      %dma_wait3A_656 = tpu.memref_squeeze %dma_wait3A_655 : memref<1x128xi32, #tpu.memory_space<vmem>> -> memref<128xi32, #tpu.memory_space<vmem>>
      %dma_wait3A_657 = arith.constant 0 : i32
      %dma_wait3A_658 = arith.constant 0 : i32
      %dma_wait3A_659 = tpu.memref_slice %arg2[%dma_wait3A_657, %dma_wait3A_658] : memref<10240x128xf32, #tpu.memory_space<hbm>> -> memref<10240x128xf32, #tpu.memory_space<hbm>>
      tpu.wait_indirect_dma semaphore(%arg10 : memref<!tpu.dma_semaphore, #tpu.memory_space<semaphore_mem>>) src(%dma_wait3A_659 : memref<10240x128xf32, #tpu.memory_space<hbm>>) dst(%dma_wait3A_653 : memref<128x128xf32, #tpu.memory_space<vmem>>)
      %dma_wait3A_660 = arith.constant 0 : i32
      %dma_wait3A_661 = arith.constant 12 : i32
      %dma_wait3A_662 = arith.constant 0 : i32
      %dma_wait3A_663 = arith.constant 0 : i32
      %dma_wait3A_664 = tpu.memref_slice %arg9[%dma_wait3A_660, %dma_wait3A_662, %dma_wait3A_663] : memref<2x128x128xf32, #tpu.memory_space<vmem>> -> memref<1x128x128xf32, #tpu.memory_space<vmem>>
      %dma_wait3A_665 = tpu.memref_squeeze %dma_wait3A_664 : memref<1x128x128xf32, #tpu.memory_space<vmem>> -> memref<128x128xf32, #tpu.memory_space<vmem>>
      %dma_wait3A_666 = arith.constant 0 : i32
      %dma_wait3A_667 = tpu.memref_slice %arg8[%dma_wait3A_661, %dma_wait3A_666] : memref<16x128xi32, #tpu.memory_space<vmem>> -> memref<1x128xi32, #tpu.memory_space<vmem>>
      %dma_wait3A_668 = tpu.memref_squeeze %dma_wait3A_667 : memref<1x128xi32, #tpu.memory_space<vmem>> -> memref<128xi32, #tpu.memory_space<vmem>>
      %dma_wait3A_669 = arith.constant 0 : i32
      %dma_wait3A_670 = arith.constant 0 : i32
      %dma_wait3A_671 = tpu.memref_slice %arg6[%dma_wait3A_669, %dma_wait3A_670] : memref<10240x128xf32, #tpu.memory_space<vmem_shared>> -> memref<10240x128xf32, #tpu.memory_space<vmem_shared>>
      tpu.wait_indirect_dma semaphore(%arg11 : memref<!tpu.dma_semaphore, #tpu.memory_space<semaphore_mem>>) src(%dma_wait3A_665 : memref<128x128xf32, #tpu.memory_space<vmem>>) dst(%dma_wait3A_671 : memref<10240x128xf32, #tpu.memory_space<vmem_shared>>)
      %dma_start3A_672 = arith.constant 1 : i32
      %dma_start3A_673 = arith.constant 13 : i32
      %dma_start3A_674 = arith.constant 0 : i32
      %dma_start3A_675 = arith.constant 0 : i32
      %dma_start3A_676 = tpu.memref_slice %arg9[%dma_start3A_672, %dma_start3A_674, %dma_start3A_675] : memref<2x128x128xf32, #tpu.memory_space<vmem>> -> memref<1x128x128xf32, #tpu.memory_space<vmem>>
      %dma_start3A_677 = tpu.memref_squeeze %dma_start3A_676 : memref<1x128x128xf32, #tpu.memory_space<vmem>> -> memref<128x128xf32, #tpu.memory_space<vmem>>
      %dma_start3A_678 = arith.constant 0 : i32
      %dma_start3A_679 = tpu.memref_slice %arg8[%dma_start3A_673, %dma_start3A_678] : memref<16x128xi32, #tpu.memory_space<vmem>> -> memref<1x128xi32, #tpu.memory_space<vmem>>
      %dma_start3A_680 = tpu.memref_squeeze %dma_start3A_679 : memref<1x128xi32, #tpu.memory_space<vmem>> -> memref<128xi32, #tpu.memory_space<vmem>>
      %dma_start3A_681 = arith.constant 0 : i32
      %dma_start3A_682 = arith.constant 0 : i32
      %dma_start3A_683 = tpu.memref_slice %arg6[%dma_start3A_681, %dma_start3A_682] : memref<10240x128xf32, #tpu.memory_space<vmem_shared>> -> memref<10240x128xf32, #tpu.memory_space<vmem_shared>>
      tpu.enqueue_indirect_dma source(%dma_start3A_677 : memref<128x128xf32, #tpu.memory_space<vmem>>) target(%dma_start3A_683 : memref<10240x128xf32, #tpu.memory_space<vmem_shared>>) offsets(%dma_start3A_680 : memref<128xi32, #tpu.memory_space<vmem>>) semaphore(%arg11 : memref<!tpu.dma_semaphore, #tpu.memory_space<semaphore_mem>>) {add = true}
      %dma_start3A_684 = arith.constant 14 : i32
      %dma_start3A_685 = arith.constant 0 : i32
      %dma_start3A_686 = arith.constant 0 : i32
      %dma_start3A_687 = arith.constant 0 : i32
      %dma_start3A_688 = tpu.memref_slice %arg9[%dma_start3A_685, %dma_start3A_686, %dma_start3A_687] : memref<2x128x128xf32, #tpu.memory_space<vmem>> -> memref<1x128x128xf32, #tpu.memory_space<vmem>>
      %dma_start3A_689 = tpu.memref_squeeze %dma_start3A_688 : memref<1x128x128xf32, #tpu.memory_space<vmem>> -> memref<128x128xf32, #tpu.memory_space<vmem>>
      %dma_start3A_690 = arith.constant 0 : i32
      %dma_start3A_691 = tpu.memref_slice %arg7[%dma_start3A_684, %dma_start3A_690] : memref<16x128xi32, #tpu.memory_space<vmem>> -> memref<1x128xi32, #tpu.memory_space<vmem>>
      %dma_start3A_692 = tpu.memref_squeeze %dma_start3A_691 : memref<1x128xi32, #tpu.memory_space<vmem>> -> memref<128xi32, #tpu.memory_space<vmem>>
      %dma_start3A_693 = arith.constant 0 : i32
      %dma_start3A_694 = arith.constant 0 : i32
      %dma_start3A_695 = tpu.memref_slice %arg2[%dma_start3A_693, %dma_start3A_694] : memref<10240x128xf32, #tpu.memory_space<hbm>> -> memref<10240x128xf32, #tpu.memory_space<hbm>>
      tpu.enqueue_indirect_dma source(%dma_start3A_695 : memref<10240x128xf32, #tpu.memory_space<hbm>>) target(%dma_start3A_689 : memref<128x128xf32, #tpu.memory_space<vmem>>) offsets(%dma_start3A_692 : memref<128xi32, #tpu.memory_space<vmem>>) semaphore(%arg10 : memref<!tpu.dma_semaphore, #tpu.memory_space<semaphore_mem>>)
      %dma_wait3A_696 = arith.constant 14 : i32
      %dma_wait3A_697 = arith.constant 0 : i32
      %dma_wait3A_698 = arith.constant 0 : i32
      %dma_wait3A_699 = arith.constant 0 : i32
      %dma_wait3A_700 = tpu.memref_slice %arg9[%dma_wait3A_697, %dma_wait3A_698, %dma_wait3A_699] : memref<2x128x128xf32, #tpu.memory_space<vmem>> -> memref<1x128x128xf32, #tpu.memory_space<vmem>>
      %dma_wait3A_701 = tpu.memref_squeeze %dma_wait3A_700 : memref<1x128x128xf32, #tpu.memory_space<vmem>> -> memref<128x128xf32, #tpu.memory_space<vmem>>
      %dma_wait3A_702 = arith.constant 0 : i32
      %dma_wait3A_703 = tpu.memref_slice %arg7[%dma_wait3A_696, %dma_wait3A_702] : memref<16x128xi32, #tpu.memory_space<vmem>> -> memref<1x128xi32, #tpu.memory_space<vmem>>
      %dma_wait3A_704 = tpu.memref_squeeze %dma_wait3A_703 : memref<1x128xi32, #tpu.memory_space<vmem>> -> memref<128xi32, #tpu.memory_space<vmem>>
      %dma_wait3A_705 = arith.constant 0 : i32
      %dma_wait3A_706 = arith.constant 0 : i32
      %dma_wait3A_707 = tpu.memref_slice %arg2[%dma_wait3A_705, %dma_wait3A_706] : memref<10240x128xf32, #tpu.memory_space<hbm>> -> memref<10240x128xf32, #tpu.memory_space<hbm>>
      tpu.wait_indirect_dma semaphore(%arg10 : memref<!tpu.dma_semaphore, #tpu.memory_space<semaphore_mem>>) src(%dma_wait3A_707 : memref<10240x128xf32, #tpu.memory_space<hbm>>) dst(%dma_wait3A_701 : memref<128x128xf32, #tpu.memory_space<vmem>>)
      %dma_wait3A_708 = arith.constant 1 : i32
      %dma_wait3A_709 = arith.constant 13 : i32
      %dma_wait3A_710 = arith.constant 0 : i32
      %dma_wait3A_711 = arith.constant 0 : i32
      %dma_wait3A_712 = tpu.memref_slice %arg9[%dma_wait3A_708, %dma_wait3A_710, %dma_wait3A_711] : memref<2x128x128xf32, #tpu.memory_space<vmem>> -> memref<1x128x128xf32, #tpu.memory_space<vmem>>
      %dma_wait3A_713 = tpu.memref_squeeze %dma_wait3A_712 : memref<1x128x128xf32, #tpu.memory_space<vmem>> -> memref<128x128xf32, #tpu.memory_space<vmem>>
      %dma_wait3A_714 = arith.constant 0 : i32
      %dma_wait3A_715 = tpu.memref_slice %arg8[%dma_wait3A_709, %dma_wait3A_714] : memref<16x128xi32, #tpu.memory_space<vmem>> -> memref<1x128xi32, #tpu.memory_space<vmem>>
      %dma_wait3A_716 = tpu.memref_squeeze %dma_wait3A_715 : memref<1x128xi32, #tpu.memory_space<vmem>> -> memref<128xi32, #tpu.memory_space<vmem>>
      %dma_wait3A_717 = arith.constant 0 : i32
      %dma_wait3A_718 = arith.constant 0 : i32
      %dma_wait3A_719 = tpu.memref_slice %arg6[%dma_wait3A_717, %dma_wait3A_718] : memref<10240x128xf32, #tpu.memory_space<vmem_shared>> -> memref<10240x128xf32, #tpu.memory_space<vmem_shared>>
      tpu.wait_indirect_dma semaphore(%arg11 : memref<!tpu.dma_semaphore, #tpu.memory_space<semaphore_mem>>) src(%dma_wait3A_713 : memref<128x128xf32, #tpu.memory_space<vmem>>) dst(%dma_wait3A_719 : memref<10240x128xf32, #tpu.memory_space<vmem_shared>>)
      %dma_start3A_720 = arith.constant 0 : i32
      %dma_start3A_721 = arith.constant 14 : i32
      %dma_start3A_722 = arith.constant 0 : i32
      %dma_start3A_723 = arith.constant 0 : i32
      %dma_start3A_724 = tpu.memref_slice %arg9[%dma_start3A_720, %dma_start3A_722, %dma_start3A_723] : memref<2x128x128xf32, #tpu.memory_space<vmem>> -> memref<1x128x128xf32, #tpu.memory_space<vmem>>
      %dma_start3A_725 = tpu.memref_squeeze %dma_start3A_724 : memref<1x128x128xf32, #tpu.memory_space<vmem>> -> memref<128x128xf32, #tpu.memory_space<vmem>>
      %dma_start3A_726 = arith.constant 0 : i32
      %dma_start3A_727 = tpu.memref_slice %arg8[%dma_start3A_721, %dma_start3A_726] : memref<16x128xi32, #tpu.memory_space<vmem>> -> memref<1x128xi32, #tpu.memory_space<vmem>>
      %dma_start3A_728 = tpu.memref_squeeze %dma_start3A_727 : memref<1x128xi32, #tpu.memory_space<vmem>> -> memref<128xi32, #tpu.memory_space<vmem>>
      %dma_start3A_729 = arith.constant 0 : i32
      %dma_start3A_730 = arith.constant 0 : i32
      %dma_start3A_731 = tpu.memref_slice %arg6[%dma_start3A_729, %dma_start3A_730] : memref<10240x128xf32, #tpu.memory_space<vmem_shared>> -> memref<10240x128xf32, #tpu.memory_space<vmem_shared>>
      tpu.enqueue_indirect_dma source(%dma_start3A_725 : memref<128x128xf32, #tpu.memory_space<vmem>>) target(%dma_start3A_731 : memref<10240x128xf32, #tpu.memory_space<vmem_shared>>) offsets(%dma_start3A_728 : memref<128xi32, #tpu.memory_space<vmem>>) semaphore(%arg11 : memref<!tpu.dma_semaphore, #tpu.memory_space<semaphore_mem>>) {add = true}
      %dma_start3A_732 = arith.constant 15 : i32
      %dma_start3A_733 = arith.constant 1 : i32
      %dma_start3A_734 = arith.constant 0 : i32
      %dma_start3A_735 = arith.constant 0 : i32
      %dma_start3A_736 = tpu.memref_slice %arg9[%dma_start3A_733, %dma_start3A_734, %dma_start3A_735] : memref<2x128x128xf32, #tpu.memory_space<vmem>> -> memref<1x128x128xf32, #tpu.memory_space<vmem>>
      %dma_start3A_737 = tpu.memref_squeeze %dma_start3A_736 : memref<1x128x128xf32, #tpu.memory_space<vmem>> -> memref<128x128xf32, #tpu.memory_space<vmem>>
      %dma_start3A_738 = arith.constant 0 : i32
      %dma_start3A_739 = tpu.memref_slice %arg7[%dma_start3A_732, %dma_start3A_738] : memref<16x128xi32, #tpu.memory_space<vmem>> -> memref<1x128xi32, #tpu.memory_space<vmem>>
      %dma_start3A_740 = tpu.memref_squeeze %dma_start3A_739 : memref<1x128xi32, #tpu.memory_space<vmem>> -> memref<128xi32, #tpu.memory_space<vmem>>
      %dma_start3A_741 = arith.constant 0 : i32
      %dma_start3A_742 = arith.constant 0 : i32
      %dma_start3A_743 = tpu.memref_slice %arg2[%dma_start3A_741, %dma_start3A_742] : memref<10240x128xf32, #tpu.memory_space<hbm>> -> memref<10240x128xf32, #tpu.memory_space<hbm>>
      tpu.enqueue_indirect_dma source(%dma_start3A_743 : memref<10240x128xf32, #tpu.memory_space<hbm>>) target(%dma_start3A_737 : memref<128x128xf32, #tpu.memory_space<vmem>>) offsets(%dma_start3A_740 : memref<128xi32, #tpu.memory_space<vmem>>) semaphore(%arg10 : memref<!tpu.dma_semaphore, #tpu.memory_space<semaphore_mem>>)
      %dma_wait3A_744 = arith.constant 15 : i32
      %dma_wait3A_745 = arith.constant 1 : i32
      %dma_wait3A_746 = arith.constant 0 : i32
      %dma_wait3A_747 = arith.constant 0 : i32
      %dma_wait3A_748 = tpu.memref_slice %arg9[%dma_wait3A_745, %dma_wait3A_746, %dma_wait3A_747] : memref<2x128x128xf32, #tpu.memory_space<vmem>> -> memref<1x128x128xf32, #tpu.memory_space<vmem>>
      %dma_wait3A_749 = tpu.memref_squeeze %dma_wait3A_748 : memref<1x128x128xf32, #tpu.memory_space<vmem>> -> memref<128x128xf32, #tpu.memory_space<vmem>>
      %dma_wait3A_750 = arith.constant 0 : i32
      %dma_wait3A_751 = tpu.memref_slice %arg7[%dma_wait3A_744, %dma_wait3A_750] : memref<16x128xi32, #tpu.memory_space<vmem>> -> memref<1x128xi32, #tpu.memory_space<vmem>>
      %dma_wait3A_752 = tpu.memref_squeeze %dma_wait3A_751 : memref<1x128xi32, #tpu.memory_space<vmem>> -> memref<128xi32, #tpu.memory_space<vmem>>
      %dma_wait3A_753 = arith.constant 0 : i32
      %dma_wait3A_754 = arith.constant 0 : i32
      %dma_wait3A_755 = tpu.memref_slice %arg2[%dma_wait3A_753, %dma_wait3A_754] : memref<10240x128xf32, #tpu.memory_space<hbm>> -> memref<10240x128xf32, #tpu.memory_space<hbm>>
      tpu.wait_indirect_dma semaphore(%arg10 : memref<!tpu.dma_semaphore, #tpu.memory_space<semaphore_mem>>) src(%dma_wait3A_755 : memref<10240x128xf32, #tpu.memory_space<hbm>>) dst(%dma_wait3A_749 : memref<128x128xf32, #tpu.memory_space<vmem>>)
      %dma_wait3A_756 = arith.constant 0 : i32
      %dma_wait3A_757 = arith.constant 14 : i32
      %dma_wait3A_758 = arith.constant 0 : i32
      %dma_wait3A_759 = arith.constant 0 : i32
      %dma_wait3A_760 = tpu.memref_slice %arg9[%dma_wait3A_756, %dma_wait3A_758, %dma_wait3A_759] : memref<2x128x128xf32, #tpu.memory_space<vmem>> -> memref<1x128x128xf32, #tpu.memory_space<vmem>>
      %dma_wait3A_761 = tpu.memref_squeeze %dma_wait3A_760 : memref<1x128x128xf32, #tpu.memory_space<vmem>> -> memref<128x128xf32, #tpu.memory_space<vmem>>
      %dma_wait3A_762 = arith.constant 0 : i32
      %dma_wait3A_763 = tpu.memref_slice %arg8[%dma_wait3A_757, %dma_wait3A_762] : memref<16x128xi32, #tpu.memory_space<vmem>> -> memref<1x128xi32, #tpu.memory_space<vmem>>
      %dma_wait3A_764 = tpu.memref_squeeze %dma_wait3A_763 : memref<1x128xi32, #tpu.memory_space<vmem>> -> memref<128xi32, #tpu.memory_space<vmem>>
      %dma_wait3A_765 = arith.constant 0 : i32
      %dma_wait3A_766 = arith.constant 0 : i32
      %dma_wait3A_767 = tpu.memref_slice %arg6[%dma_wait3A_765, %dma_wait3A_766] : memref<10240x128xf32, #tpu.memory_space<vmem_shared>> -> memref<10240x128xf32, #tpu.memory_space<vmem_shared>>
      tpu.wait_indirect_dma semaphore(%arg11 : memref<!tpu.dma_semaphore, #tpu.memory_space<semaphore_mem>>) src(%dma_wait3A_761 : memref<128x128xf32, #tpu.memory_space<vmem>>) dst(%dma_wait3A_767 : memref<10240x128xf32, #tpu.memory_space<vmem_shared>>)
      %dma_start3A_768 = arith.constant 1 : i32
      %dma_start3A_769 = arith.constant 15 : i32
      %dma_start3A_770 = arith.constant 0 : i32
      %dma_start3A_771 = arith.constant 0 : i32
      %dma_start3A_772 = tpu.memref_slice %arg9[%dma_start3A_768, %dma_start3A_770, %dma_start3A_771] : memref<2x128x128xf32, #tpu.memory_space<vmem>> -> memref<1x128x128xf32, #tpu.memory_space<vmem>>
      %dma_start3A_773 = tpu.memref_squeeze %dma_start3A_772 : memref<1x128x128xf32, #tpu.memory_space<vmem>> -> memref<128x128xf32, #tpu.memory_space<vmem>>
      %dma_start3A_774 = arith.constant 0 : i32
      %dma_start3A_775 = tpu.memref_slice %arg8[%dma_start3A_769, %dma_start3A_774] : memref<16x128xi32, #tpu.memory_space<vmem>> -> memref<1x128xi32, #tpu.memory_space<vmem>>
      %dma_start3A_776 = tpu.memref_squeeze %dma_start3A_775 : memref<1x128xi32, #tpu.memory_space<vmem>> -> memref<128xi32, #tpu.memory_space<vmem>>
      %dma_start3A_777 = arith.constant 0 : i32
      %dma_start3A_778 = arith.constant 0 : i32
      %dma_start3A_779 = tpu.memref_slice %arg6[%dma_start3A_777, %dma_start3A_778] : memref<10240x128xf32, #tpu.memory_space<vmem_shared>> -> memref<10240x128xf32, #tpu.memory_space<vmem_shared>>
      tpu.enqueue_indirect_dma source(%dma_start3A_773 : memref<128x128xf32, #tpu.memory_space<vmem>>) target(%dma_start3A_779 : memref<10240x128xf32, #tpu.memory_space<vmem_shared>>) offsets(%dma_start3A_776 : memref<128xi32, #tpu.memory_space<vmem>>) semaphore(%arg11 : memref<!tpu.dma_semaphore, #tpu.memory_space<semaphore_mem>>) {add = true}
      %dma_wait3A_780 = arith.constant 1 : i32
      %dma_wait3A_781 = arith.constant 15 : i32
      %dma_wait3A_782 = arith.constant 0 : i32
      %dma_wait3A_783 = arith.constant 0 : i32
      %dma_wait3A_784 = tpu.memref_slice %arg9[%dma_wait3A_780, %dma_wait3A_782, %dma_wait3A_783] : memref<2x128x128xf32, #tpu.memory_space<vmem>> -> memref<1x128x128xf32, #tpu.memory_space<vmem>>
      %dma_wait3A_785 = tpu.memref_squeeze %dma_wait3A_784 : memref<1x128x128xf32, #tpu.memory_space<vmem>> -> memref<128x128xf32, #tpu.memory_space<vmem>>
      %dma_wait3A_786 = arith.constant 0 : i32
      %dma_wait3A_787 = tpu.memref_slice %arg8[%dma_wait3A_781, %dma_wait3A_786] : memref<16x128xi32, #tpu.memory_space<vmem>> -> memref<1x128xi32, #tpu.memory_space<vmem>>
      %dma_wait3A_788 = tpu.memref_squeeze %dma_wait3A_787 : memref<1x128xi32, #tpu.memory_space<vmem>> -> memref<128xi32, #tpu.memory_space<vmem>>
      %dma_wait3A_789 = arith.constant 0 : i32
      %dma_wait3A_790 = arith.constant 0 : i32
      %dma_wait3A_791 = tpu.memref_slice %arg6[%dma_wait3A_789, %dma_wait3A_790] : memref<10240x128xf32, #tpu.memory_space<vmem_shared>> -> memref<10240x128xf32, #tpu.memory_space<vmem_shared>>
      tpu.wait_indirect_dma semaphore(%arg11 : memref<!tpu.dma_semaphore, #tpu.memory_space<semaphore_mem>>) src(%dma_wait3A_785 : memref<128x128xf32, #tpu.memory_space<vmem>>) dst(%dma_wait3A_791 : memref<10240x128xf32, #tpu.memory_space<vmem_shared>>)
    }
    %scan3A_19 = arith.constant 5 : i32
    %barrier3A_20 = arith.constant 0 : index
    tpu.barrier barrier_id(%barrier3A_20)
    "tpu.region"() ({
      %run_scoped3A = tpu.sem_alloc : memref<!tpu.dma_semaphore, #tpu.memory_space<semaphore_mem>>
      %dma_start3A = arith.constant 0 : i32
      %dma_start3A_21 = tpu.memref_slice %arg5[%arg0, %mul3A_2, %dma_start3A] : memref<2x10240x128xf32, #tpu.memory_space<hbm>> -> memref<1x640x128xf32, #tpu.memory_space<hbm>>
      %dma_start3A_22 = tpu.memref_squeeze %dma_start3A_21 : memref<1x640x128xf32, #tpu.memory_space<hbm>> -> memref<640x128xf32, #tpu.memory_space<hbm>>
      %dma_start3A_23 = arith.constant 0 : i32
      %dma_start3A_24 = tpu.memref_slice %arg6[%mul3A_2, %dma_start3A_23] : memref<10240x128xf32, #tpu.memory_space<vmem_shared>> -> memref<640x128xf32, #tpu.memory_space<vmem_shared>>
      tpu.enqueue_dma source(%dma_start3A_24 : memref<640x128xf32, #tpu.memory_space<vmem_shared>>) target(%dma_start3A_22 : memref<640x128xf32, #tpu.memory_space<hbm>>) target_semaphore(%run_scoped3A : memref<!tpu.dma_semaphore, #tpu.memory_space<semaphore_mem>>)
      %dma_wait3A = arith.constant 0 : i32
      %dma_wait3A_25 = tpu.memref_slice %arg5[%arg0, %mul3A_2, %dma_wait3A] : memref<2x10240x128xf32, #tpu.memory_space<hbm>> -> memref<1x640x128xf32, #tpu.memory_space<hbm>>
      %dma_wait3A_26 = tpu.memref_squeeze %dma_wait3A_25 : memref<1x640x128xf32, #tpu.memory_space<hbm>> -> memref<640x128xf32, #tpu.memory_space<hbm>>
      %dma_wait3A_27 = arith.constant 0 : i32
      %dma_wait3A_28 = tpu.memref_slice %arg6[%mul3A_2, %dma_wait3A_27] : memref<10240x128xf32, #tpu.memory_space<vmem_shared>> -> memref<640x128xf32, #tpu.memory_space<vmem_shared>>
      tpu.wait_dma2 semaphore(%run_scoped3A : memref<!tpu.dma_semaphore, #tpu.memory_space<semaphore_mem>>) src(%dma_wait3A_28 : memref<640x128xf32, #tpu.memory_space<vmem_shared>>) dst(%dma_wait3A_26 : memref<640x128xf32, #tpu.memory_space<hbm>>)
      tpu.yield
    }) : () -> ()
    return
  }
}

module attributes {stable_mosaic.version = 14 : i64} {
  func.func @_stage_a(%arg0: i32, %arg1: memref<1280x128xf32, #tpu.memory_space<vmem>>, %arg2: memref<128x128xf32, #tpu.memory_space<vmem>>, %arg3: memref<1x128xf32, #tpu.memory_space<vmem>>, %arg4: memref<128x128xf32, #tpu.memory_space<vmem>>, %arg5: memref<2x1280xf32, #tpu.memory_space<vmem>>, %arg6: memref<1280x128xf32, #tpu.memory_space<vmem>>, %arg7: memref<1280x1xf32, #tpu.memory_space<vmem>>) attributes {dimension_semantics = [#tpu.dimension_semantics<arbitrary>], iteration_bounds = array<i64: 8>, scalar_prefetch = 0 : i64, scratch_operands = 0 : i64, tpu.core_type = #tpu.core_type<tc>, window_params = [{transform_indices = @transform_0, window_bounds = array<i64: 1280, 128>}, {pipeline_mode = #tpu.pipeline_mode<synchronous>, transform_indices = @transform_1, window_bounds = array<i64: 128, 128>}, {pipeline_mode = #tpu.pipeline_mode<synchronous>, transform_indices = @transform_2, window_bounds = array<i64: 1, 128>}, {pipeline_mode = #tpu.pipeline_mode<synchronous>, transform_indices = @transform_3, window_bounds = array<i64: 128, 128>}, {transform_indices = @transform_4, window_bounds = array<i64: 2, 1280>}, {transform_indices = @transform_5, window_bounds = array<i64: 1280, 128>}, {transform_indices = @transform_6, window_bounds = array<i64: 1280, 1>}]} {
    %get3A = arith.constant 0 : index
    %get3A_0 = arith.constant 0 : index
    %get3A_1 = vector.load %arg5[%get3A, %get3A_0] : memref<2x1280xf32, #tpu.memory_space<vmem>>, vector<1x1280xf32>
    %get3A_2 = vector.shape_cast %get3A_1 : vector<1x1280xf32> to vector<1280xf32>
    %get3A_3 = arith.constant 1 : index
    %get3A_4 = arith.constant 0 : index
    %get3A_5 = vector.load %arg5[%get3A_3, %get3A_4] : memref<2x1280xf32, #tpu.memory_space<vmem>>, vector<1x1280xf32>
    %get3A_6 = vector.shape_cast %get3A_5 : vector<1x1280xf32> to vector<1280xf32>
    %add3A = arith.addf %get3A_2, %get3A_6 : vector<1280xf32>
    %add3A_7 = arith.constant 1.000000e+00 : f32
    %add3A_8 = vector.broadcast %add3A_7 : f32 to vector<1280xf32>
    %add3A_9 = arith.addf %add3A, %add3A_8 : vector<1280xf32>
    %rsqrt3A = math.rsqrt %add3A_9 : vector<1280xf32>
    %reshape3A = vector.shape_cast %rsqrt3A : vector<1280xf32> to vector<1280x1xf32>
    %get3A_10 = arith.constant 0 : index
    %get3A_11 = arith.constant 0 : index
    %get3A_12 = vector.load %arg1[%get3A_10, %get3A_11] : memref<1280x128xf32, #tpu.memory_space<vmem>>, vector<1280x128xf32>
    %get3A_13 = arith.constant 0 : index
    %get3A_14 = arith.constant 0 : index
    %get3A_15 = vector.load %arg2[%get3A_13, %get3A_14] : memref<128x128xf32, #tpu.memory_space<vmem>>, vector<128x128xf32>
    %dot_general3A = arith.constant dense<0.000000e+00> : vector<1280x128xf32>
    %dot_general3A_16 = tpu.matmul %get3A_12, %get3A_15, %dot_general3A {dimension_numbers = #tpu.dot_dimension_numbers<[1], [0], [0], [1], [0, 0, 1, 1], [], []>, transpose_lhs_hint = false} : vector<1280x128xf32>, vector<128x128xf32>, vector<1280x128xf32> -> vector<1280x128xf32>
    %get3A_17 = arith.constant 0 : index
    %get3A_18 = arith.constant 0 : index
    %get3A_19 = vector.load %arg3[%get3A_17, %get3A_18] : memref<1x128xf32, #tpu.memory_space<vmem>>, vector<1x128xf32>
    %add3A_20 = vector.broadcast %get3A_19 : vector<1x128xf32> to vector<1280x128xf32>
    %add3A_21 = arith.addf %dot_general3A_16, %add3A_20 : vector<1280x128xf32>
    %max3A = arith.constant 0.000000e+00 : f32
    %max3A_22 = vector.broadcast %max3A : f32 to vector<1280x128xf32>
    %max3A_23 = arith.maximumf %add3A_21, %max3A_22 : vector<1280x128xf32>
    %get3A_24 = arith.constant 0 : index
    %get3A_25 = arith.constant 0 : index
    %get3A_26 = vector.load %arg4[%get3A_24, %get3A_25] : memref<128x128xf32, #tpu.memory_space<vmem>>, vector<128x128xf32>
    %dot_general3A_27 = arith.constant dense<0.000000e+00> : vector<1280x128xf32>
    %dot_general3A_28 = tpu.matmul %max3A_23, %get3A_26, %dot_general3A_27 {dimension_numbers = #tpu.dot_dimension_numbers<[1], [0], [0], [1], [0, 0, 1, 1], [], []>, transpose_lhs_hint = false} : vector<1280x128xf32>, vector<128x128xf32>, vector<1280x128xf32> -> vector<1280x128xf32>
    %mul3A = vector.broadcast %reshape3A : vector<1280x1xf32> to vector<1280x128xf32>
    %mul3A_29 = arith.mulf %dot_general3A_28, %mul3A : vector<1280x128xf32>
    %swap3A = arith.constant 0 : index
    %swap3A_30 = arith.constant 0 : index
    %swap3A_31 = vector.load %arg6[%swap3A, %swap3A_30] : memref<1280x128xf32, #tpu.memory_space<vmem>>, vector<1280x128xf32>
    tpu.vector_store %arg6[%swap3A, %swap3A_30], %mul3A_29 {strides = array<i32>} : memref<1280x128xf32, #tpu.memory_space<vmem>>, vector<1280x128xf32>,
    %swap3A_32 = arith.constant 0 : index
    %swap3A_33 = arith.constant 0 : index
    %swap3A_34 = vector.load %arg7[%swap3A_32, %swap3A_33] : memref<1280x1xf32, #tpu.memory_space<vmem>>, vector<1280x1xf32>
    tpu.vector_store %arg7[%swap3A_32, %swap3A_33], %reshape3A {strides = array<i32>} : memref<1280x1xf32, #tpu.memory_space<vmem>>, vector<1280x1xf32>,
    return
  }
  func.func @transform_0(%arg0: i32) -> (i32, i32) {
    %c0_i32 = arith.constant 0 : i32
    %c0_i32_0 = arith.constant 0 : i32
    return %arg0, %c0_i32 : i32, i32
  }
  func.func @transform_1(%arg0: i32) -> (i32, i32) {
    %c0_i32 = arith.constant 0 : i32
    %c0_i32_0 = arith.constant 0 : i32
    %c0_i32_1 = arith.constant 0 : i32
    return %c0_i32, %c0_i32_0 : i32, i32
  }
  func.func @transform_2(%arg0: i32) -> (i32, i32) {
    %c0_i32 = arith.constant 0 : i32
    %c0_i32_0 = arith.constant 0 : i32
    %c0_i32_1 = arith.constant 0 : i32
    return %c0_i32, %c0_i32_0 : i32, i32
  }
  func.func @transform_3(%arg0: i32) -> (i32, i32) {
    %c0_i32 = arith.constant 0 : i32
    %c0_i32_0 = arith.constant 0 : i32
    %c0_i32_1 = arith.constant 0 : i32
    return %c0_i32, %c0_i32_0 : i32, i32
  }
  func.func @transform_4(%arg0: i32) -> (i32, i32) {
    %c0_i32 = arith.constant 0 : i32
    %c0_i32_0 = arith.constant 0 : i32
    return %c0_i32, %arg0 : i32, i32
  }
  func.func @transform_5(%arg0: i32) -> (i32, i32) {
    %c0_i32 = arith.constant 0 : i32
    %c0_i32_0 = arith.constant 0 : i32
    return %arg0, %c0_i32 : i32, i32
  }
  func.func @transform_6(%arg0: i32) -> (i32, i32) {
    %c0_i32 = arith.constant 0 : i32
    %c0_i32_0 = arith.constant 0 : i32
    return %arg0, %c0_i32 : i32, i32
  }
}

module attributes {stable_mosaic.version = 14 : i64} {
  func.func @_stage_b(%arg0: i32, %arg1: memref<2x1280x128xf32, #tpu.memory_space<vmem>>, %arg2: memref<1280x128xf32, #tpu.memory_space<vmem>>, %arg3: memref<1280x1xf32, #tpu.memory_space<vmem>>, %arg4: memref<1x128xf32, #tpu.memory_space<vmem>>, %arg5: memref<128x128xf32, #tpu.memory_space<vmem>>, %arg6: memref<1280x128xf32, #tpu.memory_space<vmem>>) attributes {dimension_semantics = [#tpu.dimension_semantics<arbitrary>], iteration_bounds = array<i64: 8>, scalar_prefetch = 0 : i64, scratch_operands = 0 : i64, tpu.core_type = #tpu.core_type<tc>, window_params = [{transform_indices = @transform_0, window_bounds = array<i64: 2, 1280, 128>}, {transform_indices = @transform_1, window_bounds = array<i64: 1280, 128>}, {transform_indices = @transform_2, window_bounds = array<i64: 1280, 1>}, {pipeline_mode = #tpu.pipeline_mode<synchronous>, transform_indices = @transform_3, window_bounds = array<i64: 1, 128>}, {pipeline_mode = #tpu.pipeline_mode<synchronous>, transform_indices = @transform_4, window_bounds = array<i64: 128, 128>}, {transform_indices = @transform_5, window_bounds = array<i64: 1280, 128>}]} {
    %get3A = arith.constant 0 : index
    %get3A_0 = arith.constant 0 : index
    %get3A_1 = vector.load %arg3[%get3A, %get3A_0] : memref<1280x1xf32, #tpu.memory_space<vmem>>, vector<1280x1xf32>
    %get3A_2 = arith.constant 0 : index
    %get3A_3 = arith.constant 0 : index
    %get3A_4 = arith.constant 0 : index
    %get3A_5 = vector.load %arg1[%get3A_2, %get3A_3, %get3A_4] : memref<2x1280x128xf32, #tpu.memory_space<vmem>>, vector<1x1280x128xf32>
    %get3A_6 = vector.shape_cast %get3A_5 : vector<1x1280x128xf32> to vector<1280x128xf32>
    %get3A_7 = arith.constant 1 : index
    %get3A_8 = arith.constant 0 : index
    %get3A_9 = arith.constant 0 : index
    %get3A_10 = vector.load %arg1[%get3A_7, %get3A_8, %get3A_9] : memref<2x1280x128xf32, #tpu.memory_space<vmem>>, vector<1x1280x128xf32>
    %get3A_11 = vector.shape_cast %get3A_10 : vector<1x1280x128xf32> to vector<1280x128xf32>
    %add3A = arith.addf %get3A_6, %get3A_11 : vector<1280x128xf32>
    %get3A_12 = arith.constant 0 : index
    %get3A_13 = arith.constant 0 : index
    %get3A_14 = vector.load %arg2[%get3A_12, %get3A_13] : memref<1280x128xf32, #tpu.memory_space<vmem>>, vector<1280x128xf32>
    %add3A_15 = arith.addf %add3A, %get3A_14 : vector<1280x128xf32>
    %mul3A = vector.broadcast %get3A_1 : vector<1280x1xf32> to vector<1280x128xf32>
    %mul3A_16 = arith.mulf %add3A_15, %mul3A : vector<1280x128xf32>
    %get3A_17 = arith.constant 0 : index
    %get3A_18 = arith.constant 0 : index
    %get3A_19 = vector.load %arg4[%get3A_17, %get3A_18] : memref<1x128xf32, #tpu.memory_space<vmem>>, vector<1x128xf32>
    %add3A_20 = vector.broadcast %get3A_19 : vector<1x128xf32> to vector<1280x128xf32>
    %add3A_21 = arith.addf %mul3A_16, %add3A_20 : vector<1280x128xf32>
    %max3A = arith.constant 0.000000e+00 : f32
    %max3A_22 = vector.broadcast %max3A : f32 to vector<1280x128xf32>
    %max3A_23 = arith.maximumf %add3A_21, %max3A_22 : vector<1280x128xf32>
    %get3A_24 = arith.constant 0 : index
    %get3A_25 = arith.constant 0 : index
    %get3A_26 = vector.load %arg5[%get3A_24, %get3A_25] : memref<128x128xf32, #tpu.memory_space<vmem>>, vector<128x128xf32>
    %dot_general3A = arith.constant dense<0.000000e+00> : vector<1280x128xf32>
    %dot_general3A_27 = tpu.matmul %max3A_23, %get3A_26, %dot_general3A {dimension_numbers = #tpu.dot_dimension_numbers<[1], [0], [0], [1], [0, 0, 1, 1], [], []>, transpose_lhs_hint = false} : vector<1280x128xf32>, vector<128x128xf32>, vector<1280x128xf32> -> vector<1280x128xf32>
    %mul3A_28 = vector.broadcast %get3A_1 : vector<1280x1xf32> to vector<1280x128xf32>
    %mul3A_29 = arith.mulf %dot_general3A_27, %mul3A_28 : vector<1280x128xf32>
    %swap3A = arith.constant 0 : index
    %swap3A_30 = arith.constant 0 : index
    %swap3A_31 = vector.load %arg6[%swap3A, %swap3A_30] : memref<1280x128xf32, #tpu.memory_space<vmem>>, vector<1280x128xf32>
    tpu.vector_store %arg6[%swap3A, %swap3A_30], %mul3A_29 {strides = array<i32>} : memref<1280x128xf32, #tpu.memory_space<vmem>>, vector<1280x128xf32>,
    return
  }
  func.func @transform_0(%arg0: i32) -> (i32, i32, i32) {
    %c0_i32 = arith.constant 0 : i32
    %c0_i32_0 = arith.constant 0 : i32
    %c0_i32_1 = arith.constant 0 : i32
    return %c0_i32, %arg0, %c0_i32_0 : i32, i32, i32
  }
  func.func @transform_1(%arg0: i32) -> (i32, i32) {
    %c0_i32 = arith.constant 0 : i32
    %c0_i32_0 = arith.constant 0 : i32
    return %arg0, %c0_i32 : i32, i32
  }
  func.func @transform_2(%arg0: i32) -> (i32, i32) {
    %c0_i32 = arith.constant 0 : i32
    %c0_i32_0 = arith.constant 0 : i32
    return %arg0, %c0_i32 : i32, i32
  }
  func.func @transform_3(%arg0: i32) -> (i32, i32) {
    %c0_i32 = arith.constant 0 : i32
    %c0_i32_0 = arith.constant 0 : i32
    %c0_i32_1 = arith.constant 0 : i32
    return %c0_i32, %c0_i32_0 : i32, i32
  }
  func.func @transform_4(%arg0: i32) -> (i32, i32) {
    %c0_i32 = arith.constant 0 : i32
    %c0_i32_0 = arith.constant 0 : i32
    %c0_i32_1 = arith.constant 0 : i32
    return %c0_i32, %c0_i32_0 : i32, i32
  }
  func.func @transform_5(%arg0: i32) -> (i32, i32) {
    %c0_i32 = arith.constant 0 : i32
    %c0_i32_0 = arith.constant 0 : i32
    return %arg0, %c0_i32 : i32, i32
  }
}

module attributes {stable_mosaic.version = 14 : i64} {
  func.func @_stage_c(%arg0: i32, %arg1: memref<2x1280x128xf32, #tpu.memory_space<vmem>>, %arg2: memref<1280x128xf32, #tpu.memory_space<vmem>>, %arg3: memref<1280x1xf32, #tpu.memory_space<vmem>>, %arg4: memref<1x128xf32, #tpu.memory_space<vmem>>, %arg5: memref<128x64xf32, #tpu.memory_space<vmem>>, %arg6: memref<1x64xf32, #tpu.memory_space<vmem>>, %arg7: memref<1280x64xf32, #tpu.memory_space<vmem>>) attributes {dimension_semantics = [#tpu.dimension_semantics<arbitrary>], iteration_bounds = array<i64: 8>, scalar_prefetch = 0 : i64, scratch_operands = 0 : i64, tpu.core_type = #tpu.core_type<tc>, window_params = [{transform_indices = @transform_0, window_bounds = array<i64: 2, 1280, 128>}, {transform_indices = @transform_1, window_bounds = array<i64: 1280, 128>}, {transform_indices = @transform_2, window_bounds = array<i64: 1280, 1>}, {pipeline_mode = #tpu.pipeline_mode<synchronous>, transform_indices = @transform_3, window_bounds = array<i64: 1, 128>}, {pipeline_mode = #tpu.pipeline_mode<synchronous>, transform_indices = @transform_4, window_bounds = array<i64: 128, 64>}, {pipeline_mode = #tpu.pipeline_mode<synchronous>, transform_indices = @transform_5, window_bounds = array<i64: 1, 64>}, {transform_indices = @transform_6, window_bounds = array<i64: 1280, 64>}]} {
    %get3A = arith.constant 0 : index
    %get3A_0 = arith.constant 0 : index
    %get3A_1 = vector.load %arg3[%get3A, %get3A_0] : memref<1280x1xf32, #tpu.memory_space<vmem>>, vector<1280x1xf32>
    %get3A_2 = arith.constant 0 : index
    %get3A_3 = arith.constant 0 : index
    %get3A_4 = arith.constant 0 : index
    %get3A_5 = vector.load %arg1[%get3A_2, %get3A_3, %get3A_4] : memref<2x1280x128xf32, #tpu.memory_space<vmem>>, vector<1x1280x128xf32>
    %get3A_6 = vector.shape_cast %get3A_5 : vector<1x1280x128xf32> to vector<1280x128xf32>
    %get3A_7 = arith.constant 1 : index
    %get3A_8 = arith.constant 0 : index
    %get3A_9 = arith.constant 0 : index
    %get3A_10 = vector.load %arg1[%get3A_7, %get3A_8, %get3A_9] : memref<2x1280x128xf32, #tpu.memory_space<vmem>>, vector<1x1280x128xf32>
    %get3A_11 = vector.shape_cast %get3A_10 : vector<1x1280x128xf32> to vector<1280x128xf32>
    %add3A = arith.addf %get3A_6, %get3A_11 : vector<1280x128xf32>
    %get3A_12 = arith.constant 0 : index
    %get3A_13 = arith.constant 0 : index
    %get3A_14 = vector.load %arg2[%get3A_12, %get3A_13] : memref<1280x128xf32, #tpu.memory_space<vmem>>, vector<1280x128xf32>
    %add3A_15 = arith.addf %add3A, %get3A_14 : vector<1280x128xf32>
    %mul3A = vector.broadcast %get3A_1 : vector<1280x1xf32> to vector<1280x128xf32>
    %mul3A_16 = arith.mulf %add3A_15, %mul3A : vector<1280x128xf32>
    %get3A_17 = arith.constant 0 : index
    %get3A_18 = arith.constant 0 : index
    %get3A_19 = vector.load %arg4[%get3A_17, %get3A_18] : memref<1x128xf32, #tpu.memory_space<vmem>>, vector<1x128xf32>
    %add3A_20 = vector.broadcast %get3A_19 : vector<1x128xf32> to vector<1280x128xf32>
    %add3A_21 = arith.addf %mul3A_16, %add3A_20 : vector<1280x128xf32>
    %max3A = arith.constant 0.000000e+00 : f32
    %max3A_22 = vector.broadcast %max3A : f32 to vector<1280x128xf32>
    %max3A_23 = arith.maximumf %add3A_21, %max3A_22 : vector<1280x128xf32>
    %get3A_24 = arith.constant 0 : index
    %get3A_25 = arith.constant 0 : index
    %get3A_26 = vector.load %arg5[%get3A_24, %get3A_25] : memref<128x64xf32, #tpu.memory_space<vmem>>, vector<128x64xf32>
    %dot_general3A = arith.constant dense<0.000000e+00> : vector<1280x64xf32>
    %dot_general3A_27 = tpu.matmul %max3A_23, %get3A_26, %dot_general3A {dimension_numbers = #tpu.dot_dimension_numbers<[1], [0], [0], [1], [0, 0, 1, 1], [], []>, transpose_lhs_hint = false} : vector<1280x128xf32>, vector<128x64xf32>, vector<1280x64xf32> -> vector<1280x64xf32>
    %get3A_28 = arith.constant 0 : index
    %get3A_29 = arith.constant 0 : index
    %get3A_30 = vector.load %arg6[%get3A_28, %get3A_29] : memref<1x64xf32, #tpu.memory_space<vmem>>, vector<1x64xf32>
    %add3A_31 = vector.broadcast %get3A_30 : vector<1x64xf32> to vector<1280x64xf32>
    %add3A_32 = arith.addf %dot_general3A_27, %add3A_31 : vector<1280x64xf32>
    %reduce_max3A = arith.constant dense<0xFF800000> : vector<1280xf32>
    %reduce_max3A_33 = vector.multi_reduction <maximumf>, %add3A_32, %reduce_max3A [1] : vector<1280x64xf32> to vector<1280xf32>
    %broadcast_in_dim3A = vector.shape_cast %reduce_max3A_33 : vector<1280xf32> to vector<1280x1xf32>
    %sub3A = vector.broadcast %broadcast_in_dim3A : vector<1280x1xf32> to vector<1280x64xf32>
    %sub3A_34 = arith.subf %add3A_32, %sub3A : vector<1280x64xf32>
    %exp3A = math.exp %sub3A_34 : vector<1280x64xf32>
    %reduce_sum3A = arith.constant dense<0.000000e+00> : vector<1280xf32>
    %reduce_sum3A_35 = vector.multi_reduction <add>, %exp3A, %reduce_sum3A [1] : vector<1280x64xf32> to vector<1280xf32>
    %broadcast_in_dim3A_36 = vector.shape_cast %reduce_sum3A_35 : vector<1280xf32> to vector<1280x1xf32>
    %log3A = math.log %broadcast_in_dim3A_36 : vector<1280x1xf32>
    %sub3A_37 = vector.broadcast %broadcast_in_dim3A : vector<1280x1xf32> to vector<1280x64xf32>
    %sub3A_38 = arith.subf %add3A_32, %sub3A_37 : vector<1280x64xf32>
    %sub3A_39 = vector.broadcast %log3A : vector<1280x1xf32> to vector<1280x64xf32>
    %sub3A_40 = arith.subf %sub3A_38, %sub3A_39 : vector<1280x64xf32>
    %swap3A = arith.constant 0 : index
    %swap3A_41 = arith.constant 0 : index
    %swap3A_42 = vector.load %arg7[%swap3A, %swap3A_41] : memref<1280x64xf32, #tpu.memory_space<vmem>>, vector<1280x64xf32>
    tpu.vector_store %arg7[%swap3A, %swap3A_41], %sub3A_40 {strides = array<i32>} : memref<1280x64xf32, #tpu.memory_space<vmem>>, vector<1280x64xf32>,
    return
  }
  func.func @transform_0(%arg0: i32) -> (i32, i32, i32) {
    %c0_i32 = arith.constant 0 : i32
    %c0_i32_0 = arith.constant 0 : i32
    %c0_i32_1 = arith.constant 0 : i32
    return %c0_i32, %arg0, %c0_i32_0 : i32, i32, i32
  }
  func.func @transform_1(%arg0: i32) -> (i32, i32) {
    %c0_i32 = arith.constant 0 : i32
    %c0_i32_0 = arith.constant 0 : i32
    return %arg0, %c0_i32 : i32, i32
  }
  func.func @transform_2(%arg0: i32) -> (i32, i32) {
    %c0_i32 = arith.constant 0 : i32
    %c0_i32_0 = arith.constant 0 : i32
    return %arg0, %c0_i32 : i32, i32
  }
  func.func @transform_3(%arg0: i32) -> (i32, i32) {
    %c0_i32 = arith.constant 0 : i32
    %c0_i32_0 = arith.constant 0 : i32
    %c0_i32_1 = arith.constant 0 : i32
    return %c0_i32, %c0_i32_0 : i32, i32
  }
  func.func @transform_4(%arg0: i32) -> (i32, i32) {
    %c0_i32 = arith.constant 0 : i32
    %c0_i32_0 = arith.constant 0 : i32
    %c0_i32_1 = arith.constant 0 : i32
    return %c0_i32, %c0_i32_0 : i32, i32
  }
  func.func @transform_5(%arg0: i32) -> (i32, i32) {
    %c0_i32 = arith.constant 0 : i32
    %c0_i32_0 = arith.constant 0 : i32
    %c0_i32_1 = arith.constant 0 : i32
    return %c0_i32, %c0_i32_0 : i32, i32
  }
  func.func @transform_6(%arg0: i32) -> (i32, i32) {
    %c0_i32 = arith.constant 0 : i32
    %c0_i32_0 = arith.constant 0 : i32
    return %arg0, %c0_i32 : i32, i32
  }
}

</mosaic_0001>

<sc_bundles>
// kernel: kernel.11.cloned.1.call-start
scs
__scs_entry_jumppad:
0x0: {  	(pc) =	sbr.rel $0x88, $3  }
0x1: {  	(tag) =	ssettag $0x0;
	lr =	simm.s32 $0x1  }
0x2: {  	[smem:$0x3F97] =	sst lr;
	_ =	strace $0xD0000000  }
0x3: {  	_ = 	snop  }
0x4: {  	_ = 	snop  }
0x5: {  	_ = 	snop  }
0x6: {  	_ = 	snop  }
0x7: {  	_ = 	snop  }
__scs_overlays_trampoline_lowered:
0x8: {  	[smem:$0x3FA6] =	sst s0  }
0x9: {  	[smem:$0x3FA7] =	sst s1  }
0xa: {  	[smem:$0x3FA8] =	sst s2  }
0xb: {  	[smem:$0x3FA9] =	sst s3  }
0xc: {  	[smem:$0x3FAA] =	sst s4  }
0xd: {  	[smem:$0x3FAB] =	sst s5  }
0xe: {  	[smem:$0x3FAC] =	sst s6  }
0xf: {  	[smem:$0x3FAD] =	sst s7  }
0x10: {  	[smem:$0x3FAE] =	sst s8  }
0x11: {  	[smem:$0x3FAF] =	sst s9;
	s0 =	simm.s32 @!p0 $0x0  }
0x12: {  	s1 =	sld [smem:$0x3F95];
	s0 =	simm.s32 @p0 $0x1  }
0x13: {  	[smem:$0x3FB0] =	sst s0;
	s0 =	simm.s32 @!p1 $0x0  }
0x14: {  	s2 =	sld [smem:$0x3F94];
	s0 =	simm.s32 @p1 $0x1  }
0x15: {  	[smem:$0x3FB1] =	sst s0;
	s0 =	simm.s32 @!p2 $0x0  }
0x16: {  	s3 =	sld [smem:$0x3FDB];
	s0 =	simm.s32 @p2 $0x1  }
0x17: {  	s4 =	simm.s32 $0x1BF5;
	[smem:$0x3FB3] =	sst s0  }
0x18: {  	s0 =	sld [smem:$0x3F96];
	_ =	swait.ge [sflag:s4], $0x0  }
0x19: {  	s7 =	sld [smem:$0x3F97]  }
0x1a: {  	s8 =	sadd.s32 $0xFFFFE003, lr  }
0x1b: {  	s9 =	sadd.s32 $0xFFFFFEF7, lr;
	s5 =	simm.s32 $0xFFFFFFFF;
	p2 =	slt.u32 s8, $0xFFFFF086  }
0x1c: {  	p1 =	slt.u32 s9, $0xF7A;
	s5 =	simm.s32 @!p2 $0x0  }
0x1d: {  	s5 =	simm.s32 @p1 $0x1;
	p0 =	seq.s32 s7, s2  }
0x1e: {  	s7 =	smul.u32 @!p0 $0xF7A, s2;
	p2 =	seq.s32 @!p0 s5, $0x0  }
0x1f: {  	s9 =	smul.u32 $0xF7A, s1;
	s8 =	simm.s32 @!p0 $0x1BF5;
	p2 =	por !p2, p0  }
0x20: {  	[sflag:s8] =	ssyncset.s32 @!p0 $0xFFFFF086;
	s6 =	sadd.s32 @!p0 s3, s7;
	s7 =	simm.s32 @!p0 $0x108  }
0x21: {  	s3 =	sadd.s32 s3, s9;
	s6 =	sadd.s32 @!p0 $0x88, s6;
	s7 =	simm.s32 @p2 $0x1082  }
0x22: {  	[simem:s7], [sflag:s8] =	dma.local @!p0 [hbm:s6], $0xF7A  }
0x23: {  	s9 =	sor.u32 $0xD0000000, s2;
	s6 =	simm.s32 $0x108;
	_ =	swait.ge @!p0 [sflag:s8], $0x0  }
0x24: {  	s3 =	sadd.s32 $0x88, s3;
	s6 =	simm.s32 @!p1 $0x1082;
	[sflag:s4] =	ssyncset.s32 $0xFFFFF086  }
0x25: {  	[simem:s6], [sflag:s4] =	dma.local [hbm:s3], $0xF7A  }
0x26: {  	[smem:$0x3F97] =	sst s1;
	(tag) =	ssettag s2;
	_ =	strace s9  }
0x27: {  	s1 =	sld [smem:$0x3FA7]  }
0x28: {  	s2 =	sld [smem:$0x3FA8]  }
0x29: {  	s4 =	sld [smem:$0x3FAA]  }
0x2a: {  	p0 =	seq.s32 s5, $0x0;
	s5 =	sld [smem:$0x3FAB]  }
0x2b: {  	s6 =	sld [smem:$0x3FAC]  }
0x2c: {  	s7 =	sld [smem:$0x3FAD]  }
0x2d: {  	s3 =	simm.s32 $0x108;
	s8 =	sld [smem:$0x3FAE]  }
0x2e: {  	s3 =	simm.s32 @!p0 $0x1082;
	s9 =	sld [smem:$0x3FAF]  }
0x2f: {  	lr =	sadd.s32 s0, s3;
	s0 =	sld [smem:$0x3FA6]  }
0x30: {  	s3 =	sld [smem:$0x3FA9]  }
0x31: {  	[smem:$0x3FB2] =	sst s10  }
0x32: {  	s10 =	sld [smem:$0x3FB0];
	_ =	sdelay $0x3  }
0x33: {  	p0 =	seq.s32 s10, $0x1;
	s10 =	sld [smem:$0x3FB2];
	_ =	sdelay $0x3  }
0x34: {  	[smem:$0x3FB2] =	sst s10  }
0x35: {  	s10 =	sld [smem:$0x3FB1];
	_ =	sdelay $0x3  }
0x36: {  	p1 =	seq.s32 s10, $0x1;
	s10 =	sld [smem:$0x3FB2];
	_ =	sdelay $0x3  }
0x37: {  	[smem:$0x3FB2] =	sst s10  }
0x38: {  	s10 =	sld [smem:$0x3FB3]  }
0x39: {  	_ = 	snop;
	(pc) =	sbr.ind lr, $3  }
0x3a: {  	_ = 	snop  }
0x3b: {  	_ = 	snop  }
0x3c: {  	p2 =	seq.s32 s10, $0x1;
	s10 =	sld [smem:$0x3FB2]  }
0x3d: {  	_ =	shalt  }
0x3e: {  	_ =	shalt  }
0x3f: {  	_ =	shalt  }
0x40: {  	_ =	shalt  }
0x41: {  	_ =	shalt  }
0x42: {  	_ =	shalt  }
0x43: {  	_ =	shalt  }
0x44: {  	_ =	shalt  }
0x45: {  	_ =	shalt  }
0x46: {  	_ =	shalt  }
0x47: {  	_ =	shalt  }
0x48: {  	_ =	shalt  }
0x49: {  	_ =	shalt  }
0x4a: {  	_ =	shalt  }
0x4b: {  	_ =	shalt  }
0x4c: {  	_ =	shalt  }
0x4d: {  	_ =	shalt  }
0x4e: {  	_ =	shalt  }
0x4f: {  	_ =	shalt  }
0x50: {  	_ =	shalt  }
0x51: {  	_ =	shalt  }
0x52: {  	_ =	shalt  }
0x53: {  	_ =	shalt  }
0x54: {  	_ =	shalt  }
0x55: {  	_ =	shalt  }
0x56: {  	_ =	shalt  }
0x57: {  	_ =	shalt  }
0x58: {  	_ =	shalt  }
0x59: {  	_ =	shalt  }
0x5a: {  	_ =	shalt  }
0x5b: {  	_ =	shalt  }
0x5c: {  	_ =	shalt  }
0x5d: {  	_ =	shalt  }
0x5e: {  	_ =	shalt  }
0x5f: {  	_ =	shalt  }
0x60: {  	_ =	shalt  }
0x61: {  	_ =	shalt  }
0x62: {  	_ =	shalt  }
0x63: {  	_ =	shalt  }
0x64: {  	_ =	shalt  }
0x65: {  	_ =	shalt  }
0x66: {  	_ =	shalt  }
0x67: {  	_ =	shalt  }
0x68: {  	_ =	shalt  }
0x69: {  	_ =	shalt  }
0x6a: {  	_ =	shalt  }
0x6b: {  	_ =	shalt  }
0x6c: {  	_ =	shalt  }
0x6d: {  	_ =	shalt  }
0x6e: {  	_ =	shalt  }
0x6f: {  	_ =	shalt  }
0x70: {  	_ =	shalt  }
0x71: {  	_ =	shalt  }
0x72: {  	_ =	shalt  }
0x73: {  	_ =	shalt  }
0x74: {  	_ =	shalt  }
0x75: {  	_ =	shalt  }
0x76: {  	_ =	shalt  }
0x77: {  	_ =	shalt  }
0x78: {  	_ =	shalt  }
0x79: {  	_ =	shalt  }
0x7a: {  	_ =	shalt  }
0x7b: {  	_ =	shalt  }
0x7c: {  	_ =	shalt  }
0x7d: {  	_ =	shalt  }
0x7e: {  	_ =	shalt  }
0x7f: {  	_ =	shalt  }
0x80: {  	_ =	shalt  }
0x81: {  	_ =	shalt  }
0x82: {  	_ =	shalt  }
0x83: {  	_ =	shalt  }
0x84: {  	_ =	shalt  }
0x85: {  	_ =	shalt  }
0x86: {  	_ =	shalt  }
0x87: {  	_ =	shalt  }
.Lfunc_end0:
.L_simem_size_0:
called_computation.1_lowered:
.L_overlay_start_0:
0x88: {  	s2 =	sld [smem:$0x3FD9]  }
0x89: {  	s3 =	sld [smem:$0x3FFE];
	_ =	sdelay $0x1  }
0x8a: {  	s1 =	srdreg.scid  }
0x8b: {  	s0 =	sand.u32 $0x1, s1  }
0x8c: {  	s17 =	sshll.u32 s0, $0xA;
	s2 =	sadd.s32 s3, s2  }
0x8d: {  	s2 =	sadd.s32 s2, s17  }
0x8e: {  	[smem:$0x3FBE] =	sst s2  }
0x8f: {  	_ = 	snop  }
0x90: {  	s2 =	sld [smem:$0x3FD0];
	(tm) =	ssettm $0x1  }
0x91: {  	s18 =	sld [smem:$0x3FFB];
	_ =	sdelay $0x3  }
0x92: {  	_ =	strace s18  }
0x93: {  	s3 =	sld [smem:$0x3FFC];
	_ =	sdelay $0x3  }
0x94: {  	_ =	strace s3  }
0x95: {  	s3 =	sld [smem:$0x3FFD];
	_ =	sdelay $0x3  }
0x96: {  	_ =	strace s3  }
0x97: {  	_ =	strace $0x8FFFFFFF  }
0x98: {  	s19 =	sld [smem:$0x3FDB];
	_ =	sdelay $0x1  }
0x99: {  	s4 =	simm.s32 $_scs_section_size  }
0x9a: {  	s5 =	simm.s32 $_size__tile_overlayer_lowered;
	s6 =	simm.s32 $_tile_overlayer_lowered  }
0x9b: {  	s22 =	simm.s32 $0x1BFF;
	s21 =	sshll.u32 s6, $0x1;
	s3 =	sadd.s32 s4, s19  }
0x9c: {  	s7 =	simm.s32 $0x0;
	s20 =	sshll.u32 s5, $0x1;
	s5 =	sadd.s32 s21, s3  }
0x9d: {  	[timem:s7], [sflag:s22] =	dma.local [hbm:s5], s20  }
0x9e: {  	_ =	swait.ge [sflag:s22], s20  }
0x9f: {  	s4 =	ssub.s32 $0x0, s20;
	[sflag:s22] =	ssyncset.done $0x0  }
0xa0: {  	[sflag:s22] =	ssyncadd.s32 s4;
	_ =	sdelay $0x1  }
0xa1: {  	s23 =	simm.s32 $0x1B8B  }
0xa2: {  	_ =	swait.ge [sflag:s23], $0x1  }
0xa3: {  	[sflag:s23] =	ssyncset.done $0x0  }
0xa4: {  	s25 =	simm.s32 $0x1B8E;
	s24 =	sld [smem:$0x3FFE];
	[sflag:s23] =	ssyncadd.s32 $0xFFFFFFFF  }
0xa5: {  	s26 =	simm.s32 $execute0_lowered;
	[smem:$0x3FD2] =	sst s25  }
0xa6: {  	s5 =	sshll.u32 s26, $0x1;
	_ =	strace $0x80000049;
	[dreg:$0x1] =	wrdreg $0xFFFFFFFF  }
0xa7: {  	s28 =	simm.s32 $_size_execute0_lowered;
	s3 =	sadd.s32 s3, s5;
	[dreg:$0x0] =	wrdreg $0x0  }
0xa8: {  	s5 =	sshll.u32 s28, $0x1;
	[dreg:$0x2] =	wrdreg s3  }
0xa9: {  	[dreg:$0x3] =	wrdreg s5  }
0xaa: {  	[dreg:$0x4] =	wrdreg $0xC0  }
0xab: {  	_ =	task [dreg:s7], $0x5FFFF  }
0xac: {  	[dreg:$0x1] =	wrdreg $0xFFFFFFFF  }
0xad: {  	[dreg:$0x0] =	wrdreg $0x60  }
0xae: {  	[dreg:$0x2] =	wrdreg s24  }
0xaf: {  	[dreg:$0x3] =	wrdreg s2  }
0xb0: {  	[dreg:$0x4] =	wrdreg $0x0  }
0xb1: {  	[dreg:$0x5] =	wrdreg $0x9  }
0xb2: {  	_ =	task.clear_ibuf [dreg:s7], $0x6FFFF;
	_ =	strace $0x90000049  }
0xb3: {  	s29 =	simm.s32 $0x9;
	_ =	strace $0x8000004B  }
0xb4: {  	_ =	swait.ge [sflag:s29], $0x1  }
0xb5: {  	[sflag:s29] =	ssyncadd.s32 $0xFFFFFFFF  }
0xb6: {  	_ =	strace $0x9000004B  }
0xb7: {  	_ =	sfence  }
0xb8: {  	s30 =	sld [smem:$0x0];
	_ =	sdelay $0x2  }
0xb9: {  	s31 =	sshll.u32 s1, $0xD;
	s1 =	sshrl.u32 s1, $0x2  }
0xba: {  	s3 =	sand.u32 $0x4000, s31;
	s1 =	sadd.s32 s1, s30  }
0xbb: {  	s0 =	sor.u32 s3, s0;
	s1 =	sshll.u32 s1, $0x11  }
0xbc: {  	s0 =	sor.u32 s1, s0  }
0xbd: {  	s0 =	sadd.s32 $0x8F2B, s0  }
0xbe: {  	[sflag:s0] =	ssyncadd.remote.s32 $0x1  }
0xbf: {  	_ =	sfence.sel $0xFFFF  }
0xc0: {  	[dreg:$0x0] =	wrdreg $0xFFFFFFFF;
	(pc) =	sbr.abs _section_cstart, $3  }
0xc1: {  	[dreg:$0x1] =	wrdreg $0xFFFFFFFF  }
0xc2: {  	_ =	task.clear_ibuf [dreg:s7], $0x2FFFF;
	_ =	strace $0x9FFFFFFF  }
0xc3: {  	(tm) =	ssettm $0x7FFFFFFF  }
tec
execute0_lowered:
.L_overlay_start_1:
0x0: {  	(tag) =	ssettag $0x1  }
0x1: {  	s0 =	rddreg [dreg:$0x0];
	s1 =	srdreg.scid  }
0x2: {  	s5 =	rddreg [dreg:$0x1];
	s9 =	stileid.u32  }
0x3: {  	s2 =	rddreg [dreg:$0x2];
	s6 =	smul.u32 $0x2800, s9  }
0x4: {  	s3 =	simm.s32 $0x0;
	s10 =	simm.s32 $0x14880;
	s8 =	smul.u32 $0x14000, s9  }
0x5: {  	[smem:$0x7FF] =	sst s3;
	s23 =	smul.u32 $0x50000, s9;
	s9 =	simm.s32 $0x14080  }
0x6: {  	s12 =	simm.s32 $0x14100;
	_ =	strace $0x8000004A;
	[dreg:$0x6] =	wrdreg s9  }
0x7: {  	s14 =	simm.s32 $0x14900;
	s16 =	simm.s32 $0x14180;
	[dreg:$0x7] =	wrdreg s10  }
0x8: {  	s18 =	simm.s32 $0x14980;
	s19 =	simm.s32 $0x14200;
	[dreg:$0x8] =	wrdreg s12  }
0x9: {  	s20 =	simm.s32 $0x14A00;
	s21 =	simm.s32 $0x14280;
	[dreg:$0x9] =	wrdreg s14  }
0xa: {  	s22 =	simm.s32 $0x14A80;
	s28 =	simm.s32 $0x14D80;
	[dreg:$0xa] =	wrdreg s16  }
0xb: {  	s29 =	simm.s32 $0x14600;
	s1 =	sand.u32 $0x1, s1;
	[dreg:$0xb] =	wrdreg s18  }
0xc: {  	s30 =	simm.s32 $0x14E00;
	s4 =	smul.u32 $0x28000, s1;
	[dreg:$0xc] =	wrdreg s19  }
0xd: {  	s31 =	simm.s32 $0x14680;
	s7 =	smul.u32 $0x140000, s1;
	[dreg:$0xd] =	wrdreg s20  }
0xe: {  	s1 =	ssub.s32 $0x2, s1;
	s12 =	simm.s32 $0x15000;
	[dreg:$0xe] =	wrdreg s21  }
0xf: {  	s14 =	simm.s32 $0x14000;
	s16 =	simm.s32 $0x80;
	[dreg:$0xf] =	wrdreg s22  }
0x10: {  	s18 =	simm.s32 $0x19000;
	s19 =	simm.s32 $0x2;
	s20 =	simm.s32 $0x14400  }
0x11: {  	s21 =	simm.s32 $0x14C00;
	s22 =	simm.s32 $0x14480;
	s25 =	sshrl.u32 s1, $0x1  }
0x12: {  	s26 =	sshrl.u32 s23, $0x2;
	s23 =	simm.s32 $0x14300;
	s6 =	sadd.s32 s6, s4  }
0x13: {  	s4 =	sadd.s32 $0xD200, s0;
	s7 =	sadd.s32 s8, s7;
	s1 =	ssub.s32 s1, s25  }
0x14: {  	[dreg:$0x10] =	wrdreg s23;
	s25 =	simm.s32 $0x14380;
	s6 =	sshrl.u32 s6, $0x3  }
0x15: {  	s7 =	sshrl.u32 s7, $0x3;
	s1 =	smax.u32 s1, $0x1;
	[dreg:$0x12] =	wrdreg s25  }
0x16: {  	s24 =	sadd.s32 s6, s0;
	s5 =	sadd.s32 s6, s5;
	[dreg:$0x16] =	wrdreg s1  }
0x17: {  	s0 =	sadd.s32 s7, s0;
	s7 =	sadd.s32 s26, s2;
	[dreg:$0x4] =	wrdreg s5  }
0x18: {  	s9 =	simm.s32 $0x0;
	s26 =	simm.s32 $0x14B80;
	[dreg:$0x14] =	wrdreg s7  }
0x19: {  	s23 =	simm.s32 $0x14C80;
	s0 =	sadd.s32 $0x35200, s0;
	[dreg:$0x13] =	wrdreg s26  }
0x1a: {  	s25 =	simm.s32 $0x14D00;
	s8 =	sadd.s32 $0x3200, s24;
	[dreg:$0x15] =	wrdreg s0  }
0x1b: {  	s1 =	simm.s32 $0x14E80;
	s11 =	sadd.s32 $0x4000, s7;
	[dreg:$0x5] =	wrdreg s8  }
0x1c: {  	s6 =	simm.s32 $0x14F00;
	s13 =	sadd.s32 $0x8000, s7;
	[dreg:$0x17] =	wrdreg s11  }
0x1d: {  	s15 =	sadd.s32 $0xC000, s7;
	s17 =	sadd.s32 $0x10000, s7;
	[dreg:$0x18] =	wrdreg s13  }
0x1e: {  	s24 =	simm.s32 $0x14B00;
	s26 =	simm.s32 $0x14580;
	[dreg:$0x19] =	wrdreg s15  }
0x1f: {  	s7 =	simm.s32 $0x14780;
	[dreg:$0x1a] =	wrdreg s17;
	s13 =	simm.s32 $0x3  }
0x20: {  	s15 =	simm.s32 $0x14800;
	s17 =	simm.s32 $0x1;
	[dreg:$0x11] =	wrdreg s24  }
0x21: {  	v0 =	vimm.f32 $0.0e+00;
	s24 =	simm.s32 $0x14500;
	s0 =	simm.s32 $0x14700;
	s8 =	simm.s32 $0x14F80  }
.LBB2_1:
0x22: {  	s10 =	simm.s32 $0x0;
	s11 =	simm.s32 $0x200  }
.LBB2_2:
0x23: {  	p0 =	sne.s32 s11, $0xFE00;
	[tilespmem:s10+$0x15070] =	vst v0  }
0x24: {  	[tilespmem:s10+$0x15000] =	vst v0  }
0x25: {  	[tilespmem:s10+$0x15010] =	vst v0  }
.Ltmp0:
0x26: {  	[tilespmem:s10+$0x15020] =	vst v0;
	(pc) =	sbr.rel @p0 .LBB2_2-.Ltmp0, $4  }
0x27: {  	[tilespmem:s10+$0x15030] =	vst v0  }
0x28: {  	[tilespmem:s10+$0x15040] =	vst v0  }
0x29: {  	[tilespmem:s10+$0x15050] =	vst v0  }
0x2a: {  	[tilespmem:s10+$0x15060] =	vst v0;
	s10 =	sshra.s32 s11, $0x2;
	s11 =	sadd.s32 $0x200, s11  }
0x2b: {  	[tilespmem:s10+$0x15070] =	vst v0  }
0x2c: {  	[tilespmem:s10+$0x15000] =	vst v0  }
0x2d: {  	[tilespmem:s10+$0x15010] =	vst v0  }
0x2e: {  	[tilespmem:s10+$0x15020] =	vst v0  }
0x2f: {  	[tilespmem:s10+$0x15030] =	vst v0  }
0x30: {  	[tilespmem:s10+$0x15040] =	vst v0  }
0x31: {  	[dreg:$0x1b] =	wrdreg s9;
	[tilespmem:s10+$0x15050] =	vst v0  }
0x32: {  	[tilespmem:s10+$0x15060] =	vst v0;
	s5 =	rddreg [dreg:$0x14]  }
0x33: {  	[spmem:s5] =	stream.linear.scatter [tilespmem:s12], [sflag:$0x3], $0x4000, $0x38;
	[tilespmem:$0x1D000] =	vst v63  }
0x34: {  	_ =	swait.ge [sflag:s13], $0x4000  }
0x35: {  	[sflag:s13] =	ssyncset.done $0x0  }
0x36: {  	s10 =	rddreg [dreg:$0x17];
	[sflag:s13] =	ssyncadd.s32 $0xFFFFC000  }
0x37: {  	[spmem:s10] =	stream.linear.scatter [tilespmem:s12], [sflag:$0x3], $0x4000, $0x38;
	[tilespmem:$0x1D000] =	vst v63  }
0x38: {  	_ =	swait.ge [sflag:s13], $0x4000  }
0x39: {  	[sflag:s13] =	ssyncset.done $0x0  }
0x3a: {  	s11 =	rddreg [dreg:$0x18];
	[sflag:s13] =	ssyncadd.s32 $0xFFFFC000  }
0x3b: {  	[spmem:s11] =	stream.linear.scatter [tilespmem:s12], [sflag:$0x3], $0x4000, $0x38;
	[tilespmem:$0x1D000] =	vst v63  }
0x3c: {  	_ =	swait.ge [sflag:s13], $0x4000  }
0x3d: {  	[sflag:s13] =	ssyncset.done $0x0  }
0x3e: {  	s9 =	rddreg [dreg:$0x19];
	[sflag:s13] =	ssyncadd.s32 $0xFFFFC000  }
0x3f: {  	[spmem:s9] =	stream.linear.scatter [tilespmem:s12], [sflag:$0x3], $0x4000, $0x38;
	[tilespmem:$0x1D000] =	vst v63  }
0x40: {  	_ =	swait.ge [sflag:s13], $0x4000  }
0x41: {  	[sflag:s13] =	ssyncset.done $0x0  }
0x42: {  	s10 =	rddreg [dreg:$0x1a];
	[sflag:s13] =	ssyncadd.s32 $0xFFFFC000  }
0x43: {  	[spmem:s10] =	stream.linear.scatter [tilespmem:s12], [sflag:$0x3], $0x4000, $0x38;
	[tilespmem:$0x1D000] =	vst v63  }
0x44: {  	_ =	swait.ge [sflag:s13], $0x4000  }
0x45: {  	[sflag:s13] =	ssyncset.done $0x0  }
0x46: {  	[sflag:s13] =	ssyncadd.s32 $0xFFFFC000  }
0x47: {  	[bflag:$0x0] =	sbarrier.arrive $0xFFFF  }
0x48: {  	s11 =	rddreg [dreg:$0x5]  }
0x49: {  	s5 =	sadd.s32 $0x0, s11  }
0x4a: {  	[tilespmem:s14], [sflag:$0x3] =	stream.linear.gather [hbm4b:s5+s3], $0x800, $0x38;
	[tilespmem:$0x1D000] =	vst v63  }
0x4b: {  	_ =	swait.ge [sflag:s13], $0x800  }
0x4c: {  	s9 =	rddreg [dreg:$0x4];
	[sflag:s13] =	ssyncset.done $0x0  }
0x4d: {  	[sflag:s13] =	ssyncadd.s32 $0xFFFFF800;
	s5 =	sadd.s32 $0x0, s9  }
0x4e: {  	[tilespmem:s15], [sflag:$0x3] =	stream.linear.gather [hbm4b:s5+s3], $0x800, $0x38;
	[tilespmem:$0x1D000] =	vst v63  }
0x4f: {  	_ =	swait.ge [sflag:s13], $0x800  }
0x50: {  	[sflag:s13] =	ssyncset.done $0x0  }
0x51: {  	[sflag:s13] =	ssyncadd.s32 $0xFFFFF800  }
0x52: {  	[tilespmem:s12], [sflag:$0x1] =	stream.indirect.gather [hbm4b:s4+s16], $0x80, s14, s16, $0xb8;
	[tilespmem:$0x1D000] =	vst v63  }
0x53: {  	_ =	swait.ge [sflag:s17], $0x4000  }
0x54: {  	[sflag:s17] =	ssyncset.done $0x0  }
0x55: {  	[sflag:s17] =	ssyncadd.s32 $0xFFFFC000  }
0x56: {  	[spmem:s2] =	stream.indirect.scatter.add.f32 [tilespmem:s12], [sflag:$0x2], $0x80, s15, s16, $0xb8;
	[tilespmem:$0x1D000] =	vst v63  }
0x57: {  	s10 =	rddreg [dreg:$0x6]  }
0x58: {  	[tilespmem:s18], [sflag:$0x1] =	stream.indirect.gather [hbm4b:s4+s16], $0x80, s10, s16, $0xb8;
	[tilespmem:$0x1D000] =	vst v63  }
0x59: {  	_ =	swait.ge [sflag:s17], $0x4000  }
0x5a: {  	[sflag:s17] =	ssyncset.done $0x0  }
0x5b: {  	[sflag:s17] =	ssyncadd.s32 $0xFFFFC000  }
0x5c: {  	_ =	swait.ge [sflag:s19], $0x4000  }
0x5d: {  	[sflag:s19] =	ssyncset.done $0x0  }
0x5e: {  	s11 =	rddreg [dreg:$0x7];
	[sflag:s19] =	ssyncadd.s32 $0xFFFFC000  }
0x5f: {  	[spmem:s2] =	stream.indirect.scatter.add.f32 [tilespmem:s18], [sflag:$0x2], $0x80, s11, s16, $0xb8;
	[tilespmem:$0x1D000] =	vst v63  }
0x60: {  	s9 =	rddreg [dreg:$0x8]  }
0x61: {  	[tilespmem:s12], [sflag:$0x1] =	stream.indirect.gather [hbm4b:s4+s16], $0x80, s9, s16, $0xb8;
	[tilespmem:$0x1D000] =	vst v63  }
0x62: {  	_ =	swait.ge [sflag:s17], $0x4000  }
0x63: {  	[sflag:s17] =	ssyncset.done $0x0  }
0x64: {  	[sflag:s17] =	ssyncadd.s32 $0xFFFFC000  }
0x65: {  	_ =	swait.ge [sflag:s19], $0x4000  }
0x66: {  	[sflag:s19] =	ssyncset.done $0x0  }
0x67: {  	s11 =	rddreg [dreg:$0x9];
	[sflag:s19] =	ssyncadd.s32 $0xFFFFC000  }
0x68: {  	[spmem:s2] =	stream.indirect.scatter.add.f32 [tilespmem:s12], [sflag:$0x2], $0x80, s11, s16, $0xb8;
	[tilespmem:$0x1D000] =	vst v63  }
0x69: {  	s9 =	rddreg [dreg:$0xa]  }
0x6a: {  	[tilespmem:s18], [sflag:$0x1] =	stream.indirect.gather [hbm4b:s4+s16], $0x80, s9, s16, $0xb8;
	[tilespmem:$0x1D000] =	vst v63  }
0x6b: {  	_ =	swait.ge [sflag:s17], $0x4000  }
0x6c: {  	[sflag:s17] =	ssyncset.done $0x0  }
0x6d: {  	[sflag:s17] =	ssyncadd.s32 $0xFFFFC000  }
0x6e: {  	_ =	swait.ge [sflag:s19], $0x4000  }
0x6f: {  	[sflag:s19] =	ssyncset.done $0x0  }
0x70: {  	s11 =	rddreg [dreg:$0xb];
	[sflag:s19] =	ssyncadd.s32 $0xFFFFC000  }
0x71: {  	[spmem:s2] =	stream.indirect.scatter.add.f32 [tilespmem:s18], [sflag:$0x2], $0x80, s11, s16, $0xb8;
	[tilespmem:$0x1D000] =	vst v63  }
0x72: {  	s9 =	rddreg [dreg:$0xc]  }
0x73: {  	[tilespmem:s12], [sflag:$0x1] =	stream.indirect.gather [hbm4b:s4+s16], $0x80, s9, s16, $0xb8;
	[tilespmem:$0x1D000] =	vst v63  }
0x74: {  	_ =	swait.ge [sflag:s17], $0x4000  }
0x75: {  	[sflag:s17] =	ssyncset.done $0x0  }
0x76: {  	[sflag:s17] =	ssyncadd.s32 $0xFFFFC000  }
0x77: {  	_ =	swait.ge [sflag:s19], $0x4000  }
0x78: {  	[sflag:s19] =	ssyncset.done $0x0  }
0x79: {  	s11 =	rddreg [dreg:$0xd];
	[sflag:s19] =	ssyncadd.s32 $0xFFFFC000  }
0x7a: {  	[spmem:s2] =	stream.indirect.scatter.add.f32 [tilespmem:s12], [sflag:$0x2], $0x80, s11, s16, $0xb8;
	[tilespmem:$0x1D000] =	vst v63  }
0x7b: {  	s9 =	rddreg [dreg:$0xe]  }
0x7c: {  	[tilespmem:s18], [sflag:$0x1] =	stream.indirect.gather [hbm4b:s4+s16], $0x80, s9, s16, $0xb8;
	[tilespmem:$0x1D000] =	vst v63  }
0x7d: {  	_ =	swait.ge [sflag:s17], $0x4000  }
0x7e: {  	[sflag:s17] =	ssyncset.done $0x0  }
0x7f: {  	[sflag:s17] =	ssyncadd.s32 $0xFFFFC000  }
0x80: {  	_ =	swait.ge [sflag:s19], $0x4000  }
0x81: {  	[sflag:s19] =	ssyncset.done $0x0  }
0x82: {  	s11 =	rddreg [dreg:$0xf];
	[sflag:s19] =	ssyncadd.s32 $0xFFFFC000  }
0x83: {  	[spmem:s2] =	stream.indirect.scatter.add.f32 [tilespmem:s18], [sflag:$0x2], $0x80, s11, s16, $0xb8;
	[tilespmem:$0x1D000] =	vst v63  }
0x84: {  	s9 =	rddreg [dreg:$0x10]  }
0x85: {  	[tilespmem:s12], [sflag:$0x1] =	stream.indirect.gather [hbm4b:s4+s16], $0x80, s9, s16, $0xb8;
	[tilespmem:$0x1D000] =	vst v63  }
0x86: {  	_ =	swait.ge [sflag:s17], $0x4000  }
0x87: {  	[sflag:s17] =	ssyncset.done $0x0  }
0x88: {  	[sflag:s17] =	ssyncadd.s32 $0xFFFFC000  }
0x89: {  	_ =	swait.ge [sflag:s19], $0x4000  }
0x8a: {  	[sflag:s19] =	ssyncset.done $0x0  }
0x8b: {  	s11 =	rddreg [dreg:$0x11];
	[sflag:s19] =	ssyncadd.s32 $0xFFFFC000  }
0x8c: {  	[spmem:s2] =	stream.indirect.scatter.add.f32 [tilespmem:s12], [sflag:$0x2], $0x80, s11, s16, $0xb8;
	[tilespmem:$0x1D000] =	vst v63  }
0x8d: {  	s9 =	rddreg [dreg:$0x12]  }
0x8e: {  	[tilespmem:s18], [sflag:$0x1] =	stream.indirect.gather [hbm4b:s4+s16], $0x80, s9, s16, $0xb8;
	[tilespmem:$0x1D000] =	vst v63  }
0x8f: {  	_ =	swait.ge [sflag:s17], $0x4000  }
0x90: {  	[sflag:s17] =	ssyncset.done $0x0  }
0x91: {  	[sflag:s17] =	ssyncadd.s32 $0xFFFFC000  }
0x92: {  	_ =	swait.ge [sflag:s19], $0x4000  }
0x93: {  	[sflag:s19] =	ssyncset.done $0x0  }
0x94: {  	s11 =	rddreg [dreg:$0x13];
	[sflag:s19] =	ssyncadd.s32 $0xFFFFC000  }
0x95: {  	[spmem:s2] =	stream.indirect.scatter.add.f32 [tilespmem:s18], [sflag:$0x2], $0x80, s11, s16, $0xb8;
	[tilespmem:$0x1D000] =	vst v63  }
0x96: {  	_ = 	snop  }
0x97: {  	[tilespmem:s12], [sflag:$0x1] =	stream.indirect.gather [hbm4b:s4+s16], $0x80, s20, s16, $0xb8;
	[tilespmem:$0x1D000] =	vst v63  }
0x98: {  	_ =	swait.ge [sflag:s17], $0x4000  }
0x99: {  	[sflag:s17] =	ssyncset.done $0x0  }
0x9a: {  	[sflag:s17] =	ssyncadd.s32 $0xFFFFC000  }
0x9b: {  	_ =	swait.ge [sflag:s19], $0x4000  }
0x9c: {  	[sflag:s19] =	ssyncset.done $0x0  }
0x9d: {  	[sflag:s19] =	ssyncadd.s32 $0xFFFFC000  }
0x9e: {  	[spmem:s2] =	stream.indirect.scatter.add.f32 [tilespmem:s12], [sflag:$0x2], $0x80, s21, s16, $0xb8;
	[tilespmem:$0x1D000] =	vst v63  }
0x9f: {  	_ = 	snop  }
0xa0: {  	[tilespmem:s18], [sflag:$0x1] =	stream.indirect.gather [hbm4b:s4+s16], $0x80, s22, s16, $0xb8;
	[tilespmem:$0x1D000] =	vst v63  }
0xa1: {  	_ =	swait.ge [sflag:s17], $0x4000  }
0xa2: {  	[sflag:s17] =	ssyncset.done $0x0  }
0xa3: {  	[sflag:s17] =	ssyncadd.s32 $0xFFFFC000  }
0xa4: {  	_ =	swait.ge [sflag:s19], $0x4000  }
0xa5: {  	[sflag:s19] =	ssyncset.done $0x0  }
0xa6: {  	[sflag:s19] =	ssyncadd.s32 $0xFFFFC000  }
0xa7: {  	[spmem:s2] =	stream.indirect.scatter.add.f32 [tilespmem:s18], [sflag:$0x2], $0x80, s23, s16, $0xb8;
	[tilespmem:$0x1D000] =	vst v63  }
0xa8: {  	_ = 	snop  }
0xa9: {  	[tilespmem:s12], [sflag:$0x1] =	stream.indirect.gather [hbm4b:s4+s16], $0x80, s24, s16, $0xb8;
	[tilespmem:$0x1D000] =	vst v63  }
0xaa: {  	_ =	swait.ge [sflag:s17], $0x4000  }
0xab: {  	[sflag:s17] =	ssyncset.done $0x0  }
0xac: {  	[sflag:s17] =	ssyncadd.s32 $0xFFFFC000  }
0xad: {  	_ =	swait.ge [sflag:s19], $0x4000  }
0xae: {  	[sflag:s19] =	ssyncset.done $0x0  }
0xaf: {  	[sflag:s19] =	ssyncadd.s32 $0xFFFFC000  }
0xb0: {  	[spmem:s2] =	stream.indirect.scatter.add.f32 [tilespmem:s12], [sflag:$0x2], $0x80, s25, s16, $0xb8;
	[tilespmem:$0x1D000] =	vst v63  }
0xb1: {  	_ = 	snop  }
0xb2: {  	[tilespmem:s18], [sflag:$0x1] =	stream.indirect.gather [hbm4b:s4+s16], $0x80, s26, s16, $0xb8;
	[tilespmem:$0x1D000] =	vst v63  }
0xb3: {  	_ =	swait.ge [sflag:s17], $0x4000  }
0xb4: {  	[sflag:s17] =	ssyncset.done $0x0  }
0xb5: {  	[sflag:s17] =	ssyncadd.s32 $0xFFFFC000  }
0xb6: {  	_ =	swait.ge [sflag:s19], $0x4000  }
0xb7: {  	[sflag:s19] =	ssyncset.done $0x0  }
0xb8: {  	[sflag:s19] =	ssyncadd.s32 $0xFFFFC000  }
0xb9: {  	[spmem:s2] =	stream.indirect.scatter.add.f32 [tilespmem:s18], [sflag:$0x2], $0x80, s28, s16, $0xb8;
	[tilespmem:$0x1D000] =	vst v63  }
0xba: {  	_ = 	snop  }
0xbb: {  	[tilespmem:s12], [sflag:$0x1] =	stream.indirect.gather [hbm4b:s4+s16], $0x80, s29, s16, $0xb8;
	[tilespmem:$0x1D000] =	vst v63  }
0xbc: {  	_ =	swait.ge [sflag:s17], $0x4000  }
0xbd: {  	[sflag:s17] =	ssyncset.done $0x0  }
0xbe: {  	[sflag:s17] =	ssyncadd.s32 $0xFFFFC000  }
0xbf: {  	_ =	swait.ge [sflag:s19], $0x4000  }
0xc0: {  	[sflag:s19] =	ssyncset.done $0x0  }
0xc1: {  	[sflag:s19] =	ssyncadd.s32 $0xFFFFC000  }
0xc2: {  	[spmem:s2] =	stream.indirect.scatter.add.f32 [tilespmem:s12], [sflag:$0x2], $0x80, s30, s16, $0xb8;
	[tilespmem:$0x1D000] =	vst v63  }
0xc3: {  	_ = 	snop  }
0xc4: {  	[tilespmem:s18], [sflag:$0x1] =	stream.indirect.gather [hbm4b:s4+s16], $0x80, s31, s16, $0xb8;
	[tilespmem:$0x1D000] =	vst v63  }
0xc5: {  	_ =	swait.ge [sflag:s17], $0x4000  }
0xc6: {  	[sflag:s17] =	ssyncset.done $0x0  }
0xc7: {  	[sflag:s17] =	ssyncadd.s32 $0xFFFFC000  }
0xc8: {  	_ =	swait.ge [sflag:s19], $0x4000  }
0xc9: {  	[sflag:s19] =	ssyncset.done $0x0  }
0xca: {  	[sflag:s19] =	ssyncadd.s32 $0xFFFFC000  }
0xcb: {  	[spmem:s2] =	stream.indirect.scatter.add.f32 [tilespmem:s18], [sflag:$0x2], $0x80, s1, s16, $0xb8;
	[tilespmem:$0x1D000] =	vst v63  }
0xcc: {  	_ = 	snop  }
0xcd: {  	[tilespmem:s12], [sflag:$0x1] =	stream.indirect.gather [hbm4b:s4+s16], $0x80, s0, s16, $0xb8;
	[tilespmem:$0x1D000] =	vst v63  }
0xce: {  	_ =	swait.ge [sflag:s17], $0x4000  }
0xcf: {  	[sflag:s17] =	ssyncset.done $0x0  }
0xd0: {  	[sflag:s17] =	ssyncadd.s32 $0xFFFFC000  }
0xd1: {  	_ =	swait.ge [sflag:s19], $0x4000  }
0xd2: {  	[sflag:s19] =	ssyncset.done $0x0  }
0xd3: {  	[sflag:s19] =	ssyncadd.s32 $0xFFFFC000  }
0xd4: {  	[spmem:s2] =	stream.indirect.scatter.add.f32 [tilespmem:s12], [sflag:$0x2], $0x80, s6, s16, $0xb8;
	[tilespmem:$0x1D000] =	vst v63  }
0xd5: {  	_ = 	snop  }
0xd6: {  	[tilespmem:s18], [sflag:$0x1] =	stream.indirect.gather [hbm4b:s4+s16], $0x80, s7, s16, $0xb8;
	[tilespmem:$0x1D000] =	vst v63  }
0xd7: {  	_ =	swait.ge [sflag:s17], $0x4000  }
0xd8: {  	[sflag:s17] =	ssyncset.done $0x0  }
0xd9: {  	[sflag:s17] =	ssyncadd.s32 $0xFFFFC000  }
0xda: {  	_ =	swait.ge [sflag:s19], $0x4000  }
0xdb: {  	[sflag:s19] =	ssyncset.done $0x0  }
0xdc: {  	[sflag:s19] =	ssyncadd.s32 $0xFFFFC000  }
0xdd: {  	[spmem:s2] =	stream.indirect.scatter.add.f32 [tilespmem:s18], [sflag:$0x2], $0x80, s8, s16, $0xb8;
	[tilespmem:$0x1D000] =	vst v63  }
0xde: {  	s10 =	simm.s32 $0x100;
	_ =	swait.ge [sflag:s19], $0x4000  }
0xdf: {  	s11 =	simm.s32 $0x200;
	s5 =	rddreg [dreg:$0x5];
	[sflag:s19] =	ssyncset.done $0x0  }
.LBB2_4:
0xe0: {  	[sflag:s19] =	ssyncadd.s32 $0xFFFFC000;
	s5 =	sadd.s32 s10, s5  }
0xe1: {  	[tilespmem:s14], [sflag:$0x3] =	stream.linear.gather [hbm4b:s5+s3], $0x800, $0x38;
	[tilespmem:$0x1D000] =	vst v63  }
0xe2: {  	_ =	swait.ge [sflag:s13], $0x800  }
0xe3: {  	s5 =	rddreg [dreg:$0x4];
	[sflag:s13] =	ssyncset.done $0x0  }
0xe4: {  	[sflag:s13] =	ssyncadd.s32 $0xFFFFF800;
	s5 =	sadd.s32 s10, s5  }
0xe5: {  	[tilespmem:s15], [sflag:$0x3] =	stream.linear.gather [hbm4b:s5+s3], $0x800, $0x38;
	[tilespmem:$0x1D000] =	vst v63  }
0xe6: {  	_ =	swait.ge [sflag:s13], $0x800  }
0xe7: {  	[sflag:s13] =	ssyncset.done $0x0  }
0xe8: {  	[sflag:s13] =	ssyncadd.s32 $0xFFFFF800  }
0xe9: {  	[tilespmem:s12], [sflag:$0x1] =	stream.indirect.gather [hbm4b:s4+s16], $0x80, s14, s16, $0xb8;
	[tilespmem:$0x1D000] =	vst v63  }
0xea: {  	_ =	swait.ge [sflag:s17], $0x4000  }
0xeb: {  	[sflag:s17] =	ssyncset.done $0x0  }
0xec: {  	s9 =	smov.u32 s11;
	[sflag:s17] =	ssyncadd.s32 $0xFFFFC000  }
0xed: {  	[spmem:s2] =	stream.indirect.scatter.add.f32 [tilespmem:s12], [sflag:$0x2], $0x80, s15, s16, $0xb8;
	[tilespmem:$0x1D000] =	vst v63  }
0xee: {  	s10 =	smov.u32 s9;
	s9 =	rddreg [dreg:$0x6]  }
0xef: {  	[tilespmem:s18], [sflag:$0x1] =	stream.indirect.gather [hbm4b:s4+s16], $0x80, s9, s16, $0xb8;
	[tilespmem:$0x1D000] =	vst v63  }
0xf0: {  	_ =	swait.ge [sflag:s17], $0x4000  }
0xf1: {  	[sflag:s17] =	ssyncset.done $0x0  }
0xf2: {  	[sflag:s17] =	ssyncadd.s32 $0xFFFFC000  }
0xf3: {  	_ =	swait.ge [sflag:s19], $0x4000  }
0xf4: {  	[sflag:s19] =	ssyncset.done $0x0  }
0xf5: {  	s5 =	rddreg [dreg:$0x7];
	[sflag:s19] =	ssyncadd.s32 $0xFFFFC000  }
0xf6: {  	[spmem:s2] =	stream.indirect.scatter.add.f32 [tilespmem:s18], [sflag:$0x2], $0x80, s5, s16, $0xb8;
	[tilespmem:$0x1D000] =	vst v63  }
0xf7: {  	s9 =	rddreg [dreg:$0x8]  }
0xf8: {  	[tilespmem:s12], [sflag:$0x1] =	stream.indirect.gather [hbm4b:s4+s16], $0x80, s9, s16, $0xb8;
	[tilespmem:$0x1D000] =	vst v63  }
0xf9: {  	_ =	swait.ge [sflag:s17], $0x4000  }
0xfa: {  	[sflag:s17] =	ssyncset.done $0x0  }
0xfb: {  	[sflag:s17] =	ssyncadd.s32 $0xFFFFC000  }
0xfc: {  	_ =	swait.ge [sflag:s19], $0x4000  }
0xfd: {  	[sflag:s19] =	ssyncset.done $0x0  }
0xfe: {  	s5 =	rddreg [dreg:$0x9];
	[sflag:s19] =	ssyncadd.s32 $0xFFFFC000  }
0xff: {  	[spmem:s2] =	stream.indirect.scatter.add.f32 [tilespmem:s12], [sflag:$0x2], $0x80, s5, s16, $0xb8;
	[tilespmem:$0x1D000] =	vst v63  }
0x100: {  	s9 =	rddreg [dreg:$0xa]  }
0x101: {  	[tilespmem:s18], [sflag:$0x1] =	stream.indirect.gather [hbm4b:s4+s16], $0x80, s9, s16, $0xb8;
	[tilespmem:$0x1D000] =	vst v63  }
0x102: {  	_ =	swait.ge [sflag:s17], $0x4000  }
0x103: {  	[sflag:s17] =	ssyncset.done $0x0  }
0x104: {  	[sflag:s17] =	ssyncadd.s32 $0xFFFFC000  }
0x105: {  	_ =	swait.ge [sflag:s19], $0x4000  }
0x106: {  	[sflag:s19] =	ssyncset.done $0x0  }
0x107: {  	s5 =	rddreg [dreg:$0xb];
	[sflag:s19] =	ssyncadd.s32 $0xFFFFC000  }
0x108: {  	[spmem:s2] =	stream.indirect.scatter.add.f32 [tilespmem:s18], [sflag:$0x2], $0x80, s5, s16, $0xb8;
	[tilespmem:$0x1D000] =	vst v63  }
0x109: {  	s9 =	rddreg [dreg:$0xc]  }
0x10a: {  	[tilespmem:s12], [sflag:$0x1] =	stream.indirect.gather [hbm4b:s4+s16], $0x80, s9, s16, $0xb8;
	[tilespmem:$0x1D000] =	vst v63  }
0x10b: {  	_ =	swait.ge [sflag:s17], $0x4000  }
0x10c: {  	[sflag:s17] =	ssyncset.done $0x0  }
0x10d: {  	[sflag:s17] =	ssyncadd.s32 $0xFFFFC000  }
0x10e: {  	_ =	swait.ge [sflag:s19], $0x4000  }
0x10f: {  	[sflag:s19] =	ssyncset.done $0x0  }
0x110: {  	s5 =	rddreg [dreg:$0xd];
	[sflag:s19] =	ssyncadd.s32 $0xFFFFC000  }
0x111: {  	[spmem:s2] =	stream.indirect.scatter.add.f32 [tilespmem:s12], [sflag:$0x2], $0x80, s5, s16, $0xb8;
	[tilespmem:$0x1D000] =	vst v63  }
0x112: {  	s9 =	rddreg [dreg:$0xe]  }
0x113: {  	[tilespmem:s18], [sflag:$0x1] =	stream.indirect.gather [hbm4b:s4+s16], $0x80, s9, s16, $0xb8;
	[tilespmem:$0x1D000] =	vst v63  }
0x114: {  	_ =	swait.ge [sflag:s17], $0x4000  }
0x115: {  	[sflag:s17] =	ssyncset.done $0x0  }
0x116: {  	[sflag:s17] =	ssyncadd.s32 $0xFFFFC000  }
0x117: {  	_ =	swait.ge [sflag:s19], $0x4000  }
0x118: {  	[sflag:s19] =	ssyncset.done $0x0  }
0x119: {  	s5 =	rddreg [dreg:$0xf];
	[sflag:s19] =	ssyncadd.s32 $0xFFFFC000  }
0x11a: {  	[spmem:s2] =	stream.indirect.scatter.add.f32 [tilespmem:s18], [sflag:$0x2], $0x80, s5, s16, $0xb8;
	[tilespmem:$0x1D000] =	vst v63  }
0x11b: {  	s9 =	rddreg [dreg:$0x10]  }
0x11c: {  	[tilespmem:s12], [sflag:$0x1] =	stream.indirect.gather [hbm4b:s4+s16], $0x80, s9, s16, $0xb8;
	[tilespmem:$0x1D000] =	vst v63  }
0x11d: {  	_ =	swait.ge [sflag:s17], $0x4000  }
0x11e: {  	[sflag:s17] =	ssyncset.done $0x0  }
0x11f: {  	[sflag:s17] =	ssyncadd.s32 $0xFFFFC000  }
0x120: {  	_ =	swait.ge [sflag:s19], $0x4000  }
0x121: {  	[sflag:s19] =	ssyncset.done $0x0  }
0x122: {  	s5 =	rddreg [dreg:$0x11];
	[sflag:s19] =	ssyncadd.s32 $0xFFFFC000  }
0x123: {  	[spmem:s2] =	stream.indirect.scatter.add.f32 [tilespmem:s12], [sflag:$0x2], $0x80, s5, s16, $0xb8;
	[tilespmem:$0x1D000] =	vst v63  }
0x124: {  	s9 =	rddreg [dreg:$0x12]  }
0x125: {  	[tilespmem:s18], [sflag:$0x1] =	stream.indirect.gather [hbm4b:s4+s16], $0x80, s9, s16, $0xb8;
	[tilespmem:$0x1D000] =	vst v63  }
0x126: {  	_ =	swait.ge [sflag:s17], $0x4000  }
0x127: {  	[sflag:s17] =	ssyncset.done $0x0  }
0x128: {  	[sflag:s17] =	ssyncadd.s32 $0xFFFFC000  }
0x129: {  	_ =	swait.ge [sflag:s19], $0x4000  }
0x12a: {  	[sflag:s19] =	ssyncset.done $0x0  }
0x12b: {  	s9 =	rddreg [dreg:$0x13];
	[sflag:s19] =	ssyncadd.s32 $0xFFFFC000  }
0x12c: {  	[spmem:s2] =	stream.indirect.scatter.add.f32 [tilespmem:s18], [sflag:$0x2], $0x80, s9, s16, $0xb8;
	[tilespmem:$0x1D000] =	vst v63  }
0x12d: {  	_ = 	snop  }
0x12e: {  	[tilespmem:s12], [sflag:$0x1] =	stream.indirect.gather [hbm4b:s4+s16], $0x80, s20, s16, $0xb8;
	[tilespmem:$0x1D000] =	vst v63  }
0x12f: {  	_ =	swait.ge [sflag:s17], $0x4000  }
0x130: {  	[sflag:s17] =	ssyncset.done $0x0  }
0x131: {  	[sflag:s17] =	ssyncadd.s32 $0xFFFFC000  }
0x132: {  	_ =	swait.ge [sflag:s19], $0x4000  }
0x133: {  	[sflag:s19] =	ssyncset.done $0x0  }
0x134: {  	[sflag:s19] =	ssyncadd.s32 $0xFFFFC000  }
0x135: {  	[spmem:s2] =	stream.indirect.scatter.add.f32 [tilespmem:s12], [sflag:$0x2], $0x80, s21, s16, $0xb8;
	[tilespmem:$0x1D000] =	vst v63  }
0x136: {  	_ = 	snop  }
0x137: {  	[tilespmem:s18], [sflag:$0x1] =	stream.indirect.gather [hbm4b:s4+s16], $0x80, s22, s16, $0xb8;
	[tilespmem:$0x1D000] =	vst v63  }
0x138: {  	_ =	swait.ge [sflag:s17], $0x4000  }
0x139: {  	[sflag:s17] =	ssyncset.done $0x0  }
0x13a: {  	[sflag:s17] =	ssyncadd.s32 $0xFFFFC000  }
0x13b: {  	_ =	swait.ge [sflag:s19], $0x4000  }
0x13c: {  	[sflag:s19] =	ssyncset.done $0x0  }
0x13d: {  	[sflag:s19] =	ssyncadd.s32 $0xFFFFC000  }
0x13e: {  	[spmem:s2] =	stream.indirect.scatter.add.f32 [tilespmem:s18], [sflag:$0x2], $0x80, s23, s16, $0xb8;
	[tilespmem:$0x1D000] =	vst v63  }
0x13f: {  	_ = 	snop  }
0x140: {  	[tilespmem:s12], [sflag:$0x1] =	stream.indirect.gather [hbm4b:s4+s16], $0x80, s24, s16, $0xb8;
	[tilespmem:$0x1D000] =	vst v63  }
0x141: {  	_ =	swait.ge [sflag:s17], $0x4000  }
0x142: {  	[sflag:s17] =	ssyncset.done $0x0  }
0x143: {  	[sflag:s17] =	ssyncadd.s32 $0xFFFFC000  }
0x144: {  	_ =	swait.ge [sflag:s19], $0x4000  }
0x145: {  	[sflag:s19] =	ssyncset.done $0x0  }
0x146: {  	[sflag:s19] =	ssyncadd.s32 $0xFFFFC000  }
0x147: {  	[spmem:s2] =	stream.indirect.scatter.add.f32 [tilespmem:s12], [sflag:$0x2], $0x80, s25, s16, $0xb8;
	[tilespmem:$0x1D000] =	vst v63  }
0x148: {  	_ = 	snop  }
0x149: {  	[tilespmem:s18], [sflag:$0x1] =	stream.indirect.gather [hbm4b:s4+s16], $0x80, s26, s16, $0xb8;
	[tilespmem:$0x1D000] =	vst v63  }
0x14a: {  	_ =	swait.ge [sflag:s17], $0x4000  }
0x14b: {  	[sflag:s17] =	ssyncset.done $0x0  }
0x14c: {  	[sflag:s17] =	ssyncadd.s32 $0xFFFFC000  }
0x14d: {  	_ =	swait.ge [sflag:s19], $0x4000  }
0x14e: {  	[sflag:s19] =	ssyncset.done $0x0  }
0x14f: {  	[sflag:s19] =	ssyncadd.s32 $0xFFFFC000  }
0x150: {  	[spmem:s2] =	stream.indirect.scatter.add.f32 [tilespmem:s18], [sflag:$0x2], $0x80, s28, s16, $0xb8;
	[tilespmem:$0x1D000] =	vst v63  }
0x151: {  	_ = 	snop  }
0x152: {  	[tilespmem:s12], [sflag:$0x1] =	stream.indirect.gather [hbm4b:s4+s16], $0x80, s29, s16, $0xb8;
	[tilespmem:$0x1D000] =	vst v63  }
0x153: {  	_ =	swait.ge [sflag:s17], $0x4000  }
0x154: {  	[sflag:s17] =	ssyncset.done $0x0  }
0x155: {  	[sflag:s17] =	ssyncadd.s32 $0xFFFFC000  }
0x156: {  	_ =	swait.ge [sflag:s19], $0x4000  }
0x157: {  	[sflag:s19] =	ssyncset.done $0x0  }
0x158: {  	[sflag:s19] =	ssyncadd.s32 $0xFFFFC000  }
0x159: {  	[spmem:s2] =	stream.indirect.scatter.add.f32 [tilespmem:s12], [sflag:$0x2], $0x80, s30, s16, $0xb8;
	[tilespmem:$0x1D000] =	vst v63  }
0x15a: {  	_ = 	snop  }
0x15b: {  	[tilespmem:s18], [sflag:$0x1] =	stream.indirect.gather [hbm4b:s4+s16], $0x80, s31, s16, $0xb8;
	[tilespmem:$0x1D000] =	vst v63  }
0x15c: {  	_ =	swait.ge [sflag:s17], $0x4000  }
0x15d: {  	[sflag:s17] =	ssyncset.done $0x0  }
0x15e: {  	[sflag:s17] =	ssyncadd.s32 $0xFFFFC000  }
0x15f: {  	_ =	swait.ge [sflag:s19], $0x4000  }
0x160: {  	[sflag:s19] =	ssyncset.done $0x0  }
0x161: {  	[sflag:s19] =	ssyncadd.s32 $0xFFFFC000  }
0x162: {  	[spmem:s2] =	stream.indirect.scatter.add.f32 [tilespmem:s18], [sflag:$0x2], $0x80, s1, s16, $0xb8;
	[tilespmem:$0x1D000] =	vst v63  }
0x163: {  	_ = 	snop  }
0x164: {  	[tilespmem:s12], [sflag:$0x1] =	stream.indirect.gather [hbm4b:s4+s16], $0x80, s0, s16, $0xb8;
	[tilespmem:$0x1D000] =	vst v63  }
0x165: {  	_ =	swait.ge [sflag:s17], $0x4000  }
0x166: {  	[sflag:s17] =	ssyncset.done $0x0  }
0x167: {  	[sflag:s17] =	ssyncadd.s32 $0xFFFFC000  }
0x168: {  	_ =	swait.ge [sflag:s19], $0x4000  }
0x169: {  	[sflag:s19] =	ssyncset.done $0x0  }
0x16a: {  	[sflag:s19] =	ssyncadd.s32 $0xFFFFC000  }
0x16b: {  	[spmem:s2] =	stream.indirect.scatter.add.f32 [tilespmem:s12], [sflag:$0x2], $0x80, s6, s16, $0xb8;
	[tilespmem:$0x1D000] =	vst v63  }
0x16c: {  	_ = 	snop  }
0x16d: {  	[tilespmem:s18], [sflag:$0x1] =	stream.indirect.gather [hbm4b:s4+s16], $0x80, s7, s16, $0xb8;
	[tilespmem:$0x1D000] =	vst v63  }
0x16e: {  	_ =	swait.ge [sflag:s17], $0x4000  }
0x16f: {  	[sflag:s17] =	ssyncset.done $0x0  }
0x170: {  	[sflag:s17] =	ssyncadd.s32 $0xFFFFC000  }
0x171: {  	p0 =	sne.s32 s11, $0x400;
	_ =	swait.ge [sflag:s19], $0x4000  }
.Ltmp1:
0x172: {  	[sflag:s19] =	ssyncset.done $0x0;
	(pc) =	sbr.rel @p0 .LBB2_4-.Ltmp1, $4  }
0x173: {  	[sflag:s19] =	ssyncadd.s32 $0xFFFFC000  }
0x174: {  	[spmem:s2] =	stream.indirect.scatter.add.f32 [tilespmem:s18], [sflag:$0x2], $0x80, s8, s16, $0xb8;
	[tilespmem:$0x1D000] =	vst v63  }
0x175: {  	_ =	swait.ge [sflag:s19], $0x4000  }
0x176: {  	s11 =	sadd.s32 $0x100, s11;
	s5 =	rddreg [dreg:$0x5];
	[sflag:s19] =	ssyncset.done $0x0  }
0x177: {  	[sflag:s19] =	ssyncadd.s32 $0xFFFFC000;
	s5 =	sadd.s32 s10, s5  }
0x178: {  	[tilespmem:s14], [sflag:$0x3] =	stream.linear.gather [hbm4b:s5+s3], $0x800, $0x38;
	[tilespmem:$0x1D000] =	vst v63  }
0x179: {  	_ =	swait.ge [sflag:s13], $0x800  }
0x17a: {  	s9 =	rddreg [dreg:$0x4];
	[sflag:s13] =	ssyncset.done $0x0  }
0x17b: {  	[sflag:s13] =	ssyncadd.s32 $0xFFFFF800;
	s5 =	sadd.s32 s10, s9  }
0x17c: {  	[tilespmem:s15], [sflag:$0x3] =	stream.linear.gather [hbm4b:s5+s3], $0x800, $0x38;
	[tilespmem:$0x1D000] =	vst v63  }
0x17d: {  	_ =	swait.ge [sflag:s13], $0x800  }
0x17e: {  	[sflag:s13] =	ssyncset.done $0x0  }
0x17f: {  	[sflag:s13] =	ssyncadd.s32 $0xFFFFF800  }
0x180: {  	[tilespmem:s12], [sflag:$0x1] =	stream.indirect.gather [hbm4b:s4+s16], $0x80, s14, s16, $0xb8;
	[tilespmem:$0x1D000] =	vst v63  }
0x181: {  	_ =	swait.ge [sflag:s17], $0x4000  }
0x182: {  	[sflag:s17] =	ssyncset.done $0x0  }
0x183: {  	[sflag:s17] =	ssyncadd.s32 $0xFFFFC000  }
0x184: {  	[spmem:s2] =	stream.indirect.scatter.add.f32 [tilespmem:s12], [sflag:$0x2], $0x80, s15, s16, $0xb8;
	[tilespmem:$0x1D000] =	vst v63  }
0x185: {  	s10 =	rddreg [dreg:$0x6]  }
0x186: {  	[tilespmem:s18], [sflag:$0x1] =	stream.indirect.gather [hbm4b:s4+s16], $0x80, s10, s16, $0xb8;
	[tilespmem:$0x1D000] =	vst v63  }
0x187: {  	_ =	swait.ge [sflag:s17], $0x4000  }
0x188: {  	[sflag:s17] =	ssyncset.done $0x0  }
0x189: {  	[sflag:s17] =	ssyncadd.s32 $0xFFFFC000  }
0x18a: {  	_ =	swait.ge [sflag:s19], $0x4000  }
0x18b: {  	[sflag:s19] =	ssyncset.done $0x0  }
0x18c: {  	s11 =	rddreg [dreg:$0x7];
	[sflag:s19] =	ssyncadd.s32 $0xFFFFC000  }
0x18d: {  	[spmem:s2] =	stream.indirect.scatter.add.f32 [tilespmem:s18], [sflag:$0x2], $0x80, s11, s16, $0xb8;
	[tilespmem:$0x1D000] =	vst v63  }
0x18e: {  	s9 =	rddreg [dreg:$0x8]  }
0x18f: {  	[tilespmem:s12], [sflag:$0x1] =	stream.indirect.gather [hbm4b:s4+s16], $0x80, s9, s16, $0xb8;
	[tilespmem:$0x1D000] =	vst v63  }
0x190: {  	_ =	swait.ge [sflag:s17], $0x4000  }
0x191: {  	[sflag:s17] =	ssyncset.done $0x0  }
0x192: {  	[sflag:s17] =	ssyncadd.s32 $0xFFFFC000  }
0x193: {  	_ =	swait.ge [sflag:s19], $0x4000  }
0x194: {  	[sflag:s19] =	ssyncset.done $0x0  }
0x195: {  	s10 =	rddreg [dreg:$0x9];
	[sflag:s19] =	ssyncadd.s32 $0xFFFFC000  }
0x196: {  	[spmem:s2] =	stream.indirect.scatter.add.f32 [tilespmem:s12], [sflag:$0x2], $0x80, s10, s16, $0xb8;
	[tilespmem:$0x1D000] =	vst v63  }
0x197: {  	s11 =	rddreg [dreg:$0xa]  }
0x198: {  	[tilespmem:s18], [sflag:$0x1] =	stream.indirect.gather [hbm4b:s4+s16], $0x80, s11, s16, $0xb8;
	[tilespmem:$0x1D000] =	vst v63  }
0x199: {  	_ =	swait.ge [sflag:s17], $0x4000  }
0x19a: {  	[sflag:s17] =	ssyncset.done $0x0  }
0x19b: {  	[sflag:s17] =	ssyncadd.s32 $0xFFFFC000  }
0x19c: {  	_ =	swait.ge [sflag:s19], $0x4000  }
0x19d: {  	[sflag:s19] =	ssyncset.done $0x0  }
0x19e: {  	s10 =	rddreg [dreg:$0xb];
	[sflag:s19] =	ssyncadd.s32 $0xFFFFC000  }
0x19f: {  	[spmem:s2] =	stream.indirect.scatter.add.f32 [tilespmem:s18], [sflag:$0x2], $0x80, s10, s16, $0xb8;
	[tilespmem:$0x1D000] =	vst v63  }
0x1a0: {  	s11 =	rddreg [dreg:$0xc]  }
0x1a1: {  	[tilespmem:s12], [sflag:$0x1] =	stream.indirect.gather [hbm4b:s4+s16], $0x80, s11, s16, $0xb8;
	[tilespmem:$0x1D000] =	vst v63  }
0x1a2: {  	_ =	swait.ge [sflag:s17], $0x4000  }
0x1a3: {  	[sflag:s17] =	ssyncset.done $0x0  }
0x1a4: {  	[sflag:s17] =	ssyncadd.s32 $0xFFFFC000  }
0x1a5: {  	_ =	swait.ge [sflag:s19], $0x4000  }
0x1a6: {  	[sflag:s19] =	ssyncset.done $0x0  }
0x1a7: {  	s10 =	rddreg [dreg:$0xd];
	[sflag:s19] =	ssyncadd.s32 $0xFFFFC000  }
0x1a8: {  	[spmem:s2] =	stream.indirect.scatter.add.f32 [tilespmem:s12], [sflag:$0x2], $0x80, s10, s16, $0xb8;
	[tilespmem:$0x1D000] =	vst v63  }
0x1a9: {  	s11 =	rddreg [dreg:$0xe]  }
0x1aa: {  	[tilespmem:s18], [sflag:$0x1] =	stream.indirect.gather [hbm4b:s4+s16], $0x80, s11, s16, $0xb8;
	[tilespmem:$0x1D000] =	vst v63  }
0x1ab: {  	_ =	swait.ge [sflag:s17], $0x4000  }
0x1ac: {  	[sflag:s17] =	ssyncset.done $0x0  }
0x1ad: {  	[sflag:s17] =	ssyncadd.s32 $0xFFFFC000  }
0x1ae: {  	_ =	swait.ge [sflag:s19], $0x4000  }
0x1af: {  	[sflag:s19] =	ssyncset.done $0x0  }
0x1b0: {  	s10 =	rddreg [dreg:$0xf];
	[sflag:s19] =	ssyncadd.s32 $0xFFFFC000  }
0x1b1: {  	[spmem:s2] =	stream.indirect.scatter.add.f32 [tilespmem:s18], [sflag:$0x2], $0x80, s10, s16, $0xb8;
	[tilespmem:$0x1D000] =	vst v63  }
0x1b2: {  	s11 =	rddreg [dreg:$0x10]  }
0x1b3: {  	[tilespmem:s12], [sflag:$0x1] =	stream.indirect.gather [hbm4b:s4+s16], $0x80, s11, s16, $0xb8;
	[tilespmem:$0x1D000] =	vst v63  }
0x1b4: {  	_ =	swait.ge [sflag:s17], $0x4000  }
0x1b5: {  	[sflag:s17] =	ssyncset.done $0x0  }
0x1b6: {  	[sflag:s17] =	ssyncadd.s32 $0xFFFFC000  }
0x1b7: {  	_ =	swait.ge [sflag:s19], $0x4000  }
0x1b8: {  	[sflag:s19] =	ssyncset.done $0x0  }
0x1b9: {  	s9 =	rddreg [dreg:$0x11];
	[sflag:s19] =	ssyncadd.s32 $0xFFFFC000  }
0x1ba: {  	[spmem:s2] =	stream.indirect.scatter.add.f32 [tilespmem:s12], [sflag:$0x2], $0x80, s9, s16, $0xb8;
	[tilespmem:$0x1D000] =	vst v63  }
0x1bb: {  	s10 =	rddreg [dreg:$0x12]  }
0x1bc: {  	[tilespmem:s18], [sflag:$0x1] =	stream.indirect.gather [hbm4b:s4+s16], $0x80, s10, s16, $0xb8;
	[tilespmem:$0x1D000] =	vst v63  }
0x1bd: {  	_ =	swait.ge [sflag:s17], $0x4000  }
0x1be: {  	[sflag:s17] =	ssyncset.done $0x0  }
0x1bf: {  	[sflag:s17] =	ssyncadd.s32 $0xFFFFC000  }
0x1c0: {  	_ =	swait.ge [sflag:s19], $0x4000  }
0x1c1: {  	[sflag:s19] =	ssyncset.done $0x0  }
0x1c2: {  	s11 =	rddreg [dreg:$0x13];
	[sflag:s19] =	ssyncadd.s32 $0xFFFFC000  }
0x1c3: {  	[spmem:s2] =	stream.indirect.scatter.add.f32 [tilespmem:s18], [sflag:$0x2], $0x80, s11, s16, $0xb8;
	[tilespmem:$0x1D000] =	vst v63  }
0x1c4: {  	_ = 	snop  }
0x1c5: {  	[tilespmem:s12], [sflag:$0x1] =	stream.indirect.gather [hbm4b:s4+s16], $0x80, s20, s16, $0xb8;
	[tilespmem:$0x1D000] =	vst v63  }
0x1c6: {  	_ =	swait.ge [sflag:s17], $0x4000  }
0x1c7: {  	[sflag:s17] =	ssyncset.done $0x0  }
0x1c8: {  	[sflag:s17] =	ssyncadd.s32 $0xFFFFC000  }
0x1c9: {  	_ =	swait.ge [sflag:s19], $0x4000  }
0x1ca: {  	[sflag:s19] =	ssyncset.done $0x0  }
0x1cb: {  	[sflag:s19] =	ssyncadd.s32 $0xFFFFC000  }
0x1cc: {  	[spmem:s2] =	stream.indirect.scatter.add.f32 [tilespmem:s12], [sflag:$0x2], $0x80, s21, s16, $0xb8;
	[tilespmem:$0x1D000] =	vst v63  }
0x1cd: {  	_ = 	snop  }
0x1ce: {  	[tilespmem:s18], [sflag:$0x1] =	stream.indirect.gather [hbm4b:s4+s16], $0x80, s22, s16, $0xb8;
	[tilespmem:$0x1D000] =	vst v63  }
0x1cf: {  	_ =	swait.ge [sflag:s17], $0x4000  }
0x1d0: {  	[sflag:s17] =	ssyncset.done $0x0  }
0x1d1: {  	[sflag:s17] =	ssyncadd.s32 $0xFFFFC000  }
0x1d2: {  	_ =	swait.ge [sflag:s19], $0x4000  }
0x1d3: {  	[sflag:s19] =	ssyncset.done $0x0  }
0x1d4: {  	[sflag:s19] =	ssyncadd.s32 $0xFFFFC000  }
0x1d5: {  	[spmem:s2] =	stream.indirect.scatter.add.f32 [tilespmem:s18], [sflag:$0x2], $0x80, s23, s16, $0xb8;
	[tilespmem:$0x1D000] =	vst v63  }
0x1d6: {  	_ = 	snop  }
0x1d7: {  	[tilespmem:s12], [sflag:$0x1] =	stream.indirect.gather [hbm4b:s4+s16], $0x80, s24, s16, $0xb8;
	[tilespmem:$0x1D000] =	vst v63  }
0x1d8: {  	_ =	swait.ge [sflag:s17], $0x4000  }
0x1d9: {  	[sflag:s17] =	ssyncset.done $0x0  }
0x1da: {  	[sflag:s17] =	ssyncadd.s32 $0xFFFFC000  }
0x1db: {  	_ =	swait.ge [sflag:s19], $0x4000  }
0x1dc: {  	[sflag:s19] =	ssyncset.done $0x0  }
0x1dd: {  	[sflag:s19] =	ssyncadd.s32 $0xFFFFC000  }
0x1de: {  	[spmem:s2] =	stream.indirect.scatter.add.f32 [tilespmem:s12], [sflag:$0x2], $0x80, s25, s16, $0xb8;
	[tilespmem:$0x1D000] =	vst v63  }
0x1df: {  	_ = 	snop  }
0x1e0: {  	[tilespmem:s18], [sflag:$0x1] =	stream.indirect.gather [hbm4b:s4+s16], $0x80, s26, s16, $0xb8;
	[tilespmem:$0x1D000] =	vst v63  }
0x1e1: {  	_ =	swait.ge [sflag:s17], $0x4000  }
0x1e2: {  	[sflag:s17] =	ssyncset.done $0x0  }
0x1e3: {  	[sflag:s17] =	ssyncadd.s32 $0xFFFFC000  }
0x1e4: {  	_ =	swait.ge [sflag:s19], $0x4000  }
0x1e5: {  	[sflag:s19] =	ssyncset.done $0x0  }
0x1e6: {  	[sflag:s19] =	ssyncadd.s32 $0xFFFFC000  }
0x1e7: {  	[spmem:s2] =	stream.indirect.scatter.add.f32 [tilespmem:s18], [sflag:$0x2], $0x80, s28, s16, $0xb8;
	[tilespmem:$0x1D000] =	vst v63  }
0x1e8: {  	_ = 	snop  }
0x1e9: {  	[tilespmem:s12], [sflag:$0x1] =	stream.indirect.gather [hbm4b:s4+s16], $0x80, s29, s16, $0xb8;
	[tilespmem:$0x1D000] =	vst v63  }
0x1ea: {  	_ =	swait.ge [sflag:s17], $0x4000  }
0x1eb: {  	[sflag:s17] =	ssyncset.done $0x0  }
0x1ec: {  	[sflag:s17] =	ssyncadd.s32 $0xFFFFC000  }
0x1ed: {  	_ =	swait.ge [sflag:s19], $0x4000  }
0x1ee: {  	[sflag:s19] =	ssyncset.done $0x0  }
0x1ef: {  	[sflag:s19] =	ssyncadd.s32 $0xFFFFC000  }
0x1f0: {  	[spmem:s2] =	stream.indirect.scatter.add.f32 [tilespmem:s12], [sflag:$0x2], $0x80, s30, s16, $0xb8;
	[tilespmem:$0x1D000] =	vst v63  }
0x1f1: {  	_ = 	snop  }
0x1f2: {  	[tilespmem:s18], [sflag:$0x1] =	stream.indirect.gather [hbm4b:s4+s16], $0x80, s31, s16, $0xb8;
	[tilespmem:$0x1D000] =	vst v63  }
0x1f3: {  	_ =	swait.ge [sflag:s17], $0x4000  }
0x1f4: {  	[sflag:s17] =	ssyncset.done $0x0  }
0x1f5: {  	[sflag:s17] =	ssyncadd.s32 $0xFFFFC000  }
0x1f6: {  	_ =	swait.ge [sflag:s19], $0x4000  }
0x1f7: {  	[sflag:s19] =	ssyncset.done $0x0  }
0x1f8: {  	[sflag:s19] =	ssyncadd.s32 $0xFFFFC000  }
0x1f9: {  	[spmem:s2] =	stream.indirect.scatter.add.f32 [tilespmem:s18], [sflag:$0x2], $0x80, s1, s16, $0xb8;
	[tilespmem:$0x1D000] =	vst v63  }
0x1fa: {  	_ = 	snop  }
0x1fb: {  	[tilespmem:s12], [sflag:$0x1] =	stream.indirect.gather [hbm4b:s4+s16], $0x80, s0, s16, $0xb8;
	[tilespmem:$0x1D000] =	vst v63  }
0x1fc: {  	_ =	swait.ge [sflag:s17], $0x4000  }
0x1fd: {  	[sflag:s17] =	ssyncset.done $0x0  }
0x1fe: {  	[sflag:s17] =	ssyncadd.s32 $0xFFFFC000  }
0x1ff: {  	_ =	swait.ge [sflag:s19], $0x4000  }
0x200: {  	[sflag:s19] =	ssyncset.done $0x0  }
0x201: {  	[sflag:s19] =	ssyncadd.s32 $0xFFFFC000  }
0x202: {  	[spmem:s2] =	stream.indirect.scatter.add.f32 [tilespmem:s12], [sflag:$0x2], $0x80, s6, s16, $0xb8;
	[tilespmem:$0x1D000] =	vst v63  }
0x203: {  	_ = 	snop  }
0x204: {  	[tilespmem:s18], [sflag:$0x1] =	stream.indirect.gather [hbm4b:s4+s16], $0x80, s7, s16, $0xb8;
	[tilespmem:$0x1D000] =	vst v63  }
0x205: {  	_ =	swait.ge [sflag:s17], $0x4000  }
0x206: {  	[sflag:s17] =	ssyncset.done $0x0  }
0x207: {  	[sflag:s17] =	ssyncadd.s32 $0xFFFFC000  }
0x208: {  	_ =	swait.ge [sflag:s19], $0x4000  }
0x209: {  	[sflag:s19] =	ssyncset.done $0x0  }
0x20a: {  	[sflag:s19] =	ssyncadd.s32 $0xFFFFC000  }
0x20b: {  	[spmem:s2] =	stream.indirect.scatter.add.f32 [tilespmem:s18], [sflag:$0x2], $0x80, s8, s16, $0xb8;
	[tilespmem:$0x1D000] =	vst v63  }
0x20c: {  	_ =	swait.ge [sflag:s19], $0x4000  }
0x20d: {  	[sflag:s19] =	ssyncset.done $0x0  }
0x20e: {  	[sflag:s19] =	ssyncadd.s32 $0xFFFFC000  }
0x20f: {  	s9 =	stileid.u32;
	[bflag:$0x0] =	sbarrier.arrive $0xFFFF  }
0x210: {  	s5 =	sshll.u32 s9, $0x6;
	s10 =	rddreg [dreg:$0x14]  }
0x211: {  	s5 =	sor.u32 $0x1C03, s5;
	s11 =	rddreg [dreg:$0x15];
	s9 =	sshrl.u32 s10, $0x3  }
0x212: {  	[hbm:s11], [sflag:s5] =	dma.local [spmem:s9], $0x2800  }
0x213: {  	_ =	swait.ge [sflag:s13], $0x2800  }
0x214: {  	s10 =	rddreg [dreg:$0x1b]  }
0x215: {  	s11 =	rddreg [dreg:$0x16];
	s9 =	sadd.s32 $0x1, s10  }
0x216: {  	p0 =	sne.s32 s9, s11  }
.Ltmp2:
0x217: {  	_ = 	snop;
	(pc) =	sbr.rel @p0 .LBB2_1-.Ltmp2, $3  }
0x218: {  	_ =	sdelay $0x1  }
0x219: {  	[sflag:s13] =	ssyncset.done $0x0  }
0x21a: {  	[sflag:s13] =	ssyncadd.s32 $0xFFFFD800  }
0x21b: {  	_ =	sfence.sel $0x180000  }
0x21c: {  	[bflag:$0x0] =	sbarrier.arrive $0xFFFF  }
0x21d: {  	_ =	strace $0x9000004A  }
0x21e: {  	s0 =	stileid.u32;
	[bflag:$0x2] =	sbarrier.arrive $0xFFFF  }
0x21f: {  	p0 =	sne.s32 s0, $0x0;
	s0 =	rddreg [dreg:$0x3]  }
0x220: {  	s0 =	sadd.s32 @!p0 $0x100000, s0  }
0x221: {  	[sflag:s0] =	ssyncadd.tile.s32 @!p0 $0x1;
	_ =	shalt  }
.Lfunc_end2:
_tile_overlayer_lowered:
.L_overlay_start_2:
0x222: {  	(tag) =	ssettag $0x2  }
0x223: {  	s0 =	rddreg [dreg:$0x0];
	s2 =	stileid.u32  }
0x224: {  	s1 =	rddreg [dreg:$0x1];
	p0 =	sne.s32 s2, $0x0  }
0x225: {  	s3 =	rddreg [dreg:$0x2];
	[bflag:$0x3] =	sbarrier.arrive $0xFFFF;
	s2 =	simm.s32 @!p0 $0x1C03  }
0x226: {  	[timem:s3], [sflag:s2] =	dma.local @!p0 [hbm:s0], s1  }
0x227: {  	s0 =	simm.s32 @!p0 $0x3  }
0x228: {  	_ =	swait.ge @!p0 [sflag:s0], s1  }
0x229: {  	s1 =	ssub.s32 @!p0 $0x0, s1;
	[sflag:s0] =	ssyncset.done @!p0 $0x0  }
0x22a: {  	[sflag:s0] =	ssyncadd.s32 @!p0 s1  }
0x22b: {  	[bflag:$0x3] =	sbarrier.arrive $0xFFFF  }
0x22c: {  	_ =	shalt  }

// kernel: kernel.14.cloned.1.call-start
scs
__scs_entry_jumppad:
0x0: {  	(pc) =	sbr.rel $0x88, $3  }
0x1: {  	(tag) =	ssettag $0x0;
	lr =	simm.s32 $0x1  }
0x2: {  	[smem:$0x3F97] =	sst lr;
	_ =	strace $0xD0000000  }
0x3: {  	_ = 	snop  }
0x4: {  	_ = 	snop  }
0x5: {  	_ = 	snop  }
0x6: {  	_ = 	snop  }
0x7: {  	_ = 	snop  }
__scs_overlays_trampoline_lowered:
0x8: {  	[smem:$0x3FA6] =	sst s0  }
0x9: {  	[smem:$0x3FA7] =	sst s1  }
0xa: {  	[smem:$0x3FA8] =	sst s2  }
0xb: {  	[smem:$0x3FA9] =	sst s3  }
0xc: {  	[smem:$0x3FAA] =	sst s4  }
0xd: {  	[smem:$0x3FAB] =	sst s5  }
0xe: {  	[smem:$0x3FAC] =	sst s6  }
0xf: {  	[smem:$0x3FAD] =	sst s7  }
0x10: {  	[smem:$0x3FAE] =	sst s8  }
0x11: {  	[smem:$0x3FAF] =	sst s9;
	s0 =	simm.s32 @!p0 $0x0  }
0x12: {  	s1 =	sld [smem:$0x3F95];
	s0 =	simm.s32 @p0 $0x1  }
0x13: {  	[smem:$0x3FB0] =	sst s0;
	s0 =	simm.s32 @!p1 $0x0  }
0x14: {  	s2 =	sld [smem:$0x3F94];
	s0 =	simm.s32 @p1 $0x1  }
0x15: {  	[smem:$0x3FB1] =	sst s0;
	s0 =	simm.s32 @!p2 $0x0  }
0x16: {  	s3 =	sld [smem:$0x3FDB];
	s0 =	simm.s32 @p2 $0x1  }
0x17: {  	s4 =	simm.s32 $0x1BF5;
	[smem:$0x3FB3] =	sst s0  }
0x18: {  	s0 =	sld [smem:$0x3F96];
	_ =	swait.ge [sflag:s4], $0x0  }
0x19: {  	s7 =	sld [smem:$0x3F97]  }
0x1a: {  	s8 =	sadd.s32 $0xFFFFE003, lr  }
0x1b: {  	s9 =	sadd.s32 $0xFFFFFEF7, lr;
	s5 =	simm.s32 $0xFFFFFFFF;
	p2 =	slt.u32 s8, $0xFFFFF086  }
0x1c: {  	p1 =	slt.u32 s9, $0xF7A;
	s5 =	simm.s32 @!p2 $0x0  }
0x1d: {  	s5 =	simm.s32 @p1 $0x1;
	p0 =	seq.s32 s7, s2  }
0x1e: {  	s7 =	smul.u32 @!p0 $0xF7A, s2;
	p2 =	seq.s32 @!p0 s5, $0x0  }
0x1f: {  	s9 =	smul.u32 $0xF7A, s1;
	s8 =	simm.s32 @!p0 $0x1BF5;
	p2 =	por !p2, p0  }
0x20: {  	[sflag:s8] =	ssyncset.s32 @!p0 $0xFFFFF086;
	s6 =	sadd.s32 @!p0 s3, s7;
	s7 =	simm.s32 @!p0 $0x108  }
0x21: {  	s3 =	sadd.s32 s3, s9;
	s6 =	sadd.s32 @!p0 $0x88, s6;
	s7 =	simm.s32 @p2 $0x1082  }
0x22: {  	[simem:s7], [sflag:s8] =	dma.local @!p0 [hbm:s6], $0xF7A  }
0x23: {  	s9 =	sor.u32 $0xD0000000, s2;
	s6 =	simm.s32 $0x108;
	_ =	swait.ge @!p0 [sflag:s8], $0x0  }
0x24: {  	s3 =	sadd.s32 $0x88, s3;
	s6 =	simm.s32 @!p1 $0x1082;
	[sflag:s4] =	ssyncset.s32 $0xFFFFF086  }
0x25: {  	[simem:s6], [sflag:s4] =	dma.local [hbm:s3], $0xF7A  }
0x26: {  	[smem:$0x3F97] =	sst s1;
	(tag) =	ssettag s2;
	_ =	strace s9  }
0x27: {  	s1 =	sld [smem:$0x3FA7]  }
0x28: {  	s2 =	sld [smem:$0x3FA8]  }
0x29: {  	s4 =	sld [smem:$0x3FAA]  }
0x2a: {  	p0 =	seq.s32 s5, $0x0;
	s5 =	sld [smem:$0x3FAB]  }
0x2b: {  	s6 =	sld [smem:$0x3FAC]  }
0x2c: {  	s7 =	sld [smem:$0x3FAD]  }
0x2d: {  	s3 =	simm.s32 $0x108;
	s8 =	sld [smem:$0x3FAE]  }
0x2e: {  	s3 =	simm.s32 @!p0 $0x1082;
	s9 =	sld [smem:$0x3FAF]  }
0x2f: {  	lr =	sadd.s32 s0, s3;
	s0 =	sld [smem:$0x3FA6]  }
0x30: {  	s3 =	sld [smem:$0x3FA9]  }
0x31: {  	[smem:$0x3FB2] =	sst s10  }
0x32: {  	s10 =	sld [smem:$0x3FB0];
	_ =	sdelay $0x3  }
0x33: {  	p0 =	seq.s32 s10, $0x1;
	s10 =	sld [smem:$0x3FB2];
	_ =	sdelay $0x3  }
0x34: {  	[smem:$0x3FB2] =	sst s10  }
0x35: {  	s10 =	sld [smem:$0x3FB1];
	_ =	sdelay $0x3  }
0x36: {  	p1 =	seq.s32 s10, $0x1;
	s10 =	sld [smem:$0x3FB2];
	_ =	sdelay $0x3  }
0x37: {  	[smem:$0x3FB2] =	sst s10  }
0x38: {  	s10 =	sld [smem:$0x3FB3]  }
0x39: {  	_ = 	snop;
	(pc) =	sbr.ind lr, $3  }
0x3a: {  	_ = 	snop  }
0x3b: {  	_ = 	snop  }
0x3c: {  	p2 =	seq.s32 s10, $0x1;
	s10 =	sld [smem:$0x3FB2]  }
0x3d: {  	_ =	shalt  }
0x3e: {  	_ =	shalt  }
0x3f: {  	_ =	shalt  }
0x40: {  	_ =	shalt  }
0x41: {  	_ =	shalt  }
0x42: {  	_ =	shalt  }
0x43: {  	_ =	shalt  }
0x44: {  	_ =	shalt  }
0x45: {  	_ =	shalt  }
0x46: {  	_ =	shalt  }
0x47: {  	_ =	shalt  }
0x48: {  	_ =	shalt  }
0x49: {  	_ =	shalt  }
0x4a: {  	_ =	shalt  }
0x4b: {  	_ =	shalt  }
0x4c: {  	_ =	shalt  }
0x4d: {  	_ =	shalt  }
0x4e: {  	_ =	shalt  }
0x4f: {  	_ =	shalt  }
0x50: {  	_ =	shalt  }
0x51: {  	_ =	shalt  }
0x52: {  	_ =	shalt  }
0x53: {  	_ =	shalt  }
0x54: {  	_ =	shalt  }
0x55: {  	_ =	shalt  }
0x56: {  	_ =	shalt  }
0x57: {  	_ =	shalt  }
0x58: {  	_ =	shalt  }
0x59: {  	_ =	shalt  }
0x5a: {  	_ =	shalt  }
0x5b: {  	_ =	shalt  }
0x5c: {  	_ =	shalt  }
0x5d: {  	_ =	shalt  }
0x5e: {  	_ =	shalt  }
0x5f: {  	_ =	shalt  }
0x60: {  	_ =	shalt  }
0x61: {  	_ =	shalt  }
0x62: {  	_ =	shalt  }
0x63: {  	_ =	shalt  }
0x64: {  	_ =	shalt  }
0x65: {  	_ =	shalt  }
0x66: {  	_ =	shalt  }
0x67: {  	_ =	shalt  }
0x68: {  	_ =	shalt  }
0x69: {  	_ =	shalt  }
0x6a: {  	_ =	shalt  }
0x6b: {  	_ =	shalt  }
0x6c: {  	_ =	shalt  }
0x6d: {  	_ =	shalt  }
0x6e: {  	_ =	shalt  }
0x6f: {  	_ =	shalt  }
0x70: {  	_ =	shalt  }
0x71: {  	_ =	shalt  }
0x72: {  	_ =	shalt  }
0x73: {  	_ =	shalt  }
0x74: {  	_ =	shalt  }
0x75: {  	_ =	shalt  }
0x76: {  	_ =	shalt  }
0x77: {  	_ =	shalt  }
0x78: {  	_ =	shalt  }
0x79: {  	_ =	shalt  }
0x7a: {  	_ =	shalt  }
0x7b: {  	_ =	shalt  }
0x7c: {  	_ =	shalt  }
0x7d: {  	_ =	shalt  }
0x7e: {  	_ =	shalt  }
0x7f: {  	_ =	shalt  }
0x80: {  	_ =	shalt  }
0x81: {  	_ =	shalt  }
0x82: {  	_ =	shalt  }
0x83: {  	_ =	shalt  }
0x84: {  	_ =	shalt  }
0x85: {  	_ =	shalt  }
0x86: {  	_ =	shalt  }
0x87: {  	_ =	shalt  }
.Lfunc_end0:
.L_simem_size_0:
called_computation.2_lowered:
.L_overlay_start_0:
0x88: {  	s2 =	sld [smem:$0x3FD9]  }
0x89: {  	s3 =	sld [smem:$0x3FFE];
	_ =	sdelay $0x1  }
0x8a: {  	s1 =	srdreg.scid  }
0x8b: {  	s0 =	sand.u32 $0x1, s1  }
0x8c: {  	s17 =	sshll.u32 s0, $0xA;
	s2 =	sadd.s32 s3, s2  }
0x8d: {  	s2 =	sadd.s32 s2, s17  }
0x8e: {  	[smem:$0x3FBE] =	sst s2  }
0x8f: {  	_ = 	snop  }
0x90: {  	s2 =	sld [smem:$0x3FD0];
	(tm) =	ssettm $0x1  }
0x91: {  	s18 =	sld [smem:$0x3FFB];
	_ =	sdelay $0x3  }
0x92: {  	_ =	strace s18  }
0x93: {  	s3 =	sld [smem:$0x3FFC];
	_ =	sdelay $0x3  }
0x94: {  	_ =	strace s3  }
0x95: {  	s3 =	sld [smem:$0x3FFD];
	_ =	sdelay $0x3  }
0x96: {  	_ =	strace s3  }
0x97: {  	_ =	strace $0x8FFFFFFF  }
0x98: {  	s19 =	sld [smem:$0x3FDB];
	_ =	sdelay $0x1  }
0x99: {  	s4 =	simm.s32 $_scs_section_size  }
0x9a: {  	s5 =	simm.s32 $_size__tile_overlayer_lowered;
	s6 =	simm.s32 $_tile_overlayer_lowered  }
0x9b: {  	s22 =	simm.s32 $0x1BFF;
	s21 =	sshll.u32 s6, $0x1;
	s3 =	sadd.s32 s4, s19  }
0x9c: {  	s7 =	simm.s32 $0x0;
	s20 =	sshll.u32 s5, $0x1;
	s5 =	sadd.s32 s21, s3  }
0x9d: {  	[timem:s7], [sflag:s22] =	dma.local [hbm:s5], s20  }
0x9e: {  	_ =	swait.ge [sflag:s22], s20  }
0x9f: {  	s4 =	ssub.s32 $0x0, s20;
	[sflag:s22] =	ssyncset.done $0x0  }
0xa0: {  	[sflag:s22] =	ssyncadd.s32 s4;
	_ =	sdelay $0x1  }
0xa1: {  	s23 =	simm.s32 $0x1B8B  }
0xa2: {  	_ =	swait.ge [sflag:s23], $0x1  }
0xa3: {  	[sflag:s23] =	ssyncset.done $0x0  }
0xa4: {  	s25 =	simm.s32 $0x1B8E;
	s24 =	sld [smem:$0x3FFE];
	[sflag:s23] =	ssyncadd.s32 $0xFFFFFFFF  }
0xa5: {  	s26 =	simm.s32 $execute0_lowered;
	[smem:$0x3FD2] =	sst s25  }
0xa6: {  	s5 =	sshll.u32 s26, $0x1;
	_ =	strace $0x8000004C;
	[dreg:$0x1] =	wrdreg $0xFFFFFFFF  }
0xa7: {  	s28 =	simm.s32 $_size_execute0_lowered;
	s3 =	sadd.s32 s3, s5;
	[dreg:$0x0] =	wrdreg $0x0  }
0xa8: {  	s5 =	sshll.u32 s28, $0x1;
	[dreg:$0x2] =	wrdreg s3  }
0xa9: {  	[dreg:$0x3] =	wrdreg s5  }
0xaa: {  	[dreg:$0x4] =	wrdreg $0xC0  }
0xab: {  	_ =	task [dreg:s7], $0x5FFFF  }
0xac: {  	[dreg:$0x1] =	wrdreg $0xFFFFFFFF  }
0xad: {  	[dreg:$0x0] =	wrdreg $0x60  }
0xae: {  	[dreg:$0x2] =	wrdreg s24  }
0xaf: {  	[dreg:$0x3] =	wrdreg s2  }
0xb0: {  	[dreg:$0x4] =	wrdreg $0x0  }
0xb1: {  	[dreg:$0x5] =	wrdreg $0x9  }
0xb2: {  	_ =	task.clear_ibuf [dreg:s7], $0x6FFFF;
	_ =	strace $0x9000004C  }
0xb3: {  	s29 =	simm.s32 $0x9;
	_ =	strace $0x8000004E  }
0xb4: {  	_ =	swait.ge [sflag:s29], $0x1  }
0xb5: {  	[sflag:s29] =	ssyncadd.s32 $0xFFFFFFFF  }
0xb6: {  	_ =	strace $0x9000004E  }
0xb7: {  	_ =	sfence  }
0xb8: {  	s30 =	sld [smem:$0x0];
	_ =	sdelay $0x2  }
0xb9: {  	s31 =	sshll.u32 s1, $0xD;
	s1 =	sshrl.u32 s1, $0x2  }
0xba: {  	s3 =	sand.u32 $0x4000, s31;
	s1 =	sadd.s32 s1, s30  }
0xbb: {  	s0 =	sor.u32 s3, s0;
	s1 =	sshll.u32 s1, $0x11  }
0xbc: {  	s0 =	sor.u32 s1, s0  }
0xbd: {  	s0 =	sadd.s32 $0x8F2B, s0  }
0xbe: {  	[sflag:s0] =	ssyncadd.remote.s32 $0x1  }
0xbf: {  	_ =	sfence.sel $0xFFFF  }
0xc0: {  	[dreg:$0x0] =	wrdreg $0xFFFFFFFF;
	(pc) =	sbr.abs _section_cstart, $3  }
0xc1: {  	[dreg:$0x1] =	wrdreg $0xFFFFFFFF  }
0xc2: {  	_ =	task.clear_ibuf [dreg:s7], $0x2FFFF;
	_ =	strace $0x9FFFFFFF  }
0xc3: {  	(tm) =	ssettm $0x7FFFFFFF  }
tec
execute0_lowered:
.L_overlay_start_1:
0x0: {  	(tag) =	ssettag $0x1  }
0x1: {  	s0 =	rddreg [dreg:$0x0];
	s1 =	srdreg.scid  }
0x2: {  	s5 =	rddreg [dreg:$0x1];
	s9 =	stileid.u32  }
0x3: {  	s2 =	rddreg [dreg:$0x2];
	s6 =	smul.u32 $0x2800, s9  }
0x4: {  	s3 =	simm.s32 $0x0;
	s10 =	simm.s32 $0x14880;
	s8 =	smul.u32 $0x14000, s9  }
0x5: {  	[smem:$0x7FF] =	sst s3;
	s23 =	smul.u32 $0x50000, s9;
	s9 =	simm.s32 $0x14080  }
0x6: {  	s12 =	simm.s32 $0x14100;
	_ =	strace $0x8000004D;
	[dreg:$0x6] =	wrdreg s9  }
0x7: {  	s14 =	simm.s32 $0x14900;
	s16 =	simm.s32 $0x14180;
	[dreg:$0x7] =	wrdreg s10  }
0x8: {  	s18 =	simm.s32 $0x14980;
	s19 =	simm.s32 $0x14200;
	[dreg:$0x8] =	wrdreg s12  }
0x9: {  	s20 =	simm.s32 $0x14A00;
	s21 =	simm.s32 $0x14280;
	[dreg:$0x9] =	wrdreg s14  }
0xa: {  	s22 =	simm.s32 $0x14A80;
	s28 =	simm.s32 $0x14D80;
	[dreg:$0xa] =	wrdreg s16  }
0xb: {  	s29 =	simm.s32 $0x14600;
	s1 =	sand.u32 $0x1, s1;
	[dreg:$0xb] =	wrdreg s18  }
0xc: {  	s30 =	simm.s32 $0x14E00;
	s4 =	smul.u32 $0x28000, s1;
	[dreg:$0xc] =	wrdreg s19  }
0xd: {  	s31 =	simm.s32 $0x14680;
	s7 =	smul.u32 $0x140000, s1;
	[dreg:$0xd] =	wrdreg s20  }
0xe: {  	s1 =	ssub.s32 $0x2, s1;
	s12 =	simm.s32 $0x15000;
	[dreg:$0xe] =	wrdreg s21  }
0xf: {  	s14 =	simm.s32 $0x14000;
	s16 =	simm.s32 $0x80;
	[dreg:$0xf] =	wrdreg s22  }
0x10: {  	s18 =	simm.s32 $0x19000;
	s19 =	simm.s32 $0x2;
	s20 =	simm.s32 $0x14400  }
0x11: {  	s21 =	simm.s32 $0x14C00;
	s22 =	simm.s32 $0x14480;
	s25 =	sshrl.u32 s1, $0x1  }
0x12: {  	s26 =	sshrl.u32 s23, $0x2;
	s23 =	simm.s32 $0x14300;
	s6 =	sadd.s32 s6, s4  }
0x13: {  	s4 =	sadd.s32 $0xD200, s0;
	s7 =	sadd.s32 s8, s7;
	s1 =	ssub.s32 s1, s25  }
0x14: {  	[dreg:$0x10] =	wrdreg s23;
	s25 =	simm.s32 $0x14380;
	s6 =	sshrl.u32 s6, $0x3  }
0x15: {  	s7 =	sshrl.u32 s7, $0x3;
	s1 =	smax.u32 s1, $0x1;
	[dreg:$0x12] =	wrdreg s25  }
0x16: {  	s24 =	sadd.s32 s6, s0;
	s5 =	sadd.s32 s6, s5;
	[dreg:$0x16] =	wrdreg s1  }
0x17: {  	s0 =	sadd.s32 s7, s0;
	s7 =	sadd.s32 s26, s2;
	[dreg:$0x4] =	wrdreg s5  }
0x18: {  	s9 =	simm.s32 $0x0;
	s26 =	simm.s32 $0x14B80;
	[dreg:$0x14] =	wrdreg s7  }
0x19: {  	s23 =	simm.s32 $0x14C80;
	s0 =	sadd.s32 $0x35200, s0;
	[dreg:$0x13] =	wrdreg s26  }
0x1a: {  	s25 =	simm.s32 $0x14D00;
	s8 =	sadd.s32 $0x3200, s24;
	[dreg:$0x15] =	wrdreg s0  }
0x1b: {  	s1 =	simm.s32 $0x14E80;
	s11 =	sadd.s32 $0x4000, s7;
	[dreg:$0x5] =	wrdreg s8  }
0x1c: {  	s6 =	simm.s32 $0x14F00;
	s13 =	sadd.s32 $0x8000, s7;
	[dreg:$0x17] =	wrdreg s11  }
0x1d: {  	s15 =	sadd.s32 $0xC000, s7;
	s17 =	sadd.s32 $0x10000, s7;
	[dreg:$0x18] =	wrdreg s13  }
0x1e: {  	s24 =	simm.s32 $0x14B00;
	s26 =	simm.s32 $0x14580;
	[dreg:$0x19] =	wrdreg s15  }
0x1f: {  	s7 =	simm.s32 $0x14780;
	[dreg:$0x1a] =	wrdreg s17;
	s13 =	simm.s32 $0x3  }
0x20: {  	s15 =	simm.s32 $0x14800;
	s17 =	simm.s32 $0x1;
	[dreg:$0x11] =	wrdreg s24  }
0x21: {  	v0 =	vimm.f32 $0.0e+00;
	s24 =	simm.s32 $0x14500;
	s0 =	simm.s32 $0x14700;
	s8 =	simm.s32 $0x14F80  }
.LBB2_1:
0x22: {  	s10 =	simm.s32 $0x0;
	s11 =	simm.s32 $0x200  }
.LBB2_2:
0x23: {  	p0 =	sne.s32 s11, $0xFE00;
	[tilespmem:s10+$0x15070] =	vst v0  }
0x24: {  	[tilespmem:s10+$0x15000] =	vst v0  }
0x25: {  	[tilespmem:s10+$0x15010] =	vst v0  }
.Ltmp0:
0x26: {  	[tilespmem:s10+$0x15020] =	vst v0;
	(pc) =	sbr.rel @p0 .LBB2_2-.Ltmp0, $4  }
0x27: {  	[tilespmem:s10+$0x15030] =	vst v0  }
0x28: {  	[tilespmem:s10+$0x15040] =	vst v0  }
0x29: {  	[tilespmem:s10+$0x15050] =	vst v0  }
0x2a: {  	[tilespmem:s10+$0x15060] =	vst v0;
	s10 =	sshra.s32 s11, $0x2;
	s11 =	sadd.s32 $0x200, s11  }
0x2b: {  	[tilespmem:s10+$0x15070] =	vst v0  }
0x2c: {  	[tilespmem:s10+$0x15000] =	vst v0  }
0x2d: {  	[tilespmem:s10+$0x15010] =	vst v0  }
0x2e: {  	[tilespmem:s10+$0x15020] =	vst v0  }
0x2f: {  	[tilespmem:s10+$0x15030] =	vst v0  }
0x30: {  	[tilespmem:s10+$0x15040] =	vst v0  }
0x31: {  	[dreg:$0x1b] =	wrdreg s9;
	[tilespmem:s10+$0x15050] =	vst v0  }
0x32: {  	[tilespmem:s10+$0x15060] =	vst v0;
	s5 =	rddreg [dreg:$0x14]  }
0x33: {  	[spmem:s5] =	stream.linear.scatter [tilespmem:s12], [sflag:$0x3], $0x4000, $0x38;
	[tilespmem:$0x1D000] =	vst v63  }
0x34: {  	_ =	swait.ge [sflag:s13], $0x4000  }
0x35: {  	[sflag:s13] =	ssyncset.done $0x0  }
0x36: {  	s10 =	rddreg [dreg:$0x17];
	[sflag:s13] =	ssyncadd.s32 $0xFFFFC000  }
0x37: {  	[spmem:s10] =	stream.linear.scatter [tilespmem:s12], [sflag:$0x3], $0x4000, $0x38;
	[tilespmem:$0x1D000] =	vst v63  }
0x38: {  	_ =	swait.ge [sflag:s13], $0x4000  }
0x39: {  	[sflag:s13] =	ssyncset.done $0x0  }
0x3a: {  	s11 =	rddreg [dreg:$0x18];
	[sflag:s13] =	ssyncadd.s32 $0xFFFFC000  }
0x3b: {  	[spmem:s11] =	stream.linear.scatter [tilespmem:s12], [sflag:$0x3], $0x4000, $0x38;
	[tilespmem:$0x1D000] =	vst v63  }
0x3c: {  	_ =	swait.ge [sflag:s13], $0x4000  }
0x3d: {  	[sflag:s13] =	ssyncset.done $0x0  }
0x3e: {  	s9 =	rddreg [dreg:$0x19];
	[sflag:s13] =	ssyncadd.s32 $0xFFFFC000  }
0x3f: {  	[spmem:s9] =	stream.linear.scatter [tilespmem:s12], [sflag:$0x3], $0x4000, $0x38;
	[tilespmem:$0x1D000] =	vst v63  }
0x40: {  	_ =	swait.ge [sflag:s13], $0x4000  }
0x41: {  	[sflag:s13] =	ssyncset.done $0x0  }
0x42: {  	s10 =	rddreg [dreg:$0x1a];
	[sflag:s13] =	ssyncadd.s32 $0xFFFFC000  }
0x43: {  	[spmem:s10] =	stream.linear.scatter [tilespmem:s12], [sflag:$0x3], $0x4000, $0x38;
	[tilespmem:$0x1D000] =	vst v63  }
0x44: {  	_ =	swait.ge [sflag:s13], $0x4000  }
0x45: {  	[sflag:s13] =	ssyncset.done $0x0  }
0x46: {  	[sflag:s13] =	ssyncadd.s32 $0xFFFFC000  }
0x47: {  	[bflag:$0x0] =	sbarrier.arrive $0xFFFF  }
0x48: {  	s11 =	rddreg [dreg:$0x5]  }
0x49: {  	s5 =	sadd.s32 $0x0, s11  }
0x4a: {  	[tilespmem:s14], [sflag:$0x3] =	stream.linear.gather [hbm4b:s5+s3], $0x800, $0x38;
	[tilespmem:$0x1D000] =	vst v63  }
0x4b: {  	_ =	swait.ge [sflag:s13], $0x800  }
0x4c: {  	s9 =	rddreg [dreg:$0x4];
	[sflag:s13] =	ssyncset.done $0x0  }
0x4d: {  	[sflag:s13] =	ssyncadd.s32 $0xFFFFF800;
	s5 =	sadd.s32 $0x0, s9  }
0x4e: {  	[tilespmem:s15], [sflag:$0x3] =	stream.linear.gather [hbm4b:s5+s3], $0x800, $0x38;
	[tilespmem:$0x1D000] =	vst v63  }
0x4f: {  	_ =	swait.ge [sflag:s13], $0x800  }
0x50: {  	[sflag:s13] =	ssyncset.done $0x0  }
0x51: {  	[sflag:s13] =	ssyncadd.s32 $0xFFFFF800  }
0x52: {  	[tilespmem:s12], [sflag:$0x1] =	stream.indirect.gather [hbm4b:s4+s16], $0x80, s14, s16, $0xb8;
	[tilespmem:$0x1D000] =	vst v63  }
0x53: {  	_ =	swait.ge [sflag:s17], $0x4000  }
0x54: {  	[sflag:s17] =	ssyncset.done $0x0  }
0x55: {  	[sflag:s17] =	ssyncadd.s32 $0xFFFFC000  }
0x56: {  	[spmem:s2] =	stream.indirect.scatter.add.f32 [tilespmem:s12], [sflag:$0x2], $0x80, s15, s16, $0xb8;
	[tilespmem:$0x1D000] =	vst v63  }
0x57: {  	s10 =	rddreg [dreg:$0x6]  }
0x58: {  	[tilespmem:s18], [sflag:$0x1] =	stream.indirect.gather [hbm4b:s4+s16], $0x80, s10, s16, $0xb8;
	[tilespmem:$0x1D000] =	vst v63  }
0x59: {  	_ =	swait.ge [sflag:s17], $0x4000  }
0x5a: {  	[sflag:s17] =	ssyncset.done $0x0  }
0x5b: {  	[sflag:s17] =	ssyncadd.s32 $0xFFFFC000  }
0x5c: {  	_ =	swait.ge [sflag:s19], $0x4000  }
0x5d: {  	[sflag:s19] =	ssyncset.done $0x0  }
0x5e: {  	s11 =	rddreg [dreg:$0x7];
	[sflag:s19] =	ssyncadd.s32 $0xFFFFC000  }
0x5f: {  	[spmem:s2] =	stream.indirect.scatter.add.f32 [tilespmem:s18], [sflag:$0x2], $0x80, s11, s16, $0xb8;
	[tilespmem:$0x1D000] =	vst v63  }
0x60: {  	s9 =	rddreg [dreg:$0x8]  }
0x61: {  	[tilespmem:s12], [sflag:$0x1] =	stream.indirect.gather [hbm4b:s4+s16], $0x80, s9, s16, $0xb8;
	[tilespmem:$0x1D000] =	vst v63  }
0x62: {  	_ =	swait.ge [sflag:s17], $0x4000  }
0x63: {  	[sflag:s17] =	ssyncset.done $0x0  }
0x64: {  	[sflag:s17] =	ssyncadd.s32 $0xFFFFC000  }
0x65: {  	_ =	swait.ge [sflag:s19], $0x4000  }
0x66: {  	[sflag:s19] =	ssyncset.done $0x0  }
0x67: {  	s11 =	rddreg [dreg:$0x9];
	[sflag:s19] =	ssyncadd.s32 $0xFFFFC000  }
0x68: {  	[spmem:s2] =	stream.indirect.scatter.add.f32 [tilespmem:s12], [sflag:$0x2], $0x80, s11, s16, $0xb8;
	[tilespmem:$0x1D000] =	vst v63  }
0x69: {  	s9 =	rddreg [dreg:$0xa]  }
0x6a: {  	[tilespmem:s18], [sflag:$0x1] =	stream.indirect.gather [hbm4b:s4+s16], $0x80, s9, s16, $0xb8;
	[tilespmem:$0x1D000] =	vst v63  }
0x6b: {  	_ =	swait.ge [sflag:s17], $0x4000  }
0x6c: {  	[sflag:s17] =	ssyncset.done $0x0  }
0x6d: {  	[sflag:s17] =	ssyncadd.s32 $0xFFFFC000  }
0x6e: {  	_ =	swait.ge [sflag:s19], $0x4000  }
0x6f: {  	[sflag:s19] =	ssyncset.done $0x0  }
0x70: {  	s11 =	rddreg [dreg:$0xb];
	[sflag:s19] =	ssyncadd.s32 $0xFFFFC000  }
0x71: {  	[spmem:s2] =	stream.indirect.scatter.add.f32 [tilespmem:s18], [sflag:$0x2], $0x80, s11, s16, $0xb8;
	[tilespmem:$0x1D000] =	vst v63  }
0x72: {  	s9 =	rddreg [dreg:$0xc]  }
0x73: {  	[tilespmem:s12], [sflag:$0x1] =	stream.indirect.gather [hbm4b:s4+s16], $0x80, s9, s16, $0xb8;
	[tilespmem:$0x1D000] =	vst v63  }
0x74: {  	_ =	swait.ge [sflag:s17], $0x4000  }
0x75: {  	[sflag:s17] =	ssyncset.done $0x0  }
0x76: {  	[sflag:s17] =	ssyncadd.s32 $0xFFFFC000  }
0x77: {  	_ =	swait.ge [sflag:s19], $0x4000  }
0x78: {  	[sflag:s19] =	ssyncset.done $0x0  }
0x79: {  	s11 =	rddreg [dreg:$0xd];
	[sflag:s19] =	ssyncadd.s32 $0xFFFFC000  }
0x7a: {  	[spmem:s2] =	stream.indirect.scatter.add.f32 [tilespmem:s12], [sflag:$0x2], $0x80, s11, s16, $0xb8;
	[tilespmem:$0x1D000] =	vst v63  }
0x7b: {  	s9 =	rddreg [dreg:$0xe]  }
0x7c: {  	[tilespmem:s18], [sflag:$0x1] =	stream.indirect.gather [hbm4b:s4+s16], $0x80, s9, s16, $0xb8;
	[tilespmem:$0x1D000] =	vst v63  }
0x7d: {  	_ =	swait.ge [sflag:s17], $0x4000  }
0x7e: {  	[sflag:s17] =	ssyncset.done $0x0  }
0x7f: {  	[sflag:s17] =	ssyncadd.s32 $0xFFFFC000  }
0x80: {  	_ =	swait.ge [sflag:s19], $0x4000  }
0x81: {  	[sflag:s19] =	ssyncset.done $0x0  }
0x82: {  	s11 =	rddreg [dreg:$0xf];
	[sflag:s19] =	ssyncadd.s32 $0xFFFFC000  }
0x83: {  	[spmem:s2] =	stream.indirect.scatter.add.f32 [tilespmem:s18], [sflag:$0x2], $0x80, s11, s16, $0xb8;
	[tilespmem:$0x1D000] =	vst v63  }
0x84: {  	s9 =	rddreg [dreg:$0x10]  }
0x85: {  	[tilespmem:s12], [sflag:$0x1] =	stream.indirect.gather [hbm4b:s4+s16], $0x80, s9, s16, $0xb8;
	[tilespmem:$0x1D000] =	vst v63  }
0x86: {  	_ =	swait.ge [sflag:s17], $0x4000  }
0x87: {  	[sflag:s17] =	ssyncset.done $0x0  }
0x88: {  	[sflag:s17] =	ssyncadd.s32 $0xFFFFC000  }
0x89: {  	_ =	swait.ge [sflag:s19], $0x4000  }
0x8a: {  	[sflag:s19] =	ssyncset.done $0x0  }
0x8b: {  	s11 =	rddreg [dreg:$0x11];
	[sflag:s19] =	ssyncadd.s32 $0xFFFFC000  }
0x8c: {  	[spmem:s2] =	stream.indirect.scatter.add.f32 [tilespmem:s12], [sflag:$0x2], $0x80, s11, s16, $0xb8;
	[tilespmem:$0x1D000] =	vst v63  }
0x8d: {  	s9 =	rddreg [dreg:$0x12]  }
0x8e: {  	[tilespmem:s18], [sflag:$0x1] =	stream.indirect.gather [hbm4b:s4+s16], $0x80, s9, s16, $0xb8;
	[tilespmem:$0x1D000] =	vst v63  }
0x8f: {  	_ =	swait.ge [sflag:s17], $0x4000  }
0x90: {  	[sflag:s17] =	ssyncset.done $0x0  }
0x91: {  	[sflag:s17] =	ssyncadd.s32 $0xFFFFC000  }
0x92: {  	_ =	swait.ge [sflag:s19], $0x4000  }
0x93: {  	[sflag:s19] =	ssyncset.done $0x0  }
0x94: {  	s11 =	rddreg [dreg:$0x13];
	[sflag:s19] =	ssyncadd.s32 $0xFFFFC000  }
0x95: {  	[spmem:s2] =	stream.indirect.scatter.add.f32 [tilespmem:s18], [sflag:$0x2], $0x80, s11, s16, $0xb8;
	[tilespmem:$0x1D000] =	vst v63  }
0x96: {  	_ = 	snop  }
0x97: {  	[tilespmem:s12], [sflag:$0x1] =	stream.indirect.gather [hbm4b:s4+s16], $0x80, s20, s16, $0xb8;
	[tilespmem:$0x1D000] =	vst v63  }
0x98: {  	_ =	swait.ge [sflag:s17], $0x4000  }
0x99: {  	[sflag:s17] =	ssyncset.done $0x0  }
0x9a: {  	[sflag:s17] =	ssyncadd.s32 $0xFFFFC000  }
0x9b: {  	_ =	swait.ge [sflag:s19], $0x4000  }
0x9c: {  	[sflag:s19] =	ssyncset.done $0x0  }
0x9d: {  	[sflag:s19] =	ssyncadd.s32 $0xFFFFC000  }
0x9e: {  	[spmem:s2] =	stream.indirect.scatter.add.f32 [tilespmem:s12], [sflag:$0x2], $0x80, s21, s16, $0xb8;
	[tilespmem:$0x1D000] =	vst v63  }
0x9f: {  	_ = 	snop  }
0xa0: {  	[tilespmem:s18], [sflag:$0x1] =	stream.indirect.gather [hbm4b:s4+s16], $0x80, s22, s16, $0xb8;
	[tilespmem:$0x1D000] =	vst v63  }
0xa1: {  	_ =	swait.ge [sflag:s17], $0x4000  }
0xa2: {  	[sflag:s17] =	ssyncset.done $0x0  }
0xa3: {  	[sflag:s17] =	ssyncadd.s32 $0xFFFFC000  }
0xa4: {  	_ =	swait.ge [sflag:s19], $0x4000  }
0xa5: {  	[sflag:s19] =	ssyncset.done $0x0  }
0xa6: {  	[sflag:s19] =	ssyncadd.s32 $0xFFFFC000  }
0xa7: {  	[spmem:s2] =	stream.indirect.scatter.add.f32 [tilespmem:s18], [sflag:$0x2], $0x80, s23, s16, $0xb8;
	[tilespmem:$0x1D000] =	vst v63  }
0xa8: {  	_ = 	snop  }
0xa9: {  	[tilespmem:s12], [sflag:$0x1] =	stream.indirect.gather [hbm4b:s4+s16], $0x80, s24, s16, $0xb8;
	[tilespmem:$0x1D000] =	vst v63  }
0xaa: {  	_ =	swait.ge [sflag:s17], $0x4000  }
0xab: {  	[sflag:s17] =	ssyncset.done $0x0  }
0xac: {  	[sflag:s17] =	ssyncadd.s32 $0xFFFFC000  }
0xad: {  	_ =	swait.ge [sflag:s19], $0x4000  }
0xae: {  	[sflag:s19] =	ssyncset.done $0x0  }
0xaf: {  	[sflag:s19] =	ssyncadd.s32 $0xFFFFC000  }
0xb0: {  	[spmem:s2] =	stream.indirect.scatter.add.f32 [tilespmem:s12], [sflag:$0x2], $0x80, s25, s16, $0xb8;
	[tilespmem:$0x1D000] =	vst v63  }
0xb1: {  	_ = 	snop  }
0xb2: {  	[tilespmem:s18], [sflag:$0x1] =	stream.indirect.gather [hbm4b:s4+s16], $0x80, s26, s16, $0xb8;
	[tilespmem:$0x1D000] =	vst v63  }
0xb3: {  	_ =	swait.ge [sflag:s17], $0x4000  }
0xb4: {  	[sflag:s17] =	ssyncset.done $0x0  }
0xb5: {  	[sflag:s17] =	ssyncadd.s32 $0xFFFFC000  }
0xb6: {  	_ =	swait.ge [sflag:s19], $0x4000  }
0xb7: {  	[sflag:s19] =	ssyncset.done $0x0  }
0xb8: {  	[sflag:s19] =	ssyncadd.s32 $0xFFFFC000  }
0xb9: {  	[spmem:s2] =	stream.indirect.scatter.add.f32 [tilespmem:s18], [sflag:$0x2], $0x80, s28, s16, $0xb8;
	[tilespmem:$0x1D000] =	vst v63  }
0xba: {  	_ = 	snop  }
0xbb: {  	[tilespmem:s12], [sflag:$0x1] =	stream.indirect.gather [hbm4b:s4+s16], $0x80, s29, s16, $0xb8;
	[tilespmem:$0x1D000] =	vst v63  }
0xbc: {  	_ =	swait.ge [sflag:s17], $0x4000  }
0xbd: {  	[sflag:s17] =	ssyncset.done $0x0  }
0xbe: {  	[sflag:s17] =	ssyncadd.s32 $0xFFFFC000  }
0xbf: {  	_ =	swait.ge [sflag:s19], $0x4000  }
0xc0: {  	[sflag:s19] =	ssyncset.done $0x0  }
0xc1: {  	[sflag:s19] =	ssyncadd.s32 $0xFFFFC000  }
0xc2: {  	[spmem:s2] =	stream.indirect.scatter.add.f32 [tilespmem:s12], [sflag:$0x2], $0x80, s30, s16, $0xb8;
	[tilespmem:$0x1D000] =	vst v63  }
0xc3: {  	_ = 	snop  }
0xc4: {  	[tilespmem:s18], [sflag:$0x1] =	stream.indirect.gather [hbm4b:s4+s16], $0x80, s31, s16, $0xb8;
	[tilespmem:$0x1D000] =	vst v63  }
0xc5: {  	_ =	swait.ge [sflag:s17], $0x4000  }
0xc6: {  	[sflag:s17] =	ssyncset.done $0x0  }
0xc7: {  	[sflag:s17] =	ssyncadd.s32 $0xFFFFC000  }
0xc8: {  	_ =	swait.ge [sflag:s19], $0x4000  }
0xc9: {  	[sflag:s19] =	ssyncset.done $0x0  }
0xca: {  	[sflag:s19] =	ssyncadd.s32 $0xFFFFC000  }
0xcb: {  	[spmem:s2] =	stream.indirect.scatter.add.f32 [tilespmem:s18], [sflag:$0x2], $0x80, s1, s16, $0xb8;
	[tilespmem:$0x1D000] =	vst v63  }
0xcc: {  	_ = 	snop  }
0xcd: {  	[tilespmem:s12], [sflag:$0x1] =	stream.indirect.gather [hbm4b:s4+s16], $0x80, s0, s16, $0xb8;
	[tilespmem:$0x1D000] =	vst v63  }
0xce: {  	_ =	swait.ge [sflag:s17], $0x4000  }
0xcf: {  	[sflag:s17] =	ssyncset.done $0x0  }
0xd0: {  	[sflag:s17] =	ssyncadd.s32 $0xFFFFC000  }
0xd1: {  	_ =	swait.ge [sflag:s19], $0x4000  }
0xd2: {  	[sflag:s19] =	ssyncset.done $0x0  }
0xd3: {  	[sflag:s19] =	ssyncadd.s32 $0xFFFFC000  }
0xd4: {  	[spmem:s2] =	stream.indirect.scatter.add.f32 [tilespmem:s12], [sflag:$0x2], $0x80, s6, s16, $0xb8;
	[tilespmem:$0x1D000] =	vst v63  }
0xd5: {  	_ = 	snop  }
0xd6: {  	[tilespmem:s18], [sflag:$0x1] =	stream.indirect.gather [hbm4b:s4+s16], $0x80, s7, s16, $0xb8;
	[tilespmem:$0x1D000] =	vst v63  }
0xd7: {  	_ =	swait.ge [sflag:s17], $0x4000  }
0xd8: {  	[sflag:s17] =	ssyncset.done $0x0  }
0xd9: {  	[sflag:s17] =	ssyncadd.s32 $0xFFFFC000  }
0xda: {  	_ =	swait.ge [sflag:s19], $0x4000  }
0xdb: {  	[sflag:s19] =	ssyncset.done $0x0  }
0xdc: {  	[sflag:s19] =	ssyncadd.s32 $0xFFFFC000  }
0xdd: {  	[spmem:s2] =	stream.indirect.scatter.add.f32 [tilespmem:s18], [sflag:$0x2], $0x80, s8, s16, $0xb8;
	[tilespmem:$0x1D000] =	vst v63  }
0xde: {  	s10 =	simm.s32 $0x100;
	_ =	swait.ge [sflag:s19], $0x4000  }
0xdf: {  	s11 =	simm.s32 $0x200;
	s5 =	rddreg [dreg:$0x5];
	[sflag:s19] =	ssyncset.done $0x0  }
.LBB2_4:
0xe0: {  	[sflag:s19] =	ssyncadd.s32 $0xFFFFC000;
	s5 =	sadd.s32 s10, s5  }
0xe1: {  	[tilespmem:s14], [sflag:$0x3] =	stream.linear.gather [hbm4b:s5+s3], $0x800, $0x38;
	[tilespmem:$0x1D000] =	vst v63  }
0xe2: {  	_ =	swait.ge [sflag:s13], $0x800  }
0xe3: {  	s5 =	rddreg [dreg:$0x4];
	[sflag:s13] =	ssyncset.done $0x0  }
0xe4: {  	[sflag:s13] =	ssyncadd.s32 $0xFFFFF800;
	s5 =	sadd.s32 s10, s5  }
0xe5: {  	[tilespmem:s15], [sflag:$0x3] =	stream.linear.gather [hbm4b:s5+s3], $0x800, $0x38;
	[tilespmem:$0x1D000] =	vst v63  }
0xe6: {  	_ =	swait.ge [sflag:s13], $0x800  }
0xe7: {  	[sflag:s13] =	ssyncset.done $0x0  }
0xe8: {  	[sflag:s13] =	ssyncadd.s32 $0xFFFFF800  }
0xe9: {  	[tilespmem:s12], [sflag:$0x1] =	stream.indirect.gather [hbm4b:s4+s16], $0x80, s14, s16, $0xb8;
	[tilespmem:$0x1D000] =	vst v63  }
0xea: {  	_ =	swait.ge [sflag:s17], $0x4000  }
0xeb: {  	[sflag:s17] =	ssyncset.done $0x0  }
0xec: {  	s9 =	smov.u32 s11;
	[sflag:s17] =	ssyncadd.s32 $0xFFFFC000  }
0xed: {  	[spmem:s2] =	stream.indirect.scatter.add.f32 [tilespmem:s12], [sflag:$0x2], $0x80, s15, s16, $0xb8;
	[tilespmem:$0x1D000] =	vst v63  }
0xee: {  	s10 =	smov.u32 s9;
	s9 =	rddreg [dreg:$0x6]  }
0xef: {  	[tilespmem:s18], [sflag:$0x1] =	stream.indirect.gather [hbm4b:s4+s16], $0x80, s9, s16, $0xb8;
	[tilespmem:$0x1D000] =	vst v63  }
0xf0: {  	_ =	swait.ge [sflag:s17], $0x4000  }
0xf1: {  	[sflag:s17] =	ssyncset.done $0x0  }
0xf2: {  	[sflag:s17] =	ssyncadd.s32 $0xFFFFC000  }
0xf3: {  	_ =	swait.ge [sflag:s19], $0x4000  }
0xf4: {  	[sflag:s19] =	ssyncset.done $0x0  }
0xf5: {  	s5 =	rddreg [dreg:$0x7];
	[sflag:s19] =	ssyncadd.s32 $0xFFFFC000  }
0xf6: {  	[spmem:s2] =	stream.indirect.scatter.add.f32 [tilespmem:s18], [sflag:$0x2], $0x80, s5, s16, $0xb8;
	[tilespmem:$0x1D000] =	vst v63  }
0xf7: {  	s9 =	rddreg [dreg:$0x8]  }
0xf8: {  	[tilespmem:s12], [sflag:$0x1] =	stream.indirect.gather [hbm4b:s4+s16], $0x80, s9, s16, $0xb8;
	[tilespmem:$0x1D000] =	vst v63  }
0xf9: {  	_ =	swait.ge [sflag:s17], $0x4000  }
0xfa: {  	[sflag:s17] =	ssyncset.done $0x0  }
0xfb: {  	[sflag:s17] =	ssyncadd.s32 $0xFFFFC000  }
0xfc: {  	_ =	swait.ge [sflag:s19], $0x4000  }
0xfd: {  	[sflag:s19] =	ssyncset.done $0x0  }
0xfe: {  	s5 =	rddreg [dreg:$0x9];
	[sflag:s19] =	ssyncadd.s32 $0xFFFFC000  }
0xff: {  	[spmem:s2] =	stream.indirect.scatter.add.f32 [tilespmem:s12], [sflag:$0x2], $0x80, s5, s16, $0xb8;
	[tilespmem:$0x1D000] =	vst v63  }
0x100: {  	s9 =	rddreg [dreg:$0xa]  }
0x101: {  	[tilespmem:s18], [sflag:$0x1] =	stream.indirect.gather [hbm4b:s4+s16], $0x80, s9, s16, $0xb8;
	[tilespmem:$0x1D000] =	vst v63  }
0x102: {  	_ =	swait.ge [sflag:s17], $0x4000  }
0x103: {  	[sflag:s17] =	ssyncset.done $0x0  }
0x104: {  	[sflag:s17] =	ssyncadd.s32 $0xFFFFC000  }
0x105: {  	_ =	swait.ge [sflag:s19], $0x4000  }
0x106: {  	[sflag:s19] =	ssyncset.done $0x0  }
0x107: {  	s5 =	rddreg [dreg:$0xb];
	[sflag:s19] =	ssyncadd.s32 $0xFFFFC000  }
0x108: {  	[spmem:s2] =	stream.indirect.scatter.add.f32 [tilespmem:s18], [sflag:$0x2], $0x80, s5, s16, $0xb8;
	[tilespmem:$0x1D000] =	vst v63  }
0x109: {  	s9 =	rddreg [dreg:$0xc]  }
0x10a: {  	[tilespmem:s12], [sflag:$0x1] =	stream.indirect.gather [hbm4b:s4+s16], $0x80, s9, s16, $0xb8;
	[tilespmem:$0x1D000] =	vst v63  }
0x10b: {  	_ =	swait.ge [sflag:s17], $0x4000  }
0x10c: {  	[sflag:s17] =	ssyncset.done $0x0  }
0x10d: {  	[sflag:s17] =	ssyncadd.s32 $0xFFFFC000  }
0x10e: {  	_ =	swait.ge [sflag:s19], $0x4000  }
0x10f: {  	[sflag:s19] =	ssyncset.done $0x0  }
0x110: {  	s5 =	rddreg [dreg:$0xd];
	[sflag:s19] =	ssyncadd.s32 $0xFFFFC000  }
0x111: {  	[spmem:s2] =	stream.indirect.scatter.add.f32 [tilespmem:s12], [sflag:$0x2], $0x80, s5, s16, $0xb8;
	[tilespmem:$0x1D000] =	vst v63  }
0x112: {  	s9 =	rddreg [dreg:$0xe]  }
0x113: {  	[tilespmem:s18], [sflag:$0x1] =	stream.indirect.gather [hbm4b:s4+s16], $0x80, s9, s16, $0xb8;
	[tilespmem:$0x1D000] =	vst v63  }
0x114: {  	_ =	swait.ge [sflag:s17], $0x4000  }
0x115: {  	[sflag:s17] =	ssyncset.done $0x0  }
0x116: {  	[sflag:s17] =	ssyncadd.s32 $0xFFFFC000  }
0x117: {  	_ =	swait.ge [sflag:s19], $0x4000  }
0x118: {  	[sflag:s19] =	ssyncset.done $0x0  }
0x119: {  	s5 =	rddreg [dreg:$0xf];
	[sflag:s19] =	ssyncadd.s32 $0xFFFFC000  }
0x11a: {  	[spmem:s2] =	stream.indirect.scatter.add.f32 [tilespmem:s18], [sflag:$0x2], $0x80, s5, s16, $0xb8;
	[tilespmem:$0x1D000] =	vst v63  }
0x11b: {  	s9 =	rddreg [dreg:$0x10]  }
0x11c: {  	[tilespmem:s12], [sflag:$0x1] =	stream.indirect.gather [hbm4b:s4+s16], $0x80, s9, s16, $0xb8;
	[tilespmem:$0x1D000] =	vst v63  }
0x11d: {  	_ =	swait.ge [sflag:s17], $0x4000  }
0x11e: {  	[sflag:s17] =	ssyncset.done $0x0  }
0x11f: {  	[sflag:s17] =	ssyncadd.s32 $0xFFFFC000  }
0x120: {  	_ =	swait.ge [sflag:s19], $0x4000  }
0x121: {  	[sflag:s19] =	ssyncset.done $0x0  }
0x122: {  	s5 =	rddreg [dreg:$0x11];
	[sflag:s19] =	ssyncadd.s32 $0xFFFFC000  }
0x123: {  	[spmem:s2] =	stream.indirect.scatter.add.f32 [tilespmem:s12], [sflag:$0x2], $0x80, s5, s16, $0xb8;
	[tilespmem:$0x1D000] =	vst v63  }
0x124: {  	s9 =	rddreg [dreg:$0x12]  }
0x125: {  	[tilespmem:s18], [sflag:$0x1] =	stream.indirect.gather [hbm4b:s4+s16], $0x80, s9, s16, $0xb8;
	[tilespmem:$0x1D000] =	vst v63  }
0x126: {  	_ =	swait.ge [sflag:s17], $0x4000  }
0x127: {  	[sflag:s17] =	ssyncset.done $0x0  }
0x128: {  	[sflag:s17] =	ssyncadd.s32 $0xFFFFC000  }
0x129: {  	_ =	swait.ge [sflag:s19], $0x4000  }
0x12a: {  	[sflag:s19] =	ssyncset.done $0x0  }
0x12b: {  	s9 =	rddreg [dreg:$0x13];
	[sflag:s19] =	ssyncadd.s32 $0xFFFFC000  }
0x12c: {  	[spmem:s2] =	stream.indirect.scatter.add.f32 [tilespmem:s18], [sflag:$0x2], $0x80, s9, s16, $0xb8;
	[tilespmem:$0x1D000] =	vst v63  }
0x12d: {  	_ = 	snop  }
0x12e: {  	[tilespmem:s12], [sflag:$0x1] =	stream.indirect.gather [hbm4b:s4+s16], $0x80, s20, s16, $0xb8;
	[tilespmem:$0x1D000] =	vst v63  }
0x12f: {  	_ =	swait.ge [sflag:s17], $0x4000  }
0x130: {  	[sflag:s17] =	ssyncset.done $0x0  }
0x131: {  	[sflag:s17] =	ssyncadd.s32 $0xFFFFC000  }
0x132: {  	_ =	swait.ge [sflag:s19], $0x4000  }
0x133: {  	[sflag:s19] =	ssyncset.done $0x0  }
0x134: {  	[sflag:s19] =	ssyncadd.s32 $0xFFFFC000  }
0x135: {  	[spmem:s2] =	stream.indirect.scatter.add.f32 [tilespmem:s12], [sflag:$0x2], $0x80, s21, s16, $0xb8;
	[tilespmem:$0x1D000] =	vst v63  }
0x136: {  	_ = 	snop  }
0x137: {  	[tilespmem:s18], [sflag:$0x1] =	stream.indirect.gather [hbm4b:s4+s16], $0x80, s22, s16, $0xb8;
	[tilespmem:$0x1D000] =	vst v63  }
0x138: {  	_ =	swait.ge [sflag:s17], $0x4000  }
0x139: {  	[sflag:s17] =	ssyncset.done $0x0  }
0x13a: {  	[sflag:s17] =	ssyncadd.s32 $0xFFFFC000  }
0x13b: {  	_ =	swait.ge [sflag:s19], $0x4000  }
0x13c: {  	[sflag:s19] =	ssyncset.done $0x0  }
0x13d: {  	[sflag:s19] =	ssyncadd.s32 $0xFFFFC000  }
0x13e: {  	[spmem:s2] =	stream.indirect.scatter.add.f32 [tilespmem:s18], [sflag:$0x2], $0x80, s23, s16, $0xb8;
	[tilespmem:$0x1D000] =	vst v63  }
0x13f: {  	_ = 	snop  }
0x140: {  	[tilespmem:s12], [sflag:$0x1] =	stream.indirect.gather [hbm4b:s4+s16], $0x80, s24, s16, $0xb8;
	[tilespmem:$0x1D000] =	vst v63  }
0x141: {  	_ =	swait.ge [sflag:s17], $0x4000  }
0x142: {  	[sflag:s17] =	ssyncset.done $0x0  }
0x143: {  	[sflag:s17] =	ssyncadd.s32 $0xFFFFC000  }
0x144: {  	_ =	swait.ge [sflag:s19], $0x4000  }
0x145: {  	[sflag:s19] =	ssyncset.done $0x0  }
0x146: {  	[sflag:s19] =	ssyncadd.s32 $0xFFFFC000  }
0x147: {  	[spmem:s2] =	stream.indirect.scatter.add.f32 [tilespmem:s12], [sflag:$0x2], $0x80, s25, s16, $0xb8;
	[tilespmem:$0x1D000] =	vst v63  }
0x148: {  	_ = 	snop  }
0x149: {  	[tilespmem:s18], [sflag:$0x1] =	stream.indirect.gather [hbm4b:s4+s16], $0x80, s26, s16, $0xb8;
	[tilespmem:$0x1D000] =	vst v63  }
0x14a: {  	_ =	swait.ge [sflag:s17], $0x4000  }
0x14b: {  	[sflag:s17] =	ssyncset.done $0x0  }
0x14c: {  	[sflag:s17] =	ssyncadd.s32 $0xFFFFC000  }
0x14d: {  	_ =	swait.ge [sflag:s19], $0x4000  }
0x14e: {  	[sflag:s19] =	ssyncset.done $0x0  }
0x14f: {  	[sflag:s19] =	ssyncadd.s32 $0xFFFFC000  }
0x150: {  	[spmem:s2] =	stream.indirect.scatter.add.f32 [tilespmem:s18], [sflag:$0x2], $0x80, s28, s16, $0xb8;
	[tilespmem:$0x1D000] =	vst v63  }
0x151: {  	_ = 	snop  }
0x152: {  	[tilespmem:s12], [sflag:$0x1] =	stream.indirect.gather [hbm4b:s4+s16], $0x80, s29, s16, $0xb8;
	[tilespmem:$0x1D000] =	vst v63  }
0x153: {  	_ =	swait.ge [sflag:s17], $0x4000  }
0x154: {  	[sflag:s17] =	ssyncset.done $0x0  }
0x155: {  	[sflag:s17] =	ssyncadd.s32 $0xFFFFC000  }
0x156: {  	_ =	swait.ge [sflag:s19], $0x4000  }
0x157: {  	[sflag:s19] =	ssyncset.done $0x0  }
0x158: {  	[sflag:s19] =	ssyncadd.s32 $0xFFFFC000  }
0x159: {  	[spmem:s2] =	stream.indirect.scatter.add.f32 [tilespmem:s12], [sflag:$0x2], $0x80, s30, s16, $0xb8;
	[tilespmem:$0x1D000] =	vst v63  }
0x15a: {  	_ = 	snop  }
0x15b: {  	[tilespmem:s18], [sflag:$0x1] =	stream.indirect.gather [hbm4b:s4+s16], $0x80, s31, s16, $0xb8;
	[tilespmem:$0x1D000] =	vst v63  }
0x15c: {  	_ =	swait.ge [sflag:s17], $0x4000  }
0x15d: {  	[sflag:s17] =	ssyncset.done $0x0  }
0x15e: {  	[sflag:s17] =	ssyncadd.s32 $0xFFFFC000  }
0x15f: {  	_ =	swait.ge [sflag:s19], $0x4000  }
0x160: {  	[sflag:s19] =	ssyncset.done $0x0  }
0x161: {  	[sflag:s19] =	ssyncadd.s32 $0xFFFFC000  }
0x162: {  	[spmem:s2] =	stream.indirect.scatter.add.f32 [tilespmem:s18], [sflag:$0x2], $0x80, s1, s16, $0xb8;
	[tilespmem:$0x1D000] =	vst v63  }
0x163: {  	_ = 	snop  }
0x164: {  	[tilespmem:s12], [sflag:$0x1] =	stream.indirect.gather [hbm4b:s4+s16], $0x80, s0, s16, $0xb8;
	[tilespmem:$0x1D000] =	vst v63  }
0x165: {  	_ =	swait.ge [sflag:s17], $0x4000  }
0x166: {  	[sflag:s17] =	ssyncset.done $0x0  }
0x167: {  	[sflag:s17] =	ssyncadd.s32 $0xFFFFC000  }
0x168: {  	_ =	swait.ge [sflag:s19], $0x4000  }
0x169: {  	[sflag:s19] =	ssyncset.done $0x0  }
0x16a: {  	[sflag:s19] =	ssyncadd.s32 $0xFFFFC000  }
0x16b: {  	[spmem:s2] =	stream.indirect.scatter.add.f32 [tilespmem:s12], [sflag:$0x2], $0x80, s6, s16, $0xb8;
	[tilespmem:$0x1D000] =	vst v63  }
0x16c: {  	_ = 	snop  }
0x16d: {  	[tilespmem:s18], [sflag:$0x1] =	stream.indirect.gather [hbm4b:s4+s16], $0x80, s7, s16, $0xb8;
	[tilespmem:$0x1D000] =	vst v63  }
0x16e: {  	_ =	swait.ge [sflag:s17], $0x4000  }
0x16f: {  	[sflag:s17] =	ssyncset.done $0x0  }
0x170: {  	[sflag:s17] =	ssyncadd.s32 $0xFFFFC000  }
0x171: {  	p0 =	sne.s32 s11, $0x400;
	_ =	swait.ge [sflag:s19], $0x4000  }
.Ltmp1:
0x172: {  	[sflag:s19] =	ssyncset.done $0x0;
	(pc) =	sbr.rel @p0 .LBB2_4-.Ltmp1, $4  }
0x173: {  	[sflag:s19] =	ssyncadd.s32 $0xFFFFC000  }
0x174: {  	[spmem:s2] =	stream.indirect.scatter.add.f32 [tilespmem:s18], [sflag:$0x2], $0x80, s8, s16, $0xb8;
	[tilespmem:$0x1D000] =	vst v63  }
0x175: {  	_ =	swait.ge [sflag:s19], $0x4000  }
0x176: {  	s11 =	sadd.s32 $0x100, s11;
	s5 =	rddreg [dreg:$0x5];
	[sflag:s19] =	ssyncset.done $0x0  }
0x177: {  	[sflag:s19] =	ssyncadd.s32 $0xFFFFC000;
	s5 =	sadd.s32 s10, s5  }
0x178: {  	[tilespmem:s14], [sflag:$0x3] =	stream.linear.gather [hbm4b:s5+s3], $0x800, $0x38;
	[tilespmem:$0x1D000] =	vst v63  }
0x179: {  	_ =	swait.ge [sflag:s13], $0x800  }
0x17a: {  	s9 =	rddreg [dreg:$0x4];
	[sflag:s13] =	ssyncset.done $0x0  }
0x17b: {  	[sflag:s13] =	ssyncadd.s32 $0xFFFFF800;
	s5 =	sadd.s32 s10, s9  }
0x17c: {  	[tilespmem:s15], [sflag:$0x3] =	stream.linear.gather [hbm4b:s5+s3], $0x800, $0x38;
	[tilespmem:$0x1D000] =	vst v63  }
0x17d: {  	_ =	swait.ge [sflag:s13], $0x800  }
0x17e: {  	[sflag:s13] =	ssyncset.done $0x0  }
0x17f: {  	[sflag:s13] =	ssyncadd.s32 $0xFFFFF800  }
0x180: {  	[tilespmem:s12], [sflag:$0x1] =	stream.indirect.gather [hbm4b:s4+s16], $0x80, s14, s16, $0xb8;
	[tilespmem:$0x1D000] =	vst v63  }
0x181: {  	_ =	swait.ge [sflag:s17], $0x4000  }
0x182: {  	[sflag:s17] =	ssyncset.done $0x0  }
0x183: {  	[sflag:s17] =	ssyncadd.s32 $0xFFFFC000  }
0x184: {  	[spmem:s2] =	stream.indirect.scatter.add.f32 [tilespmem:s12], [sflag:$0x2], $0x80, s15, s16, $0xb8;
	[tilespmem:$0x1D000] =	vst v63  }
0x185: {  	s10 =	rddreg [dreg:$0x6]  }
0x186: {  	[tilespmem:s18], [sflag:$0x1] =	stream.indirect.gather [hbm4b:s4+s16], $0x80, s10, s16, $0xb8;
	[tilespmem:$0x1D000] =	vst v63  }
0x187: {  	_ =	swait.ge [sflag:s17], $0x4000  }
0x188: {  	[sflag:s17] =	ssyncset.done $0x0  }
0x189: {  	[sflag:s17] =	ssyncadd.s32 $0xFFFFC000  }
0x18a: {  	_ =	swait.ge [sflag:s19], $0x4000  }
0x18b: {  	[sflag:s19] =	ssyncset.done $0x0  }
0x18c: {  	s11 =	rddreg [dreg:$0x7];
	[sflag:s19] =	ssyncadd.s32 $0xFFFFC000  }
0x18d: {  	[spmem:s2] =	stream.indirect.scatter.add.f32 [tilespmem:s18], [sflag:$0x2], $0x80, s11, s16, $0xb8;
	[tilespmem:$0x1D000] =	vst v63  }
0x18e: {  	s9 =	rddreg [dreg:$0x8]  }
0x18f: {  	[tilespmem:s12], [sflag:$0x1] =	stream.indirect.gather [hbm4b:s4+s16], $0x80, s9, s16, $0xb8;
	[tilespmem:$0x1D000] =	vst v63  }
0x190: {  	_ =	swait.ge [sflag:s17], $0x4000  }
0x191: {  	[sflag:s17] =	ssyncset.done $0x0  }
0x192: {  	[sflag:s17] =	ssyncadd.s32 $0xFFFFC000  }
0x193: {  	_ =	swait.ge [sflag:s19], $0x4000  }
0x194: {  	[sflag:s19] =	ssyncset.done $0x0  }
0x195: {  	s10 =	rddreg [dreg:$0x9];
	[sflag:s19] =	ssyncadd.s32 $0xFFFFC000  }
0x196: {  	[spmem:s2] =	stream.indirect.scatter.add.f32 [tilespmem:s12], [sflag:$0x2], $0x80, s10, s16, $0xb8;
	[tilespmem:$0x1D000] =	vst v63  }
0x197: {  	s11 =	rddreg [dreg:$0xa]  }
0x198: {  	[tilespmem:s18], [sflag:$0x1] =	stream.indirect.gather [hbm4b:s4+s16], $0x80, s11, s16, $0xb8;
	[tilespmem:$0x1D000] =	vst v63  }
0x199: {  	_ =	swait.ge [sflag:s17], $0x4000  }
0x19a: {  	[sflag:s17] =	ssyncset.done $0x0  }
0x19b: {  	[sflag:s17] =	ssyncadd.s32 $0xFFFFC000  }
0x19c: {  	_ =	swait.ge [sflag:s19], $0x4000  }
0x19d: {  	[sflag:s19] =	ssyncset.done $0x0  }
0x19e: {  	s10 =	rddreg [dreg:$0xb];
	[sflag:s19] =	ssyncadd.s32 $0xFFFFC000  }
0x19f: {  	[spmem:s2] =	stream.indirect.scatter.add.f32 [tilespmem:s18], [sflag:$0x2], $0x80, s10, s16, $0xb8;
	[tilespmem:$0x1D000] =	vst v63  }
0x1a0: {  	s11 =	rddreg [dreg:$0xc]  }
0x1a1: {  	[tilespmem:s12], [sflag:$0x1] =	stream.indirect.gather [hbm4b:s4+s16], $0x80, s11, s16, $0xb8;
	[tilespmem:$0x1D000] =	vst v63  }
0x1a2: {  	_ =	swait.ge [sflag:s17], $0x4000  }
0x1a3: {  	[sflag:s17] =	ssyncset.done $0x0  }
0x1a4: {  	[sflag:s17] =	ssyncadd.s32 $0xFFFFC000  }
0x1a5: {  	_ =	swait.ge [sflag:s19], $0x4000  }
0x1a6: {  	[sflag:s19] =	ssyncset.done $0x0  }
0x1a7: {  	s10 =	rddreg [dreg:$0xd];
	[sflag:s19] =	ssyncadd.s32 $0xFFFFC000  }
0x1a8: {  	[spmem:s2] =	stream.indirect.scatter.add.f32 [tilespmem:s12], [sflag:$0x2], $0x80, s10, s16, $0xb8;
	[tilespmem:$0x1D000] =	vst v63  }
0x1a9: {  	s11 =	rddreg [dreg:$0xe]  }
0x1aa: {  	[tilespmem:s18], [sflag:$0x1] =	stream.indirect.gather [hbm4b:s4+s16], $0x80, s11, s16, $0xb8;
	[tilespmem:$0x1D000] =	vst v63  }
0x1ab: {  	_ =	swait.ge [sflag:s17], $0x4000  }
0x1ac: {  	[sflag:s17] =	ssyncset.done $0x0  }
0x1ad: {  	[sflag:s17] =	ssyncadd.s32 $0xFFFFC000  }
0x1ae: {  	_ =	swait.ge [sflag:s19], $0x4000  }
0x1af: {  	[sflag:s19] =	ssyncset.done $0x0  }
0x1b0: {  	s10 =	rddreg [dreg:$0xf];
	[sflag:s19] =	ssyncadd.s32 $0xFFFFC000  }
0x1b1: {  	[spmem:s2] =	stream.indirect.scatter.add.f32 [tilespmem:s18], [sflag:$0x2], $0x80, s10, s16, $0xb8;
	[tilespmem:$0x1D000] =	vst v63  }
0x1b2: {  	s11 =	rddreg [dreg:$0x10]  }
0x1b3: {  	[tilespmem:s12], [sflag:$0x1] =	stream.indirect.gather [hbm4b:s4+s16], $0x80, s11, s16, $0xb8;
	[tilespmem:$0x1D000] =	vst v63  }
0x1b4: {  	_ =	swait.ge [sflag:s17], $0x4000  }
0x1b5: {  	[sflag:s17] =	ssyncset.done $0x0  }
0x1b6: {  	[sflag:s17] =	ssyncadd.s32 $0xFFFFC000  }
0x1b7: {  	_ =	swait.ge [sflag:s19], $0x4000  }
0x1b8: {  	[sflag:s19] =	ssyncset.done $0x0  }
0x1b9: {  	s9 =	rddreg [dreg:$0x11];
	[sflag:s19] =	ssyncadd.s32 $0xFFFFC000  }
0x1ba: {  	[spmem:s2] =	stream.indirect.scatter.add.f32 [tilespmem:s12], [sflag:$0x2], $0x80, s9, s16, $0xb8;
	[tilespmem:$0x1D000] =	vst v63  }
0x1bb: {  	s10 =	rddreg [dreg:$0x12]  }
0x1bc: {  	[tilespmem:s18], [sflag:$0x1] =	stream.indirect.gather [hbm4b:s4+s16], $0x80, s10, s16, $0xb8;
	[tilespmem:$0x1D000] =	vst v63  }
0x1bd: {  	_ =	swait.ge [sflag:s17], $0x4000  }
0x1be: {  	[sflag:s17] =	ssyncset.done $0x0  }
0x1bf: {  	[sflag:s17] =	ssyncadd.s32 $0xFFFFC000  }
0x1c0: {  	_ =	swait.ge [sflag:s19], $0x4000  }
0x1c1: {  	[sflag:s19] =	ssyncset.done $0x0  }
0x1c2: {  	s11 =	rddreg [dreg:$0x13];
	[sflag:s19] =	ssyncadd.s32 $0xFFFFC000  }
0x1c3: {  	[spmem:s2] =	stream.indirect.scatter.add.f32 [tilespmem:s18], [sflag:$0x2], $0x80, s11, s16, $0xb8;
	[tilespmem:$0x1D000] =	vst v63  }
0x1c4: {  	_ = 	snop  }
0x1c5: {  	[tilespmem:s12], [sflag:$0x1] =	stream.indirect.gather [hbm4b:s4+s16], $0x80, s20, s16, $0xb8;
	[tilespmem:$0x1D000] =	vst v63  }
0x1c6: {  	_ =	swait.ge [sflag:s17], $0x4000  }
0x1c7: {  	[sflag:s17] =	ssyncset.done $0x0  }
0x1c8: {  	[sflag:s17] =	ssyncadd.s32 $0xFFFFC000  }
0x1c9: {  	_ =	swait.ge [sflag:s19], $0x4000  }
0x1ca: {  	[sflag:s19] =	ssyncset.done $0x0  }
0x1cb: {  	[sflag:s19] =	ssyncadd.s32 $0xFFFFC000  }
0x1cc: {  	[spmem:s2] =	stream.indirect.scatter.add.f32 [tilespmem:s12], [sflag:$0x2], $0x80, s21, s16, $0xb8;
	[tilespmem:$0x1D000] =	vst v63  }
0x1cd: {  	_ = 	snop  }
0x1ce: {  	[tilespmem:s18], [sflag:$0x1] =	stream.indirect.gather [hbm4b:s4+s16], $0x80, s22, s16, $0xb8;
	[tilespmem:$0x1D000] =	vst v63  }
0x1cf: {  	_ =	swait.ge [sflag:s17], $0x4000  }
0x1d0: {  	[sflag:s17] =	ssyncset.done $0x0  }
0x1d1: {  	[sflag:s17] =	ssyncadd.s32 $0xFFFFC000  }
0x1d2: {  	_ =	swait.ge [sflag:s19], $0x4000  }
0x1d3: {  	[sflag:s19] =	ssyncset.done $0x0  }
0x1d4: {  	[sflag:s19] =	ssyncadd.s32 $0xFFFFC000  }
0x1d5: {  	[spmem:s2] =	stream.indirect.scatter.add.f32 [tilespmem:s18], [sflag:$0x2], $0x80, s23, s16, $0xb8;
	[tilespmem:$0x1D000] =	vst v63  }
0x1d6: {  	_ = 	snop  }
0x1d7: {  	[tilespmem:s12], [sflag:$0x1] =	stream.indirect.gather [hbm4b:s4+s16], $0x80, s24, s16, $0xb8;
	[tilespmem:$0x1D000] =	vst v63  }
0x1d8: {  	_ =	swait.ge [sflag:s17], $0x4000  }
0x1d9: {  	[sflag:s17] =	ssyncset.done $0x0  }
0x1da: {  	[sflag:s17] =	ssyncadd.s32 $0xFFFFC000  }
0x1db: {  	_ =	swait.ge [sflag:s19], $0x4000  }
0x1dc: {  	[sflag:s19] =	ssyncset.done $0x0  }
0x1dd: {  	[sflag:s19] =	ssyncadd.s32 $0xFFFFC000  }
0x1de: {  	[spmem:s2] =	stream.indirect.scatter.add.f32 [tilespmem:s12], [sflag:$0x2], $0x80, s25, s16, $0xb8;
	[tilespmem:$0x1D000] =	vst v63  }
0x1df: {  	_ = 	snop  }
0x1e0: {  	[tilespmem:s18], [sflag:$0x1] =	stream.indirect.gather [hbm4b:s4+s16], $0x80, s26, s16, $0xb8;
	[tilespmem:$0x1D000] =	vst v63  }
0x1e1: {  	_ =	swait.ge [sflag:s17], $0x4000  }
0x1e2: {  	[sflag:s17] =	ssyncset.done $0x0  }
0x1e3: {  	[sflag:s17] =	ssyncadd.s32 $0xFFFFC000  }
0x1e4: {  	_ =	swait.ge [sflag:s19], $0x4000  }
0x1e5: {  	[sflag:s19] =	ssyncset.done $0x0  }
0x1e6: {  	[sflag:s19] =	ssyncadd.s32 $0xFFFFC000  }
0x1e7: {  	[spmem:s2] =	stream.indirect.scatter.add.f32 [tilespmem:s18], [sflag:$0x2], $0x80, s28, s16, $0xb8;
	[tilespmem:$0x1D000] =	vst v63  }
0x1e8: {  	_ = 	snop  }
0x1e9: {  	[tilespmem:s12], [sflag:$0x1] =	stream.indirect.gather [hbm4b:s4+s16], $0x80, s29, s16, $0xb8;
	[tilespmem:$0x1D000] =	vst v63  }
0x1ea: {  	_ =	swait.ge [sflag:s17], $0x4000  }
0x1eb: {  	[sflag:s17] =	ssyncset.done $0x0  }
0x1ec: {  	[sflag:s17] =	ssyncadd.s32 $0xFFFFC000  }
0x1ed: {  	_ =	swait.ge [sflag:s19], $0x4000  }
0x1ee: {  	[sflag:s19] =	ssyncset.done $0x0  }
0x1ef: {  	[sflag:s19] =	ssyncadd.s32 $0xFFFFC000  }
0x1f0: {  	[spmem:s2] =	stream.indirect.scatter.add.f32 [tilespmem:s12], [sflag:$0x2], $0x80, s30, s16, $0xb8;
	[tilespmem:$0x1D000] =	vst v63  }
0x1f1: {  	_ = 	snop  }
0x1f2: {  	[tilespmem:s18], [sflag:$0x1] =	stream.indirect.gather [hbm4b:s4+s16], $0x80, s31, s16, $0xb8;
	[tilespmem:$0x1D000] =	vst v63  }
0x1f3: {  	_ =	swait.ge [sflag:s17], $0x4000  }
0x1f4: {  	[sflag:s17] =	ssyncset.done $0x0  }
0x1f5: {  	[sflag:s17] =	ssyncadd.s32 $0xFFFFC000  }
0x1f6: {  	_ =	swait.ge [sflag:s19], $0x4000  }
0x1f7: {  	[sflag:s19] =	ssyncset.done $0x0  }
0x1f8: {  	[sflag:s19] =	ssyncadd.s32 $0xFFFFC000  }
0x1f9: {  	[spmem:s2] =	stream.indirect.scatter.add.f32 [tilespmem:s18], [sflag:$0x2], $0x80, s1, s16, $0xb8;
	[tilespmem:$0x1D000] =	vst v63  }
0x1fa: {  	_ = 	snop  }
0x1fb: {  	[tilespmem:s12], [sflag:$0x1] =	stream.indirect.gather [hbm4b:s4+s16], $0x80, s0, s16, $0xb8;
	[tilespmem:$0x1D000] =	vst v63  }
0x1fc: {  	_ =	swait.ge [sflag:s17], $0x4000  }
0x1fd: {  	[sflag:s17] =	ssyncset.done $0x0  }
0x1fe: {  	[sflag:s17] =	ssyncadd.s32 $0xFFFFC000  }
0x1ff: {  	_ =	swait.ge [sflag:s19], $0x4000  }
0x200: {  	[sflag:s19] =	ssyncset.done $0x0  }
0x201: {  	[sflag:s19] =	ssyncadd.s32 $0xFFFFC000  }
0x202: {  	[spmem:s2] =	stream.indirect.scatter.add.f32 [tilespmem:s12], [sflag:$0x2], $0x80, s6, s16, $0xb8;
	[tilespmem:$0x1D000] =	vst v63  }
0x203: {  	_ = 	snop  }
0x204: {  	[tilespmem:s18], [sflag:$0x1] =	stream.indirect.gather [hbm4b:s4+s16], $0x80, s7, s16, $0xb8;
	[tilespmem:$0x1D000] =	vst v63  }
0x205: {  	_ =	swait.ge [sflag:s17], $0x4000  }
0x206: {  	[sflag:s17] =	ssyncset.done $0x0  }
0x207: {  	[sflag:s17] =	ssyncadd.s32 $0xFFFFC000  }
0x208: {  	_ =	swait.ge [sflag:s19], $0x4000  }
0x209: {  	[sflag:s19] =	ssyncset.done $0x0  }
0x20a: {  	[sflag:s19] =	ssyncadd.s32 $0xFFFFC000  }
0x20b: {  	[spmem:s2] =	stream.indirect.scatter.add.f32 [tilespmem:s18], [sflag:$0x2], $0x80, s8, s16, $0xb8;
	[tilespmem:$0x1D000] =	vst v63  }
0x20c: {  	_ =	swait.ge [sflag:s19], $0x4000  }
0x20d: {  	[sflag:s19] =	ssyncset.done $0x0  }
0x20e: {  	[sflag:s19] =	ssyncadd.s32 $0xFFFFC000  }
0x20f: {  	s9 =	stileid.u32;
	[bflag:$0x0] =	sbarrier.arrive $0xFFFF  }
0x210: {  	s5 =	sshll.u32 s9, $0x6;
	s10 =	rddreg [dreg:$0x14]  }
0x211: {  	s5 =	sor.u32 $0x1C03, s5;
	s11 =	rddreg [dreg:$0x15];
	s9 =	sshrl.u32 s10, $0x3  }
0x212: {  	[hbm:s11], [sflag:s5] =	dma.local [spmem:s9], $0x2800  }
0x213: {  	_ =	swait.ge [sflag:s13], $0x2800  }
0x214: {  	s10 =	rddreg [dreg:$0x1b]  }
0x215: {  	s11 =	rddreg [dreg:$0x16];
	s9 =	sadd.s32 $0x1, s10  }
0x216: {  	p0 =	sne.s32 s9, s11  }
.Ltmp2:
0x217: {  	_ = 	snop;
	(pc) =	sbr.rel @p0 .LBB2_1-.Ltmp2, $3  }
0x218: {  	_ =	sdelay $0x1  }
0x219: {  	[sflag:s13] =	ssyncset.done $0x0  }
0x21a: {  	[sflag:s13] =	ssyncadd.s32 $0xFFFFD800  }
0x21b: {  	_ =	sfence.sel $0x180000  }
0x21c: {  	[bflag:$0x0] =	sbarrier.arrive $0xFFFF  }
0x21d: {  	_ =	strace $0x9000004D  }
0x21e: {  	s0 =	stileid.u32;
	[bflag:$0x2] =	sbarrier.arrive $0xFFFF  }
0x21f: {  	p0 =	sne.s32 s0, $0x0;
	s0 =	rddreg [dreg:$0x3]  }
0x220: {  	s0 =	sadd.s32 @!p0 $0x100000, s0  }
0x221: {  	[sflag:s0] =	ssyncadd.tile.s32 @!p0 $0x1;
	_ =	shalt  }
.Lfunc_end2:
_tile_overlayer_lowered:
.L_overlay_start_2:
0x222: {  	(tag) =	ssettag $0x2  }
0x223: {  	s0 =	rddreg [dreg:$0x0];
	s2 =	stileid.u32  }
0x224: {  	s1 =	rddreg [dreg:$0x1];
	p0 =	sne.s32 s2, $0x0  }
0x225: {  	s3 =	rddreg [dreg:$0x2];
	[bflag:$0x3] =	sbarrier.arrive $0xFFFF;
	s2 =	simm.s32 @!p0 $0x1C03  }
0x226: {  	[timem:s3], [sflag:s2] =	dma.local @!p0 [hbm:s0], s1  }
0x227: {  	s0 =	simm.s32 @!p0 $0x3  }
0x228: {  	_ =	swait.ge @!p0 [sflag:s0], s1  }
0x229: {  	s1 =	ssub.s32 @!p0 $0x0, s1;
	[sflag:s0] =	ssyncset.done @!p0 $0x0  }
0x22a: {  	[sflag:s0] =	ssyncadd.s32 @!p0 s1  }
0x22b: {  	[bflag:$0x3] =	sbarrier.arrive $0xFFFF  }
0x22c: {  	_ =	shalt  }

// kernel: kernel.8.cloned.1.call-start
scs
__scs_entry_jumppad:
0x0: {  	(pc) =	sbr.rel $0x88, $3  }
0x1: {  	(tag) =	ssettag $0x0;
	lr =	simm.s32 $0x1  }
0x2: {  	[smem:$0x3F97] =	sst lr;
	_ =	strace $0xD0000000  }
0x3: {  	_ = 	snop  }
0x4: {  	_ = 	snop  }
0x5: {  	_ = 	snop  }
0x6: {  	_ = 	snop  }
0x7: {  	_ = 	snop  }
__scs_overlays_trampoline_lowered:
0x8: {  	[smem:$0x3FA6] =	sst s0  }
0x9: {  	[smem:$0x3FA7] =	sst s1  }
0xa: {  	[smem:$0x3FA8] =	sst s2  }
0xb: {  	[smem:$0x3FA9] =	sst s3  }
0xc: {  	[smem:$0x3FAA] =	sst s4  }
0xd: {  	[smem:$0x3FAB] =	sst s5  }
0xe: {  	[smem:$0x3FAC] =	sst s6  }
0xf: {  	[smem:$0x3FAD] =	sst s7  }
0x10: {  	[smem:$0x3FAE] =	sst s8  }
0x11: {  	[smem:$0x3FAF] =	sst s9;
	s0 =	simm.s32 @!p0 $0x0  }
0x12: {  	s1 =	sld [smem:$0x3F95];
	s0 =	simm.s32 @p0 $0x1  }
0x13: {  	[smem:$0x3FB0] =	sst s0;
	s0 =	simm.s32 @!p1 $0x0  }
0x14: {  	s2 =	sld [smem:$0x3F94];
	s0 =	simm.s32 @p1 $0x1  }
0x15: {  	[smem:$0x3FB1] =	sst s0;
	s0 =	simm.s32 @!p2 $0x0  }
0x16: {  	s3 =	sld [smem:$0x3FDB];
	s0 =	simm.s32 @p2 $0x1  }
0x17: {  	s4 =	simm.s32 $0x1BF5;
	[smem:$0x3FB3] =	sst s0  }
0x18: {  	s0 =	sld [smem:$0x3F96];
	_ =	swait.ge [sflag:s4], $0x0  }
0x19: {  	s7 =	sld [smem:$0x3F97]  }
0x1a: {  	s8 =	sadd.s32 $0xFFFFE003, lr  }
0x1b: {  	s9 =	sadd.s32 $0xFFFFFEF7, lr;
	s5 =	simm.s32 $0xFFFFFFFF;
	p2 =	slt.u32 s8, $0xFFFFF086  }
0x1c: {  	p1 =	slt.u32 s9, $0xF7A;
	s5 =	simm.s32 @!p2 $0x0  }
0x1d: {  	s5 =	simm.s32 @p1 $0x1;
	p0 =	seq.s32 s7, s2  }
0x1e: {  	s7 =	smul.u32 @!p0 $0xF7A, s2;
	p2 =	seq.s32 @!p0 s5, $0x0  }
0x1f: {  	s9 =	smul.u32 $0xF7A, s1;
	s8 =	simm.s32 @!p0 $0x1BF5;
	p2 =	por !p2, p0  }
0x20: {  	[sflag:s8] =	ssyncset.s32 @!p0 $0xFFFFF086;
	s6 =	sadd.s32 @!p0 s3, s7;
	s7 =	simm.s32 @!p0 $0x108  }
0x21: {  	s3 =	sadd.s32 s3, s9;
	s6 =	sadd.s32 @!p0 $0x88, s6;
	s7 =	simm.s32 @p2 $0x1082  }
0x22: {  	[simem:s7], [sflag:s8] =	dma.local @!p0 [hbm:s6], $0xF7A  }
0x23: {  	s9 =	sor.u32 $0xD0000000, s2;
	s6 =	simm.s32 $0x108;
	_ =	swait.ge @!p0 [sflag:s8], $0x0  }
0x24: {  	s3 =	sadd.s32 $0x88, s3;
	s6 =	simm.s32 @!p1 $0x1082;
	[sflag:s4] =	ssyncset.s32 $0xFFFFF086  }
0x25: {  	[simem:s6], [sflag:s4] =	dma.local [hbm:s3], $0xF7A  }
0x26: {  	[smem:$0x3F97] =	sst s1;
	(tag) =	ssettag s2;
	_ =	strace s9  }
0x27: {  	s1 =	sld [smem:$0x3FA7]  }
0x28: {  	s2 =	sld [smem:$0x3FA8]  }
0x29: {  	s4 =	sld [smem:$0x3FAA]  }
0x2a: {  	p0 =	seq.s32 s5, $0x0;
	s5 =	sld [smem:$0x3FAB]  }
0x2b: {  	s6 =	sld [smem:$0x3FAC]  }
0x2c: {  	s7 =	sld [smem:$0x3FAD]  }
0x2d: {  	s3 =	simm.s32 $0x108;
	s8 =	sld [smem:$0x3FAE]  }
0x2e: {  	s3 =	simm.s32 @!p0 $0x1082;
	s9 =	sld [smem:$0x3FAF]  }
0x2f: {  	lr =	sadd.s32 s0, s3;
	s0 =	sld [smem:$0x3FA6]  }
0x30: {  	s3 =	sld [smem:$0x3FA9]  }
0x31: {  	[smem:$0x3FB2] =	sst s10  }
0x32: {  	s10 =	sld [smem:$0x3FB0];
	_ =	sdelay $0x3  }
0x33: {  	p0 =	seq.s32 s10, $0x1;
	s10 =	sld [smem:$0x3FB2];
	_ =	sdelay $0x3  }
0x34: {  	[smem:$0x3FB2] =	sst s10  }
0x35: {  	s10 =	sld [smem:$0x3FB1];
	_ =	sdelay $0x3  }
0x36: {  	p1 =	seq.s32 s10, $0x1;
	s10 =	sld [smem:$0x3FB2];
	_ =	sdelay $0x3  }
0x37: {  	[smem:$0x3FB2] =	sst s10  }
0x38: {  	s10 =	sld [smem:$0x3FB3]  }
0x39: {  	_ = 	snop;
	(pc) =	sbr.ind lr, $3  }
0x3a: {  	_ = 	snop  }
0x3b: {  	_ = 	snop  }
0x3c: {  	p2 =	seq.s32 s10, $0x1;
	s10 =	sld [smem:$0x3FB2]  }
0x3d: {  	_ =	shalt  }
0x3e: {  	_ =	shalt  }
0x3f: {  	_ =	shalt  }
0x40: {  	_ =	shalt  }
0x41: {  	_ =	shalt  }
0x42: {  	_ =	shalt  }
0x43: {  	_ =	shalt  }
0x44: {  	_ =	shalt  }
0x45: {  	_ =	shalt  }
0x46: {  	_ =	shalt  }
0x47: {  	_ =	shalt  }
0x48: {  	_ =	shalt  }
0x49: {  	_ =	shalt  }
0x4a: {  	_ =	shalt  }
0x4b: {  	_ =	shalt  }
0x4c: {  	_ =	shalt  }
0x4d: {  	_ =	shalt  }
0x4e: {  	_ =	shalt  }
0x4f: {  	_ =	shalt  }
0x50: {  	_ =	shalt  }
0x51: {  	_ =	shalt  }
0x52: {  	_ =	shalt  }
0x53: {  	_ =	shalt  }
0x54: {  	_ =	shalt  }
0x55: {  	_ =	shalt  }
0x56: {  	_ =	shalt  }
0x57: {  	_ =	shalt  }
0x58: {  	_ =	shalt  }
0x59: {  	_ =	shalt  }
0x5a: {  	_ =	shalt  }
0x5b: {  	_ =	shalt  }
0x5c: {  	_ =	shalt  }
0x5d: {  	_ =	shalt  }
0x5e: {  	_ =	shalt  }
0x5f: {  	_ =	shalt  }
0x60: {  	_ =	shalt  }
0x61: {  	_ =	shalt  }
0x62: {  	_ =	shalt  }
0x63: {  	_ =	shalt  }
0x64: {  	_ =	shalt  }
0x65: {  	_ =	shalt  }
0x66: {  	_ =	shalt  }
0x67: {  	_ =	shalt  }
0x68: {  	_ =	shalt  }
0x69: {  	_ =	shalt  }
0x6a: {  	_ =	shalt  }
0x6b: {  	_ =	shalt  }
0x6c: {  	_ =	shalt  }
0x6d: {  	_ =	shalt  }
0x6e: {  	_ =	shalt  }
0x6f: {  	_ =	shalt  }
0x70: {  	_ =	shalt  }
0x71: {  	_ =	shalt  }
0x72: {  	_ =	shalt  }
0x73: {  	_ =	shalt  }
0x74: {  	_ =	shalt  }
0x75: {  	_ =	shalt  }
0x76: {  	_ =	shalt  }
0x77: {  	_ =	shalt  }
0x78: {  	_ =	shalt  }
0x79: {  	_ =	shalt  }
0x7a: {  	_ =	shalt  }
0x7b: {  	_ =	shalt  }
0x7c: {  	_ =	shalt  }
0x7d: {  	_ =	shalt  }
0x7e: {  	_ =	shalt  }
0x7f: {  	_ =	shalt  }
0x80: {  	_ =	shalt  }
0x81: {  	_ =	shalt  }
0x82: {  	_ =	shalt  }
0x83: {  	_ =	shalt  }
0x84: {  	_ =	shalt  }
0x85: {  	_ =	shalt  }
0x86: {  	_ =	shalt  }
0x87: {  	_ =	shalt  }
.Lfunc_end0:
.L_simem_size_0:
called_computation_lowered:
.L_overlay_start_0:
0x88: {  	s2 =	sld [smem:$0x3FD9]  }
0x89: {  	s3 =	sld [smem:$0x3FFE];
	_ =	sdelay $0x1  }
0x8a: {  	s1 =	srdreg.scid  }
0x8b: {  	s0 =	sand.u32 $0x1, s1  }
0x8c: {  	s17 =	sshll.u32 s0, $0xA;
	s2 =	sadd.s32 s3, s2  }
0x8d: {  	s2 =	sadd.s32 s2, s17  }
0x8e: {  	[smem:$0x3FBE] =	sst s2  }
0x8f: {  	_ = 	snop  }
0x90: {  	s2 =	sld [smem:$0x3FD0];
	(tm) =	ssettm $0x1  }
0x91: {  	s18 =	sld [smem:$0x3FFB];
	_ =	sdelay $0x3  }
0x92: {  	_ =	strace s18  }
0x93: {  	s3 =	sld [smem:$0x3FFC];
	_ =	sdelay $0x3  }
0x94: {  	_ =	strace s3  }
0x95: {  	s3 =	sld [smem:$0x3FFD];
	_ =	sdelay $0x3  }
0x96: {  	_ =	strace s3  }
0x97: {  	_ =	strace $0x8FFFFFFF  }
0x98: {  	s19 =	sld [smem:$0x3FDB];
	_ =	sdelay $0x1  }
0x99: {  	s4 =	simm.s32 $_scs_section_size  }
0x9a: {  	s5 =	simm.s32 $_size__tile_overlayer_lowered;
	s6 =	simm.s32 $_tile_overlayer_lowered  }
0x9b: {  	s22 =	simm.s32 $0x1BFF;
	s21 =	sshll.u32 s6, $0x1;
	s3 =	sadd.s32 s4, s19  }
0x9c: {  	s7 =	simm.s32 $0x0;
	s20 =	sshll.u32 s5, $0x1;
	s5 =	sadd.s32 s21, s3  }
0x9d: {  	[timem:s7], [sflag:s22] =	dma.local [hbm:s5], s20  }
0x9e: {  	_ =	swait.ge [sflag:s22], s20  }
0x9f: {  	s4 =	ssub.s32 $0x0, s20;
	[sflag:s22] =	ssyncset.done $0x0  }
0xa0: {  	[sflag:s22] =	ssyncadd.s32 s4;
	_ =	sdelay $0x1  }
0xa1: {  	s23 =	simm.s32 $0x1B8B  }
0xa2: {  	_ =	swait.ge [sflag:s23], $0x1  }
0xa3: {  	[sflag:s23] =	ssyncset.done $0x0  }
0xa4: {  	s25 =	simm.s32 $0x1B8E;
	s24 =	sld [smem:$0x3FFE];
	[sflag:s23] =	ssyncadd.s32 $0xFFFFFFFF  }
0xa5: {  	s26 =	simm.s32 $execute0_lowered;
	[smem:$0x3FD2] =	sst s25  }
0xa6: {  	s5 =	sshll.u32 s26, $0x1;
	_ =	strace $0x80000046;
	[dreg:$0x1] =	wrdreg $0xFFFFFFFF  }
0xa7: {  	s28 =	simm.s32 $_size_execute0_lowered;
	s3 =	sadd.s32 s3, s5;
	[dreg:$0x0] =	wrdreg $0x0  }
0xa8: {  	s5 =	sshll.u32 s28, $0x1;
	[dreg:$0x2] =	wrdreg s3  }
0xa9: {  	[dreg:$0x3] =	wrdreg s5  }
0xaa: {  	[dreg:$0x4] =	wrdreg $0xC0  }
0xab: {  	_ =	task [dreg:s7], $0x5FFFF  }
0xac: {  	[dreg:$0x1] =	wrdreg $0xFFFFFFFF  }
0xad: {  	[dreg:$0x0] =	wrdreg $0x60  }
0xae: {  	[dreg:$0x2] =	wrdreg s2  }
0xaf: {  	[dreg:$0x3] =	wrdreg s24  }
0xb0: {  	[dreg:$0x4] =	wrdreg $0x0  }
0xb1: {  	[dreg:$0x5] =	wrdreg $0x9  }
0xb2: {  	_ =	task.clear_ibuf [dreg:s7], $0x6FFFF;
	_ =	strace $0x90000046  }
0xb3: {  	s29 =	simm.s32 $0x9;
	_ =	strace $0x80000048  }
0xb4: {  	_ =	swait.ge [sflag:s29], $0x1  }
0xb5: {  	[sflag:s29] =	ssyncadd.s32 $0xFFFFFFFF  }
0xb6: {  	_ =	strace $0x90000048  }
0xb7: {  	_ =	sfence  }
0xb8: {  	s30 =	sld [smem:$0x0];
	_ =	sdelay $0x2  }
0xb9: {  	s31 =	sshll.u32 s1, $0xD;
	s1 =	sshrl.u32 s1, $0x2  }
0xba: {  	s3 =	sand.u32 $0x4000, s31;
	s1 =	sadd.s32 s1, s30  }
0xbb: {  	s0 =	sor.u32 s3, s0;
	s1 =	sshll.u32 s1, $0x11  }
0xbc: {  	s0 =	sor.u32 s1, s0  }
0xbd: {  	s0 =	sadd.s32 $0x8F2B, s0  }
0xbe: {  	[sflag:s0] =	ssyncadd.remote.s32 $0x1  }
0xbf: {  	_ =	sfence.sel $0xFFFF  }
0xc0: {  	[dreg:$0x0] =	wrdreg $0xFFFFFFFF;
	(pc) =	sbr.abs _section_cstart, $3  }
0xc1: {  	[dreg:$0x1] =	wrdreg $0xFFFFFFFF  }
0xc2: {  	_ =	task.clear_ibuf [dreg:s7], $0x2FFFF;
	_ =	strace $0x9FFFFFFF  }
0xc3: {  	(tm) =	ssettm $0x7FFFFFFF  }
tec
execute0_lowered:
.L_overlay_start_1:
0x0: {  	(tag) =	ssettag $0x1  }
0x1: {  	s0 =	rddreg [dreg:$0x0]  }
0x2: {  	s1 =	rddreg [dreg:$0x1]  }
0x3: {  	s2 =	rddreg [dreg:$0x2]  }
0x4: {  	s4 =	srdreg.scid;
	s8 =	stileid.u32;
	s3 =	simm.s32 $0x0  }
0x5: {  	s10 =	simm.s32 $0x280;
	s11 =	simm.s32 $0x80;
	s12 =	simm.s32 $0xA80  }
0x6: {  	s13 =	simm.s32 $0x300;
	s14 =	simm.s32 $0x380;
	s15 =	simm.s32 $0x400  }
0x7: {  	s16 =	simm.s32 $0x480;
	s17 =	simm.s32 $0x500;
	s18 =	simm.s32 $0x580  }
0x8: {  	s19 =	simm.s32 $0x600;
	s20 =	simm.s32 $0x680;
	s21 =	simm.s32 $0x700  }
0x9: {  	s22 =	simm.s32 $0x780;
	s23 =	simm.s32 $0x800;
	s28 =	simm.s32 $0xA00  }
0xa: {  	s30 =	simm.s32 $0x10;
	s31 =	simm.s32 $0x0;
	s5 =	smul.u32 $0x500, s8  }
0xb: {  	s4 =	sand.u32 $0x1, s4;
	[smem:$0x7FF] =	sst s3;
	s7 =	smul.u32 $0xA00, s8  }
0xc: {  	s8 =	smul.u32 $0x2800, s8;
	s6 =	sshll.u32 s4, $0x7;
	_ =	strace $0x80000047  }
0xd: {  	s24 =	smul.u32 $0x28000, s4;
	s4 =	ssub.s32 $0x2, s4;
	s5 =	sor.u32 s6, s5  }
0xe: {  	s25 =	sshrl.u32 s4, $0x1;
	s7 =	sshrl.u32 s7, $0x2;
	s5 =	sshrl.u32 s5, $0x3  }
0xf: {  	s9 =	ssub.s32 s4, s25;
	s4 =	sadd.s32 s7, s2;
	s26 =	sadd.s32 s8, s24  }
0x10: {  	s24 =	simm.s32 $0x880;
	s25 =	simm.s32 $0x900;
	s1 =	sadd.s32 s5, s1  }
0x11: {  	s6 =	smax.u32 s9, $0x1;
	s29 =	sshrl.u32 s26, $0x3;
	s9 =	simm.s32 $0x1  }
0x12: {  	v0 =	vimm.f32 $1.000000000e+00;
	v1 =	vimm.f32 $0.0e+00;
	s26 =	simm.s32 $0x980;
	s5 =	sadd.s32 $0x2800, s1;
	s7 =	sadd.s32 s29, s0  }
.LBB2_1:
0x13: {  	[tilespmem:$0xA80] =	vst v0  }
0x14: {  	[tilespmem:$0xA90] =	vst v0  }
0x15: {  	[tilespmem:$0xAA0] =	vst v0  }
0x16: {  	[tilespmem:$0xAB0] =	vst v0  }
0x17: {  	[tilespmem:$0xAC0] =	vst v0  }
0x18: {  	[tilespmem:$0xAD0] =	vst v0  }
0x19: {  	[tilespmem:$0xAE0] =	vst v0  }
0x1a: {  	[tilespmem:$0xAF0] =	vst v0  }
0x1b: {  	[tilespmem:$0xB00] =	vst v1  }
0x1c: {  	[tilespmem:$0xB10] =	vst v1  }
0x1d: {  	[tilespmem:$0xB20] =	vst v1  }
0x1e: {  	[tilespmem:$0xB30] =	vst v1  }
0x1f: {  	[tilespmem:$0xB40] =	vst v1  }
0x20: {  	[tilespmem:$0xB50] =	vst v1  }
0x21: {  	[tilespmem:$0xB60] =	vst v1  }
0x22: {  	[tilespmem:$0xB70] =	vst v1  }
0x23: {  	[tilespmem:$0xB80] =	vst v1  }
0x24: {  	[tilespmem:$0xB90] =	vst v1  }
0x25: {  	[tilespmem:$0xBA0] =	vst v1  }
0x26: {  	[tilespmem:$0xBB0] =	vst v1  }
0x27: {  	[tilespmem:$0xBC0] =	vst v1  }
0x28: {  	[tilespmem:$0xBD0] =	vst v1  }
0x29: {  	[tilespmem:$0xBE0] =	vst v1  }
0x2a: {  	[tilespmem:$0xBF0] =	vst v1  }
0x2b: {  	[tilespmem:$0xC00] =	vst v1  }
0x2c: {  	[tilespmem:$0xC10] =	vst v1  }
0x2d: {  	[tilespmem:$0xC20] =	vst v1  }
0x2e: {  	[tilespmem:$0xC30] =	vst v1  }
0x2f: {  	[tilespmem:$0xC40] =	vst v1  }
0x30: {  	[tilespmem:$0xC50] =	vst v1  }
0x31: {  	[tilespmem:$0xC60] =	vst v1  }
0x32: {  	[tilespmem:$0xC70] =	vst v1  }
0x33: {  	[tilespmem:$0xC80] =	vst v1  }
0x34: {  	[tilespmem:$0xC90] =	vst v1  }
0x35: {  	[tilespmem:$0xCA0] =	vst v1  }
0x36: {  	[tilespmem:$0xCB0] =	vst v1  }
0x37: {  	[tilespmem:$0xCC0] =	vst v1  }
0x38: {  	[tilespmem:$0xCD0] =	vst v1  }
0x39: {  	[tilespmem:$0xCE0] =	vst v1  }
0x3a: {  	[tilespmem:$0xCF0] =	vst v1  }
0x3b: {  	[tilespmem:$0xD00] =	vst v1  }
0x3c: {  	[tilespmem:$0xD10] =	vst v1  }
0x3d: {  	[tilespmem:$0xD20] =	vst v1  }
0x3e: {  	[tilespmem:$0xD30] =	vst v1  }
0x3f: {  	[tilespmem:$0xD40] =	vst v1  }
0x40: {  	[tilespmem:$0xD50] =	vst v1  }
0x41: {  	[tilespmem:$0xD60] =	vst v1  }
0x42: {  	[tilespmem:$0xD70] =	vst v1;
	s0 =	simm.s32 $0xB00  }
0x43: {  	[spmem:s4] =	stream.linear.scatter [tilespmem:s0], [sflag:$0x1], $0x280, $0x38;
	[tilespmem:$0xD80] =	vst v63  }
0x44: {  	_ =	swait.ge [sflag:s9], $0x280  }
0x45: {  	[sflag:s9] =	ssyncset.done $0x0  }
0x46: {  	[sflag:s9] =	ssyncadd.s32 $0xFFFFFD80  }
0x47: {  	s29 =	sadd.s32 $0x0, s7;
	[bflag:$0x0] =	sbarrier.arrive $0xFFFF  }
0x48: {  	[tilespmem:s10], [sflag:$0x1] =	stream.linear.gather [hbm4b:s29+s3], $0x800, $0x38;
	[tilespmem:$0xD80] =	vst v63  }
0x49: {  	_ =	swait.ge [sflag:s9], $0x800  }
0x4a: {  	[sflag:s9] =	ssyncset.done $0x0  }
0x4b: {  	[sflag:s9] =	ssyncadd.s32 $0xFFFFF800  }
0x4c: {  	[spmem:s2] =	stream.indirect.scatter.add.f32 [tilespmem:s12], [sflag:$0x1], $0x1, s10, s11, $0xb8;
	[tilespmem:$0xD80] =	vst v63  }
0x4d: {  	_ =	swait.ge [sflag:s9], $0x80  }
0x4e: {  	[sflag:s9] =	ssyncset.done $0x0  }
0x4f: {  	[sflag:s9] =	ssyncadd.s32 $0xFFFFFF80  }
0x50: {  	[spmem:s2] =	stream.indirect.scatter.add.f32 [tilespmem:s12], [sflag:$0x1], $0x1, s13, s11, $0xb8;
	[tilespmem:$0xD80] =	vst v63  }
0x51: {  	_ =	swait.ge [sflag:s9], $0x80  }
0x52: {  	[sflag:s9] =	ssyncset.done $0x0  }
0x53: {  	[sflag:s9] =	ssyncadd.s32 $0xFFFFFF80  }
0x54: {  	[spmem:s2] =	stream.indirect.scatter.add.f32 [tilespmem:s12], [sflag:$0x1], $0x1, s14, s11, $0xb8;
	[tilespmem:$0xD80] =	vst v63  }
0x55: {  	_ =	swait.ge [sflag:s9], $0x80  }
0x56: {  	[sflag:s9] =	ssyncset.done $0x0  }
0x57: {  	[sflag:s9] =	ssyncadd.s32 $0xFFFFFF80  }
0x58: {  	[spmem:s2] =	stream.indirect.scatter.add.f32 [tilespmem:s12], [sflag:$0x1], $0x1, s15, s11, $0xb8;
	[tilespmem:$0xD80] =	vst v63  }
0x59: {  	_ =	swait.ge [sflag:s9], $0x80  }
0x5a: {  	[sflag:s9] =	ssyncset.done $0x0  }
0x5b: {  	[sflag:s9] =	ssyncadd.s32 $0xFFFFFF80  }
0x5c: {  	[spmem:s2] =	stream.indirect.scatter.add.f32 [tilespmem:s12], [sflag:$0x1], $0x1, s16, s11, $0xb8;
	[tilespmem:$0xD80] =	vst v63  }
0x5d: {  	_ =	swait.ge [sflag:s9], $0x80  }
0x5e: {  	[sflag:s9] =	ssyncset.done $0x0  }
0x5f: {  	[sflag:s9] =	ssyncadd.s32 $0xFFFFFF80  }
0x60: {  	[spmem:s2] =	stream.indirect.scatter.add.f32 [tilespmem:s12], [sflag:$0x1], $0x1, s17, s11, $0xb8;
	[tilespmem:$0xD80] =	vst v63  }
0x61: {  	_ =	swait.ge [sflag:s9], $0x80  }
0x62: {  	[sflag:s9] =	ssyncset.done $0x0  }
0x63: {  	[sflag:s9] =	ssyncadd.s32 $0xFFFFFF80  }
0x64: {  	[spmem:s2] =	stream.indirect.scatter.add.f32 [tilespmem:s12], [sflag:$0x1], $0x1, s18, s11, $0xb8;
	[tilespmem:$0xD80] =	vst v63  }
0x65: {  	_ =	swait.ge [sflag:s9], $0x80  }
0x66: {  	[sflag:s9] =	ssyncset.done $0x0  }
0x67: {  	[sflag:s9] =	ssyncadd.s32 $0xFFFFFF80  }
0x68: {  	[spmem:s2] =	stream.indirect.scatter.add.f32 [tilespmem:s12], [sflag:$0x1], $0x1, s19, s11, $0xb8;
	[tilespmem:$0xD80] =	vst v63  }
0x69: {  	_ =	swait.ge [sflag:s9], $0x80  }
0x6a: {  	[sflag:s9] =	ssyncset.done $0x0  }
0x6b: {  	[sflag:s9] =	ssyncadd.s32 $0xFFFFFF80  }
0x6c: {  	[spmem:s2] =	stream.indirect.scatter.add.f32 [tilespmem:s12], [sflag:$0x1], $0x1, s20, s11, $0xb8;
	[tilespmem:$0xD80] =	vst v63  }
0x6d: {  	_ =	swait.ge [sflag:s9], $0x80  }
0x6e: {  	[sflag:s9] =	ssyncset.done $0x0  }
0x6f: {  	[sflag:s9] =	ssyncadd.s32 $0xFFFFFF80  }
0x70: {  	[spmem:s2] =	stream.indirect.scatter.add.f32 [tilespmem:s12], [sflag:$0x1], $0x1, s21, s11, $0xb8;
	[tilespmem:$0xD80] =	vst v63  }
0x71: {  	_ =	swait.ge [sflag:s9], $0x80  }
0x72: {  	[sflag:s9] =	ssyncset.done $0x0  }
0x73: {  	[sflag:s9] =	ssyncadd.s32 $0xFFFFFF80  }
0x74: {  	[spmem:s2] =	stream.indirect.scatter.add.f32 [tilespmem:s12], [sflag:$0x1], $0x1, s22, s11, $0xb8;
	[tilespmem:$0xD80] =	vst v63  }
0x75: {  	_ =	swait.ge [sflag:s9], $0x80  }
0x76: {  	[sflag:s9] =	ssyncset.done $0x0  }
0x77: {  	[sflag:s9] =	ssyncadd.s32 $0xFFFFFF80  }
0x78: {  	[spmem:s2] =	stream.indirect.scatter.add.f32 [tilespmem:s12], [sflag:$0x1], $0x1, s23, s11, $0xb8;
	[tilespmem:$0xD80] =	vst v63  }
0x79: {  	_ =	swait.ge [sflag:s9], $0x80  }
0x7a: {  	[sflag:s9] =	ssyncset.done $0x0  }
0x7b: {  	[sflag:s9] =	ssyncadd.s32 $0xFFFFFF80  }
0x7c: {  	[spmem:s2] =	stream.indirect.scatter.add.f32 [tilespmem:s12], [sflag:$0x1], $0x1, s24, s11, $0xb8;
	[tilespmem:$0xD80] =	vst v63  }
0x7d: {  	_ =	swait.ge [sflag:s9], $0x80  }
0x7e: {  	[sflag:s9] =	ssyncset.done $0x0  }
0x7f: {  	[sflag:s9] =	ssyncadd.s32 $0xFFFFFF80  }
0x80: {  	[spmem:s2] =	stream.indirect.scatter.add.f32 [tilespmem:s12], [sflag:$0x1], $0x1, s25, s11, $0xb8;
	[tilespmem:$0xD80] =	vst v63  }
0x81: {  	_ =	swait.ge [sflag:s9], $0x80  }
0x82: {  	[sflag:s9] =	ssyncset.done $0x0  }
0x83: {  	[sflag:s9] =	ssyncadd.s32 $0xFFFFFF80  }
0x84: {  	[spmem:s2] =	stream.indirect.scatter.add.f32 [tilespmem:s12], [sflag:$0x1], $0x1, s26, s11, $0xb8;
	[tilespmem:$0xD80] =	vst v63  }
0x85: {  	_ =	swait.ge [sflag:s9], $0x80  }
0x86: {  	[sflag:s9] =	ssyncset.done $0x0  }
0x87: {  	[sflag:s9] =	ssyncadd.s32 $0xFFFFFF80  }
0x88: {  	[spmem:s2] =	stream.indirect.scatter.add.f32 [tilespmem:s12], [sflag:$0x1], $0x1, s28, s11, $0xb8;
	[tilespmem:$0xD80] =	vst v63  }
0x89: {  	_ =	swait.ge [sflag:s9], $0x80  }
0x8a: {  	s8 =	simm.s32 $0x200;
	s0 =	simm.s32 $0x100;
	[sflag:s9] =	ssyncset.done $0x0  }
.LBB2_2:
0x8b: {  	s29 =	sadd.s32 s0, s7  }
0x8c: {  	[sflag:s9] =	ssyncadd.s32 $0xFFFFFF80;
	s0 =	smov.u32 s8;
	s1 =	sadd.s32 $0x100, s8  }
0x8d: {  	[tilespmem:s10], [sflag:$0x1] =	stream.linear.gather [hbm4b:s29+s3], $0x800, $0x38;
	[tilespmem:$0xD80] =	vst v63  }
0x8e: {  	p0 =	sne.s32 s8, $0x400;
	_ =	swait.ge [sflag:s9], $0x800  }
0x8f: {  	[sflag:s9] =	ssyncset.done $0x0  }
0x90: {  	[sflag:s9] =	ssyncadd.s32 $0xFFFFF800  }
0x91: {  	[spmem:s2] =	stream.indirect.scatter.add.f32 [tilespmem:s12], [sflag:$0x1], $0x1, s10, s11, $0xb8;
	[tilespmem:$0xD80] =	vst v63  }
0x92: {  	_ =	swait.ge [sflag:s9], $0x80  }
0x93: {  	[sflag:s9] =	ssyncset.done $0x0  }
0x94: {  	[sflag:s9] =	ssyncadd.s32 $0xFFFFFF80  }
0x95: {  	[spmem:s2] =	stream.indirect.scatter.add.f32 [tilespmem:s12], [sflag:$0x1], $0x1, s13, s11, $0xb8;
	[tilespmem:$0xD80] =	vst v63  }
0x96: {  	_ =	swait.ge [sflag:s9], $0x80  }
0x97: {  	[sflag:s9] =	ssyncset.done $0x0  }
0x98: {  	[sflag:s9] =	ssyncadd.s32 $0xFFFFFF80  }
0x99: {  	[spmem:s2] =	stream.indirect.scatter.add.f32 [tilespmem:s12], [sflag:$0x1], $0x1, s14, s11, $0xb8;
	[tilespmem:$0xD80] =	vst v63  }
0x9a: {  	_ =	swait.ge [sflag:s9], $0x80  }
0x9b: {  	[sflag:s9] =	ssyncset.done $0x0  }
0x9c: {  	[sflag:s9] =	ssyncadd.s32 $0xFFFFFF80  }
0x9d: {  	[spmem:s2] =	stream.indirect.scatter.add.f32 [tilespmem:s12], [sflag:$0x1], $0x1, s15, s11, $0xb8;
	[tilespmem:$0xD80] =	vst v63  }
0x9e: {  	_ =	swait.ge [sflag:s9], $0x80  }
0x9f: {  	[sflag:s9] =	ssyncset.done $0x0  }
0xa0: {  	[sflag:s9] =	ssyncadd.s32 $0xFFFFFF80  }
0xa1: {  	[spmem:s2] =	stream.indirect.scatter.add.f32 [tilespmem:s12], [sflag:$0x1], $0x1, s16, s11, $0xb8;
	[tilespmem:$0xD80] =	vst v63  }
0xa2: {  	_ =	swait.ge [sflag:s9], $0x80  }
0xa3: {  	[sflag:s9] =	ssyncset.done $0x0  }
0xa4: {  	[sflag:s9] =	ssyncadd.s32 $0xFFFFFF80  }
0xa5: {  	[spmem:s2] =	stream.indirect.scatter.add.f32 [tilespmem:s12], [sflag:$0x1], $0x1, s17, s11, $0xb8;
	[tilespmem:$0xD80] =	vst v63  }
0xa6: {  	_ =	swait.ge [sflag:s9], $0x80  }
0xa7: {  	[sflag:s9] =	ssyncset.done $0x0  }
0xa8: {  	[sflag:s9] =	ssyncadd.s32 $0xFFFFFF80  }
0xa9: {  	[spmem:s2] =	stream.indirect.scatter.add.f32 [tilespmem:s12], [sflag:$0x1], $0x1, s18, s11, $0xb8;
	[tilespmem:$0xD80] =	vst v63  }
0xaa: {  	_ =	swait.ge [sflag:s9], $0x80  }
0xab: {  	[sflag:s9] =	ssyncset.done $0x0  }
0xac: {  	[sflag:s9] =	ssyncadd.s32 $0xFFFFFF80  }
0xad: {  	[spmem:s2] =	stream.indirect.scatter.add.f32 [tilespmem:s12], [sflag:$0x1], $0x1, s19, s11, $0xb8;
	[tilespmem:$0xD80] =	vst v63  }
0xae: {  	_ =	swait.ge [sflag:s9], $0x80  }
0xaf: {  	[sflag:s9] =	ssyncset.done $0x0  }
0xb0: {  	[sflag:s9] =	ssyncadd.s32 $0xFFFFFF80  }
0xb1: {  	[spmem:s2] =	stream.indirect.scatter.add.f32 [tilespmem:s12], [sflag:$0x1], $0x1, s20, s11, $0xb8;
	[tilespmem:$0xD80] =	vst v63  }
0xb2: {  	_ =	swait.ge [sflag:s9], $0x80  }
0xb3: {  	[sflag:s9] =	ssyncset.done $0x0  }
0xb4: {  	[sflag:s9] =	ssyncadd.s32 $0xFFFFFF80  }
0xb5: {  	[spmem:s2] =	stream.indirect.scatter.add.f32 [tilespmem:s12], [sflag:$0x1], $0x1, s21, s11, $0xb8;
	[tilespmem:$0xD80] =	vst v63  }
0xb6: {  	_ =	swait.ge [sflag:s9], $0x80  }
0xb7: {  	[sflag:s9] =	ssyncset.done $0x0  }
0xb8: {  	[sflag:s9] =	ssyncadd.s32 $0xFFFFFF80  }
0xb9: {  	[spmem:s2] =	stream.indirect.scatter.add.f32 [tilespmem:s12], [sflag:$0x1], $0x1, s22, s11, $0xb8;
	[tilespmem:$0xD80] =	vst v63  }
0xba: {  	_ =	swait.ge [sflag:s9], $0x80  }
0xbb: {  	[sflag:s9] =	ssyncset.done $0x0  }
0xbc: {  	[sflag:s9] =	ssyncadd.s32 $0xFFFFFF80  }
0xbd: {  	[spmem:s2] =	stream.indirect.scatter.add.f32 [tilespmem:s12], [sflag:$0x1], $0x1, s23, s11, $0xb8;
	[tilespmem:$0xD80] =	vst v63  }
0xbe: {  	_ =	swait.ge [sflag:s9], $0x80  }
0xbf: {  	[sflag:s9] =	ssyncset.done $0x0  }
0xc0: {  	[sflag:s9] =	ssyncadd.s32 $0xFFFFFF80  }
0xc1: {  	[spmem:s2] =	stream.indirect.scatter.add.f32 [tilespmem:s12], [sflag:$0x1], $0x1, s24, s11, $0xb8;
	[tilespmem:$0xD80] =	vst v63  }
0xc2: {  	_ =	swait.ge [sflag:s9], $0x80  }
0xc3: {  	[sflag:s9] =	ssyncset.done $0x0  }
0xc4: {  	[sflag:s9] =	ssyncadd.s32 $0xFFFFFF80  }
0xc5: {  	[spmem:s2] =	stream.indirect.scatter.add.f32 [tilespmem:s12], [sflag:$0x1], $0x1, s25, s11, $0xb8;
	[tilespmem:$0xD80] =	vst v63  }
0xc6: {  	_ =	swait.ge [sflag:s9], $0x80  }
0xc7: {  	[sflag:s9] =	ssyncset.done $0x0  }
0xc8: {  	[sflag:s9] =	ssyncadd.s32 $0xFFFFFF80  }
0xc9: {  	[spmem:s2] =	stream.indirect.scatter.add.f32 [tilespmem:s12], [sflag:$0x1], $0x1, s26, s11, $0xb8;
	[tilespmem:$0xD80] =	vst v63  }
0xca: {  	_ =	swait.ge [sflag:s9], $0x80  }
.Ltmp0:
0xcb: {  	[sflag:s9] =	ssyncset.done $0x0;
	(pc) =	sbr.rel @p0 .LBB2_2-.Ltmp0, $4  }
0xcc: {  	[sflag:s9] =	ssyncadd.s32 $0xFFFFFF80  }
0xcd: {  	[spmem:s2] =	stream.indirect.scatter.add.f32 [tilespmem:s12], [sflag:$0x1], $0x1, s28, s11, $0xb8;
	[tilespmem:$0xD80] =	vst v63  }
0xce: {  	_ =	swait.ge [sflag:s9], $0x80  }
0xcf: {  	s8 =	smov.u32 s1;
	[sflag:s9] =	ssyncset.done $0x0  }
0xd0: {  	s0 =	sadd.s32 s0, s7;
	[sflag:s9] =	ssyncadd.s32 $0xFFFFFF80  }
0xd1: {  	[tilespmem:s10], [sflag:$0x1] =	stream.linear.gather [hbm4b:s0+s3], $0x800, $0x38;
	[tilespmem:$0xD80] =	vst v63  }
0xd2: {  	_ =	swait.ge [sflag:s9], $0x800  }
0xd3: {  	[sflag:s9] =	ssyncset.done $0x0  }
0xd4: {  	[sflag:s9] =	ssyncadd.s32 $0xFFFFF800  }
0xd5: {  	[spmem:s2] =	stream.indirect.scatter.add.f32 [tilespmem:s12], [sflag:$0x1], $0x1, s10, s11, $0xb8;
	[tilespmem:$0xD80] =	vst v63  }
0xd6: {  	_ =	swait.ge [sflag:s9], $0x80  }
0xd7: {  	[sflag:s9] =	ssyncset.done $0x0  }
0xd8: {  	[sflag:s9] =	ssyncadd.s32 $0xFFFFFF80  }
0xd9: {  	[spmem:s2] =	stream.indirect.scatter.add.f32 [tilespmem:s12], [sflag:$0x1], $0x1, s13, s11, $0xb8;
	[tilespmem:$0xD80] =	vst v63  }
0xda: {  	_ =	swait.ge [sflag:s9], $0x80  }
0xdb: {  	[sflag:s9] =	ssyncset.done $0x0  }
0xdc: {  	[sflag:s9] =	ssyncadd.s32 $0xFFFFFF80  }
0xdd: {  	[spmem:s2] =	stream.indirect.scatter.add.f32 [tilespmem:s12], [sflag:$0x1], $0x1, s14, s11, $0xb8;
	[tilespmem:$0xD80] =	vst v63  }
0xde: {  	_ =	swait.ge [sflag:s9], $0x80  }
0xdf: {  	[sflag:s9] =	ssyncset.done $0x0  }
0xe0: {  	[sflag:s9] =	ssyncadd.s32 $0xFFFFFF80  }
0xe1: {  	[spmem:s2] =	stream.indirect.scatter.add.f32 [tilespmem:s12], [sflag:$0x1], $0x1, s15, s11, $0xb8;
	[tilespmem:$0xD80] =	vst v63  }
0xe2: {  	_ =	swait.ge [sflag:s9], $0x80  }
0xe3: {  	[sflag:s9] =	ssyncset.done $0x0  }
0xe4: {  	[sflag:s9] =	ssyncadd.s32 $0xFFFFFF80  }
0xe5: {  	[spmem:s2] =	stream.indirect.scatter.add.f32 [tilespmem:s12], [sflag:$0x1], $0x1, s16, s11, $0xb8;
	[tilespmem:$0xD80] =	vst v63  }
0xe6: {  	_ =	swait.ge [sflag:s9], $0x80  }
0xe7: {  	[sflag:s9] =	ssyncset.done $0x0  }
0xe8: {  	[sflag:s9] =	ssyncadd.s32 $0xFFFFFF80  }
0xe9: {  	[spmem:s2] =	stream.indirect.scatter.add.f32 [tilespmem:s12], [sflag:$0x1], $0x1, s17, s11, $0xb8;
	[tilespmem:$0xD80] =	vst v63  }
0xea: {  	_ =	swait.ge [sflag:s9], $0x80  }
0xeb: {  	[sflag:s9] =	ssyncset.done $0x0  }
0xec: {  	[sflag:s9] =	ssyncadd.s32 $0xFFFFFF80  }
0xed: {  	[spmem:s2] =	stream.indirect.scatter.add.f32 [tilespmem:s12], [sflag:$0x1], $0x1, s18, s11, $0xb8;
	[tilespmem:$0xD80] =	vst v63  }
0xee: {  	_ =	swait.ge [sflag:s9], $0x80  }
0xef: {  	[sflag:s9] =	ssyncset.done $0x0  }
0xf0: {  	[sflag:s9] =	ssyncadd.s32 $0xFFFFFF80  }
0xf1: {  	[spmem:s2] =	stream.indirect.scatter.add.f32 [tilespmem:s12], [sflag:$0x1], $0x1, s19, s11, $0xb8;
	[tilespmem:$0xD80] =	vst v63  }
0xf2: {  	_ =	swait.ge [sflag:s9], $0x80  }
0xf3: {  	[sflag:s9] =	ssyncset.done $0x0  }
0xf4: {  	[sflag:s9] =	ssyncadd.s32 $0xFFFFFF80  }
0xf5: {  	[spmem:s2] =	stream.indirect.scatter.add.f32 [tilespmem:s12], [sflag:$0x1], $0x1, s20, s11, $0xb8;
	[tilespmem:$0xD80] =	vst v63  }
0xf6: {  	_ =	swait.ge [sflag:s9], $0x80  }
0xf7: {  	[sflag:s9] =	ssyncset.done $0x0  }
0xf8: {  	[sflag:s9] =	ssyncadd.s32 $0xFFFFFF80  }
0xf9: {  	[spmem:s2] =	stream.indirect.scatter.add.f32 [tilespmem:s12], [sflag:$0x1], $0x1, s21, s11, $0xb8;
	[tilespmem:$0xD80] =	vst v63  }
0xfa: {  	_ =	swait.ge [sflag:s9], $0x80  }
0xfb: {  	[sflag:s9] =	ssyncset.done $0x0  }
0xfc: {  	[sflag:s9] =	ssyncadd.s32 $0xFFFFFF80  }
0xfd: {  	[spmem:s2] =	stream.indirect.scatter.add.f32 [tilespmem:s12], [sflag:$0x1], $0x1, s22, s11, $0xb8;
	[tilespmem:$0xD80] =	vst v63  }
0xfe: {  	_ =	swait.ge [sflag:s9], $0x80  }
0xff: {  	[sflag:s9] =	ssyncset.done $0x0  }
0x100: {  	[sflag:s9] =	ssyncadd.s32 $0xFFFFFF80  }
0x101: {  	[spmem:s2] =	stream.indirect.scatter.add.f32 [tilespmem:s12], [sflag:$0x1], $0x1, s23, s11, $0xb8;
	[tilespmem:$0xD80] =	vst v63  }
0x102: {  	_ =	swait.ge [sflag:s9], $0x80  }
0x103: {  	[sflag:s9] =	ssyncset.done $0x0  }
0x104: {  	[sflag:s9] =	ssyncadd.s32 $0xFFFFFF80  }
0x105: {  	[spmem:s2] =	stream.indirect.scatter.add.f32 [tilespmem:s12], [sflag:$0x1], $0x1, s24, s11, $0xb8;
	[tilespmem:$0xD80] =	vst v63  }
0x106: {  	_ =	swait.ge [sflag:s9], $0x80  }
0x107: {  	[sflag:s9] =	ssyncset.done $0x0  }
0x108: {  	[sflag:s9] =	ssyncadd.s32 $0xFFFFFF80  }
0x109: {  	[spmem:s2] =	stream.indirect.scatter.add.f32 [tilespmem:s12], [sflag:$0x1], $0x1, s25, s11, $0xb8;
	[tilespmem:$0xD80] =	vst v63  }
0x10a: {  	_ =	swait.ge [sflag:s9], $0x80  }
0x10b: {  	[sflag:s9] =	ssyncset.done $0x0  }
0x10c: {  	[sflag:s9] =	ssyncadd.s32 $0xFFFFFF80  }
0x10d: {  	[spmem:s2] =	stream.indirect.scatter.add.f32 [tilespmem:s12], [sflag:$0x1], $0x1, s26, s11, $0xb8;
	[tilespmem:$0xD80] =	vst v63  }
0x10e: {  	_ =	swait.ge [sflag:s9], $0x80  }
0x10f: {  	[sflag:s9] =	ssyncset.done $0x0  }
0x110: {  	[sflag:s9] =	ssyncadd.s32 $0xFFFFFF80  }
0x111: {  	[spmem:s2] =	stream.indirect.scatter.add.f32 [tilespmem:s12], [sflag:$0x1], $0x1, s28, s11, $0xb8;
	[tilespmem:$0xD80] =	vst v63  }
0x112: {  	s29 =	stileid.u32;
	s1 =	sshrl.u32 s4, $0x3;
	_ =	swait.ge [sflag:s9], $0x80  }
0x113: {  	s8 =	simm.s32 $0x20;
	s31 =	sadd.s32 $0x1, s31;
	[sflag:s9] =	ssyncset.done $0x0  }
0x114: {  	s0 =	sshll.u32 s29, $0x6;
	p0 =	sne.s32 s31, s6;
	[sflag:s9] =	ssyncadd.s32 $0xFFFFFF80  }
.Ltmp1:
0x115: {  	s0 =	sor.u32 $0x1C01, s0;
	[bflag:$0x0] =	sbarrier.arrive $0xFFFF;
	(pc) =	sbr.rel @p0 .LBB2_1-.Ltmp1, $4  }
0x116: {  	[hbm:s5@s8], [sflag:s0] =	dma.strided [spmem:s1@s30], $0x50, s9, $0x10   }
0x117: {  	_ =	swait.ge [sflag:s9], $0x50  }
0x118: {  	[sflag:s9] =	ssyncset.done $0x0  }
0x119: {  	[sflag:s9] =	ssyncadd.s32 $0xFFFFFFB0  }
0x11a: {  	_ =	sfence.sel $0x180000  }
0x11b: {  	[bflag:$0x0] =	sbarrier.arrive $0xFFFF  }
0x11c: {  	_ =	strace $0x90000047  }
0x11d: {  	s0 =	stileid.u32;
	[bflag:$0x2] =	sbarrier.arrive $0xFFFF  }
0x11e: {  	p0 =	sne.s32 s0, $0x0;
	s0 =	rddreg [dreg:$0x3]  }
0x11f: {  	s0 =	sadd.s32 @!p0 $0x100000, s0  }
0x120: {  	[sflag:s0] =	ssyncadd.tile.s32 @!p0 $0x1;
	_ =	shalt  }
.Lfunc_end2:
_tile_overlayer_lowered:
.L_overlay_start_2:
0x121: {  	(tag) =	ssettag $0x2  }
0x122: {  	s0 =	rddreg [dreg:$0x0];
	s2 =	stileid.u32  }
0x123: {  	s1 =	rddreg [dreg:$0x1];
	p0 =	sne.s32 s2, $0x0  }
0x124: {  	s3 =	rddreg [dreg:$0x2];
	[bflag:$0x3] =	sbarrier.arrive $0xFFFF;
	s2 =	simm.s32 @!p0 $0x1C01  }
0x125: {  	[timem:s3], [sflag:s2] =	dma.local @!p0 [hbm:s0], s1  }
0x126: {  	s0 =	simm.s32 @!p0 $0x1  }
0x127: {  	_ =	swait.ge @!p0 [sflag:s0], s1  }
0x128: {  	s1 =	ssub.s32 @!p0 $0x0, s1;
	[sflag:s0] =	ssyncset.done @!p0 $0x0  }
0x129: {  	[sflag:s0] =	ssyncadd.s32 @!p0 s1  }
0x12a: {  	[bflag:$0x3] =	sbarrier.arrive $0xFFFF  }
0x12b: {  	_ =	shalt  }

</sc_bundles>
